<compile_context>
chip_gen: v7x
topology: tpu7x:2x2x1
jax: 0.10.2.dev20260603
libtpu: 0.0.44.dev20260713+nightly
codegen_flags: <defaults>
</compile_context>

<pallas_src>
import functools

import jax
import jax.numpy as jnp
from jax import lax
from jax.experimental import pallas as pl
from jax.experimental.pallas import tpu as pltpu
from jax.experimental.pallas import tpu_sc as plsc

N = 10000
H = 128
NC = 2
NS = 16
NW = NC * NS
LANES = 16
NPAD = 10240
RPT = NPAD // NW
DCH = NPAD // NS
DUMMY = N
ECH = 128
FASTC = 0
FRACF = 0.68
TVR = 1008
BLK = 512


def _sc_mesh():
    return plsc.VectorSubcoreMesh(core_axis_name="c", subcore_axis_name="s",
                                  num_cores=NC, num_subcores=NS)



def _tile_span(c, s, necf, necs):
    base = jnp.where(c == FASTC, s * necf, NS * necf + s * necs)
    cnt = jnp.where(c == FASTC, necf, necs)
    return base, cnt


def _sc_deg(colp, necf, necs):

    @functools.partial(
        pl.kernel,
        out_type=jax.ShapeDtypeStruct((NC, NPAD, H), jnp.float32),
        mesh=_sc_mesh(),
        scratch_types=[
            pltpu.VMEM((necf, ECH), jnp.int32),
            pltpu.VMEM((ECH, H), jnp.float32),
            pltpu.VMEM_SHARED((NPAD, H), jnp.float32),
            pltpu.SemaphoreType.DMA,
        ],
    )
    def k(colp_h, degp_h, colv, onesb, acc, sem):
        c = lax.axis_index("c")
        s = lax.axis_index("s")
        base, cnt = _tile_span(c, s, necf, necs)
        pltpu.sync_copy(colp_h.at[pl.ds(base, necf)], colv)

        def zb(i, _):
            for kk in range(H // LANES):
                onesb[i, pl.ds(kk * LANES, LANES)] = (
                    jnp.zeros((LANES,), jnp.float32))
            return 0
        lax.fori_loop(0, ECH, zb, 0)
        for z in range(DCH // ECH):
            pltpu.sync_copy(onesb, acc.at[pl.ds(s * DCH + z * ECH, ECH)])

        def ob(i, _):
            for kk in range(H // LANES):
                onesb[i, pl.ds(kk * LANES, LANES)] = (
                    jnp.ones((LANES,), jnp.float32))
            return 0
        lax.fori_loop(0, ECH, ob, 0)
        plsc.subcore_barrier()

        def dbody(j, _):
            pltpu.sync_copy(onesb, acc.at[colv.at[j]], add=True)
            return 0
        lax.fori_loop(0, cnt, dbody, 0)
        plsc.subcore_barrier()
        pltpu.sync_copy(acc.at[pl.ds(s * DCH, DCH)],
                        degp_h.at[c, pl.ds(s * DCH, DCH)])

    return k(colp)


def _sc_gather_rows(t0, xp):

    @functools.partial(
        pl.kernel,
        out_type=jax.ShapeDtypeStruct((NPAD, H), jnp.float32),
        mesh=_sc_mesh(),
        scratch_types=[
            pltpu.VMEM((4, 80), jnp.int32),
            pltpu.VMEM((RPT, H), jnp.float32),
            pltpu.SemaphoreType.DMA,
        ],
    )
    def k(t0_h, xp_h, hw0_h, xv, gbuf, sem):
        c = lax.axis_index("c")
        s = lax.axis_index("s")
        t = c * NS + s
        pltpu.sync_copy(xp_h.at[t], xv)
        for j in range(4):
            pltpu.async_copy(t0_h.at[xv.at[j]],
                             gbuf.at[pl.ds(j * 80, 80)], sem).wait()
        pltpu.sync_copy(gbuf, hw0_h.at[pl.ds(t * RPT, RPT)])

    return k(t0, xp)


def _sc_edge(g, rowp, colp, necf, necs):

    @functools.partial(
        pl.kernel,
        out_type=jax.ShapeDtypeStruct((NC, NPAD, H), jnp.float32),
        mesh=_sc_mesh(),
        scratch_types=[
            pltpu.VMEM((necf, ECH), jnp.int32),
            pltpu.VMEM((necf, ECH), jnp.int32),
            pltpu.VMEM((ECH, H), jnp.float32),
            pltpu.VMEM_SHARED((NPAD, H), jnp.float32),
            pltpu.SemaphoreType.DMA,
        ],
    )
    def k(g_h, rowp_h, colp_h, out_h, rowi, colv, buf, acc, sem):
        c = lax.axis_index("c")
        s = lax.axis_index("s")
        base, cnt = _tile_span(c, s, necf, necs)
        pltpu.sync_copy(rowp_h.at[pl.ds(base, necf)], rowi)
        pltpu.sync_copy(colp_h.at[pl.ds(base, necf)], colv)

        def zb(i, _):
            for kk in range(H // LANES):
                buf[i, pl.ds(kk * LANES, LANES)] = (
                    jnp.zeros((LANES,), jnp.float32))
            return 0
        lax.fori_loop(0, ECH, zb, 0)
        for z in range(DCH // ECH):
            pltpu.sync_copy(buf, acc.at[pl.ds(s * DCH + z * ECH, ECH)])
        plsc.subcore_barrier()

        def ebody(j, _):
            pltpu.async_copy(g_h.at[rowi.at[j]], buf, sem).wait()
            pltpu.sync_copy(buf, acc.at[colv.at[j]], add=True)
            return 0
        lax.fori_loop(0, cnt, ebody, 0)
        plsc.subcore_barrier()
        pltpu.sync_copy(acc.at[pl.ds(s * DCH, DCH)],
                        out_h.at[c, pl.ds(s * DCH, DCH)])

    return k(g, rowp, colp)


def _sc_pool(h3, sgp):

    @functools.partial(
        pl.kernel,
        out_type=jax.ShapeDtypeStruct((512, H), jnp.float32),
        mesh=_sc_mesh(),
        scratch_types=[
            pltpu.VMEM((16, 64), jnp.int32),
            pltpu.VMEM((2, 64), jnp.int32),
            pltpu.VMEM((2, 64, H), jnp.float32),
            pltpu.VMEM((16, H), jnp.float32),
            pltpu.SemaphoreType.DMA,
            pltpu.SemaphoreType.DMA,
        ],
    )
    def k(h3_h, sg_h, out_h, sgv, idxb, rbuf, sumb, sema, semb):
        c = lax.axis_index("c")
        s = lax.axis_index("s")
        t = c * NS + s
        pltpu.sync_copy(sg_h.at[t], sgv)
        sems = (sema, semb)

        def fire(q, b):
            for kk in range(4):
                v = sgv[q, pl.ds(kk * LANES, LANES)]
                idxb[b, pl.ds(kk * LANES, LANES)] = jnp.where(v < 0, DUMMY, v)
            pltpu.async_copy(h3_h.at[idxb.at[b]], rbuf.at[b], sems[b])

        def drain(b):
            pltpu.make_async_copy(h3_h.at[idxb.at[0]], rbuf.at[b],
                                  sems[b]).wait()

        def accum(q, b):
            def sbody(jj, accs):
                return tuple(
                    accs[k2] + rbuf[b, jj, pl.ds(k2 * LANES, LANES)]
                    for k2 in range(H // LANES))
            accs = lax.fori_loop(
                0, 64, sbody,
                tuple(jnp.zeros((LANES,), jnp.float32)
                      for _ in range(H // LANES)))
            for k2 in range(H // LANES):
                sumb[q, pl.ds(k2 * LANES, LANES)] = accs[k2]

        fire(0, 0)

        def qbody(p, _):
            q0 = 2 * p
            drain(0)
            fire(q0 + 1, 1)
            accum(q0, 0)
            drain(1)

            @pl.when(p < 7)
            def _():
                fire(q0 + 2, 0)
            accum(q0 + 1, 1)
            return 0
        lax.fori_loop(0, 8, qbody, 0)
        pltpu.sync_copy(sumb, out_h.at[pl.ds(t * 16, 16)])

    return k(h3, sgp)



def _tc_table(embp, w0):
    def body(a_ref, b_ref, o_ref):
        o_ref[...] = jnp.dot(a_ref[...], b_ref[...],
                             preferred_element_type=jnp.float32)
    return pl.pallas_call(
        body, out_shape=jax.ShapeDtypeStruct((TVR, H), jnp.float32))(embp, w0)


def _tc_dinv(degp3):
    def body(d_ref, o_ref):
        sfull = d_ref[0] + d_ref[1] + 1.0
        ridx = lax.broadcasted_iota(jnp.int32, (NPAD // 128, 128), 0) * 128 + \
            lax.broadcasted_iota(jnp.int32, (NPAD // 128, 128), 1)
        o_ref[...] = jnp.where(ridx < N, lax.rsqrt(sfull), 0.0)
    return pl.pallas_call(
        body,
        out_shape=jax.ShapeDtypeStruct((NPAD // 128, 128), jnp.float32))(degp3)


def _tc_scale(dinvc, hw0):
    def body(d_ref, h_ref, o_ref):
        o_ref[...] = d_ref[...] * h_ref[...]
    return pl.pallas_call(
        body,
        grid=(NPAD // BLK,),
        in_specs=[pl.BlockSpec((BLK, 1), lambda i: (i, 0)),
                  pl.BlockSpec((BLK, H), lambda i: (i, 0))],
        out_specs=pl.BlockSpec((BLK, H), lambda i: (i, 0)),
        out_shape=jax.ShapeDtypeStruct((NPAD, H), jnp.float32))(dinvc, hw0)


def _tc_layer(dinvc, sp, g, b, w):
    def body(d_ref, s0_ref, s1_ref, g_ref, b_ref, w_ref, o_ref):
        d = d_ref[...]
        h = jnp.maximum(d * (s0_ref[0] + s1_ref[0] + g_ref[...])
                        + b_ref[...], 0.0)
        o_ref[...] = d * jnp.dot(h, w_ref[...],
                                 preferred_element_type=jnp.float32)
    return pl.pallas_call(
        body,
        grid=(NPAD // BLK,),
        in_specs=[pl.BlockSpec((BLK, 1), lambda i: (i, 0)),
                  pl.BlockSpec((1, BLK, H), lambda i: (0, i, 0)),
                  pl.BlockSpec((1, BLK, H), lambda i: (1, i, 0)),
                  pl.BlockSpec((BLK, H), lambda i: (i, 0)),
                  pl.BlockSpec((1, H), lambda i: (0, 0)),
                  pl.BlockSpec((H, H), lambda i: (0, 0))],
        out_specs=pl.BlockSpec((BLK, H), lambda i: (i, 0)),
        out_shape=jax.ShapeDtypeStruct((NPAD, H), jnp.float32))(
            dinvc, sp, sp, g, b, w)


def _tc_final(dinvc, sp, g, b):
    def body(d_ref, s0_ref, s1_ref, g_ref, b_ref, o_ref):
        i = pl.program_id(0)
        h = jnp.maximum(d_ref[...] * (s0_ref[0] + s1_ref[0] + g_ref[...])
                        + b_ref[...], 0.0)
        rows = i * BLK + lax.broadcasted_iota(jnp.int32, (BLK, H), 0)
        o_ref[...] = jnp.where(rows < N, h, 0.0)
    return pl.pallas_call(
        body,
        grid=(NPAD // BLK,),
        in_specs=[pl.BlockSpec((BLK, 1), lambda i: (i, 0)),
                  pl.BlockSpec((1, BLK, H), lambda i: (0, i, 0)),
                  pl.BlockSpec((1, BLK, H), lambda i: (1, i, 0)),
                  pl.BlockSpec((BLK, H), lambda i: (i, 0)),
                  pl.BlockSpec((1, H), lambda i: (0, 0))],
        out_specs=pl.BlockSpec((BLK, H), lambda i: (i, 0)),
        out_shape=jax.ShapeDtypeStruct((NPAD, H), jnp.float32))(
            dinvc, sp, sp, g, b)


def _tc_head(sums, sg, w1, b1, w2, b2):
    odim = w2.shape[1]

    def body(s_ref, sg_ref, w1_ref, b1_ref, w2_ref, b2_ref, o_ref):
        cnt = jnp.sum((sg_ref[...] != -1).astype(jnp.float32), axis=1,
                      keepdims=True)
        pooled = s_ref[...] / jnp.maximum(cnt, 1.0)
        hid = jnp.maximum(jnp.dot(pooled, w1_ref[...],
                                  preferred_element_type=jnp.float32)
                          + b1_ref[...], 0.0)
        o_ref[...] = jnp.dot(hid, w2_ref[...],
                             preferred_element_type=jnp.float32) + b2_ref[...]
    return pl.pallas_call(
        body, out_shape=jax.ShapeDtypeStruct((sums.shape[0], odim),
                                             jnp.float32))(
            sums, sg, w1, b1, w2, b2)



@jax.jit
def kernel(x, edge_index, edge_attr, subg_nodes, embedding, convW, convB,
           mlpW1, mlpB1, mlpW2, mlpB2):
    x = x.astype(jnp.int32)
    ei = edge_index.astype(jnp.int32)
    e = ei.shape[1]
    nch = -(-e // ECH)
    necf = -(-(-(-int(nch * FRACF) // NS)) // 8) * 8
    necs = max(-(-(-(-(nch - NS * necf) // NS)) // 8) * 8, 8)
    padch = NS * (necf + necs) + (necf - necs)
    etot = padch * ECH
    rowp = jnp.concatenate(
        [ei[0], jnp.zeros((etot - e,), jnp.int32)]).reshape(padch, ECH)
    colp = jnp.concatenate(
        [ei[1], jnp.full((etot - e,), DUMMY, jnp.int32)]).reshape(padch, ECH)
    xp = jnp.concatenate(
        [x, jnp.zeros((NPAD - N,), jnp.int32)]).reshape(NW, 4, 80)
    embp = jnp.pad(embedding, ((0, TVR - embedding.shape[0]), (0, 0)))
    sg = subg_nodes.astype(jnp.int32)
    sgp = sg.reshape(NW, 512 // NW, 64)

    t0 = _tc_table(embp, convW[0])
    degp = _sc_deg(colp, necf, necs)
    hw0 = _sc_gather_rows(t0, xp)
    dinv2d = _tc_dinv(degp[:, :, 0].reshape(NC, NPAD // 128, 128))
    dinvc = dinv2d.reshape(NPAD, 1)
    g = _tc_scale(dinvc, hw0)
    h3 = None
    for i in range(convW.shape[0]):
        sp = _sc_edge(g, rowp, colp, necf, necs)
        if i < convW.shape[0] - 1:
            g = _tc_layer(dinvc, sp, g, convB[i].reshape(1, H), convW[i + 1])
        else:
            h3 = _tc_final(dinvc, sp, g, convB[i].reshape(1, H))
    sums = _sc_pool(h3, sgp)
    return _tc_head(sums, sg, mlpW1, mlpB1.reshape(1, H), mlpW2,
                    mlpB2.reshape(1, -1))

# --- scband reference (transcript-rebuilt; emitter-appended) ---
"""Pipeline reference for scband-simple-gnn-13142599925774 (READ-ONLY COPY).

The authoritative reference and input builder live on the scoring server;
editing this copy changes nothing except your own understanding.
"""

import jax, jax.numpy as jnp
import numpy as np

N_NODES = 10000
N_EDGES = 320000
HIDDEN = 128
INPUT_DIM = 1000
OUTPUT_DIM = 40
NUM_LAYERS = 3
N_SUBG = 512
MAX_SUBG = 64


def setup_inputs(seed: int = 0) -> dict:
    key = jax.random.key(seed)
    ks = jax.random.split(key, 10)
    x = jax.random.randint(ks[0], (N_NODES,), 0, INPUT_DIM)
    edge_index = jax.random.randint(ks[1], (2, N_EDGES), 0, N_NODES)
    edge_attr = jax.random.normal(ks[2], (N_EDGES, 4), dtype=jnp.float32)
    subg_nodes = jax.random.randint(ks[3], (N_SUBG, MAX_SUBG), 0, N_NODES)
    embedding = jax.random.normal(ks[4], (INPUT_DIM + 1, HIDDEN), dtype=jnp.float32) * 0.05
    convW = jax.random.normal(ks[5], (NUM_LAYERS, HIDDEN, HIDDEN), dtype=jnp.float32) * (1.0 / np.sqrt(HIDDEN))
    convB = jnp.zeros((NUM_LAYERS, HIDDEN), dtype=jnp.float32)
    mlpW1 = jax.random.normal(ks[6], (HIDDEN, HIDDEN), dtype=jnp.float32) * (1.0 / np.sqrt(HIDDEN))
    mlpB1 = jnp.zeros((HIDDEN,), dtype=jnp.float32)
    mlpW2 = jax.random.normal(ks[7], (HIDDEN, OUTPUT_DIM), dtype=jnp.float32) * (1.0 / np.sqrt(HIDDEN))
    mlpB2 = jnp.zeros((OUTPUT_DIM,), dtype=jnp.float32)
    return {"x": x, "edge_index": edge_index, "edge_attr": edge_attr, "subg_nodes": subg_nodes,
            "embedding": embedding, "convW": convW, "convB": convB,
            "mlpW1": mlpW1, "mlpB1": mlpB1, "mlpW2": mlpW2, "mlpB2": mlpB2}


def reference(x, edge_index, edge_attr, subg_nodes, embedding, convW, convB, mlpW1, mlpB1, mlpW2, mlpB2):
    # edge_attr is accepted but unused, matching the torch module.
    N = x.shape[0]
    # GCNConv normalization with self-loops (PyG gcn_norm, edge_weight=1)
    loop = jnp.arange(N, dtype=edge_index.dtype)
    row = jnp.concatenate([edge_index[0], loop])
    col = jnp.concatenate([edge_index[1], loop])
    deg = jnp.zeros((N,), jnp.float32).at[col].add(1.0)
    dinv = jnp.where(deg > 0, deg ** -0.5, 0.0)
    norm = dinv[row] * dinv[col]
    # input embedding lookup (x.squeeze())
    h = embedding[x]
    for i in range(convW.shape[0]):
        hw = h @ convW[i]
        agg = jnp.zeros_like(hw).at[col].add(hw[row] * norm[:, None]) + convB[i]
        h = jax.nn.relu(agg)
        # dropout is identity in eval mode
    # pad2batch
    mask = subg_nodes != -1
    B = subg_nodes.shape[0]
    M = subg_nodes.shape[1]
    batch = jnp.broadcast_to(jnp.arange(B)[:, None], (B, M)).reshape(-1)
    flat = jnp.where(mask, subg_nodes, 0).reshape(-1)
    mflat = mask.reshape(-1).astype(jnp.float32)
    feats = h[flat] * mflat[:, None]
    # global_mean_pool
    sums = jnp.zeros((B, h.shape[1]), jnp.float32).at[batch].add(feats)
    cnt = jnp.zeros((B,), jnp.float32).at[batch].add(mflat)
    pooled = sums / jnp.maximum(cnt, 1.0)[:, None]
    # MLP head (dropout identity in eval)
    hid = jax.nn.relu(pooled @ mlpW1 + mlpB1)
    out = hid @ mlpW2 + mlpB2
    return out

if __name__ == "__main__":
    import jax
    _d = setup_inputs()
    print(jax.jit(kernel)(*tuple(_d.values())))

</pallas_src>

<mosaic_0001>
#map = affine_map<(d0, d1) -> (0, 0)>
#map1 = affine_map<(d0, d1) -> (0, 0, 0)>
module attributes {stable_mosaic.version = 14 : i64} {
  func.func @k(%arg0: i32, %arg1: i32, %arg2: memref<10240x128xf32, #tpu.memory_space<hbm>>, %arg3: memref<2624x128xi32, #tpu.memory_space<hbm>>, %arg4: memref<2624x128xi32, #tpu.memory_space<hbm>>, %arg5: memref<2x10240x128xf32, #tpu.memory_space<hbm>>, %arg6: memref<112x128xi32, #tpu.memory_space<vmem>>, %arg7: memref<112x128xi32, #tpu.memory_space<vmem>>, %arg8: memref<128x128xf32, #tpu.memory_space<vmem>>, %arg9: memref<10240x128xf32, #tpu.memory_space<vmem_shared>>, %arg10: memref<!tpu.dma_semaphore, #tpu.memory_space<semaphore_mem>>) attributes {dimension_semantics = [#tpu.dimension_semantics<core_parallel>, #tpu.dimension_semantics<subcore_parallel>], iteration_bounds = array<i64: 2, 16>, scalar_prefetch = 0 : i64, scratch_operands = 5 : i64, tpu.core_type = #tpu.core_type<sc_vector_subcore>, window_params = [{transform_indices = #map}, {transform_indices = #map}, {transform_indices = #map}, {transform_indices = #map1}]} {
    %eq3A = arith.constant 0 : i32
    %eq3A_0 = arith.cmpi eq, %arg0, %eq3A : i32
    %mul3A = arith.constant 112 : i32
    %mul3A_1 = arith.muli %arg1, %mul3A : i32
    %mul3A_2 = arith.constant 48 : i32
    %mul3A_3 = arith.muli %arg1, %mul3A_2 : i32
    %add3A = arith.constant 1792 : i32
    %add3A_4 = arith.addi %add3A, %mul3A_3 : i32
    %select_n3A = arith.select %eq3A_0, %mul3A_1, %add3A_4 : i32
    %eq3A_5 = arith.constant 0 : i32
    %eq3A_6 = arith.cmpi eq, %arg0, %eq3A_5 : i32
    %jit3A = arith.constant 112 : i32
    %jit3A_7 = arith.constant 48 : i32
    %select_n3A_8 = arith.select %eq3A_6, %jit3A, %jit3A_7 : i32
    "tpu.region"() ({
      %run_scoped3A = tpu.sem_alloc : memref<!tpu.dma_semaphore, #tpu.memory_space<semaphore_mem>>
      %dma_start3A = arith.constant 0 : i32
      %dma_start3A_51 = tpu.memref_slice %arg3[%select_n3A, %dma_start3A] : memref<2624x128xi32, #tpu.memory_space<hbm>> -> memref<112x128xi32, #tpu.memory_space<hbm>>
      %dma_start3A_52 = arith.constant 0 : i32
      %dma_start3A_53 = tpu.memref_slice %arg3[%select_n3A, %dma_start3A_52] : memref<2624x128xi32, #tpu.memory_space<hbm>> -> memref<112x128xi32, #tpu.memory_space<hbm>>
      tpu.enqueue_dma source(%dma_start3A_53 : memref<112x128xi32, #tpu.memory_space<hbm>>) target(%arg6 : memref<112x128xi32, #tpu.memory_space<vmem>>) target_semaphore(%run_scoped3A : memref<!tpu.dma_semaphore, #tpu.memory_space<semaphore_mem>>)
      %dma_wait3A = arith.constant 0 : i32
      %dma_wait3A_54 = tpu.memref_slice %arg3[%select_n3A, %dma_wait3A] : memref<2624x128xi32, #tpu.memory_space<hbm>> -> memref<112x128xi32, #tpu.memory_space<hbm>>
      %dma_wait3A_55 = arith.constant 0 : i32
      %dma_wait3A_56 = tpu.memref_slice %arg3[%select_n3A, %dma_wait3A_55] : memref<2624x128xi32, #tpu.memory_space<hbm>> -> memref<112x128xi32, #tpu.memory_space<hbm>>
      tpu.wait_dma2 semaphore(%run_scoped3A : memref<!tpu.dma_semaphore, #tpu.memory_space<semaphore_mem>>) src(%dma_wait3A_56 : memref<112x128xi32, #tpu.memory_space<hbm>>) dst(%arg6 : memref<112x128xi32, #tpu.memory_space<vmem>>)
      tpu.yield
    }) : () -> ()
    "tpu.region"() ({
      %run_scoped3A = tpu.sem_alloc : memref<!tpu.dma_semaphore, #tpu.memory_space<semaphore_mem>>
      %dma_start3A = arith.constant 0 : i32
      %dma_start3A_51 = tpu.memref_slice %arg4[%select_n3A, %dma_start3A] : memref<2624x128xi32, #tpu.memory_space<hbm>> -> memref<112x128xi32, #tpu.memory_space<hbm>>
      %dma_start3A_52 = arith.constant 0 : i32
      %dma_start3A_53 = tpu.memref_slice %arg4[%select_n3A, %dma_start3A_52] : memref<2624x128xi32, #tpu.memory_space<hbm>> -> memref<112x128xi32, #tpu.memory_space<hbm>>
      tpu.enqueue_dma source(%dma_start3A_53 : memref<112x128xi32, #tpu.memory_space<hbm>>) target(%arg7 : memref<112x128xi32, #tpu.memory_space<vmem>>) target_semaphore(%run_scoped3A : memref<!tpu.dma_semaphore, #tpu.memory_space<semaphore_mem>>)
      %dma_wait3A = arith.constant 0 : i32
      %dma_wait3A_54 = tpu.memref_slice %arg4[%select_n3A, %dma_wait3A] : memref<2624x128xi32, #tpu.memory_space<hbm>> -> memref<112x128xi32, #tpu.memory_space<hbm>>
      %dma_wait3A_55 = arith.constant 0 : i32
      %dma_wait3A_56 = tpu.memref_slice %arg4[%select_n3A, %dma_wait3A_55] : memref<2624x128xi32, #tpu.memory_space<hbm>> -> memref<112x128xi32, #tpu.memory_space<hbm>>
      tpu.wait_dma2 semaphore(%run_scoped3A : memref<!tpu.dma_semaphore, #tpu.memory_space<semaphore_mem>>) src(%dma_wait3A_56 : memref<112x128xi32, #tpu.memory_space<hbm>>) dst(%arg7 : memref<112x128xi32, #tpu.memory_space<vmem>>)
      tpu.yield
    }) : () -> ()
    %scan3A = arith.constant 0 : i32
    %scan3A_9 = arith.constant 0 : i32
    %scan3A_10 = arith.constant 128 : i32
    %scan3A_11 = arith.addi %scan3A_9, %scan3A_10 : i32
    %scan3A_12 = arith.constant 1 : i32
    %scan3A_13 = scf.for %scan3A_51 = %scan3A_9 to %scan3A_11 step %scan3A_12 iter_args(%scan3A_52 = %scan3A) -> (i32)  : i32 {
      %broadcast_in_dim3A = arith.constant 0.000000e+00 : f32
      %broadcast_in_dim3A_53 = vector.broadcast %broadcast_in_dim3A : f32 to vector<16xf32>
      %swap3A = arith.index_cast %scan3A_51 : i32 to index
      %swap3A_54 = arith.constant 0 : index
      %swap3A_55 = tpu.vector_load %arg8[%swap3A, %swap3A_54] {strides = array<i32>} : memref<128x128xf32, #tpu.memory_space<vmem>>, vector<1x16xf32>,
      %swap3A_56 = vector.shape_cast %swap3A_55 : vector<1x16xf32> to vector<16xf32>
      %swap3A_57 = vector.shape_cast %broadcast_in_dim3A_53 : vector<16xf32> to vector<1x16xf32>
      tpu.vector_store %arg8[%swap3A, %swap3A_54], %swap3A_57 {strides = array<i32>} : memref<128x128xf32, #tpu.memory_space<vmem>>, vector<1x16xf32>,
      %broadcast_in_dim3A_58 = arith.constant 0.000000e+00 : f32
      %broadcast_in_dim3A_59 = vector.broadcast %broadcast_in_dim3A_58 : f32 to vector<16xf32>
      %swap3A_60 = arith.index_cast %scan3A_51 : i32 to index
      %swap3A_61 = arith.constant 16 : index
      %swap3A_62 = tpu.vector_load %arg8[%swap3A_60, %swap3A_61] {strides = array<i32>} : memref<128x128xf32, #tpu.memory_space<vmem>>, vector<1x16xf32>,
      %swap3A_63 = vector.shape_cast %swap3A_62 : vector<1x16xf32> to vector<16xf32>
      %swap3A_64 = vector.shape_cast %broadcast_in_dim3A_59 : vector<16xf32> to vector<1x16xf32>
      tpu.vector_store %arg8[%swap3A_60, %swap3A_61], %swap3A_64 {strides = array<i32>} : memref<128x128xf32, #tpu.memory_space<vmem>>, vector<1x16xf32>,
      %broadcast_in_dim3A_65 = arith.constant 0.000000e+00 : f32
      %broadcast_in_dim3A_66 = vector.broadcast %broadcast_in_dim3A_65 : f32 to vector<16xf32>
      %swap3A_67 = arith.index_cast %scan3A_51 : i32 to index
      %swap3A_68 = arith.constant 32 : index
      %swap3A_69 = tpu.vector_load %arg8[%swap3A_67, %swap3A_68] {strides = array<i32>} : memref<128x128xf32, #tpu.memory_space<vmem>>, vector<1x16xf32>,
      %swap3A_70 = vector.shape_cast %swap3A_69 : vector<1x16xf32> to vector<16xf32>
      %swap3A_71 = vector.shape_cast %broadcast_in_dim3A_66 : vector<16xf32> to vector<1x16xf32>
      tpu.vector_store %arg8[%swap3A_67, %swap3A_68], %swap3A_71 {strides = array<i32>} : memref<128x128xf32, #tpu.memory_space<vmem>>, vector<1x16xf32>,
      %broadcast_in_dim3A_72 = arith.constant 0.000000e+00 : f32
      %broadcast_in_dim3A_73 = vector.broadcast %broadcast_in_dim3A_72 : f32 to vector<16xf32>
      %swap3A_74 = arith.index_cast %scan3A_51 : i32 to index
      %swap3A_75 = arith.constant 48 : index
      %swap3A_76 = tpu.vector_load %arg8[%swap3A_74, %swap3A_75] {strides = array<i32>} : memref<128x128xf32, #tpu.memory_space<vmem>>, vector<1x16xf32>,
      %swap3A_77 = vector.shape_cast %swap3A_76 : vector<1x16xf32> to vector<16xf32>
      %swap3A_78 = vector.shape_cast %broadcast_in_dim3A_73 : vector<16xf32> to vector<1x16xf32>
      tpu.vector_store %arg8[%swap3A_74, %swap3A_75], %swap3A_78 {strides = array<i32>} : memref<128x128xf32, #tpu.memory_space<vmem>>, vector<1x16xf32>,
      %broadcast_in_dim3A_79 = arith.constant 0.000000e+00 : f32
      %broadcast_in_dim3A_80 = vector.broadcast %broadcast_in_dim3A_79 : f32 to vector<16xf32>
      %swap3A_81 = arith.index_cast %scan3A_51 : i32 to index
      %swap3A_82 = arith.constant 64 : index
      %swap3A_83 = tpu.vector_load %arg8[%swap3A_81, %swap3A_82] {strides = array<i32>} : memref<128x128xf32, #tpu.memory_space<vmem>>, vector<1x16xf32>,
      %swap3A_84 = vector.shape_cast %swap3A_83 : vector<1x16xf32> to vector<16xf32>
      %swap3A_85 = vector.shape_cast %broadcast_in_dim3A_80 : vector<16xf32> to vector<1x16xf32>
      tpu.vector_store %arg8[%swap3A_81, %swap3A_82], %swap3A_85 {strides = array<i32>} : memref<128x128xf32, #tpu.memory_space<vmem>>, vector<1x16xf32>,
      %broadcast_in_dim3A_86 = arith.constant 0.000000e+00 : f32
      %broadcast_in_dim3A_87 = vector.broadcast %broadcast_in_dim3A_86 : f32 to vector<16xf32>
      %swap3A_88 = arith.index_cast %scan3A_51 : i32 to index
      %swap3A_89 = arith.constant 80 : index
      %swap3A_90 = tpu.vector_load %arg8[%swap3A_88, %swap3A_89] {strides = array<i32>} : memref<128x128xf32, #tpu.memory_space<vmem>>, vector<1x16xf32>,
      %swap3A_91 = vector.shape_cast %swap3A_90 : vector<1x16xf32> to vector<16xf32>
      %swap3A_92 = vector.shape_cast %broadcast_in_dim3A_87 : vector<16xf32> to vector<1x16xf32>
      tpu.vector_store %arg8[%swap3A_88, %swap3A_89], %swap3A_92 {strides = array<i32>} : memref<128x128xf32, #tpu.memory_space<vmem>>, vector<1x16xf32>,
      %broadcast_in_dim3A_93 = arith.constant 0.000000e+00 : f32
      %broadcast_in_dim3A_94 = vector.broadcast %broadcast_in_dim3A_93 : f32 to vector<16xf32>
      %swap3A_95 = arith.index_cast %scan3A_51 : i32 to index
      %swap3A_96 = arith.constant 96 : index
      %swap3A_97 = tpu.vector_load %arg8[%swap3A_95, %swap3A_96] {strides = array<i32>} : memref<128x128xf32, #tpu.memory_space<vmem>>, vector<1x16xf32>,
      %swap3A_98 = vector.shape_cast %swap3A_97 : vector<1x16xf32> to vector<16xf32>
      %swap3A_99 = vector.shape_cast %broadcast_in_dim3A_94 : vector<16xf32> to vector<1x16xf32>
      tpu.vector_store %arg8[%swap3A_95, %swap3A_96], %swap3A_99 {strides = array<i32>} : memref<128x128xf32, #tpu.memory_space<vmem>>, vector<1x16xf32>,
      %broadcast_in_dim3A_100 = arith.constant 0.000000e+00 : f32
      %broadcast_in_dim3A_101 = vector.broadcast %broadcast_in_dim3A_100 : f32 to vector<16xf32>
      %swap3A_102 = arith.index_cast %scan3A_51 : i32 to index
      %swap3A_103 = arith.constant 112 : index
      %swap3A_104 = tpu.vector_load %arg8[%swap3A_102, %swap3A_103] {strides = array<i32>} : memref<128x128xf32, #tpu.memory_space<vmem>>, vector<1x16xf32>,
      %swap3A_105 = vector.shape_cast %swap3A_104 : vector<1x16xf32> to vector<16xf32>
      %swap3A_106 = vector.shape_cast %broadcast_in_dim3A_101 : vector<16xf32> to vector<1x16xf32>
      tpu.vector_store %arg8[%swap3A_102, %swap3A_103], %swap3A_106 {strides = array<i32>} : memref<128x128xf32, #tpu.memory_space<vmem>>, vector<1x16xf32>,
      %scan3A_107 = arith.constant 0 : i32
      scf.yield %scan3A_107 : i32
    }
    %scan3A_14 = arith.constant 128 : i32
    %mul3A_15 = arith.constant 640 : i32
    %mul3A_16 = arith.muli %arg1, %mul3A_15 : i32
    %add3A_17 = arith.constant 0 : i32
    %add3A_18 = arith.addi %mul3A_16, %add3A_17 : i32
    "tpu.region"() ({
      %run_scoped3A = tpu.sem_alloc : memref<!tpu.dma_semaphore, #tpu.memory_space<semaphore_mem>>
      %dma_start3A = arith.constant 0 : i32
      %dma_start3A_51 = tpu.memref_slice %arg9[%add3A_18, %dma_start3A] : memref<10240x128xf32, #tpu.memory_space<vmem_shared>> -> memref<128x128xf32, #tpu.memory_space<vmem_shared>>
      %dma_start3A_52 = arith.constant 0 : i32
      %dma_start3A_53 = tpu.memref_slice %arg9[%add3A_18, %dma_start3A_52] : memref<10240x128xf32, #tpu.memory_space<vmem_shared>> -> memref<128x128xf32, #tpu.memory_space<vmem_shared>>
      tpu.enqueue_dma source(%arg8 : memref<128x128xf32, #tpu.memory_space<vmem>>) target(%dma_start3A_53 : memref<128x128xf32, #tpu.memory_space<vmem_shared>>) target_semaphore(%run_scoped3A : memref<!tpu.dma_semaphore, #tpu.memory_space<semaphore_mem>>)
      %dma_wait3A = arith.constant 0 : i32
      %dma_wait3A_54 = tpu.memref_slice %arg9[%add3A_18, %dma_wait3A] : memref<10240x128xf32, #tpu.memory_space<vmem_shared>> -> memref<128x128xf32, #tpu.memory_space<vmem_shared>>
      %dma_wait3A_55 = arith.constant 0 : i32
      %dma_wait3A_56 = tpu.memref_slice %arg9[%add3A_18, %dma_wait3A_55] : memref<10240x128xf32, #tpu.memory_space<vmem_shared>> -> memref<128x128xf32, #tpu.memory_space<vmem_shared>>
      tpu.wait_dma2 semaphore(%run_scoped3A : memref<!tpu.dma_semaphore, #tpu.memory_space<semaphore_mem>>) src(%arg8 : memref<128x128xf32, #tpu.memory_space<vmem>>) dst(%dma_wait3A_56 : memref<128x128xf32, #tpu.memory_space<vmem_shared>>)
      tpu.yield
    }) : () -> ()
    %mul3A_19 = arith.constant 640 : i32
    %mul3A_20 = arith.muli %arg1, %mul3A_19 : i32
    %add3A_21 = arith.constant 128 : i32
    %add3A_22 = arith.addi %mul3A_20, %add3A_21 : i32
    "tpu.region"() ({
      %run_scoped3A = tpu.sem_alloc : memref<!tpu.dma_semaphore, #tpu.memory_space<semaphore_mem>>
      %dma_start3A = arith.constant 0 : i32
      %dma_start3A_51 = tpu.memref_slice %arg9[%add3A_22, %dma_start3A] : memref<10240x128xf32, #tpu.memory_space<vmem_shared>> -> memref<128x128xf32, #tpu.memory_space<vmem_shared>>
      %dma_start3A_52 = arith.constant 0 : i32
      %dma_start3A_53 = tpu.memref_slice %arg9[%add3A_22, %dma_start3A_52] : memref<10240x128xf32, #tpu.memory_space<vmem_shared>> -> memref<128x128xf32, #tpu.memory_space<vmem_shared>>
      tpu.enqueue_dma source(%arg8 : memref<128x128xf32, #tpu.memory_space<vmem>>) target(%dma_start3A_53 : memref<128x128xf32, #tpu.memory_space<vmem_shared>>) target_semaphore(%run_scoped3A : memref<!tpu.dma_semaphore, #tpu.memory_space<semaphore_mem>>)
      %dma_wait3A = arith.constant 0 : i32
      %dma_wait3A_54 = tpu.memref_slice %arg9[%add3A_22, %dma_wait3A] : memref<10240x128xf32, #tpu.memory_space<vmem_shared>> -> memref<128x128xf32, #tpu.memory_space<vmem_shared>>
      %dma_wait3A_55 = arith.constant 0 : i32
      %dma_wait3A_56 = tpu.memref_slice %arg9[%add3A_22, %dma_wait3A_55] : memref<10240x128xf32, #tpu.memory_space<vmem_shared>> -> memref<128x128xf32, #tpu.memory_space<vmem_shared>>
      tpu.wait_dma2 semaphore(%run_scoped3A : memref<!tpu.dma_semaphore, #tpu.memory_space<semaphore_mem>>) src(%arg8 : memref<128x128xf32, #tpu.memory_space<vmem>>) dst(%dma_wait3A_56 : memref<128x128xf32, #tpu.memory_space<vmem_shared>>)
      tpu.yield
    }) : () -> ()
    %mul3A_23 = arith.constant 640 : i32
    %mul3A_24 = arith.muli %arg1, %mul3A_23 : i32
    %add3A_25 = arith.constant 256 : i32
    %add3A_26 = arith.addi %mul3A_24, %add3A_25 : i32
    "tpu.region"() ({
      %run_scoped3A = tpu.sem_alloc : memref<!tpu.dma_semaphore, #tpu.memory_space<semaphore_mem>>
      %dma_start3A = arith.constant 0 : i32
      %dma_start3A_51 = tpu.memref_slice %arg9[%add3A_26, %dma_start3A] : memref<10240x128xf32, #tpu.memory_space<vmem_shared>> -> memref<128x128xf32, #tpu.memory_space<vmem_shared>>
      %dma_start3A_52 = arith.constant 0 : i32
      %dma_start3A_53 = tpu.memref_slice %arg9[%add3A_26, %dma_start3A_52] : memref<10240x128xf32, #tpu.memory_space<vmem_shared>> -> memref<128x128xf32, #tpu.memory_space<vmem_shared>>
      tpu.enqueue_dma source(%arg8 : memref<128x128xf32, #tpu.memory_space<vmem>>) target(%dma_start3A_53 : memref<128x128xf32, #tpu.memory_space<vmem_shared>>) target_semaphore(%run_scoped3A : memref<!tpu.dma_semaphore, #tpu.memory_space<semaphore_mem>>)
      %dma_wait3A = arith.constant 0 : i32
      %dma_wait3A_54 = tpu.memref_slice %arg9[%add3A_26, %dma_wait3A] : memref<10240x128xf32, #tpu.memory_space<vmem_shared>> -> memref<128x128xf32, #tpu.memory_space<vmem_shared>>
      %dma_wait3A_55 = arith.constant 0 : i32
      %dma_wait3A_56 = tpu.memref_slice %arg9[%add3A_26, %dma_wait3A_55] : memref<10240x128xf32, #tpu.memory_space<vmem_shared>> -> memref<128x128xf32, #tpu.memory_space<vmem_shared>>
      tpu.wait_dma2 semaphore(%run_scoped3A : memref<!tpu.dma_semaphore, #tpu.memory_space<semaphore_mem>>) src(%arg8 : memref<128x128xf32, #tpu.memory_space<vmem>>) dst(%dma_wait3A_56 : memref<128x128xf32, #tpu.memory_space<vmem_shared>>)
      tpu.yield
    }) : () -> ()
    %mul3A_27 = arith.constant 640 : i32
    %mul3A_28 = arith.muli %arg1, %mul3A_27 : i32
    %add3A_29 = arith.constant 384 : i32
    %add3A_30 = arith.addi %mul3A_28, %add3A_29 : i32
    "tpu.region"() ({
      %run_scoped3A = tpu.sem_alloc : memref<!tpu.dma_semaphore, #tpu.memory_space<semaphore_mem>>
      %dma_start3A = arith.constant 0 : i32
      %dma_start3A_51 = tpu.memref_slice %arg9[%add3A_30, %dma_start3A] : memref<10240x128xf32, #tpu.memory_space<vmem_shared>> -> memref<128x128xf32, #tpu.memory_space<vmem_shared>>
      %dma_start3A_52 = arith.constant 0 : i32
      %dma_start3A_53 = tpu.memref_slice %arg9[%add3A_30, %dma_start3A_52] : memref<10240x128xf32, #tpu.memory_space<vmem_shared>> -> memref<128x128xf32, #tpu.memory_space<vmem_shared>>
      tpu.enqueue_dma source(%arg8 : memref<128x128xf32, #tpu.memory_space<vmem>>) target(%dma_start3A_53 : memref<128x128xf32, #tpu.memory_space<vmem_shared>>) target_semaphore(%run_scoped3A : memref<!tpu.dma_semaphore, #tpu.memory_space<semaphore_mem>>)
      %dma_wait3A = arith.constant 0 : i32
      %dma_wait3A_54 = tpu.memref_slice %arg9[%add3A_30, %dma_wait3A] : memref<10240x128xf32, #tpu.memory_space<vmem_shared>> -> memref<128x128xf32, #tpu.memory_space<vmem_shared>>
      %dma_wait3A_55 = arith.constant 0 : i32
      %dma_wait3A_56 = tpu.memref_slice %arg9[%add3A_30, %dma_wait3A_55] : memref<10240x128xf32, #tpu.memory_space<vmem_shared>> -> memref<128x128xf32, #tpu.memory_space<vmem_shared>>
      tpu.wait_dma2 semaphore(%run_scoped3A : memref<!tpu.dma_semaphore, #tpu.memory_space<semaphore_mem>>) src(%arg8 : memref<128x128xf32, #tpu.memory_space<vmem>>) dst(%dma_wait3A_56 : memref<128x128xf32, #tpu.memory_space<vmem_shared>>)
      tpu.yield
    }) : () -> ()
    %mul3A_31 = arith.constant 640 : i32
    %mul3A_32 = arith.muli %arg1, %mul3A_31 : i32
    %add3A_33 = arith.constant 512 : i32
    %add3A_34 = arith.addi %mul3A_32, %add3A_33 : i32
    "tpu.region"() ({
      %run_scoped3A = tpu.sem_alloc : memref<!tpu.dma_semaphore, #tpu.memory_space<semaphore_mem>>
      %dma_start3A = arith.constant 0 : i32
      %dma_start3A_51 = tpu.memref_slice %arg9[%add3A_34, %dma_start3A] : memref<10240x128xf32, #tpu.memory_space<vmem_shared>> -> memref<128x128xf32, #tpu.memory_space<vmem_shared>>
      %dma_start3A_52 = arith.constant 0 : i32
      %dma_start3A_53 = tpu.memref_slice %arg9[%add3A_34, %dma_start3A_52] : memref<10240x128xf32, #tpu.memory_space<vmem_shared>> -> memref<128x128xf32, #tpu.memory_space<vmem_shared>>
      tpu.enqueue_dma source(%arg8 : memref<128x128xf32, #tpu.memory_space<vmem>>) target(%dma_start3A_53 : memref<128x128xf32, #tpu.memory_space<vmem_shared>>) target_semaphore(%run_scoped3A : memref<!tpu.dma_semaphore, #tpu.memory_space<semaphore_mem>>)
      %dma_wait3A = arith.constant 0 : i32
      %dma_wait3A_54 = tpu.memref_slice %arg9[%add3A_34, %dma_wait3A] : memref<10240x128xf32, #tpu.memory_space<vmem_shared>> -> memref<128x128xf32, #tpu.memory_space<vmem_shared>>
      %dma_wait3A_55 = arith.constant 0 : i32
      %dma_wait3A_56 = tpu.memref_slice %arg9[%add3A_34, %dma_wait3A_55] : memref<10240x128xf32, #tpu.memory_space<vmem_shared>> -> memref<128x128xf32, #tpu.memory_space<vmem_shared>>
      tpu.wait_dma2 semaphore(%run_scoped3A : memref<!tpu.dma_semaphore, #tpu.memory_space<semaphore_mem>>) src(%arg8 : memref<128x128xf32, #tpu.memory_space<vmem>>) dst(%dma_wait3A_56 : memref<128x128xf32, #tpu.memory_space<vmem_shared>>)
      tpu.yield
    }) : () -> ()
    %barrier3A = arith.constant 0 : index
    tpu.barrier barrier_id(%barrier3A)
    %while3A = arith.constant 0 : i32
    %while3A_35 = arith.constant 0 : i32
    %while3A_36 = arith.subi %select_n3A_8, %while3A : i32
    %while3A_37 = arith.addi %while3A, %while3A_36 : i32
    %while3A_38 = arith.constant 1 : i32
    %while3A_39 = arith.divsi %while3A_36, %while3A_38 : i32
    %while3A_40 = arith.muli %while3A_39, %while3A_38 : i32
    %while3A_41 = arith.addi %while3A, %while3A_40 : i32
    %while3A_42 = arith.constant 1 : i32
    %while3A_43 = scf.for %while3A_51 = %while3A to %while3A_41 step %while3A_42 iter_args(%while3A_52 = %while3A_35) -> (i32)  : i32 {
      %dma_start3A = arith.constant 0 : i32
      %dma_start3A_53 = tpu.memref_slice %arg6[%while3A_51, %dma_start3A] : memref<112x128xi32, #tpu.memory_space<vmem>> -> memref<1x128xi32, #tpu.memory_space<vmem>>
      %dma_start3A_54 = tpu.memref_squeeze %dma_start3A_53 : memref<1x128xi32, #tpu.memory_space<vmem>> -> memref<128xi32, #tpu.memory_space<vmem>>
      %dma_start3A_55 = arith.constant 0 : i32
      %dma_start3A_56 = arith.constant 0 : i32
      %dma_start3A_57 = tpu.memref_slice %arg2[%dma_start3A_55, %dma_start3A_56] : memref<10240x128xf32, #tpu.memory_space<hbm>> -> memref<10240x128xf32, #tpu.memory_space<hbm>>
      tpu.enqueue_indirect_dma source(%dma_start3A_57 : memref<10240x128xf32, #tpu.memory_space<hbm>>) target(%arg8 : memref<128x128xf32, #tpu.memory_space<vmem>>) offsets(%dma_start3A_54 : memref<128xi32, #tpu.memory_space<vmem>>) semaphore(%arg10 : memref<!tpu.dma_semaphore, #tpu.memory_space<semaphore_mem>>)
      %dma_wait3A = arith.constant 0 : i32
      %dma_wait3A_58 = tpu.memref_slice %arg6[%while3A_51, %dma_wait3A] : memref<112x128xi32, #tpu.memory_space<vmem>> -> memref<1x128xi32, #tpu.memory_space<vmem>>
      %dma_wait3A_59 = tpu.memref_squeeze %dma_wait3A_58 : memref<1x128xi32, #tpu.memory_space<vmem>> -> memref<128xi32, #tpu.memory_space<vmem>>
      %dma_wait3A_60 = arith.constant 0 : i32
      %dma_wait3A_61 = arith.constant 0 : i32
      %dma_wait3A_62 = tpu.memref_slice %arg2[%dma_wait3A_60, %dma_wait3A_61] : memref<10240x128xf32, #tpu.memory_space<hbm>> -> memref<10240x128xf32, #tpu.memory_space<hbm>>
      tpu.wait_indirect_dma semaphore(%arg10 : memref<!tpu.dma_semaphore, #tpu.memory_space<semaphore_mem>>) src(%dma_wait3A_62 : memref<10240x128xf32, #tpu.memory_space<hbm>>) dst(%arg8 : memref<128x128xf32, #tpu.memory_space<vmem>>)
      "tpu.region"() ({
        %run_scoped3A = tpu.sem_alloc : memref<!tpu.dma_semaphore, #tpu.memory_space<semaphore_mem>>
        %dma_start3A_64 = arith.constant 0 : i32
        %dma_start3A_65 = tpu.memref_slice %arg7[%while3A_51, %dma_start3A_64] : memref<112x128xi32, #tpu.memory_space<vmem>> -> memref<1x128xi32, #tpu.memory_space<vmem>>
        %dma_start3A_66 = tpu.memref_squeeze %dma_start3A_65 : memref<1x128xi32, #tpu.memory_space<vmem>> -> memref<128xi32, #tpu.memory_space<vmem>>
        %dma_start3A_67 = arith.constant 0 : i32
        %dma_start3A_68 = arith.constant 0 : i32
        %dma_start3A_69 = tpu.memref_slice %arg9[%dma_start3A_67, %dma_start3A_68] : memref<10240x128xf32, #tpu.memory_space<vmem_shared>> -> memref<10240x128xf32, #tpu.memory_space<vmem_shared>>
        tpu.enqueue_indirect_dma source(%arg8 : memref<128x128xf32, #tpu.memory_space<vmem>>) target(%dma_start3A_69 : memref<10240x128xf32, #tpu.memory_space<vmem_shared>>) offsets(%dma_start3A_66 : memref<128xi32, #tpu.memory_space<vmem>>) semaphore(%run_scoped3A : memref<!tpu.dma_semaphore, #tpu.memory_space<semaphore_mem>>) {add = true}
        %dma_wait3A_70 = arith.constant 0 : i32
        %dma_wait3A_71 = tpu.memref_slice %arg7[%while3A_51, %dma_wait3A_70] : memref<112x128xi32, #tpu.memory_space<vmem>> -> memref<1x128xi32, #tpu.memory_space<vmem>>
        %dma_wait3A_72 = tpu.memref_squeeze %dma_wait3A_71 : memref<1x128xi32, #tpu.memory_space<vmem>> -> memref<128xi32, #tpu.memory_space<vmem>>
        %dma_wait3A_73 = arith.constant 0 : i32
        %dma_wait3A_74 = arith.constant 0 : i32
        %dma_wait3A_75 = tpu.memref_slice %arg9[%dma_wait3A_73, %dma_wait3A_74] : memref<10240x128xf32, #tpu.memory_space<vmem_shared>> -> memref<10240x128xf32, #tpu.memory_space<vmem_shared>>
        tpu.wait_indirect_dma semaphore(%run_scoped3A : memref<!tpu.dma_semaphore, #tpu.memory_space<semaphore_mem>>) src(%arg8 : memref<128x128xf32, #tpu.memory_space<vmem>>) dst(%dma_wait3A_75 : memref<10240x128xf32, #tpu.memory_space<vmem_shared>>)
        tpu.yield
      }) : () -> ()
      %while3A_63 = arith.constant 0 : i32
      scf.yield %while3A_63 : i32
    }
    %while3A_44 = arith.constant 1 : i32
    %while3A_45 = scf.for %while3A_51 = %while3A_41 to %while3A_37 step %while3A_44 iter_args(%while3A_52 = %while3A_43) -> (i32)  : i32 {
      %dma_start3A = arith.constant 0 : i32
      %dma_start3A_53 = tpu.memref_slice %arg6[%while3A_51, %dma_start3A] : memref<112x128xi32, #tpu.memory_space<vmem>> -> memref<1x128xi32, #tpu.memory_space<vmem>>
      %dma_start3A_54 = tpu.memref_squeeze %dma_start3A_53 : memref<1x128xi32, #tpu.memory_space<vmem>> -> memref<128xi32, #tpu.memory_space<vmem>>
      %dma_start3A_55 = arith.constant 0 : i32
      %dma_start3A_56 = arith.constant 0 : i32
      %dma_start3A_57 = tpu.memref_slice %arg2[%dma_start3A_55, %dma_start3A_56] : memref<10240x128xf32, #tpu.memory_space<hbm>> -> memref<10240x128xf32, #tpu.memory_space<hbm>>
      tpu.enqueue_indirect_dma source(%dma_start3A_57 : memref<10240x128xf32, #tpu.memory_space<hbm>>) target(%arg8 : memref<128x128xf32, #tpu.memory_space<vmem>>) offsets(%dma_start3A_54 : memref<128xi32, #tpu.memory_space<vmem>>) semaphore(%arg10 : memref<!tpu.dma_semaphore, #tpu.memory_space<semaphore_mem>>)
      %dma_wait3A = arith.constant 0 : i32
      %dma_wait3A_58 = tpu.memref_slice %arg6[%while3A_51, %dma_wait3A] : memref<112x128xi32, #tpu.memory_space<vmem>> -> memref<1x128xi32, #tpu.memory_space<vmem>>
      %dma_wait3A_59 = tpu.memref_squeeze %dma_wait3A_58 : memref<1x128xi32, #tpu.memory_space<vmem>> -> memref<128xi32, #tpu.memory_space<vmem>>
      %dma_wait3A_60 = arith.constant 0 : i32
      %dma_wait3A_61 = arith.constant 0 : i32
      %dma_wait3A_62 = tpu.memref_slice %arg2[%dma_wait3A_60, %dma_wait3A_61] : memref<10240x128xf32, #tpu.memory_space<hbm>> -> memref<10240x128xf32, #tpu.memory_space<hbm>>
      tpu.wait_indirect_dma semaphore(%arg10 : memref<!tpu.dma_semaphore, #tpu.memory_space<semaphore_mem>>) src(%dma_wait3A_62 : memref<10240x128xf32, #tpu.memory_space<hbm>>) dst(%arg8 : memref<128x128xf32, #tpu.memory_space<vmem>>)
      "tpu.region"() ({
        %run_scoped3A = tpu.sem_alloc : memref<!tpu.dma_semaphore, #tpu.memory_space<semaphore_mem>>
        %dma_start3A_64 = arith.constant 0 : i32
        %dma_start3A_65 = tpu.memref_slice %arg7[%while3A_51, %dma_start3A_64] : memref<112x128xi32, #tpu.memory_space<vmem>> -> memref<1x128xi32, #tpu.memory_space<vmem>>
        %dma_start3A_66 = tpu.memref_squeeze %dma_start3A_65 : memref<1x128xi32, #tpu.memory_space<vmem>> -> memref<128xi32, #tpu.memory_space<vmem>>
        %dma_start3A_67 = arith.constant 0 : i32
        %dma_start3A_68 = arith.constant 0 : i32
        %dma_start3A_69 = tpu.memref_slice %arg9[%dma_start3A_67, %dma_start3A_68] : memref<10240x128xf32, #tpu.memory_space<vmem_shared>> -> memref<10240x128xf32, #tpu.memory_space<vmem_shared>>
        tpu.enqueue_indirect_dma source(%arg8 : memref<128x128xf32, #tpu.memory_space<vmem>>) target(%dma_start3A_69 : memref<10240x128xf32, #tpu.memory_space<vmem_shared>>) offsets(%dma_start3A_66 : memref<128xi32, #tpu.memory_space<vmem>>) semaphore(%run_scoped3A : memref<!tpu.dma_semaphore, #tpu.memory_space<semaphore_mem>>) {add = true}
        %dma_wait3A_70 = arith.constant 0 : i32
        %dma_wait3A_71 = tpu.memref_slice %arg7[%while3A_51, %dma_wait3A_70] : memref<112x128xi32, #tpu.memory_space<vmem>> -> memref<1x128xi32, #tpu.memory_space<vmem>>
        %dma_wait3A_72 = tpu.memref_squeeze %dma_wait3A_71 : memref<1x128xi32, #tpu.memory_space<vmem>> -> memref<128xi32, #tpu.memory_space<vmem>>
        %dma_wait3A_73 = arith.constant 0 : i32
        %dma_wait3A_74 = arith.constant 0 : i32
        %dma_wait3A_75 = tpu.memref_slice %arg9[%dma_wait3A_73, %dma_wait3A_74] : memref<10240x128xf32, #tpu.memory_space<vmem_shared>> -> memref<10240x128xf32, #tpu.memory_space<vmem_shared>>
        tpu.wait_indirect_dma semaphore(%run_scoped3A : memref<!tpu.dma_semaphore, #tpu.memory_space<semaphore_mem>>) src(%arg8 : memref<128x128xf32, #tpu.memory_space<vmem>>) dst(%dma_wait3A_75 : memref<10240x128xf32, #tpu.memory_space<vmem_shared>>)
        tpu.yield
      }) : () -> ()
      %while3A_63 = arith.constant 0 : i32
      scf.yield %while3A_63 : i32
    }
    %barrier3A_46 = arith.constant 0 : index
    tpu.barrier barrier_id(%barrier3A_46)
    %mul3A_47 = arith.constant 640 : i32
    %mul3A_48 = arith.muli %arg1, %mul3A_47 : i32
    %mul3A_49 = arith.constant 640 : i32
    %mul3A_50 = arith.muli %arg1, %mul3A_49 : i32
    "tpu.region"() ({
      %run_scoped3A = tpu.sem_alloc : memref<!tpu.dma_semaphore, #tpu.memory_space<semaphore_mem>>
      %dma_start3A = arith.constant 0 : i32
      %dma_start3A_51 = tpu.memref_slice %arg5[%arg0, %mul3A_50, %dma_start3A] : memref<2x10240x128xf32, #tpu.memory_space<hbm>> -> memref<1x640x128xf32, #tpu.memory_space<hbm>>
      %dma_start3A_52 = tpu.memref_squeeze %dma_start3A_51 : memref<1x640x128xf32, #tpu.memory_space<hbm>> -> memref<640x128xf32, #tpu.memory_space<hbm>>
      %dma_start3A_53 = arith.constant 0 : i32
      %dma_start3A_54 = tpu.memref_slice %arg9[%mul3A_48, %dma_start3A_53] : memref<10240x128xf32, #tpu.memory_space<vmem_shared>> -> memref<640x128xf32, #tpu.memory_space<vmem_shared>>
      tpu.enqueue_dma source(%dma_start3A_54 : memref<640x128xf32, #tpu.memory_space<vmem_shared>>) target(%dma_start3A_52 : memref<640x128xf32, #tpu.memory_space<hbm>>) target_semaphore(%run_scoped3A : memref<!tpu.dma_semaphore, #tpu.memory_space<semaphore_mem>>)
      %dma_wait3A = arith.constant 0 : i32
      %dma_wait3A_55 = tpu.memref_slice %arg5[%arg0, %mul3A_50, %dma_wait3A] : memref<2x10240x128xf32, #tpu.memory_space<hbm>> -> memref<1x640x128xf32, #tpu.memory_space<hbm>>
      %dma_wait3A_56 = tpu.memref_squeeze %dma_wait3A_55 : memref<1x640x128xf32, #tpu.memory_space<hbm>> -> memref<640x128xf32, #tpu.memory_space<hbm>>
      %dma_wait3A_57 = arith.constant 0 : i32
      %dma_wait3A_58 = tpu.memref_slice %arg9[%mul3A_48, %dma_wait3A_57] : memref<10240x128xf32, #tpu.memory_space<vmem_shared>> -> memref<640x128xf32, #tpu.memory_space<vmem_shared>>
      tpu.wait_dma2 semaphore(%run_scoped3A : memref<!tpu.dma_semaphore, #tpu.memory_space<semaphore_mem>>) src(%dma_wait3A_58 : memref<640x128xf32, #tpu.memory_space<vmem_shared>>) dst(%dma_wait3A_56 : memref<640x128xf32, #tpu.memory_space<hbm>>)
      tpu.yield
    }) : () -> ()
    return
  }
}

#map = affine_map<(d0, d1) -> (0, 0)>
#map1 = affine_map<(d0, d1) -> (0, 0, 0)>
module attributes {stable_mosaic.version = 14 : i64} {
  func.func @k(%arg0: i32, %arg1: i32, %arg2: memref<2624x128xi32, #tpu.memory_space<hbm>>, %arg3: memref<2x10240x128xf32, #tpu.memory_space<hbm>>, %arg4: memref<112x128xi32, #tpu.memory_space<vmem>>, %arg5: memref<128x128xf32, #tpu.memory_space<vmem>>, %arg6: memref<10240x128xf32, #tpu.memory_space<vmem_shared>>, %arg7: memref<!tpu.dma_semaphore, #tpu.memory_space<semaphore_mem>>) attributes {dimension_semantics = [#tpu.dimension_semantics<core_parallel>, #tpu.dimension_semantics<subcore_parallel>], iteration_bounds = array<i64: 2, 16>, scalar_prefetch = 0 : i64, scratch_operands = 4 : i64, tpu.core_type = #tpu.core_type<sc_vector_subcore>, window_params = [{transform_indices = #map}, {transform_indices = #map1}]} {
    %eq3A = arith.constant 0 : i32
    %eq3A_0 = arith.cmpi eq, %arg0, %eq3A : i32
    %mul3A = arith.constant 112 : i32
    %mul3A_1 = arith.muli %arg1, %mul3A : i32
    %mul3A_2 = arith.constant 48 : i32
    %mul3A_3 = arith.muli %arg1, %mul3A_2 : i32
    %add3A = arith.constant 1792 : i32
    %add3A_4 = arith.addi %add3A, %mul3A_3 : i32
    %select_n3A = arith.select %eq3A_0, %mul3A_1, %add3A_4 : i32
    %eq3A_5 = arith.constant 0 : i32
    %eq3A_6 = arith.cmpi eq, %arg0, %eq3A_5 : i32
    %jit3A = arith.constant 112 : i32
    %jit3A_7 = arith.constant 48 : i32
    %select_n3A_8 = arith.select %eq3A_6, %jit3A, %jit3A_7 : i32
    "tpu.region"() ({
      %run_scoped3A = tpu.sem_alloc : memref<!tpu.dma_semaphore, #tpu.memory_space<semaphore_mem>>
      %dma_start3A = arith.constant 0 : i32
      %dma_start3A_58 = tpu.memref_slice %arg2[%select_n3A, %dma_start3A] : memref<2624x128xi32, #tpu.memory_space<hbm>> -> memref<112x128xi32, #tpu.memory_space<hbm>>
      %dma_start3A_59 = arith.constant 0 : i32
      %dma_start3A_60 = tpu.memref_slice %arg2[%select_n3A, %dma_start3A_59] : memref<2624x128xi32, #tpu.memory_space<hbm>> -> memref<112x128xi32, #tpu.memory_space<hbm>>
      tpu.enqueue_dma source(%dma_start3A_60 : memref<112x128xi32, #tpu.memory_space<hbm>>) target(%arg4 : memref<112x128xi32, #tpu.memory_space<vmem>>) target_semaphore(%run_scoped3A : memref<!tpu.dma_semaphore, #tpu.memory_space<semaphore_mem>>)
      %dma_wait3A = arith.constant 0 : i32
      %dma_wait3A_61 = tpu.memref_slice %arg2[%select_n3A, %dma_wait3A] : memref<2624x128xi32, #tpu.memory_space<hbm>> -> memref<112x128xi32, #tpu.memory_space<hbm>>
      %dma_wait3A_62 = arith.constant 0 : i32
      %dma_wait3A_63 = tpu.memref_slice %arg2[%select_n3A, %dma_wait3A_62] : memref<2624x128xi32, #tpu.memory_space<hbm>> -> memref<112x128xi32, #tpu.memory_space<hbm>>
      tpu.wait_dma2 semaphore(%run_scoped3A : memref<!tpu.dma_semaphore, #tpu.memory_space<semaphore_mem>>) src(%dma_wait3A_63 : memref<112x128xi32, #tpu.memory_space<hbm>>) dst(%arg4 : memref<112x128xi32, #tpu.memory_space<vmem>>)
      tpu.yield
    }) : () -> ()
    %scan3A = arith.constant 0 : i32
    %scan3A_9 = arith.constant 0 : i32
    %scan3A_10 = arith.constant 128 : i32
    %scan3A_11 = arith.addi %scan3A_9, %scan3A_10 : i32
    %scan3A_12 = arith.constant 1 : i32
    %scan3A_13 = scf.for %scan3A_58 = %scan3A_9 to %scan3A_11 step %scan3A_12 iter_args(%scan3A_59 = %scan3A) -> (i32)  : i32 {
      %broadcast_in_dim3A = arith.constant 0.000000e+00 : f32
      %broadcast_in_dim3A_60 = vector.broadcast %broadcast_in_dim3A : f32 to vector<16xf32>
      %swap3A = arith.index_cast %scan3A_58 : i32 to index
      %swap3A_61 = arith.constant 0 : index
      %swap3A_62 = tpu.vector_load %arg5[%swap3A, %swap3A_61] {strides = array<i32>} : memref<128x128xf32, #tpu.memory_space<vmem>>, vector<1x16xf32>,
      %swap3A_63 = vector.shape_cast %swap3A_62 : vector<1x16xf32> to vector<16xf32>
      %swap3A_64 = vector.shape_cast %broadcast_in_dim3A_60 : vector<16xf32> to vector<1x16xf32>
      tpu.vector_store %arg5[%swap3A, %swap3A_61], %swap3A_64 {strides = array<i32>} : memref<128x128xf32, #tpu.memory_space<vmem>>, vector<1x16xf32>,
      %broadcast_in_dim3A_65 = arith.constant 0.000000e+00 : f32
      %broadcast_in_dim3A_66 = vector.broadcast %broadcast_in_dim3A_65 : f32 to vector<16xf32>
      %swap3A_67 = arith.index_cast %scan3A_58 : i32 to index
      %swap3A_68 = arith.constant 16 : index
      %swap3A_69 = tpu.vector_load %arg5[%swap3A_67, %swap3A_68] {strides = array<i32>} : memref<128x128xf32, #tpu.memory_space<vmem>>, vector<1x16xf32>,
      %swap3A_70 = vector.shape_cast %swap3A_69 : vector<1x16xf32> to vector<16xf32>
      %swap3A_71 = vector.shape_cast %broadcast_in_dim3A_66 : vector<16xf32> to vector<1x16xf32>
      tpu.vector_store %arg5[%swap3A_67, %swap3A_68], %swap3A_71 {strides = array<i32>} : memref<128x128xf32, #tpu.memory_space<vmem>>, vector<1x16xf32>,
      %broadcast_in_dim3A_72 = arith.constant 0.000000e+00 : f32
      %broadcast_in_dim3A_73 = vector.broadcast %broadcast_in_dim3A_72 : f32 to vector<16xf32>
      %swap3A_74 = arith.index_cast %scan3A_58 : i32 to index
      %swap3A_75 = arith.constant 32 : index
      %swap3A_76 = tpu.vector_load %arg5[%swap3A_74, %swap3A_75] {strides = array<i32>} : memref<128x128xf32, #tpu.memory_space<vmem>>, vector<1x16xf32>,
      %swap3A_77 = vector.shape_cast %swap3A_76 : vector<1x16xf32> to vector<16xf32>
      %swap3A_78 = vector.shape_cast %broadcast_in_dim3A_73 : vector<16xf32> to vector<1x16xf32>
      tpu.vector_store %arg5[%swap3A_74, %swap3A_75], %swap3A_78 {strides = array<i32>} : memref<128x128xf32, #tpu.memory_space<vmem>>, vector<1x16xf32>,
      %broadcast_in_dim3A_79 = arith.constant 0.000000e+00 : f32
      %broadcast_in_dim3A_80 = vector.broadcast %broadcast_in_dim3A_79 : f32 to vector<16xf32>
      %swap3A_81 = arith.index_cast %scan3A_58 : i32 to index
      %swap3A_82 = arith.constant 48 : index
      %swap3A_83 = tpu.vector_load %arg5[%swap3A_81, %swap3A_82] {strides = array<i32>} : memref<128x128xf32, #tpu.memory_space<vmem>>, vector<1x16xf32>,
      %swap3A_84 = vector.shape_cast %swap3A_83 : vector<1x16xf32> to vector<16xf32>
      %swap3A_85 = vector.shape_cast %broadcast_in_dim3A_80 : vector<16xf32> to vector<1x16xf32>
      tpu.vector_store %arg5[%swap3A_81, %swap3A_82], %swap3A_85 {strides = array<i32>} : memref<128x128xf32, #tpu.memory_space<vmem>>, vector<1x16xf32>,
      %broadcast_in_dim3A_86 = arith.constant 0.000000e+00 : f32
      %broadcast_in_dim3A_87 = vector.broadcast %broadcast_in_dim3A_86 : f32 to vector<16xf32>
      %swap3A_88 = arith.index_cast %scan3A_58 : i32 to index
      %swap3A_89 = arith.constant 64 : index
      %swap3A_90 = tpu.vector_load %arg5[%swap3A_88, %swap3A_89] {strides = array<i32>} : memref<128x128xf32, #tpu.memory_space<vmem>>, vector<1x16xf32>,
      %swap3A_91 = vector.shape_cast %swap3A_90 : vector<1x16xf32> to vector<16xf32>
      %swap3A_92 = vector.shape_cast %broadcast_in_dim3A_87 : vector<16xf32> to vector<1x16xf32>
      tpu.vector_store %arg5[%swap3A_88, %swap3A_89], %swap3A_92 {strides = array<i32>} : memref<128x128xf32, #tpu.memory_space<vmem>>, vector<1x16xf32>,
      %broadcast_in_dim3A_93 = arith.constant 0.000000e+00 : f32
      %broadcast_in_dim3A_94 = vector.broadcast %broadcast_in_dim3A_93 : f32 to vector<16xf32>
      %swap3A_95 = arith.index_cast %scan3A_58 : i32 to index
      %swap3A_96 = arith.constant 80 : index
      %swap3A_97 = tpu.vector_load %arg5[%swap3A_95, %swap3A_96] {strides = array<i32>} : memref<128x128xf32, #tpu.memory_space<vmem>>, vector<1x16xf32>,
      %swap3A_98 = vector.shape_cast %swap3A_97 : vector<1x16xf32> to vector<16xf32>
      %swap3A_99 = vector.shape_cast %broadcast_in_dim3A_94 : vector<16xf32> to vector<1x16xf32>
      tpu.vector_store %arg5[%swap3A_95, %swap3A_96], %swap3A_99 {strides = array<i32>} : memref<128x128xf32, #tpu.memory_space<vmem>>, vector<1x16xf32>,
      %broadcast_in_dim3A_100 = arith.constant 0.000000e+00 : f32
      %broadcast_in_dim3A_101 = vector.broadcast %broadcast_in_dim3A_100 : f32 to vector<16xf32>
      %swap3A_102 = arith.index_cast %scan3A_58 : i32 to index
      %swap3A_103 = arith.constant 96 : index
      %swap3A_104 = tpu.vector_load %arg5[%swap3A_102, %swap3A_103] {strides = array<i32>} : memref<128x128xf32, #tpu.memory_space<vmem>>, vector<1x16xf32>,
      %swap3A_105 = vector.shape_cast %swap3A_104 : vector<1x16xf32> to vector<16xf32>
      %swap3A_106 = vector.shape_cast %broadcast_in_dim3A_101 : vector<16xf32> to vector<1x16xf32>
      tpu.vector_store %arg5[%swap3A_102, %swap3A_103], %swap3A_106 {strides = array<i32>} : memref<128x128xf32, #tpu.memory_space<vmem>>, vector<1x16xf32>,
      %broadcast_in_dim3A_107 = arith.constant 0.000000e+00 : f32
      %broadcast_in_dim3A_108 = vector.broadcast %broadcast_in_dim3A_107 : f32 to vector<16xf32>
      %swap3A_109 = arith.index_cast %scan3A_58 : i32 to index
      %swap3A_110 = arith.constant 112 : index
      %swap3A_111 = tpu.vector_load %arg5[%swap3A_109, %swap3A_110] {strides = array<i32>} : memref<128x128xf32, #tpu.memory_space<vmem>>, vector<1x16xf32>,
      %swap3A_112 = vector.shape_cast %swap3A_111 : vector<1x16xf32> to vector<16xf32>
      %swap3A_113 = vector.shape_cast %broadcast_in_dim3A_108 : vector<16xf32> to vector<1x16xf32>
      tpu.vector_store %arg5[%swap3A_109, %swap3A_110], %swap3A_113 {strides = array<i32>} : memref<128x128xf32, #tpu.memory_space<vmem>>, vector<1x16xf32>,
      %scan3A_114 = arith.constant 0 : i32
      scf.yield %scan3A_114 : i32
    }
    %scan3A_14 = arith.constant 128 : i32
    %mul3A_15 = arith.constant 640 : i32
    %mul3A_16 = arith.muli %arg1, %mul3A_15 : i32
    %add3A_17 = arith.constant 0 : i32
    %add3A_18 = arith.addi %mul3A_16, %add3A_17 : i32
    "tpu.region"() ({
      %run_scoped3A = tpu.sem_alloc : memref<!tpu.dma_semaphore, #tpu.memory_space<semaphore_mem>>
      %dma_start3A = arith.constant 0 : i32
      %dma_start3A_58 = tpu.memref_slice %arg6[%add3A_18, %dma_start3A] : memref<10240x128xf32, #tpu.memory_space<vmem_shared>> -> memref<128x128xf32, #tpu.memory_space<vmem_shared>>
      %dma_start3A_59 = arith.constant 0 : i32
      %dma_start3A_60 = tpu.memref_slice %arg6[%add3A_18, %dma_start3A_59] : memref<10240x128xf32, #tpu.memory_space<vmem_shared>> -> memref<128x128xf32, #tpu.memory_space<vmem_shared>>
      tpu.enqueue_dma source(%arg5 : memref<128x128xf32, #tpu.memory_space<vmem>>) target(%dma_start3A_60 : memref<128x128xf32, #tpu.memory_space<vmem_shared>>) target_semaphore(%run_scoped3A : memref<!tpu.dma_semaphore, #tpu.memory_space<semaphore_mem>>)
      %dma_wait3A = arith.constant 0 : i32
      %dma_wait3A_61 = tpu.memref_slice %arg6[%add3A_18, %dma_wait3A] : memref<10240x128xf32, #tpu.memory_space<vmem_shared>> -> memref<128x128xf32, #tpu.memory_space<vmem_shared>>
      %dma_wait3A_62 = arith.constant 0 : i32
      %dma_wait3A_63 = tpu.memref_slice %arg6[%add3A_18, %dma_wait3A_62] : memref<10240x128xf32, #tpu.memory_space<vmem_shared>> -> memref<128x128xf32, #tpu.memory_space<vmem_shared>>
      tpu.wait_dma2 semaphore(%run_scoped3A : memref<!tpu.dma_semaphore, #tpu.memory_space<semaphore_mem>>) src(%arg5 : memref<128x128xf32, #tpu.memory_space<vmem>>) dst(%dma_wait3A_63 : memref<128x128xf32, #tpu.memory_space<vmem_shared>>)
      tpu.yield
    }) : () -> ()
    %mul3A_19 = arith.constant 640 : i32
    %mul3A_20 = arith.muli %arg1, %mul3A_19 : i32
    %add3A_21 = arith.constant 128 : i32
    %add3A_22 = arith.addi %mul3A_20, %add3A_21 : i32
    "tpu.region"() ({
      %run_scoped3A = tpu.sem_alloc : memref<!tpu.dma_semaphore, #tpu.memory_space<semaphore_mem>>
      %dma_start3A = arith.constant 0 : i32
      %dma_start3A_58 = tpu.memref_slice %arg6[%add3A_22, %dma_start3A] : memref<10240x128xf32, #tpu.memory_space<vmem_shared>> -> memref<128x128xf32, #tpu.memory_space<vmem_shared>>
      %dma_start3A_59 = arith.constant 0 : i32
      %dma_start3A_60 = tpu.memref_slice %arg6[%add3A_22, %dma_start3A_59] : memref<10240x128xf32, #tpu.memory_space<vmem_shared>> -> memref<128x128xf32, #tpu.memory_space<vmem_shared>>
      tpu.enqueue_dma source(%arg5 : memref<128x128xf32, #tpu.memory_space<vmem>>) target(%dma_start3A_60 : memref<128x128xf32, #tpu.memory_space<vmem_shared>>) target_semaphore(%run_scoped3A : memref<!tpu.dma_semaphore, #tpu.memory_space<semaphore_mem>>)
      %dma_wait3A = arith.constant 0 : i32
      %dma_wait3A_61 = tpu.memref_slice %arg6[%add3A_22, %dma_wait3A] : memref<10240x128xf32, #tpu.memory_space<vmem_shared>> -> memref<128x128xf32, #tpu.memory_space<vmem_shared>>
      %dma_wait3A_62 = arith.constant 0 : i32
      %dma_wait3A_63 = tpu.memref_slice %arg6[%add3A_22, %dma_wait3A_62] : memref<10240x128xf32, #tpu.memory_space<vmem_shared>> -> memref<128x128xf32, #tpu.memory_space<vmem_shared>>
      tpu.wait_dma2 semaphore(%run_scoped3A : memref<!tpu.dma_semaphore, #tpu.memory_space<semaphore_mem>>) src(%arg5 : memref<128x128xf32, #tpu.memory_space<vmem>>) dst(%dma_wait3A_63 : memref<128x128xf32, #tpu.memory_space<vmem_shared>>)
      tpu.yield
    }) : () -> ()
    %mul3A_23 = arith.constant 640 : i32
    %mul3A_24 = arith.muli %arg1, %mul3A_23 : i32
    %add3A_25 = arith.constant 256 : i32
    %add3A_26 = arith.addi %mul3A_24, %add3A_25 : i32
    "tpu.region"() ({
      %run_scoped3A = tpu.sem_alloc : memref<!tpu.dma_semaphore, #tpu.memory_space<semaphore_mem>>
      %dma_start3A = arith.constant 0 : i32
      %dma_start3A_58 = tpu.memref_slice %arg6[%add3A_26, %dma_start3A] : memref<10240x128xf32, #tpu.memory_space<vmem_shared>> -> memref<128x128xf32, #tpu.memory_space<vmem_shared>>
      %dma_start3A_59 = arith.constant 0 : i32
      %dma_start3A_60 = tpu.memref_slice %arg6[%add3A_26, %dma_start3A_59] : memref<10240x128xf32, #tpu.memory_space<vmem_shared>> -> memref<128x128xf32, #tpu.memory_space<vmem_shared>>
      tpu.enqueue_dma source(%arg5 : memref<128x128xf32, #tpu.memory_space<vmem>>) target(%dma_start3A_60 : memref<128x128xf32, #tpu.memory_space<vmem_shared>>) target_semaphore(%run_scoped3A : memref<!tpu.dma_semaphore, #tpu.memory_space<semaphore_mem>>)
      %dma_wait3A = arith.constant 0 : i32
      %dma_wait3A_61 = tpu.memref_slice %arg6[%add3A_26, %dma_wait3A] : memref<10240x128xf32, #tpu.memory_space<vmem_shared>> -> memref<128x128xf32, #tpu.memory_space<vmem_shared>>
      %dma_wait3A_62 = arith.constant 0 : i32
      %dma_wait3A_63 = tpu.memref_slice %arg6[%add3A_26, %dma_wait3A_62] : memref<10240x128xf32, #tpu.memory_space<vmem_shared>> -> memref<128x128xf32, #tpu.memory_space<vmem_shared>>
      tpu.wait_dma2 semaphore(%run_scoped3A : memref<!tpu.dma_semaphore, #tpu.memory_space<semaphore_mem>>) src(%arg5 : memref<128x128xf32, #tpu.memory_space<vmem>>) dst(%dma_wait3A_63 : memref<128x128xf32, #tpu.memory_space<vmem_shared>>)
      tpu.yield
    }) : () -> ()
    %mul3A_27 = arith.constant 640 : i32
    %mul3A_28 = arith.muli %arg1, %mul3A_27 : i32
    %add3A_29 = arith.constant 384 : i32
    %add3A_30 = arith.addi %mul3A_28, %add3A_29 : i32
    "tpu.region"() ({
      %run_scoped3A = tpu.sem_alloc : memref<!tpu.dma_semaphore, #tpu.memory_space<semaphore_mem>>
      %dma_start3A = arith.constant 0 : i32
      %dma_start3A_58 = tpu.memref_slice %arg6[%add3A_30, %dma_start3A] : memref<10240x128xf32, #tpu.memory_space<vmem_shared>> -> memref<128x128xf32, #tpu.memory_space<vmem_shared>>
      %dma_start3A_59 = arith.constant 0 : i32
      %dma_start3A_60 = tpu.memref_slice %arg6[%add3A_30, %dma_start3A_59] : memref<10240x128xf32, #tpu.memory_space<vmem_shared>> -> memref<128x128xf32, #tpu.memory_space<vmem_shared>>
      tpu.enqueue_dma source(%arg5 : memref<128x128xf32, #tpu.memory_space<vmem>>) target(%dma_start3A_60 : memref<128x128xf32, #tpu.memory_space<vmem_shared>>) target_semaphore(%run_scoped3A : memref<!tpu.dma_semaphore, #tpu.memory_space<semaphore_mem>>)
      %dma_wait3A = arith.constant 0 : i32
      %dma_wait3A_61 = tpu.memref_slice %arg6[%add3A_30, %dma_wait3A] : memref<10240x128xf32, #tpu.memory_space<vmem_shared>> -> memref<128x128xf32, #tpu.memory_space<vmem_shared>>
      %dma_wait3A_62 = arith.constant 0 : i32
      %dma_wait3A_63 = tpu.memref_slice %arg6[%add3A_30, %dma_wait3A_62] : memref<10240x128xf32, #tpu.memory_space<vmem_shared>> -> memref<128x128xf32, #tpu.memory_space<vmem_shared>>
      tpu.wait_dma2 semaphore(%run_scoped3A : memref<!tpu.dma_semaphore, #tpu.memory_space<semaphore_mem>>) src(%arg5 : memref<128x128xf32, #tpu.memory_space<vmem>>) dst(%dma_wait3A_63 : memref<128x128xf32, #tpu.memory_space<vmem_shared>>)
      tpu.yield
    }) : () -> ()
    %mul3A_31 = arith.constant 640 : i32
    %mul3A_32 = arith.muli %arg1, %mul3A_31 : i32
    %add3A_33 = arith.constant 512 : i32
    %add3A_34 = arith.addi %mul3A_32, %add3A_33 : i32
    "tpu.region"() ({
      %run_scoped3A = tpu.sem_alloc : memref<!tpu.dma_semaphore, #tpu.memory_space<semaphore_mem>>
      %dma_start3A = arith.constant 0 : i32
      %dma_start3A_58 = tpu.memref_slice %arg6[%add3A_34, %dma_start3A] : memref<10240x128xf32, #tpu.memory_space<vmem_shared>> -> memref<128x128xf32, #tpu.memory_space<vmem_shared>>
      %dma_start3A_59 = arith.constant 0 : i32
      %dma_start3A_60 = tpu.memref_slice %arg6[%add3A_34, %dma_start3A_59] : memref<10240x128xf32, #tpu.memory_space<vmem_shared>> -> memref<128x128xf32, #tpu.memory_space<vmem_shared>>
      tpu.enqueue_dma source(%arg5 : memref<128x128xf32, #tpu.memory_space<vmem>>) target(%dma_start3A_60 : memref<128x128xf32, #tpu.memory_space<vmem_shared>>) target_semaphore(%run_scoped3A : memref<!tpu.dma_semaphore, #tpu.memory_space<semaphore_mem>>)
      %dma_wait3A = arith.constant 0 : i32
      %dma_wait3A_61 = tpu.memref_slice %arg6[%add3A_34, %dma_wait3A] : memref<10240x128xf32, #tpu.memory_space<vmem_shared>> -> memref<128x128xf32, #tpu.memory_space<vmem_shared>>
      %dma_wait3A_62 = arith.constant 0 : i32
      %dma_wait3A_63 = tpu.memref_slice %arg6[%add3A_34, %dma_wait3A_62] : memref<10240x128xf32, #tpu.memory_space<vmem_shared>> -> memref<128x128xf32, #tpu.memory_space<vmem_shared>>
      tpu.wait_dma2 semaphore(%run_scoped3A : memref<!tpu.dma_semaphore, #tpu.memory_space<semaphore_mem>>) src(%arg5 : memref<128x128xf32, #tpu.memory_space<vmem>>) dst(%dma_wait3A_63 : memref<128x128xf32, #tpu.memory_space<vmem_shared>>)
      tpu.yield
    }) : () -> ()
    %scan3A_35 = arith.constant 0 : i32
    %scan3A_36 = arith.constant 0 : i32
    %scan3A_37 = arith.constant 128 : i32
    %scan3A_38 = arith.addi %scan3A_36, %scan3A_37 : i32
    %scan3A_39 = arith.constant 1 : i32
    %scan3A_40 = scf.for %scan3A_58 = %scan3A_36 to %scan3A_38 step %scan3A_39 iter_args(%scan3A_59 = %scan3A_35) -> (i32)  : i32 {
      %broadcast_in_dim3A = arith.constant 1.000000e+00 : f32
      %broadcast_in_dim3A_60 = vector.broadcast %broadcast_in_dim3A : f32 to vector<16xf32>
      %swap3A = arith.index_cast %scan3A_58 : i32 to index
      %swap3A_61 = arith.constant 0 : index
      %swap3A_62 = tpu.vector_load %arg5[%swap3A, %swap3A_61] {strides = array<i32>} : memref<128x128xf32, #tpu.memory_space<vmem>>, vector<1x16xf32>,
      %swap3A_63 = vector.shape_cast %swap3A_62 : vector<1x16xf32> to vector<16xf32>
      %swap3A_64 = vector.shape_cast %broadcast_in_dim3A_60 : vector<16xf32> to vector<1x16xf32>
      tpu.vector_store %arg5[%swap3A, %swap3A_61], %swap3A_64 {strides = array<i32>} : memref<128x128xf32, #tpu.memory_space<vmem>>, vector<1x16xf32>,
      %broadcast_in_dim3A_65 = arith.constant 1.000000e+00 : f32
      %broadcast_in_dim3A_66 = vector.broadcast %broadcast_in_dim3A_65 : f32 to vector<16xf32>
      %swap3A_67 = arith.index_cast %scan3A_58 : i32 to index
      %swap3A_68 = arith.constant 16 : index
      %swap3A_69 = tpu.vector_load %arg5[%swap3A_67, %swap3A_68] {strides = array<i32>} : memref<128x128xf32, #tpu.memory_space<vmem>>, vector<1x16xf32>,
      %swap3A_70 = vector.shape_cast %swap3A_69 : vector<1x16xf32> to vector<16xf32>
      %swap3A_71 = vector.shape_cast %broadcast_in_dim3A_66 : vector<16xf32> to vector<1x16xf32>
      tpu.vector_store %arg5[%swap3A_67, %swap3A_68], %swap3A_71 {strides = array<i32>} : memref<128x128xf32, #tpu.memory_space<vmem>>, vector<1x16xf32>,
      %broadcast_in_dim3A_72 = arith.constant 1.000000e+00 : f32
      %broadcast_in_dim3A_73 = vector.broadcast %broadcast_in_dim3A_72 : f32 to vector<16xf32>
      %swap3A_74 = arith.index_cast %scan3A_58 : i32 to index
      %swap3A_75 = arith.constant 32 : index
      %swap3A_76 = tpu.vector_load %arg5[%swap3A_74, %swap3A_75] {strides = array<i32>} : memref<128x128xf32, #tpu.memory_space<vmem>>, vector<1x16xf32>,
      %swap3A_77 = vector.shape_cast %swap3A_76 : vector<1x16xf32> to vector<16xf32>
      %swap3A_78 = vector.shape_cast %broadcast_in_dim3A_73 : vector<16xf32> to vector<1x16xf32>
      tpu.vector_store %arg5[%swap3A_74, %swap3A_75], %swap3A_78 {strides = array<i32>} : memref<128x128xf32, #tpu.memory_space<vmem>>, vector<1x16xf32>,
      %broadcast_in_dim3A_79 = arith.constant 1.000000e+00 : f32
      %broadcast_in_dim3A_80 = vector.broadcast %broadcast_in_dim3A_79 : f32 to vector<16xf32>
      %swap3A_81 = arith.index_cast %scan3A_58 : i32 to index
      %swap3A_82 = arith.constant 48 : index
      %swap3A_83 = tpu.vector_load %arg5[%swap3A_81, %swap3A_82] {strides = array<i32>} : memref<128x128xf32, #tpu.memory_space<vmem>>, vector<1x16xf32>,
      %swap3A_84 = vector.shape_cast %swap3A_83 : vector<1x16xf32> to vector<16xf32>
      %swap3A_85 = vector.shape_cast %broadcast_in_dim3A_80 : vector<16xf32> to vector<1x16xf32>
      tpu.vector_store %arg5[%swap3A_81, %swap3A_82], %swap3A_85 {strides = array<i32>} : memref<128x128xf32, #tpu.memory_space<vmem>>, vector<1x16xf32>,
      %broadcast_in_dim3A_86 = arith.constant 1.000000e+00 : f32
      %broadcast_in_dim3A_87 = vector.broadcast %broadcast_in_dim3A_86 : f32 to vector<16xf32>
      %swap3A_88 = arith.index_cast %scan3A_58 : i32 to index
      %swap3A_89 = arith.constant 64 : index
      %swap3A_90 = tpu.vector_load %arg5[%swap3A_88, %swap3A_89] {strides = array<i32>} : memref<128x128xf32, #tpu.memory_space<vmem>>, vector<1x16xf32>,
      %swap3A_91 = vector.shape_cast %swap3A_90 : vector<1x16xf32> to vector<16xf32>
      %swap3A_92 = vector.shape_cast %broadcast_in_dim3A_87 : vector<16xf32> to vector<1x16xf32>
      tpu.vector_store %arg5[%swap3A_88, %swap3A_89], %swap3A_92 {strides = array<i32>} : memref<128x128xf32, #tpu.memory_space<vmem>>, vector<1x16xf32>,
      %broadcast_in_dim3A_93 = arith.constant 1.000000e+00 : f32
      %broadcast_in_dim3A_94 = vector.broadcast %broadcast_in_dim3A_93 : f32 to vector<16xf32>
      %swap3A_95 = arith.index_cast %scan3A_58 : i32 to index
      %swap3A_96 = arith.constant 80 : index
      %swap3A_97 = tpu.vector_load %arg5[%swap3A_95, %swap3A_96] {strides = array<i32>} : memref<128x128xf32, #tpu.memory_space<vmem>>, vector<1x16xf32>,
      %swap3A_98 = vector.shape_cast %swap3A_97 : vector<1x16xf32> to vector<16xf32>
      %swap3A_99 = vector.shape_cast %broadcast_in_dim3A_94 : vector<16xf32> to vector<1x16xf32>
      tpu.vector_store %arg5[%swap3A_95, %swap3A_96], %swap3A_99 {strides = array<i32>} : memref<128x128xf32, #tpu.memory_space<vmem>>, vector<1x16xf32>,
      %broadcast_in_dim3A_100 = arith.constant 1.000000e+00 : f32
      %broadcast_in_dim3A_101 = vector.broadcast %broadcast_in_dim3A_100 : f32 to vector<16xf32>
      %swap3A_102 = arith.index_cast %scan3A_58 : i32 to index
      %swap3A_103 = arith.constant 96 : index
      %swap3A_104 = tpu.vector_load %arg5[%swap3A_102, %swap3A_103] {strides = array<i32>} : memref<128x128xf32, #tpu.memory_space<vmem>>, vector<1x16xf32>,
      %swap3A_105 = vector.shape_cast %swap3A_104 : vector<1x16xf32> to vector<16xf32>
      %swap3A_106 = vector.shape_cast %broadcast_in_dim3A_101 : vector<16xf32> to vector<1x16xf32>
      tpu.vector_store %arg5[%swap3A_102, %swap3A_103], %swap3A_106 {strides = array<i32>} : memref<128x128xf32, #tpu.memory_space<vmem>>, vector<1x16xf32>,
      %broadcast_in_dim3A_107 = arith.constant 1.000000e+00 : f32
      %broadcast_in_dim3A_108 = vector.broadcast %broadcast_in_dim3A_107 : f32 to vector<16xf32>
      %swap3A_109 = arith.index_cast %scan3A_58 : i32 to index
      %swap3A_110 = arith.constant 112 : index
      %swap3A_111 = tpu.vector_load %arg5[%swap3A_109, %swap3A_110] {strides = array<i32>} : memref<128x128xf32, #tpu.memory_space<vmem>>, vector<1x16xf32>,
      %swap3A_112 = vector.shape_cast %swap3A_111 : vector<1x16xf32> to vector<16xf32>
      %swap3A_113 = vector.shape_cast %broadcast_in_dim3A_108 : vector<16xf32> to vector<1x16xf32>
      tpu.vector_store %arg5[%swap3A_109, %swap3A_110], %swap3A_113 {strides = array<i32>} : memref<128x128xf32, #tpu.memory_space<vmem>>, vector<1x16xf32>,
      %scan3A_114 = arith.constant 0 : i32
      scf.yield %scan3A_114 : i32
    }
    %scan3A_41 = arith.constant 128 : i32
    %barrier3A = arith.constant 0 : index
    tpu.barrier barrier_id(%barrier3A)
    %while3A = arith.constant 0 : i32
    %while3A_42 = arith.constant 0 : i32
    %while3A_43 = arith.subi %select_n3A_8, %while3A : i32
    %while3A_44 = arith.addi %while3A, %while3A_43 : i32
    %while3A_45 = arith.constant 1 : i32
    %while3A_46 = arith.divsi %while3A_43, %while3A_45 : i32
    %while3A_47 = arith.muli %while3A_46, %while3A_45 : i32
    %while3A_48 = arith.addi %while3A, %while3A_47 : i32
    %while3A_49 = arith.constant 1 : i32
    %while3A_50 = scf.for %while3A_58 = %while3A to %while3A_48 step %while3A_49 iter_args(%while3A_59 = %while3A_42) -> (i32)  : i32 {
      "tpu.region"() ({
        %run_scoped3A = tpu.sem_alloc : memref<!tpu.dma_semaphore, #tpu.memory_space<semaphore_mem>>
        %dma_start3A = arith.constant 0 : i32
        %dma_start3A_61 = tpu.memref_slice %arg4[%while3A_58, %dma_start3A] : memref<112x128xi32, #tpu.memory_space<vmem>> -> memref<1x128xi32, #tpu.memory_space<vmem>>
        %dma_start3A_62 = tpu.memref_squeeze %dma_start3A_61 : memref<1x128xi32, #tpu.memory_space<vmem>> -> memref<128xi32, #tpu.memory_space<vmem>>
        %dma_start3A_63 = arith.constant 0 : i32
        %dma_start3A_64 = arith.constant 0 : i32
        %dma_start3A_65 = tpu.memref_slice %arg6[%dma_start3A_63, %dma_start3A_64] : memref<10240x128xf32, #tpu.memory_space<vmem_shared>> -> memref<10240x128xf32, #tpu.memory_space<vmem_shared>>
        tpu.enqueue_indirect_dma source(%arg5 : memref<128x128xf32, #tpu.memory_space<vmem>>) target(%dma_start3A_65 : memref<10240x128xf32, #tpu.memory_space<vmem_shared>>) offsets(%dma_start3A_62 : memref<128xi32, #tpu.memory_space<vmem>>) semaphore(%run_scoped3A : memref<!tpu.dma_semaphore, #tpu.memory_space<semaphore_mem>>) {add = true}
        %dma_wait3A = arith.constant 0 : i32
        %dma_wait3A_66 = tpu.memref_slice %arg4[%while3A_58, %dma_wait3A] : memref<112x128xi32, #tpu.memory_space<vmem>> -> memref<1x128xi32, #tpu.memory_space<vmem>>
        %dma_wait3A_67 = tpu.memref_squeeze %dma_wait3A_66 : memref<1x128xi32, #tpu.memory_space<vmem>> -> memref<128xi32, #tpu.memory_space<vmem>>
        %dma_wait3A_68 = arith.constant 0 : i32
        %dma_wait3A_69 = arith.constant 0 : i32
        %dma_wait3A_70 = tpu.memref_slice %arg6[%dma_wait3A_68, %dma_wait3A_69] : memref<10240x128xf32, #tpu.memory_space<vmem_shared>> -> memref<10240x128xf32, #tpu.memory_space<vmem_shared>>
        tpu.wait_indirect_dma semaphore(%run_scoped3A : memref<!tpu.dma_semaphore, #tpu.memory_space<semaphore_mem>>) src(%arg5 : memref<128x128xf32, #tpu.memory_space<vmem>>) dst(%dma_wait3A_70 : memref<10240x128xf32, #tpu.memory_space<vmem_shared>>)
        tpu.yield
      }) : () -> ()
      %while3A_60 = arith.constant 0 : i32
      scf.yield %while3A_60 : i32
    }
    %while3A_51 = arith.constant 1 : i32
    %while3A_52 = scf.for %while3A_58 = %while3A_48 to %while3A_44 step %while3A_51 iter_args(%while3A_59 = %while3A_50) -> (i32)  : i32 {
      "tpu.region"() ({
        %run_scoped3A = tpu.sem_alloc : memref<!tpu.dma_semaphore, #tpu.memory_space<semaphore_mem>>
        %dma_start3A = arith.constant 0 : i32
        %dma_start3A_61 = tpu.memref_slice %arg4[%while3A_58, %dma_start3A] : memref<112x128xi32, #tpu.memory_space<vmem>> -> memref<1x128xi32, #tpu.memory_space<vmem>>
        %dma_start3A_62 = tpu.memref_squeeze %dma_start3A_61 : memref<1x128xi32, #tpu.memory_space<vmem>> -> memref<128xi32, #tpu.memory_space<vmem>>
        %dma_start3A_63 = arith.constant 0 : i32
        %dma_start3A_64 = arith.constant 0 : i32
        %dma_start3A_65 = tpu.memref_slice %arg6[%dma_start3A_63, %dma_start3A_64] : memref<10240x128xf32, #tpu.memory_space<vmem_shared>> -> memref<10240x128xf32, #tpu.memory_space<vmem_shared>>
        tpu.enqueue_indirect_dma source(%arg5 : memref<128x128xf32, #tpu.memory_space<vmem>>) target(%dma_start3A_65 : memref<10240x128xf32, #tpu.memory_space<vmem_shared>>) offsets(%dma_start3A_62 : memref<128xi32, #tpu.memory_space<vmem>>) semaphore(%run_scoped3A : memref<!tpu.dma_semaphore, #tpu.memory_space<semaphore_mem>>) {add = true}
        %dma_wait3A = arith.constant 0 : i32
        %dma_wait3A_66 = tpu.memref_slice %arg4[%while3A_58, %dma_wait3A] : memref<112x128xi32, #tpu.memory_space<vmem>> -> memref<1x128xi32, #tpu.memory_space<vmem>>
        %dma_wait3A_67 = tpu.memref_squeeze %dma_wait3A_66 : memref<1x128xi32, #tpu.memory_space<vmem>> -> memref<128xi32, #tpu.memory_space<vmem>>
        %dma_wait3A_68 = arith.constant 0 : i32
        %dma_wait3A_69 = arith.constant 0 : i32
        %dma_wait3A_70 = tpu.memref_slice %arg6[%dma_wait3A_68, %dma_wait3A_69] : memref<10240x128xf32, #tpu.memory_space<vmem_shared>> -> memref<10240x128xf32, #tpu.memory_space<vmem_shared>>
        tpu.wait_indirect_dma semaphore(%run_scoped3A : memref<!tpu.dma_semaphore, #tpu.memory_space<semaphore_mem>>) src(%arg5 : memref<128x128xf32, #tpu.memory_space<vmem>>) dst(%dma_wait3A_70 : memref<10240x128xf32, #tpu.memory_space<vmem_shared>>)
        tpu.yield
      }) : () -> ()
      %while3A_60 = arith.constant 0 : i32
      scf.yield %while3A_60 : i32
    }
    %barrier3A_53 = arith.constant 0 : index
    tpu.barrier barrier_id(%barrier3A_53)
    %mul3A_54 = arith.constant 640 : i32
    %mul3A_55 = arith.muli %arg1, %mul3A_54 : i32
    %mul3A_56 = arith.constant 640 : i32
    %mul3A_57 = arith.muli %arg1, %mul3A_56 : i32
    "tpu.region"() ({
      %run_scoped3A = tpu.sem_alloc : memref<!tpu.dma_semaphore, #tpu.memory_space<semaphore_mem>>
      %dma_start3A = arith.constant 0 : i32
      %dma_start3A_58 = tpu.memref_slice %arg3[%arg0, %mul3A_57, %dma_start3A] : memref<2x10240x128xf32, #tpu.memory_space<hbm>> -> memref<1x640x128xf32, #tpu.memory_space<hbm>>
      %dma_start3A_59 = tpu.memref_squeeze %dma_start3A_58 : memref<1x640x128xf32, #tpu.memory_space<hbm>> -> memref<640x128xf32, #tpu.memory_space<hbm>>
      %dma_start3A_60 = arith.constant 0 : i32
      %dma_start3A_61 = tpu.memref_slice %arg6[%mul3A_55, %dma_start3A_60] : memref<10240x128xf32, #tpu.memory_space<vmem_shared>> -> memref<640x128xf32, #tpu.memory_space<vmem_shared>>
      tpu.enqueue_dma source(%dma_start3A_61 : memref<640x128xf32, #tpu.memory_space<vmem_shared>>) target(%dma_start3A_59 : memref<640x128xf32, #tpu.memory_space<hbm>>) target_semaphore(%run_scoped3A : memref<!tpu.dma_semaphore, #tpu.memory_space<semaphore_mem>>)
      %dma_wait3A = arith.constant 0 : i32
      %dma_wait3A_62 = tpu.memref_slice %arg3[%arg0, %mul3A_57, %dma_wait3A] : memref<2x10240x128xf32, #tpu.memory_space<hbm>> -> memref<1x640x128xf32, #tpu.memory_space<hbm>>
      %dma_wait3A_63 = tpu.memref_squeeze %dma_wait3A_62 : memref<1x640x128xf32, #tpu.memory_space<hbm>> -> memref<640x128xf32, #tpu.memory_space<hbm>>
      %dma_wait3A_64 = arith.constant 0 : i32
      %dma_wait3A_65 = tpu.memref_slice %arg6[%mul3A_55, %dma_wait3A_64] : memref<10240x128xf32, #tpu.memory_space<vmem_shared>> -> memref<640x128xf32, #tpu.memory_space<vmem_shared>>
      tpu.wait_dma2 semaphore(%run_scoped3A : memref<!tpu.dma_semaphore, #tpu.memory_space<semaphore_mem>>) src(%dma_wait3A_65 : memref<640x128xf32, #tpu.memory_space<vmem_shared>>) dst(%dma_wait3A_63 : memref<640x128xf32, #tpu.memory_space<hbm>>)
      tpu.yield
    }) : () -> ()
    return
  }
}

#map = affine_map<(d0, d1) -> (0, 0)>
#map1 = affine_map<(d0, d1) -> (0, 0, 0)>
module attributes {stable_mosaic.version = 14 : i64} {
  func.func @k(%arg0: i32, %arg1: i32, %arg2: memref<1008x128xf32, #tpu.memory_space<hbm>>, %arg3: memref<32x4x80xi32, #tpu.memory_space<hbm>>, %arg4: memref<10240x128xf32, #tpu.memory_space<hbm>>, %arg5: memref<4x80xi32, #tpu.memory_space<vmem>>, %arg6: memref<320x128xf32, #tpu.memory_space<vmem>>, %arg7: memref<!tpu.dma_semaphore, #tpu.memory_space<semaphore_mem>>) attributes {dimension_semantics = [#tpu.dimension_semantics<core_parallel>, #tpu.dimension_semantics<subcore_parallel>], iteration_bounds = array<i64: 2, 16>, scalar_prefetch = 0 : i64, scratch_operands = 3 : i64, tpu.core_type = #tpu.core_type<sc_vector_subcore>, window_params = [{transform_indices = #map}, {transform_indices = #map1}, {transform_indices = #map}]} {
    %mul3A = arith.constant 16 : i32
    %mul3A_0 = arith.muli %arg0, %mul3A : i32
    %add3A = arith.addi %mul3A_0, %arg1 : i32
    "tpu.region"() ({
      %run_scoped3A = tpu.sem_alloc : memref<!tpu.dma_semaphore, #tpu.memory_space<semaphore_mem>>
      %dma_start3A_81 = arith.constant 0 : i32
      %dma_start3A_82 = arith.constant 0 : i32
      %dma_start3A_83 = tpu.memref_slice %arg3[%add3A, %dma_start3A_81, %dma_start3A_82] : memref<32x4x80xi32, #tpu.memory_space<hbm>> -> memref<1x4x80xi32, #tpu.memory_space<hbm>>
      %dma_start3A_84 = tpu.memref_squeeze %dma_start3A_83 : memref<1x4x80xi32, #tpu.memory_space<hbm>> -> memref<4x80xi32, #tpu.memory_space<hbm>>
      %dma_start3A_85 = arith.constant 0 : i32
      %dma_start3A_86 = arith.constant 0 : i32
      %dma_start3A_87 = tpu.memref_slice %arg3[%add3A, %dma_start3A_85, %dma_start3A_86] : memref<32x4x80xi32, #tpu.memory_space<hbm>> -> memref<1x4x80xi32, #tpu.memory_space<hbm>>
      %dma_start3A_88 = tpu.memref_squeeze %dma_start3A_87 : memref<1x4x80xi32, #tpu.memory_space<hbm>> -> memref<4x80xi32, #tpu.memory_space<hbm>>
      tpu.enqueue_dma source(%dma_start3A_88 : memref<4x80xi32, #tpu.memory_space<hbm>>) target(%arg5 : memref<4x80xi32, #tpu.memory_space<vmem>>) target_semaphore(%run_scoped3A : memref<!tpu.dma_semaphore, #tpu.memory_space<semaphore_mem>>)
      %dma_wait3A_89 = arith.constant 0 : i32
      %dma_wait3A_90 = arith.constant 0 : i32
      %dma_wait3A_91 = tpu.memref_slice %arg3[%add3A, %dma_wait3A_89, %dma_wait3A_90] : memref<32x4x80xi32, #tpu.memory_space<hbm>> -> memref<1x4x80xi32, #tpu.memory_space<hbm>>
      %dma_wait3A_92 = tpu.memref_squeeze %dma_wait3A_91 : memref<1x4x80xi32, #tpu.memory_space<hbm>> -> memref<4x80xi32, #tpu.memory_space<hbm>>
      %dma_wait3A_93 = arith.constant 0 : i32
      %dma_wait3A_94 = arith.constant 0 : i32
      %dma_wait3A_95 = tpu.memref_slice %arg3[%add3A, %dma_wait3A_93, %dma_wait3A_94] : memref<32x4x80xi32, #tpu.memory_space<hbm>> -> memref<1x4x80xi32, #tpu.memory_space<hbm>>
      %dma_wait3A_96 = tpu.memref_squeeze %dma_wait3A_95 : memref<1x4x80xi32, #tpu.memory_space<hbm>> -> memref<4x80xi32, #tpu.memory_space<hbm>>
      tpu.wait_dma2 semaphore(%run_scoped3A : memref<!tpu.dma_semaphore, #tpu.memory_space<semaphore_mem>>) src(%dma_wait3A_96 : memref<4x80xi32, #tpu.memory_space<hbm>>) dst(%arg5 : memref<4x80xi32, #tpu.memory_space<vmem>>)
      tpu.yield
    }) : () -> ()
    %dma_start3A = arith.constant 0 : i32
    %dma_start3A_1 = arith.constant 0 : i32
    %dma_start3A_2 = arith.constant 0 : i32
    %dma_start3A_3 = tpu.memref_slice %arg6[%dma_start3A_1, %dma_start3A_2] : memref<320x128xf32, #tpu.memory_space<vmem>> -> memref<80x128xf32, #tpu.memory_space<vmem>>
    %dma_start3A_4 = arith.constant 0 : i32
    %dma_start3A_5 = tpu.memref_slice %arg5[%dma_start3A, %dma_start3A_4] : memref<4x80xi32, #tpu.memory_space<vmem>> -> memref<1x80xi32, #tpu.memory_space<vmem>>
    %dma_start3A_6 = tpu.memref_squeeze %dma_start3A_5 : memref<1x80xi32, #tpu.memory_space<vmem>> -> memref<80xi32, #tpu.memory_space<vmem>>
    %dma_start3A_7 = arith.constant 0 : i32
    %dma_start3A_8 = arith.constant 0 : i32
    %dma_start3A_9 = tpu.memref_slice %arg2[%dma_start3A_7, %dma_start3A_8] : memref<1008x128xf32, #tpu.memory_space<hbm>> -> memref<1008x128xf32, #tpu.memory_space<hbm>>
    tpu.enqueue_indirect_dma source(%dma_start3A_9 : memref<1008x128xf32, #tpu.memory_space<hbm>>) target(%dma_start3A_3 : memref<80x128xf32, #tpu.memory_space<vmem>>) offsets(%dma_start3A_6 : memref<80xi32, #tpu.memory_space<vmem>>) semaphore(%arg7 : memref<!tpu.dma_semaphore, #tpu.memory_space<semaphore_mem>>)
    %dma_wait3A = arith.constant 0 : i32
    %dma_wait3A_10 = arith.constant 0 : i32
    %dma_wait3A_11 = arith.constant 0 : i32
    %dma_wait3A_12 = tpu.memref_slice %arg6[%dma_wait3A_10, %dma_wait3A_11] : memref<320x128xf32, #tpu.memory_space<vmem>> -> memref<80x128xf32, #tpu.memory_space<vmem>>
    %dma_wait3A_13 = arith.constant 0 : i32
    %dma_wait3A_14 = tpu.memref_slice %arg5[%dma_wait3A, %dma_wait3A_13] : memref<4x80xi32, #tpu.memory_space<vmem>> -> memref<1x80xi32, #tpu.memory_space<vmem>>
    %dma_wait3A_15 = tpu.memref_squeeze %dma_wait3A_14 : memref<1x80xi32, #tpu.memory_space<vmem>> -> memref<80xi32, #tpu.memory_space<vmem>>
    %dma_wait3A_16 = arith.constant 0 : i32
    %dma_wait3A_17 = arith.constant 0 : i32
    %dma_wait3A_18 = tpu.memref_slice %arg2[%dma_wait3A_16, %dma_wait3A_17] : memref<1008x128xf32, #tpu.memory_space<hbm>> -> memref<1008x128xf32, #tpu.memory_space<hbm>>
    tpu.wait_indirect_dma semaphore(%arg7 : memref<!tpu.dma_semaphore, #tpu.memory_space<semaphore_mem>>) src(%dma_wait3A_18 : memref<1008x128xf32, #tpu.memory_space<hbm>>) dst(%dma_wait3A_12 : memref<80x128xf32, #tpu.memory_space<vmem>>)
    %dma_start3A_19 = arith.constant 1 : i32
    %dma_start3A_20 = arith.constant 80 : i32
    %dma_start3A_21 = arith.constant 0 : i32
    %dma_start3A_22 = tpu.memref_slice %arg6[%dma_start3A_20, %dma_start3A_21] : memref<320x128xf32, #tpu.memory_space<vmem>> -> memref<80x128xf32, #tpu.memory_space<vmem>>
    %dma_start3A_23 = arith.constant 0 : i32
    %dma_start3A_24 = tpu.memref_slice %arg5[%dma_start3A_19, %dma_start3A_23] : memref<4x80xi32, #tpu.memory_space<vmem>> -> memref<1x80xi32, #tpu.memory_space<vmem>>
    %dma_start3A_25 = tpu.memref_squeeze %dma_start3A_24 : memref<1x80xi32, #tpu.memory_space<vmem>> -> memref<80xi32, #tpu.memory_space<vmem>>
    %dma_start3A_26 = arith.constant 0 : i32
    %dma_start3A_27 = arith.constant 0 : i32
    %dma_start3A_28 = tpu.memref_slice %arg2[%dma_start3A_26, %dma_start3A_27] : memref<1008x128xf32, #tpu.memory_space<hbm>> -> memref<1008x128xf32, #tpu.memory_space<hbm>>
    tpu.enqueue_indirect_dma source(%dma_start3A_28 : memref<1008x128xf32, #tpu.memory_space<hbm>>) target(%dma_start3A_22 : memref<80x128xf32, #tpu.memory_space<vmem>>) offsets(%dma_start3A_25 : memref<80xi32, #tpu.memory_space<vmem>>) semaphore(%arg7 : memref<!tpu.dma_semaphore, #tpu.memory_space<semaphore_mem>>)
    %dma_wait3A_29 = arith.constant 1 : i32
    %dma_wait3A_30 = arith.constant 80 : i32
    %dma_wait3A_31 = arith.constant 0 : i32
    %dma_wait3A_32 = tpu.memref_slice %arg6[%dma_wait3A_30, %dma_wait3A_31] : memref<320x128xf32, #tpu.memory_space<vmem>> -> memref<80x128xf32, #tpu.memory_space<vmem>>
    %dma_wait3A_33 = arith.constant 0 : i32
    %dma_wait3A_34 = tpu.memref_slice %arg5[%dma_wait3A_29, %dma_wait3A_33] : memref<4x80xi32, #tpu.memory_space<vmem>> -> memref<1x80xi32, #tpu.memory_space<vmem>>
    %dma_wait3A_35 = tpu.memref_squeeze %dma_wait3A_34 : memref<1x80xi32, #tpu.memory_space<vmem>> -> memref<80xi32, #tpu.memory_space<vmem>>
    %dma_wait3A_36 = arith.constant 0 : i32
    %dma_wait3A_37 = arith.constant 0 : i32
    %dma_wait3A_38 = tpu.memref_slice %arg2[%dma_wait3A_36, %dma_wait3A_37] : memref<1008x128xf32, #tpu.memory_space<hbm>> -> memref<1008x128xf32, #tpu.memory_space<hbm>>
    tpu.wait_indirect_dma semaphore(%arg7 : memref<!tpu.dma_semaphore, #tpu.memory_space<semaphore_mem>>) src(%dma_wait3A_38 : memref<1008x128xf32, #tpu.memory_space<hbm>>) dst(%dma_wait3A_32 : memref<80x128xf32, #tpu.memory_space<vmem>>)
    %dma_start3A_39 = arith.constant 2 : i32
    %dma_start3A_40 = arith.constant 160 : i32
    %dma_start3A_41 = arith.constant 0 : i32
    %dma_start3A_42 = tpu.memref_slice %arg6[%dma_start3A_40, %dma_start3A_41] : memref<320x128xf32, #tpu.memory_space<vmem>> -> memref<80x128xf32, #tpu.memory_space<vmem>>
    %dma_start3A_43 = arith.constant 0 : i32
    %dma_start3A_44 = tpu.memref_slice %arg5[%dma_start3A_39, %dma_start3A_43] : memref<4x80xi32, #tpu.memory_space<vmem>> -> memref<1x80xi32, #tpu.memory_space<vmem>>
    %dma_start3A_45 = tpu.memref_squeeze %dma_start3A_44 : memref<1x80xi32, #tpu.memory_space<vmem>> -> memref<80xi32, #tpu.memory_space<vmem>>
    %dma_start3A_46 = arith.constant 0 : i32
    %dma_start3A_47 = arith.constant 0 : i32
    %dma_start3A_48 = tpu.memref_slice %arg2[%dma_start3A_46, %dma_start3A_47] : memref<1008x128xf32, #tpu.memory_space<hbm>> -> memref<1008x128xf32, #tpu.memory_space<hbm>>
    tpu.enqueue_indirect_dma source(%dma_start3A_48 : memref<1008x128xf32, #tpu.memory_space<hbm>>) target(%dma_start3A_42 : memref<80x128xf32, #tpu.memory_space<vmem>>) offsets(%dma_start3A_45 : memref<80xi32, #tpu.memory_space<vmem>>) semaphore(%arg7 : memref<!tpu.dma_semaphore, #tpu.memory_space<semaphore_mem>>)
    %dma_wait3A_49 = arith.constant 2 : i32
    %dma_wait3A_50 = arith.constant 160 : i32
    %dma_wait3A_51 = arith.constant 0 : i32
    %dma_wait3A_52 = tpu.memref_slice %arg6[%dma_wait3A_50, %dma_wait3A_51] : memref<320x128xf32, #tpu.memory_space<vmem>> -> memref<80x128xf32, #tpu.memory_space<vmem>>
    %dma_wait3A_53 = arith.constant 0 : i32
    %dma_wait3A_54 = tpu.memref_slice %arg5[%dma_wait3A_49, %dma_wait3A_53] : memref<4x80xi32, #tpu.memory_space<vmem>> -> memref<1x80xi32, #tpu.memory_space<vmem>>
    %dma_wait3A_55 = tpu.memref_squeeze %dma_wait3A_54 : memref<1x80xi32, #tpu.memory_space<vmem>> -> memref<80xi32, #tpu.memory_space<vmem>>
    %dma_wait3A_56 = arith.constant 0 : i32
    %dma_wait3A_57 = arith.constant 0 : i32
    %dma_wait3A_58 = tpu.memref_slice %arg2[%dma_wait3A_56, %dma_wait3A_57] : memref<1008x128xf32, #tpu.memory_space<hbm>> -> memref<1008x128xf32, #tpu.memory_space<hbm>>
    tpu.wait_indirect_dma semaphore(%arg7 : memref<!tpu.dma_semaphore, #tpu.memory_space<semaphore_mem>>) src(%dma_wait3A_58 : memref<1008x128xf32, #tpu.memory_space<hbm>>) dst(%dma_wait3A_52 : memref<80x128xf32, #tpu.memory_space<vmem>>)
    %dma_start3A_59 = arith.constant 3 : i32
    %dma_start3A_60 = arith.constant 240 : i32
    %dma_start3A_61 = arith.constant 0 : i32
    %dma_start3A_62 = tpu.memref_slice %arg6[%dma_start3A_60, %dma_start3A_61] : memref<320x128xf32, #tpu.memory_space<vmem>> -> memref<80x128xf32, #tpu.memory_space<vmem>>
    %dma_start3A_63 = arith.constant 0 : i32
    %dma_start3A_64 = tpu.memref_slice %arg5[%dma_start3A_59, %dma_start3A_63] : memref<4x80xi32, #tpu.memory_space<vmem>> -> memref<1x80xi32, #tpu.memory_space<vmem>>
    %dma_start3A_65 = tpu.memref_squeeze %dma_start3A_64 : memref<1x80xi32, #tpu.memory_space<vmem>> -> memref<80xi32, #tpu.memory_space<vmem>>
    %dma_start3A_66 = arith.constant 0 : i32
    %dma_start3A_67 = arith.constant 0 : i32
    %dma_start3A_68 = tpu.memref_slice %arg2[%dma_start3A_66, %dma_start3A_67] : memref<1008x128xf32, #tpu.memory_space<hbm>> -> memref<1008x128xf32, #tpu.memory_space<hbm>>
    tpu.enqueue_indirect_dma source(%dma_start3A_68 : memref<1008x128xf32, #tpu.memory_space<hbm>>) target(%dma_start3A_62 : memref<80x128xf32, #tpu.memory_space<vmem>>) offsets(%dma_start3A_65 : memref<80xi32, #tpu.memory_space<vmem>>) semaphore(%arg7 : memref<!tpu.dma_semaphore, #tpu.memory_space<semaphore_mem>>)
    %dma_wait3A_69 = arith.constant 3 : i32
    %dma_wait3A_70 = arith.constant 240 : i32
    %dma_wait3A_71 = arith.constant 0 : i32
    %dma_wait3A_72 = tpu.memref_slice %arg6[%dma_wait3A_70, %dma_wait3A_71] : memref<320x128xf32, #tpu.memory_space<vmem>> -> memref<80x128xf32, #tpu.memory_space<vmem>>
    %dma_wait3A_73 = arith.constant 0 : i32
    %dma_wait3A_74 = tpu.memref_slice %arg5[%dma_wait3A_69, %dma_wait3A_73] : memref<4x80xi32, #tpu.memory_space<vmem>> -> memref<1x80xi32, #tpu.memory_space<vmem>>
    %dma_wait3A_75 = tpu.memref_squeeze %dma_wait3A_74 : memref<1x80xi32, #tpu.memory_space<vmem>> -> memref<80xi32, #tpu.memory_space<vmem>>
    %dma_wait3A_76 = arith.constant 0 : i32
    %dma_wait3A_77 = arith.constant 0 : i32
    %dma_wait3A_78 = tpu.memref_slice %arg2[%dma_wait3A_76, %dma_wait3A_77] : memref<1008x128xf32, #tpu.memory_space<hbm>> -> memref<1008x128xf32, #tpu.memory_space<hbm>>
    tpu.wait_indirect_dma semaphore(%arg7 : memref<!tpu.dma_semaphore, #tpu.memory_space<semaphore_mem>>) src(%dma_wait3A_78 : memref<1008x128xf32, #tpu.memory_space<hbm>>) dst(%dma_wait3A_72 : memref<80x128xf32, #tpu.memory_space<vmem>>)
    %mul3A_79 = arith.constant 320 : i32
    %mul3A_80 = arith.muli %add3A, %mul3A_79 : i32
    "tpu.region"() ({
      %run_scoped3A = tpu.sem_alloc : memref<!tpu.dma_semaphore, #tpu.memory_space<semaphore_mem>>
      %dma_start3A_81 = arith.constant 0 : i32
      %dma_start3A_82 = tpu.memref_slice %arg4[%mul3A_80, %dma_start3A_81] : memref<10240x128xf32, #tpu.memory_space<hbm>> -> memref<320x128xf32, #tpu.memory_space<hbm>>
      %dma_start3A_83 = arith.constant 0 : i32
      %dma_start3A_84 = tpu.memref_slice %arg4[%mul3A_80, %dma_start3A_83] : memref<10240x128xf32, #tpu.memory_space<hbm>> -> memref<320x128xf32, #tpu.memory_space<hbm>>
      tpu.enqueue_dma source(%arg6 : memref<320x128xf32, #tpu.memory_space<vmem>>) target(%dma_start3A_84 : memref<320x128xf32, #tpu.memory_space<hbm>>) target_semaphore(%run_scoped3A : memref<!tpu.dma_semaphore, #tpu.memory_space<semaphore_mem>>)
      %dma_wait3A_85 = arith.constant 0 : i32
      %dma_wait3A_86 = tpu.memref_slice %arg4[%mul3A_80, %dma_wait3A_85] : memref<10240x128xf32, #tpu.memory_space<hbm>> -> memref<320x128xf32, #tpu.memory_space<hbm>>
      %dma_wait3A_87 = arith.constant 0 : i32
      %dma_wait3A_88 = tpu.memref_slice %arg4[%mul3A_80, %dma_wait3A_87] : memref<10240x128xf32, #tpu.memory_space<hbm>> -> memref<320x128xf32, #tpu.memory_space<hbm>>
      tpu.wait_dma2 semaphore(%run_scoped3A : memref<!tpu.dma_semaphore, #tpu.memory_space<semaphore_mem>>) src(%arg6 : memref<320x128xf32, #tpu.memory_space<vmem>>) dst(%dma_wait3A_88 : memref<320x128xf32, #tpu.memory_space<hbm>>)
      tpu.yield
    }) : () -> ()
    return
  }
}

#map = affine_map<(d0, d1) -> (0, 0)>
#map1 = affine_map<(d0, d1) -> (0, 0, 0)>
module attributes {stable_mosaic.version = 14 : i64} {
  func.func @k(%arg0: i32, %arg1: i32, %arg2: memref<10240x128xf32, #tpu.memory_space<hbm>>, %arg3: memref<2624x128xi32, #tpu.memory_space<hbm>>, %arg4: memref<2624x128xi32, #tpu.memory_space<hbm>>, %arg5: memref<2x10240x128xf32, #tpu.memory_space<hbm>>, %arg6: memref<112x128xi32, #tpu.memory_space<vmem>>, %arg7: memref<112x128xi32, #tpu.memory_space<vmem>>, %arg8: memref<128x128xf32, #tpu.memory_space<vmem>>, %arg9: memref<10240x128xf32, #tpu.memory_space<vmem_shared>>, %arg10: memref<!tpu.dma_semaphore, #tpu.memory_space<semaphore_mem>>) attributes {dimension_semantics = [#tpu.dimension_semantics<core_parallel>, #tpu.dimension_semantics<subcore_parallel>], iteration_bounds = array<i64: 2, 16>, scalar_prefetch = 0 : i64, scratch_operands = 5 : i64, tpu.core_type = #tpu.core_type<sc_vector_subcore>, window_params = [{transform_indices = #map}, {transform_indices = #map}, {transform_indices = #map}, {transform_indices = #map1}]} {
    %eq3A = arith.constant 0 : i32
    %eq3A_0 = arith.cmpi eq, %arg0, %eq3A : i32
    %mul3A = arith.constant 112 : i32
    %mul3A_1 = arith.muli %arg1, %mul3A : i32
    %mul3A_2 = arith.constant 48 : i32
    %mul3A_3 = arith.muli %arg1, %mul3A_2 : i32
    %add3A = arith.constant 1792 : i32
    %add3A_4 = arith.addi %add3A, %mul3A_3 : i32
    %select_n3A = arith.select %eq3A_0, %mul3A_1, %add3A_4 : i32
    %eq3A_5 = arith.constant 0 : i32
    %eq3A_6 = arith.cmpi eq, %arg0, %eq3A_5 : i32
    %jit3A = arith.constant 112 : i32
    %jit3A_7 = arith.constant 48 : i32
    %select_n3A_8 = arith.select %eq3A_6, %jit3A, %jit3A_7 : i32
    "tpu.region"() ({
      %run_scoped3A = tpu.sem_alloc : memref<!tpu.dma_semaphore, #tpu.memory_space<semaphore_mem>>
      %dma_start3A = arith.constant 0 : i32
      %dma_start3A_51 = tpu.memref_slice %arg3[%select_n3A, %dma_start3A] : memref<2624x128xi32, #tpu.memory_space<hbm>> -> memref<112x128xi32, #tpu.memory_space<hbm>>
      %dma_start3A_52 = arith.constant 0 : i32
      %dma_start3A_53 = tpu.memref_slice %arg3[%select_n3A, %dma_start3A_52] : memref<2624x128xi32, #tpu.memory_space<hbm>> -> memref<112x128xi32, #tpu.memory_space<hbm>>
      tpu.enqueue_dma source(%dma_start3A_53 : memref<112x128xi32, #tpu.memory_space<hbm>>) target(%arg6 : memref<112x128xi32, #tpu.memory_space<vmem>>) target_semaphore(%run_scoped3A : memref<!tpu.dma_semaphore, #tpu.memory_space<semaphore_mem>>)
      %dma_wait3A = arith.constant 0 : i32
      %dma_wait3A_54 = tpu.memref_slice %arg3[%select_n3A, %dma_wait3A] : memref<2624x128xi32, #tpu.memory_space<hbm>> -> memref<112x128xi32, #tpu.memory_space<hbm>>
      %dma_wait3A_55 = arith.constant 0 : i32
      %dma_wait3A_56 = tpu.memref_slice %arg3[%select_n3A, %dma_wait3A_55] : memref<2624x128xi32, #tpu.memory_space<hbm>> -> memref<112x128xi32, #tpu.memory_space<hbm>>
      tpu.wait_dma2 semaphore(%run_scoped3A : memref<!tpu.dma_semaphore, #tpu.memory_space<semaphore_mem>>) src(%dma_wait3A_56 : memref<112x128xi32, #tpu.memory_space<hbm>>) dst(%arg6 : memref<112x128xi32, #tpu.memory_space<vmem>>)
      tpu.yield
    }) : () -> ()
    "tpu.region"() ({
      %run_scoped3A = tpu.sem_alloc : memref<!tpu.dma_semaphore, #tpu.memory_space<semaphore_mem>>
      %dma_start3A = arith.constant 0 : i32
      %dma_start3A_51 = tpu.memref_slice %arg4[%select_n3A, %dma_start3A] : memref<2624x128xi32, #tpu.memory_space<hbm>> -> memref<112x128xi32, #tpu.memory_space<hbm>>
      %dma_start3A_52 = arith.constant 0 : i32
      %dma_start3A_53 = tpu.memref_slice %arg4[%select_n3A, %dma_start3A_52] : memref<2624x128xi32, #tpu.memory_space<hbm>> -> memref<112x128xi32, #tpu.memory_space<hbm>>
      tpu.enqueue_dma source(%dma_start3A_53 : memref<112x128xi32, #tpu.memory_space<hbm>>) target(%arg7 : memref<112x128xi32, #tpu.memory_space<vmem>>) target_semaphore(%run_scoped3A : memref<!tpu.dma_semaphore, #tpu.memory_space<semaphore_mem>>)
      %dma_wait3A = arith.constant 0 : i32
      %dma_wait3A_54 = tpu.memref_slice %arg4[%select_n3A, %dma_wait3A] : memref<2624x128xi32, #tpu.memory_space<hbm>> -> memref<112x128xi32, #tpu.memory_space<hbm>>
      %dma_wait3A_55 = arith.constant 0 : i32
      %dma_wait3A_56 = tpu.memref_slice %arg4[%select_n3A, %dma_wait3A_55] : memref<2624x128xi32, #tpu.memory_space<hbm>> -> memref<112x128xi32, #tpu.memory_space<hbm>>
      tpu.wait_dma2 semaphore(%run_scoped3A : memref<!tpu.dma_semaphore, #tpu.memory_space<semaphore_mem>>) src(%dma_wait3A_56 : memref<112x128xi32, #tpu.memory_space<hbm>>) dst(%arg7 : memref<112x128xi32, #tpu.memory_space<vmem>>)
      tpu.yield
    }) : () -> ()
    %scan3A = arith.constant 0 : i32
    %scan3A_9 = arith.constant 0 : i32
    %scan3A_10 = arith.constant 128 : i32
    %scan3A_11 = arith.addi %scan3A_9, %scan3A_10 : i32
    %scan3A_12 = arith.constant 1 : i32
    %scan3A_13 = scf.for %scan3A_51 = %scan3A_9 to %scan3A_11 step %scan3A_12 iter_args(%scan3A_52 = %scan3A) -> (i32)  : i32 {
      %broadcast_in_dim3A = arith.constant 0.000000e+00 : f32
      %broadcast_in_dim3A_53 = vector.broadcast %broadcast_in_dim3A : f32 to vector<16xf32>
      %swap3A = arith.index_cast %scan3A_51 : i32 to index
      %swap3A_54 = arith.constant 0 : index
      %swap3A_55 = tpu.vector_load %arg8[%swap3A, %swap3A_54] {strides = array<i32>} : memref<128x128xf32, #tpu.memory_space<vmem>>, vector<1x16xf32>,
      %swap3A_56 = vector.shape_cast %swap3A_55 : vector<1x16xf32> to vector<16xf32>
      %swap3A_57 = vector.shape_cast %broadcast_in_dim3A_53 : vector<16xf32> to vector<1x16xf32>
      tpu.vector_store %arg8[%swap3A, %swap3A_54], %swap3A_57 {strides = array<i32>} : memref<128x128xf32, #tpu.memory_space<vmem>>, vector<1x16xf32>,
      %broadcast_in_dim3A_58 = arith.constant 0.000000e+00 : f32
      %broadcast_in_dim3A_59 = vector.broadcast %broadcast_in_dim3A_58 : f32 to vector<16xf32>
      %swap3A_60 = arith.index_cast %scan3A_51 : i32 to index
      %swap3A_61 = arith.constant 16 : index
      %swap3A_62 = tpu.vector_load %arg8[%swap3A_60, %swap3A_61] {strides = array<i32>} : memref<128x128xf32, #tpu.memory_space<vmem>>, vector<1x16xf32>,
      %swap3A_63 = vector.shape_cast %swap3A_62 : vector<1x16xf32> to vector<16xf32>
      %swap3A_64 = vector.shape_cast %broadcast_in_dim3A_59 : vector<16xf32> to vector<1x16xf32>
      tpu.vector_store %arg8[%swap3A_60, %swap3A_61], %swap3A_64 {strides = array<i32>} : memref<128x128xf32, #tpu.memory_space<vmem>>, vector<1x16xf32>,
      %broadcast_in_dim3A_65 = arith.constant 0.000000e+00 : f32
      %broadcast_in_dim3A_66 = vector.broadcast %broadcast_in_dim3A_65 : f32 to vector<16xf32>
      %swap3A_67 = arith.index_cast %scan3A_51 : i32 to index
      %swap3A_68 = arith.constant 32 : index
      %swap3A_69 = tpu.vector_load %arg8[%swap3A_67, %swap3A_68] {strides = array<i32>} : memref<128x128xf32, #tpu.memory_space<vmem>>, vector<1x16xf32>,
      %swap3A_70 = vector.shape_cast %swap3A_69 : vector<1x16xf32> to vector<16xf32>
      %swap3A_71 = vector.shape_cast %broadcast_in_dim3A_66 : vector<16xf32> to vector<1x16xf32>
      tpu.vector_store %arg8[%swap3A_67, %swap3A_68], %swap3A_71 {strides = array<i32>} : memref<128x128xf32, #tpu.memory_space<vmem>>, vector<1x16xf32>,
      %broadcast_in_dim3A_72 = arith.constant 0.000000e+00 : f32
      %broadcast_in_dim3A_73 = vector.broadcast %broadcast_in_dim3A_72 : f32 to vector<16xf32>
      %swap3A_74 = arith.index_cast %scan3A_51 : i32 to index
      %swap3A_75 = arith.constant 48 : index
      %swap3A_76 = tpu.vector_load %arg8[%swap3A_74, %swap3A_75] {strides = array<i32>} : memref<128x128xf32, #tpu.memory_space<vmem>>, vector<1x16xf32>,
      %swap3A_77 = vector.shape_cast %swap3A_76 : vector<1x16xf32> to vector<16xf32>
      %swap3A_78 = vector.shape_cast %broadcast_in_dim3A_73 : vector<16xf32> to vector<1x16xf32>
      tpu.vector_store %arg8[%swap3A_74, %swap3A_75], %swap3A_78 {strides = array<i32>} : memref<128x128xf32, #tpu.memory_space<vmem>>, vector<1x16xf32>,
      %broadcast_in_dim3A_79 = arith.constant 0.000000e+00 : f32
      %broadcast_in_dim3A_80 = vector.broadcast %broadcast_in_dim3A_79 : f32 to vector<16xf32>
      %swap3A_81 = arith.index_cast %scan3A_51 : i32 to index
      %swap3A_82 = arith.constant 64 : index
      %swap3A_83 = tpu.vector_load %arg8[%swap3A_81, %swap3A_82] {strides = array<i32>} : memref<128x128xf32, #tpu.memory_space<vmem>>, vector<1x16xf32>,
      %swap3A_84 = vector.shape_cast %swap3A_83 : vector<1x16xf32> to vector<16xf32>
      %swap3A_85 = vector.shape_cast %broadcast_in_dim3A_80 : vector<16xf32> to vector<1x16xf32>
      tpu.vector_store %arg8[%swap3A_81, %swap3A_82], %swap3A_85 {strides = array<i32>} : memref<128x128xf32, #tpu.memory_space<vmem>>, vector<1x16xf32>,
      %broadcast_in_dim3A_86 = arith.constant 0.000000e+00 : f32
      %broadcast_in_dim3A_87 = vector.broadcast %broadcast_in_dim3A_86 : f32 to vector<16xf32>
      %swap3A_88 = arith.index_cast %scan3A_51 : i32 to index
      %swap3A_89 = arith.constant 80 : index
      %swap3A_90 = tpu.vector_load %arg8[%swap3A_88, %swap3A_89] {strides = array<i32>} : memref<128x128xf32, #tpu.memory_space<vmem>>, vector<1x16xf32>,
      %swap3A_91 = vector.shape_cast %swap3A_90 : vector<1x16xf32> to vector<16xf32>
      %swap3A_92 = vector.shape_cast %broadcast_in_dim3A_87 : vector<16xf32> to vector<1x16xf32>
      tpu.vector_store %arg8[%swap3A_88, %swap3A_89], %swap3A_92 {strides = array<i32>} : memref<128x128xf32, #tpu.memory_space<vmem>>, vector<1x16xf32>,
      %broadcast_in_dim3A_93 = arith.constant 0.000000e+00 : f32
      %broadcast_in_dim3A_94 = vector.broadcast %broadcast_in_dim3A_93 : f32 to vector<16xf32>
      %swap3A_95 = arith.index_cast %scan3A_51 : i32 to index
      %swap3A_96 = arith.constant 96 : index
      %swap3A_97 = tpu.vector_load %arg8[%swap3A_95, %swap3A_96] {strides = array<i32>} : memref<128x128xf32, #tpu.memory_space<vmem>>, vector<1x16xf32>,
      %swap3A_98 = vector.shape_cast %swap3A_97 : vector<1x16xf32> to vector<16xf32>
      %swap3A_99 = vector.shape_cast %broadcast_in_dim3A_94 : vector<16xf32> to vector<1x16xf32>
      tpu.vector_store %arg8[%swap3A_95, %swap3A_96], %swap3A_99 {strides = array<i32>} : memref<128x128xf32, #tpu.memory_space<vmem>>, vector<1x16xf32>,
      %broadcast_in_dim3A_100 = arith.constant 0.000000e+00 : f32
      %broadcast_in_dim3A_101 = vector.broadcast %broadcast_in_dim3A_100 : f32 to vector<16xf32>
      %swap3A_102 = arith.index_cast %scan3A_51 : i32 to index
      %swap3A_103 = arith.constant 112 : index
      %swap3A_104 = tpu.vector_load %arg8[%swap3A_102, %swap3A_103] {strides = array<i32>} : memref<128x128xf32, #tpu.memory_space<vmem>>, vector<1x16xf32>,
      %swap3A_105 = vector.shape_cast %swap3A_104 : vector<1x16xf32> to vector<16xf32>
      %swap3A_106 = vector.shape_cast %broadcast_in_dim3A_101 : vector<16xf32> to vector<1x16xf32>
      tpu.vector_store %arg8[%swap3A_102, %swap3A_103], %swap3A_106 {strides = array<i32>} : memref<128x128xf32, #tpu.memory_space<vmem>>, vector<1x16xf32>,
      %scan3A_107 = arith.constant 0 : i32
      scf.yield %scan3A_107 : i32
    }
    %scan3A_14 = arith.constant 128 : i32
    %mul3A_15 = arith.constant 640 : i32
    %mul3A_16 = arith.muli %arg1, %mul3A_15 : i32
    %add3A_17 = arith.constant 0 : i32
    %add3A_18 = arith.addi %mul3A_16, %add3A_17 : i32
    "tpu.region"() ({
      %run_scoped3A = tpu.sem_alloc : memref<!tpu.dma_semaphore, #tpu.memory_space<semaphore_mem>>
      %dma_start3A = arith.constant 0 : i32
      %dma_start3A_51 = tpu.memref_slice %arg9[%add3A_18, %dma_start3A] : memref<10240x128xf32, #tpu.memory_space<vmem_shared>> -> memref<128x128xf32, #tpu.memory_space<vmem_shared>>
      %dma_start3A_52 = arith.constant 0 : i32
      %dma_start3A_53 = tpu.memref_slice %arg9[%add3A_18, %dma_start3A_52] : memref<10240x128xf32, #tpu.memory_space<vmem_shared>> -> memref<128x128xf32, #tpu.memory_space<vmem_shared>>
      tpu.enqueue_dma source(%arg8 : memref<128x128xf32, #tpu.memory_space<vmem>>) target(%dma_start3A_53 : memref<128x128xf32, #tpu.memory_space<vmem_shared>>) target_semaphore(%run_scoped3A : memref<!tpu.dma_semaphore, #tpu.memory_space<semaphore_mem>>)
      %dma_wait3A = arith.constant 0 : i32
      %dma_wait3A_54 = tpu.memref_slice %arg9[%add3A_18, %dma_wait3A] : memref<10240x128xf32, #tpu.memory_space<vmem_shared>> -> memref<128x128xf32, #tpu.memory_space<vmem_shared>>
      %dma_wait3A_55 = arith.constant 0 : i32
      %dma_wait3A_56 = tpu.memref_slice %arg9[%add3A_18, %dma_wait3A_55] : memref<10240x128xf32, #tpu.memory_space<vmem_shared>> -> memref<128x128xf32, #tpu.memory_space<vmem_shared>>
      tpu.wait_dma2 semaphore(%run_scoped3A : memref<!tpu.dma_semaphore, #tpu.memory_space<semaphore_mem>>) src(%arg8 : memref<128x128xf32, #tpu.memory_space<vmem>>) dst(%dma_wait3A_56 : memref<128x128xf32, #tpu.memory_space<vmem_shared>>)
      tpu.yield
    }) : () -> ()
    %mul3A_19 = arith.constant 640 : i32
    %mul3A_20 = arith.muli %arg1, %mul3A_19 : i32
    %add3A_21 = arith.constant 128 : i32
    %add3A_22 = arith.addi %mul3A_20, %add3A_21 : i32
    "tpu.region"() ({
      %run_scoped3A = tpu.sem_alloc : memref<!tpu.dma_semaphore, #tpu.memory_space<semaphore_mem>>
      %dma_start3A = arith.constant 0 : i32
      %dma_start3A_51 = tpu.memref_slice %arg9[%add3A_22, %dma_start3A] : memref<10240x128xf32, #tpu.memory_space<vmem_shared>> -> memref<128x128xf32, #tpu.memory_space<vmem_shared>>
      %dma_start3A_52 = arith.constant 0 : i32
      %dma_start3A_53 = tpu.memref_slice %arg9[%add3A_22, %dma_start3A_52] : memref<10240x128xf32, #tpu.memory_space<vmem_shared>> -> memref<128x128xf32, #tpu.memory_space<vmem_shared>>
      tpu.enqueue_dma source(%arg8 : memref<128x128xf32, #tpu.memory_space<vmem>>) target(%dma_start3A_53 : memref<128x128xf32, #tpu.memory_space<vmem_shared>>) target_semaphore(%run_scoped3A : memref<!tpu.dma_semaphore, #tpu.memory_space<semaphore_mem>>)
      %dma_wait3A = arith.constant 0 : i32
      %dma_wait3A_54 = tpu.memref_slice %arg9[%add3A_22, %dma_wait3A] : memref<10240x128xf32, #tpu.memory_space<vmem_shared>> -> memref<128x128xf32, #tpu.memory_space<vmem_shared>>
      %dma_wait3A_55 = arith.constant 0 : i32
      %dma_wait3A_56 = tpu.memref_slice %arg9[%add3A_22, %dma_wait3A_55] : memref<10240x128xf32, #tpu.memory_space<vmem_shared>> -> memref<128x128xf32, #tpu.memory_space<vmem_shared>>
      tpu.wait_dma2 semaphore(%run_scoped3A : memref<!tpu.dma_semaphore, #tpu.memory_space<semaphore_mem>>) src(%arg8 : memref<128x128xf32, #tpu.memory_space<vmem>>) dst(%dma_wait3A_56 : memref<128x128xf32, #tpu.memory_space<vmem_shared>>)
      tpu.yield
    }) : () -> ()
    %mul3A_23 = arith.constant 640 : i32
    %mul3A_24 = arith.muli %arg1, %mul3A_23 : i32
    %add3A_25 = arith.constant 256 : i32
    %add3A_26 = arith.addi %mul3A_24, %add3A_25 : i32
    "tpu.region"() ({
      %run_scoped3A = tpu.sem_alloc : memref<!tpu.dma_semaphore, #tpu.memory_space<semaphore_mem>>
      %dma_start3A = arith.constant 0 : i32
      %dma_start3A_51 = tpu.memref_slice %arg9[%add3A_26, %dma_start3A] : memref<10240x128xf32, #tpu.memory_space<vmem_shared>> -> memref<128x128xf32, #tpu.memory_space<vmem_shared>>
      %dma_start3A_52 = arith.constant 0 : i32
      %dma_start3A_53 = tpu.memref_slice %arg9[%add3A_26, %dma_start3A_52] : memref<10240x128xf32, #tpu.memory_space<vmem_shared>> -> memref<128x128xf32, #tpu.memory_space<vmem_shared>>
      tpu.enqueue_dma source(%arg8 : memref<128x128xf32, #tpu.memory_space<vmem>>) target(%dma_start3A_53 : memref<128x128xf32, #tpu.memory_space<vmem_shared>>) target_semaphore(%run_scoped3A : memref<!tpu.dma_semaphore, #tpu.memory_space<semaphore_mem>>)
      %dma_wait3A = arith.constant 0 : i32
      %dma_wait3A_54 = tpu.memref_slice %arg9[%add3A_26, %dma_wait3A] : memref<10240x128xf32, #tpu.memory_space<vmem_shared>> -> memref<128x128xf32, #tpu.memory_space<vmem_shared>>
      %dma_wait3A_55 = arith.constant 0 : i32
      %dma_wait3A_56 = tpu.memref_slice %arg9[%add3A_26, %dma_wait3A_55] : memref<10240x128xf32, #tpu.memory_space<vmem_shared>> -> memref<128x128xf32, #tpu.memory_space<vmem_shared>>
      tpu.wait_dma2 semaphore(%run_scoped3A : memref<!tpu.dma_semaphore, #tpu.memory_space<semaphore_mem>>) src(%arg8 : memref<128x128xf32, #tpu.memory_space<vmem>>) dst(%dma_wait3A_56 : memref<128x128xf32, #tpu.memory_space<vmem_shared>>)
      tpu.yield
    }) : () -> ()
    %mul3A_27 = arith.constant 640 : i32
    %mul3A_28 = arith.muli %arg1, %mul3A_27 : i32
    %add3A_29 = arith.constant 384 : i32
    %add3A_30 = arith.addi %mul3A_28, %add3A_29 : i32
    "tpu.region"() ({
      %run_scoped3A = tpu.sem_alloc : memref<!tpu.dma_semaphore, #tpu.memory_space<semaphore_mem>>
      %dma_start3A = arith.constant 0 : i32
      %dma_start3A_51 = tpu.memref_slice %arg9[%add3A_30, %dma_start3A] : memref<10240x128xf32, #tpu.memory_space<vmem_shared>> -> memref<128x128xf32, #tpu.memory_space<vmem_shared>>
      %dma_start3A_52 = arith.constant 0 : i32
      %dma_start3A_53 = tpu.memref_slice %arg9[%add3A_30, %dma_start3A_52] : memref<10240x128xf32, #tpu.memory_space<vmem_shared>> -> memref<128x128xf32, #tpu.memory_space<vmem_shared>>
      tpu.enqueue_dma source(%arg8 : memref<128x128xf32, #tpu.memory_space<vmem>>) target(%dma_start3A_53 : memref<128x128xf32, #tpu.memory_space<vmem_shared>>) target_semaphore(%run_scoped3A : memref<!tpu.dma_semaphore, #tpu.memory_space<semaphore_mem>>)
      %dma_wait3A = arith.constant 0 : i32
      %dma_wait3A_54 = tpu.memref_slice %arg9[%add3A_30, %dma_wait3A] : memref<10240x128xf32, #tpu.memory_space<vmem_shared>> -> memref<128x128xf32, #tpu.memory_space<vmem_shared>>
      %dma_wait3A_55 = arith.constant 0 : i32
      %dma_wait3A_56 = tpu.memref_slice %arg9[%add3A_30, %dma_wait3A_55] : memref<10240x128xf32, #tpu.memory_space<vmem_shared>> -> memref<128x128xf32, #tpu.memory_space<vmem_shared>>
      tpu.wait_dma2 semaphore(%run_scoped3A : memref<!tpu.dma_semaphore, #tpu.memory_space<semaphore_mem>>) src(%arg8 : memref<128x128xf32, #tpu.memory_space<vmem>>) dst(%dma_wait3A_56 : memref<128x128xf32, #tpu.memory_space<vmem_shared>>)
      tpu.yield
    }) : () -> ()
    %mul3A_31 = arith.constant 640 : i32
    %mul3A_32 = arith.muli %arg1, %mul3A_31 : i32
    %add3A_33 = arith.constant 512 : i32
    %add3A_34 = arith.addi %mul3A_32, %add3A_33 : i32
    "tpu.region"() ({
      %run_scoped3A = tpu.sem_alloc : memref<!tpu.dma_semaphore, #tpu.memory_space<semaphore_mem>>
      %dma_start3A = arith.constant 0 : i32
      %dma_start3A_51 = tpu.memref_slice %arg9[%add3A_34, %dma_start3A] : memref<10240x128xf32, #tpu.memory_space<vmem_shared>> -> memref<128x128xf32, #tpu.memory_space<vmem_shared>>
      %dma_start3A_52 = arith.constant 0 : i32
      %dma_start3A_53 = tpu.memref_slice %arg9[%add3A_34, %dma_start3A_52] : memref<10240x128xf32, #tpu.memory_space<vmem_shared>> -> memref<128x128xf32, #tpu.memory_space<vmem_shared>>
      tpu.enqueue_dma source(%arg8 : memref<128x128xf32, #tpu.memory_space<vmem>>) target(%dma_start3A_53 : memref<128x128xf32, #tpu.memory_space<vmem_shared>>) target_semaphore(%run_scoped3A : memref<!tpu.dma_semaphore, #tpu.memory_space<semaphore_mem>>)
      %dma_wait3A = arith.constant 0 : i32
      %dma_wait3A_54 = tpu.memref_slice %arg9[%add3A_34, %dma_wait3A] : memref<10240x128xf32, #tpu.memory_space<vmem_shared>> -> memref<128x128xf32, #tpu.memory_space<vmem_shared>>
      %dma_wait3A_55 = arith.constant 0 : i32
      %dma_wait3A_56 = tpu.memref_slice %arg9[%add3A_34, %dma_wait3A_55] : memref<10240x128xf32, #tpu.memory_space<vmem_shared>> -> memref<128x128xf32, #tpu.memory_space<vmem_shared>>
      tpu.wait_dma2 semaphore(%run_scoped3A : memref<!tpu.dma_semaphore, #tpu.memory_space<semaphore_mem>>) src(%arg8 : memref<128x128xf32, #tpu.memory_space<vmem>>) dst(%dma_wait3A_56 : memref<128x128xf32, #tpu.memory_space<vmem_shared>>)
      tpu.yield
    }) : () -> ()
    %barrier3A = arith.constant 0 : index
    tpu.barrier barrier_id(%barrier3A)
    %while3A = arith.constant 0 : i32
    %while3A_35 = arith.constant 0 : i32
    %while3A_36 = arith.subi %select_n3A_8, %while3A : i32
    %while3A_37 = arith.addi %while3A, %while3A_36 : i32
    %while3A_38 = arith.constant 1 : i32
    %while3A_39 = arith.divsi %while3A_36, %while3A_38 : i32
    %while3A_40 = arith.muli %while3A_39, %while3A_38 : i32
    %while3A_41 = arith.addi %while3A, %while3A_40 : i32
    %while3A_42 = arith.constant 1 : i32
    %while3A_43 = scf.for %while3A_51 = %while3A to %while3A_41 step %while3A_42 iter_args(%while3A_52 = %while3A_35) -> (i32)  : i32 {
      %dma_start3A = arith.constant 0 : i32
      %dma_start3A_53 = tpu.memref_slice %arg6[%while3A_51, %dma_start3A] : memref<112x128xi32, #tpu.memory_space<vmem>> -> memref<1x128xi32, #tpu.memory_space<vmem>>
      %dma_start3A_54 = tpu.memref_squeeze %dma_start3A_53 : memref<1x128xi32, #tpu.memory_space<vmem>> -> memref<128xi32, #tpu.memory_space<vmem>>
      %dma_start3A_55 = arith.constant 0 : i32
      %dma_start3A_56 = arith.constant 0 : i32
      %dma_start3A_57 = tpu.memref_slice %arg2[%dma_start3A_55, %dma_start3A_56] : memref<10240x128xf32, #tpu.memory_space<hbm>> -> memref<10240x128xf32, #tpu.memory_space<hbm>>
      tpu.enqueue_indirect_dma source(%dma_start3A_57 : memref<10240x128xf32, #tpu.memory_space<hbm>>) target(%arg8 : memref<128x128xf32, #tpu.memory_space<vmem>>) offsets(%dma_start3A_54 : memref<128xi32, #tpu.memory_space<vmem>>) semaphore(%arg10 : memref<!tpu.dma_semaphore, #tpu.memory_space<semaphore_mem>>)
      %dma_wait3A = arith.constant 0 : i32
      %dma_wait3A_58 = tpu.memref_slice %arg6[%while3A_51, %dma_wait3A] : memref<112x128xi32, #tpu.memory_space<vmem>> -> memref<1x128xi32, #tpu.memory_space<vmem>>
      %dma_wait3A_59 = tpu.memref_squeeze %dma_wait3A_58 : memref<1x128xi32, #tpu.memory_space<vmem>> -> memref<128xi32, #tpu.memory_space<vmem>>
      %dma_wait3A_60 = arith.constant 0 : i32
      %dma_wait3A_61 = arith.constant 0 : i32
      %dma_wait3A_62 = tpu.memref_slice %arg2[%dma_wait3A_60, %dma_wait3A_61] : memref<10240x128xf32, #tpu.memory_space<hbm>> -> memref<10240x128xf32, #tpu.memory_space<hbm>>
      tpu.wait_indirect_dma semaphore(%arg10 : memref<!tpu.dma_semaphore, #tpu.memory_space<semaphore_mem>>) src(%dma_wait3A_62 : memref<10240x128xf32, #tpu.memory_space<hbm>>) dst(%arg8 : memref<128x128xf32, #tpu.memory_space<vmem>>)
      "tpu.region"() ({
        %run_scoped3A = tpu.sem_alloc : memref<!tpu.dma_semaphore, #tpu.memory_space<semaphore_mem>>
        %dma_start3A_64 = arith.constant 0 : i32
        %dma_start3A_65 = tpu.memref_slice %arg7[%while3A_51, %dma_start3A_64] : memref<112x128xi32, #tpu.memory_space<vmem>> -> memref<1x128xi32, #tpu.memory_space<vmem>>
        %dma_start3A_66 = tpu.memref_squeeze %dma_start3A_65 : memref<1x128xi32, #tpu.memory_space<vmem>> -> memref<128xi32, #tpu.memory_space<vmem>>
        %dma_start3A_67 = arith.constant 0 : i32
        %dma_start3A_68 = arith.constant 0 : i32
        %dma_start3A_69 = tpu.memref_slice %arg9[%dma_start3A_67, %dma_start3A_68] : memref<10240x128xf32, #tpu.memory_space<vmem_shared>> -> memref<10240x128xf32, #tpu.memory_space<vmem_shared>>
        tpu.enqueue_indirect_dma source(%arg8 : memref<128x128xf32, #tpu.memory_space<vmem>>) target(%dma_start3A_69 : memref<10240x128xf32, #tpu.memory_space<vmem_shared>>) offsets(%dma_start3A_66 : memref<128xi32, #tpu.memory_space<vmem>>) semaphore(%run_scoped3A : memref<!tpu.dma_semaphore, #tpu.memory_space<semaphore_mem>>) {add = true}
        %dma_wait3A_70 = arith.constant 0 : i32
        %dma_wait3A_71 = tpu.memref_slice %arg7[%while3A_51, %dma_wait3A_70] : memref<112x128xi32, #tpu.memory_space<vmem>> -> memref<1x128xi32, #tpu.memory_space<vmem>>
        %dma_wait3A_72 = tpu.memref_squeeze %dma_wait3A_71 : memref<1x128xi32, #tpu.memory_space<vmem>> -> memref<128xi32, #tpu.memory_space<vmem>>
        %dma_wait3A_73 = arith.constant 0 : i32
        %dma_wait3A_74 = arith.constant 0 : i32
        %dma_wait3A_75 = tpu.memref_slice %arg9[%dma_wait3A_73, %dma_wait3A_74] : memref<10240x128xf32, #tpu.memory_space<vmem_shared>> -> memref<10240x128xf32, #tpu.memory_space<vmem_shared>>
        tpu.wait_indirect_dma semaphore(%run_scoped3A : memref<!tpu.dma_semaphore, #tpu.memory_space<semaphore_mem>>) src(%arg8 : memref<128x128xf32, #tpu.memory_space<vmem>>) dst(%dma_wait3A_75 : memref<10240x128xf32, #tpu.memory_space<vmem_shared>>)
        tpu.yield
      }) : () -> ()
      %while3A_63 = arith.constant 0 : i32
      scf.yield %while3A_63 : i32
    }
    %while3A_44 = arith.constant 1 : i32
    %while3A_45 = scf.for %while3A_51 = %while3A_41 to %while3A_37 step %while3A_44 iter_args(%while3A_52 = %while3A_43) -> (i32)  : i32 {
      %dma_start3A = arith.constant 0 : i32
      %dma_start3A_53 = tpu.memref_slice %arg6[%while3A_51, %dma_start3A] : memref<112x128xi32, #tpu.memory_space<vmem>> -> memref<1x128xi32, #tpu.memory_space<vmem>>
      %dma_start3A_54 = tpu.memref_squeeze %dma_start3A_53 : memref<1x128xi32, #tpu.memory_space<vmem>> -> memref<128xi32, #tpu.memory_space<vmem>>
      %dma_start3A_55 = arith.constant 0 : i32
      %dma_start3A_56 = arith.constant 0 : i32
      %dma_start3A_57 = tpu.memref_slice %arg2[%dma_start3A_55, %dma_start3A_56] : memref<10240x128xf32, #tpu.memory_space<hbm>> -> memref<10240x128xf32, #tpu.memory_space<hbm>>
      tpu.enqueue_indirect_dma source(%dma_start3A_57 : memref<10240x128xf32, #tpu.memory_space<hbm>>) target(%arg8 : memref<128x128xf32, #tpu.memory_space<vmem>>) offsets(%dma_start3A_54 : memref<128xi32, #tpu.memory_space<vmem>>) semaphore(%arg10 : memref<!tpu.dma_semaphore, #tpu.memory_space<semaphore_mem>>)
      %dma_wait3A = arith.constant 0 : i32
      %dma_wait3A_58 = tpu.memref_slice %arg6[%while3A_51, %dma_wait3A] : memref<112x128xi32, #tpu.memory_space<vmem>> -> memref<1x128xi32, #tpu.memory_space<vmem>>
      %dma_wait3A_59 = tpu.memref_squeeze %dma_wait3A_58 : memref<1x128xi32, #tpu.memory_space<vmem>> -> memref<128xi32, #tpu.memory_space<vmem>>
      %dma_wait3A_60 = arith.constant 0 : i32
      %dma_wait3A_61 = arith.constant 0 : i32
      %dma_wait3A_62 = tpu.memref_slice %arg2[%dma_wait3A_60, %dma_wait3A_61] : memref<10240x128xf32, #tpu.memory_space<hbm>> -> memref<10240x128xf32, #tpu.memory_space<hbm>>
      tpu.wait_indirect_dma semaphore(%arg10 : memref<!tpu.dma_semaphore, #tpu.memory_space<semaphore_mem>>) src(%dma_wait3A_62 : memref<10240x128xf32, #tpu.memory_space<hbm>>) dst(%arg8 : memref<128x128xf32, #tpu.memory_space<vmem>>)
      "tpu.region"() ({
        %run_scoped3A = tpu.sem_alloc : memref<!tpu.dma_semaphore, #tpu.memory_space<semaphore_mem>>
        %dma_start3A_64 = arith.constant 0 : i32
        %dma_start3A_65 = tpu.memref_slice %arg7[%while3A_51, %dma_start3A_64] : memref<112x128xi32, #tpu.memory_space<vmem>> -> memref<1x128xi32, #tpu.memory_space<vmem>>
        %dma_start3A_66 = tpu.memref_squeeze %dma_start3A_65 : memref<1x128xi32, #tpu.memory_space<vmem>> -> memref<128xi32, #tpu.memory_space<vmem>>
        %dma_start3A_67 = arith.constant 0 : i32
        %dma_start3A_68 = arith.constant 0 : i32
        %dma_start3A_69 = tpu.memref_slice %arg9[%dma_start3A_67, %dma_start3A_68] : memref<10240x128xf32, #tpu.memory_space<vmem_shared>> -> memref<10240x128xf32, #tpu.memory_space<vmem_shared>>
        tpu.enqueue_indirect_dma source(%arg8 : memref<128x128xf32, #tpu.memory_space<vmem>>) target(%dma_start3A_69 : memref<10240x128xf32, #tpu.memory_space<vmem_shared>>) offsets(%dma_start3A_66 : memref<128xi32, #tpu.memory_space<vmem>>) semaphore(%run_scoped3A : memref<!tpu.dma_semaphore, #tpu.memory_space<semaphore_mem>>) {add = true}
        %dma_wait3A_70 = arith.constant 0 : i32
        %dma_wait3A_71 = tpu.memref_slice %arg7[%while3A_51, %dma_wait3A_70] : memref<112x128xi32, #tpu.memory_space<vmem>> -> memref<1x128xi32, #tpu.memory_space<vmem>>
        %dma_wait3A_72 = tpu.memref_squeeze %dma_wait3A_71 : memref<1x128xi32, #tpu.memory_space<vmem>> -> memref<128xi32, #tpu.memory_space<vmem>>
        %dma_wait3A_73 = arith.constant 0 : i32
        %dma_wait3A_74 = arith.constant 0 : i32
        %dma_wait3A_75 = tpu.memref_slice %arg9[%dma_wait3A_73, %dma_wait3A_74] : memref<10240x128xf32, #tpu.memory_space<vmem_shared>> -> memref<10240x128xf32, #tpu.memory_space<vmem_shared>>
        tpu.wait_indirect_dma semaphore(%run_scoped3A : memref<!tpu.dma_semaphore, #tpu.memory_space<semaphore_mem>>) src(%arg8 : memref<128x128xf32, #tpu.memory_space<vmem>>) dst(%dma_wait3A_75 : memref<10240x128xf32, #tpu.memory_space<vmem_shared>>)
        tpu.yield
      }) : () -> ()
      %while3A_63 = arith.constant 0 : i32
      scf.yield %while3A_63 : i32
    }
    %barrier3A_46 = arith.constant 0 : index
    tpu.barrier barrier_id(%barrier3A_46)
    %mul3A_47 = arith.constant 640 : i32
    %mul3A_48 = arith.muli %arg1, %mul3A_47 : i32
    %mul3A_49 = arith.constant 640 : i32
    %mul3A_50 = arith.muli %arg1, %mul3A_49 : i32
    "tpu.region"() ({
      %run_scoped3A = tpu.sem_alloc : memref<!tpu.dma_semaphore, #tpu.memory_space<semaphore_mem>>
      %dma_start3A = arith.constant 0 : i32
      %dma_start3A_51 = tpu.memref_slice %arg5[%arg0, %mul3A_50, %dma_start3A] : memref<2x10240x128xf32, #tpu.memory_space<hbm>> -> memref<1x640x128xf32, #tpu.memory_space<hbm>>
      %dma_start3A_52 = tpu.memref_squeeze %dma_start3A_51 : memref<1x640x128xf32, #tpu.memory_space<hbm>> -> memref<640x128xf32, #tpu.memory_space<hbm>>
      %dma_start3A_53 = arith.constant 0 : i32
      %dma_start3A_54 = tpu.memref_slice %arg9[%mul3A_48, %dma_start3A_53] : memref<10240x128xf32, #tpu.memory_space<vmem_shared>> -> memref<640x128xf32, #tpu.memory_space<vmem_shared>>
      tpu.enqueue_dma source(%dma_start3A_54 : memref<640x128xf32, #tpu.memory_space<vmem_shared>>) target(%dma_start3A_52 : memref<640x128xf32, #tpu.memory_space<hbm>>) target_semaphore(%run_scoped3A : memref<!tpu.dma_semaphore, #tpu.memory_space<semaphore_mem>>)
      %dma_wait3A = arith.constant 0 : i32
      %dma_wait3A_55 = tpu.memref_slice %arg5[%arg0, %mul3A_50, %dma_wait3A] : memref<2x10240x128xf32, #tpu.memory_space<hbm>> -> memref<1x640x128xf32, #tpu.memory_space<hbm>>
      %dma_wait3A_56 = tpu.memref_squeeze %dma_wait3A_55 : memref<1x640x128xf32, #tpu.memory_space<hbm>> -> memref<640x128xf32, #tpu.memory_space<hbm>>
      %dma_wait3A_57 = arith.constant 0 : i32
      %dma_wait3A_58 = tpu.memref_slice %arg9[%mul3A_48, %dma_wait3A_57] : memref<10240x128xf32, #tpu.memory_space<vmem_shared>> -> memref<640x128xf32, #tpu.memory_space<vmem_shared>>
      tpu.wait_dma2 semaphore(%run_scoped3A : memref<!tpu.dma_semaphore, #tpu.memory_space<semaphore_mem>>) src(%dma_wait3A_58 : memref<640x128xf32, #tpu.memory_space<vmem_shared>>) dst(%dma_wait3A_56 : memref<640x128xf32, #tpu.memory_space<hbm>>)
      tpu.yield
    }) : () -> ()
    return
  }
}

#map = affine_map<(d0, d1) -> (0, 0)>
#map1 = affine_map<(d0, d1) -> (0, 0, 0)>
module attributes {stable_mosaic.version = 14 : i64} {
  func.func @k(%arg0: i32, %arg1: i32, %arg2: memref<10240x128xf32, #tpu.memory_space<hbm>>, %arg3: memref<2624x128xi32, #tpu.memory_space<hbm>>, %arg4: memref<2624x128xi32, #tpu.memory_space<hbm>>, %arg5: memref<2x10240x128xf32, #tpu.memory_space<hbm>>, %arg6: memref<112x128xi32, #tpu.memory_space<vmem>>, %arg7: memref<112x128xi32, #tpu.memory_space<vmem>>, %arg8: memref<128x128xf32, #tpu.memory_space<vmem>>, %arg9: memref<10240x128xf32, #tpu.memory_space<vmem_shared>>, %arg10: memref<!tpu.dma_semaphore, #tpu.memory_space<semaphore_mem>>) attributes {dimension_semantics = [#tpu.dimension_semantics<core_parallel>, #tpu.dimension_semantics<subcore_parallel>], iteration_bounds = array<i64: 2, 16>, scalar_prefetch = 0 : i64, scratch_operands = 5 : i64, tpu.core_type = #tpu.core_type<sc_vector_subcore>, window_params = [{transform_indices = #map}, {transform_indices = #map}, {transform_indices = #map}, {transform_indices = #map1}]} {
    %eq3A = arith.constant 0 : i32
    %eq3A_0 = arith.cmpi eq, %arg0, %eq3A : i32
    %mul3A = arith.constant 112 : i32
    %mul3A_1 = arith.muli %arg1, %mul3A : i32
    %mul3A_2 = arith.constant 48 : i32
    %mul3A_3 = arith.muli %arg1, %mul3A_2 : i32
    %add3A = arith.constant 1792 : i32
    %add3A_4 = arith.addi %add3A, %mul3A_3 : i32
    %select_n3A = arith.select %eq3A_0, %mul3A_1, %add3A_4 : i32
    %eq3A_5 = arith.constant 0 : i32
    %eq3A_6 = arith.cmpi eq, %arg0, %eq3A_5 : i32
    %jit3A = arith.constant 112 : i32
    %jit3A_7 = arith.constant 48 : i32
    %select_n3A_8 = arith.select %eq3A_6, %jit3A, %jit3A_7 : i32
    "tpu.region"() ({
      %run_scoped3A = tpu.sem_alloc : memref<!tpu.dma_semaphore, #tpu.memory_space<semaphore_mem>>
      %dma_start3A = arith.constant 0 : i32
      %dma_start3A_51 = tpu.memref_slice %arg3[%select_n3A, %dma_start3A] : memref<2624x128xi32, #tpu.memory_space<hbm>> -> memref<112x128xi32, #tpu.memory_space<hbm>>
      %dma_start3A_52 = arith.constant 0 : i32
      %dma_start3A_53 = tpu.memref_slice %arg3[%select_n3A, %dma_start3A_52] : memref<2624x128xi32, #tpu.memory_space<hbm>> -> memref<112x128xi32, #tpu.memory_space<hbm>>
      tpu.enqueue_dma source(%dma_start3A_53 : memref<112x128xi32, #tpu.memory_space<hbm>>) target(%arg6 : memref<112x128xi32, #tpu.memory_space<vmem>>) target_semaphore(%run_scoped3A : memref<!tpu.dma_semaphore, #tpu.memory_space<semaphore_mem>>)
      %dma_wait3A = arith.constant 0 : i32
      %dma_wait3A_54 = tpu.memref_slice %arg3[%select_n3A, %dma_wait3A] : memref<2624x128xi32, #tpu.memory_space<hbm>> -> memref<112x128xi32, #tpu.memory_space<hbm>>
      %dma_wait3A_55 = arith.constant 0 : i32
      %dma_wait3A_56 = tpu.memref_slice %arg3[%select_n3A, %dma_wait3A_55] : memref<2624x128xi32, #tpu.memory_space<hbm>> -> memref<112x128xi32, #tpu.memory_space<hbm>>
      tpu.wait_dma2 semaphore(%run_scoped3A : memref<!tpu.dma_semaphore, #tpu.memory_space<semaphore_mem>>) src(%dma_wait3A_56 : memref<112x128xi32, #tpu.memory_space<hbm>>) dst(%arg6 : memref<112x128xi32, #tpu.memory_space<vmem>>)
      tpu.yield
    }) : () -> ()
    "tpu.region"() ({
      %run_scoped3A = tpu.sem_alloc : memref<!tpu.dma_semaphore, #tpu.memory_space<semaphore_mem>>
      %dma_start3A = arith.constant 0 : i32
      %dma_start3A_51 = tpu.memref_slice %arg4[%select_n3A, %dma_start3A] : memref<2624x128xi32, #tpu.memory_space<hbm>> -> memref<112x128xi32, #tpu.memory_space<hbm>>
      %dma_start3A_52 = arith.constant 0 : i32
      %dma_start3A_53 = tpu.memref_slice %arg4[%select_n3A, %dma_start3A_52] : memref<2624x128xi32, #tpu.memory_space<hbm>> -> memref<112x128xi32, #tpu.memory_space<hbm>>
      tpu.enqueue_dma source(%dma_start3A_53 : memref<112x128xi32, #tpu.memory_space<hbm>>) target(%arg7 : memref<112x128xi32, #tpu.memory_space<vmem>>) target_semaphore(%run_scoped3A : memref<!tpu.dma_semaphore, #tpu.memory_space<semaphore_mem>>)
      %dma_wait3A = arith.constant 0 : i32
      %dma_wait3A_54 = tpu.memref_slice %arg4[%select_n3A, %dma_wait3A] : memref<2624x128xi32, #tpu.memory_space<hbm>> -> memref<112x128xi32, #tpu.memory_space<hbm>>
      %dma_wait3A_55 = arith.constant 0 : i32
      %dma_wait3A_56 = tpu.memref_slice %arg4[%select_n3A, %dma_wait3A_55] : memref<2624x128xi32, #tpu.memory_space<hbm>> -> memref<112x128xi32, #tpu.memory_space<hbm>>
      tpu.wait_dma2 semaphore(%run_scoped3A : memref<!tpu.dma_semaphore, #tpu.memory_space<semaphore_mem>>) src(%dma_wait3A_56 : memref<112x128xi32, #tpu.memory_space<hbm>>) dst(%arg7 : memref<112x128xi32, #tpu.memory_space<vmem>>)
      tpu.yield
    }) : () -> ()
    %scan3A = arith.constant 0 : i32
    %scan3A_9 = arith.constant 0 : i32
    %scan3A_10 = arith.constant 128 : i32
    %scan3A_11 = arith.addi %scan3A_9, %scan3A_10 : i32
    %scan3A_12 = arith.constant 1 : i32
    %scan3A_13 = scf.for %scan3A_51 = %scan3A_9 to %scan3A_11 step %scan3A_12 iter_args(%scan3A_52 = %scan3A) -> (i32)  : i32 {
      %broadcast_in_dim3A = arith.constant 0.000000e+00 : f32
      %broadcast_in_dim3A_53 = vector.broadcast %broadcast_in_dim3A : f32 to vector<16xf32>
      %swap3A = arith.index_cast %scan3A_51 : i32 to index
      %swap3A_54 = arith.constant 0 : index
      %swap3A_55 = tpu.vector_load %arg8[%swap3A, %swap3A_54] {strides = array<i32>} : memref<128x128xf32, #tpu.memory_space<vmem>>, vector<1x16xf32>,
      %swap3A_56 = vector.shape_cast %swap3A_55 : vector<1x16xf32> to vector<16xf32>
      %swap3A_57 = vector.shape_cast %broadcast_in_dim3A_53 : vector<16xf32> to vector<1x16xf32>
      tpu.vector_store %arg8[%swap3A, %swap3A_54], %swap3A_57 {strides = array<i32>} : memref<128x128xf32, #tpu.memory_space<vmem>>, vector<1x16xf32>,
      %broadcast_in_dim3A_58 = arith.constant 0.000000e+00 : f32
      %broadcast_in_dim3A_59 = vector.broadcast %broadcast_in_dim3A_58 : f32 to vector<16xf32>
      %swap3A_60 = arith.index_cast %scan3A_51 : i32 to index
      %swap3A_61 = arith.constant 16 : index
      %swap3A_62 = tpu.vector_load %arg8[%swap3A_60, %swap3A_61] {strides = array<i32>} : memref<128x128xf32, #tpu.memory_space<vmem>>, vector<1x16xf32>,
      %swap3A_63 = vector.shape_cast %swap3A_62 : vector<1x16xf32> to vector<16xf32>
      %swap3A_64 = vector.shape_cast %broadcast_in_dim3A_59 : vector<16xf32> to vector<1x16xf32>
      tpu.vector_store %arg8[%swap3A_60, %swap3A_61], %swap3A_64 {strides = array<i32>} : memref<128x128xf32, #tpu.memory_space<vmem>>, vector<1x16xf32>,
      %broadcast_in_dim3A_65 = arith.constant 0.000000e+00 : f32
      %broadcast_in_dim3A_66 = vector.broadcast %broadcast_in_dim3A_65 : f32 to vector<16xf32>
      %swap3A_67 = arith.index_cast %scan3A_51 : i32 to index
      %swap3A_68 = arith.constant 32 : index
      %swap3A_69 = tpu.vector_load %arg8[%swap3A_67, %swap3A_68] {strides = array<i32>} : memref<128x128xf32, #tpu.memory_space<vmem>>, vector<1x16xf32>,
      %swap3A_70 = vector.shape_cast %swap3A_69 : vector<1x16xf32> to vector<16xf32>
      %swap3A_71 = vector.shape_cast %broadcast_in_dim3A_66 : vector<16xf32> to vector<1x16xf32>
      tpu.vector_store %arg8[%swap3A_67, %swap3A_68], %swap3A_71 {strides = array<i32>} : memref<128x128xf32, #tpu.memory_space<vmem>>, vector<1x16xf32>,
      %broadcast_in_dim3A_72 = arith.constant 0.000000e+00 : f32
      %broadcast_in_dim3A_73 = vector.broadcast %broadcast_in_dim3A_72 : f32 to vector<16xf32>
      %swap3A_74 = arith.index_cast %scan3A_51 : i32 to index
      %swap3A_75 = arith.constant 48 : index
      %swap3A_76 = tpu.vector_load %arg8[%swap3A_74, %swap3A_75] {strides = array<i32>} : memref<128x128xf32, #tpu.memory_space<vmem>>, vector<1x16xf32>,
      %swap3A_77 = vector.shape_cast %swap3A_76 : vector<1x16xf32> to vector<16xf32>
      %swap3A_78 = vector.shape_cast %broadcast_in_dim3A_73 : vector<16xf32> to vector<1x16xf32>
      tpu.vector_store %arg8[%swap3A_74, %swap3A_75], %swap3A_78 {strides = array<i32>} : memref<128x128xf32, #tpu.memory_space<vmem>>, vector<1x16xf32>,
      %broadcast_in_dim3A_79 = arith.constant 0.000000e+00 : f32
      %broadcast_in_dim3A_80 = vector.broadcast %broadcast_in_dim3A_79 : f32 to vector<16xf32>
      %swap3A_81 = arith.index_cast %scan3A_51 : i32 to index
      %swap3A_82 = arith.constant 64 : index
      %swap3A_83 = tpu.vector_load %arg8[%swap3A_81, %swap3A_82] {strides = array<i32>} : memref<128x128xf32, #tpu.memory_space<vmem>>, vector<1x16xf32>,
      %swap3A_84 = vector.shape_cast %swap3A_83 : vector<1x16xf32> to vector<16xf32>
      %swap3A_85 = vector.shape_cast %broadcast_in_dim3A_80 : vector<16xf32> to vector<1x16xf32>
      tpu.vector_store %arg8[%swap3A_81, %swap3A_82], %swap3A_85 {strides = array<i32>} : memref<128x128xf32, #tpu.memory_space<vmem>>, vector<1x16xf32>,
      %broadcast_in_dim3A_86 = arith.constant 0.000000e+00 : f32
      %broadcast_in_dim3A_87 = vector.broadcast %broadcast_in_dim3A_86 : f32 to vector<16xf32>
      %swap3A_88 = arith.index_cast %scan3A_51 : i32 to index
      %swap3A_89 = arith.constant 80 : index
      %swap3A_90 = tpu.vector_load %arg8[%swap3A_88, %swap3A_89] {strides = array<i32>} : memref<128x128xf32, #tpu.memory_space<vmem>>, vector<1x16xf32>,
      %swap3A_91 = vector.shape_cast %swap3A_90 : vector<1x16xf32> to vector<16xf32>
      %swap3A_92 = vector.shape_cast %broadcast_in_dim3A_87 : vector<16xf32> to vector<1x16xf32>
      tpu.vector_store %arg8[%swap3A_88, %swap3A_89], %swap3A_92 {strides = array<i32>} : memref<128x128xf32, #tpu.memory_space<vmem>>, vector<1x16xf32>,
      %broadcast_in_dim3A_93 = arith.constant 0.000000e+00 : f32
      %broadcast_in_dim3A_94 = vector.broadcast %broadcast_in_dim3A_93 : f32 to vector<16xf32>
      %swap3A_95 = arith.index_cast %scan3A_51 : i32 to index
      %swap3A_96 = arith.constant 96 : index
      %swap3A_97 = tpu.vector_load %arg8[%swap3A_95, %swap3A_96] {strides = array<i32>} : memref<128x128xf32, #tpu.memory_space<vmem>>, vector<1x16xf32>,
      %swap3A_98 = vector.shape_cast %swap3A_97 : vector<1x16xf32> to vector<16xf32>
      %swap3A_99 = vector.shape_cast %broadcast_in_dim3A_94 : vector<16xf32> to vector<1x16xf32>
      tpu.vector_store %arg8[%swap3A_95, %swap3A_96], %swap3A_99 {strides = array<i32>} : memref<128x128xf32, #tpu.memory_space<vmem>>, vector<1x16xf32>,
      %broadcast_in_dim3A_100 = arith.constant 0.000000e+00 : f32
      %broadcast_in_dim3A_101 = vector.broadcast %broadcast_in_dim3A_100 : f32 to vector<16xf32>
      %swap3A_102 = arith.index_cast %scan3A_51 : i32 to index
      %swap3A_103 = arith.constant 112 : index
      %swap3A_104 = tpu.vector_load %arg8[%swap3A_102, %swap3A_103] {strides = array<i32>} : memref<128x128xf32, #tpu.memory_space<vmem>>, vector<1x16xf32>,
      %swap3A_105 = vector.shape_cast %swap3A_104 : vector<1x16xf32> to vector<16xf32>
      %swap3A_106 = vector.shape_cast %broadcast_in_dim3A_101 : vector<16xf32> to vector<1x16xf32>
      tpu.vector_store %arg8[%swap3A_102, %swap3A_103], %swap3A_106 {strides = array<i32>} : memref<128x128xf32, #tpu.memory_space<vmem>>, vector<1x16xf32>,
      %scan3A_107 = arith.constant 0 : i32
      scf.yield %scan3A_107 : i32
    }
    %scan3A_14 = arith.constant 128 : i32
    %mul3A_15 = arith.constant 640 : i32
    %mul3A_16 = arith.muli %arg1, %mul3A_15 : i32
    %add3A_17 = arith.constant 0 : i32
    %add3A_18 = arith.addi %mul3A_16, %add3A_17 : i32
    "tpu.region"() ({
      %run_scoped3A = tpu.sem_alloc : memref<!tpu.dma_semaphore, #tpu.memory_space<semaphore_mem>>
      %dma_start3A = arith.constant 0 : i32
      %dma_start3A_51 = tpu.memref_slice %arg9[%add3A_18, %dma_start3A] : memref<10240x128xf32, #tpu.memory_space<vmem_shared>> -> memref<128x128xf32, #tpu.memory_space<vmem_shared>>
      %dma_start3A_52 = arith.constant 0 : i32
      %dma_start3A_53 = tpu.memref_slice %arg9[%add3A_18, %dma_start3A_52] : memref<10240x128xf32, #tpu.memory_space<vmem_shared>> -> memref<128x128xf32, #tpu.memory_space<vmem_shared>>
      tpu.enqueue_dma source(%arg8 : memref<128x128xf32, #tpu.memory_space<vmem>>) target(%dma_start3A_53 : memref<128x128xf32, #tpu.memory_space<vmem_shared>>) target_semaphore(%run_scoped3A : memref<!tpu.dma_semaphore, #tpu.memory_space<semaphore_mem>>)
      %dma_wait3A = arith.constant 0 : i32
      %dma_wait3A_54 = tpu.memref_slice %arg9[%add3A_18, %dma_wait3A] : memref<10240x128xf32, #tpu.memory_space<vmem_shared>> -> memref<128x128xf32, #tpu.memory_space<vmem_shared>>
      %dma_wait3A_55 = arith.constant 0 : i32
      %dma_wait3A_56 = tpu.memref_slice %arg9[%add3A_18, %dma_wait3A_55] : memref<10240x128xf32, #tpu.memory_space<vmem_shared>> -> memref<128x128xf32, #tpu.memory_space<vmem_shared>>
      tpu.wait_dma2 semaphore(%run_scoped3A : memref<!tpu.dma_semaphore, #tpu.memory_space<semaphore_mem>>) src(%arg8 : memref<128x128xf32, #tpu.memory_space<vmem>>) dst(%dma_wait3A_56 : memref<128x128xf32, #tpu.memory_space<vmem_shared>>)
      tpu.yield
    }) : () -> ()
    %mul3A_19 = arith.constant 640 : i32
    %mul3A_20 = arith.muli %arg1, %mul3A_19 : i32
    %add3A_21 = arith.constant 128 : i32
    %add3A_22 = arith.addi %mul3A_20, %add3A_21 : i32
    "tpu.region"() ({
      %run_scoped3A = tpu.sem_alloc : memref<!tpu.dma_semaphore, #tpu.memory_space<semaphore_mem>>
      %dma_start3A = arith.constant 0 : i32
      %dma_start3A_51 = tpu.memref_slice %arg9[%add3A_22, %dma_start3A] : memref<10240x128xf32, #tpu.memory_space<vmem_shared>> -> memref<128x128xf32, #tpu.memory_space<vmem_shared>>
      %dma_start3A_52 = arith.constant 0 : i32
      %dma_start3A_53 = tpu.memref_slice %arg9[%add3A_22, %dma_start3A_52] : memref<10240x128xf32, #tpu.memory_space<vmem_shared>> -> memref<128x128xf32, #tpu.memory_space<vmem_shared>>
      tpu.enqueue_dma source(%arg8 : memref<128x128xf32, #tpu.memory_space<vmem>>) target(%dma_start3A_53 : memref<128x128xf32, #tpu.memory_space<vmem_shared>>) target_semaphore(%run_scoped3A : memref<!tpu.dma_semaphore, #tpu.memory_space<semaphore_mem>>)
      %dma_wait3A = arith.constant 0 : i32
      %dma_wait3A_54 = tpu.memref_slice %arg9[%add3A_22, %dma_wait3A] : memref<10240x128xf32, #tpu.memory_space<vmem_shared>> -> memref<128x128xf32, #tpu.memory_space<vmem_shared>>
      %dma_wait3A_55 = arith.constant 0 : i32
      %dma_wait3A_56 = tpu.memref_slice %arg9[%add3A_22, %dma_wait3A_55] : memref<10240x128xf32, #tpu.memory_space<vmem_shared>> -> memref<128x128xf32, #tpu.memory_space<vmem_shared>>
      tpu.wait_dma2 semaphore(%run_scoped3A : memref<!tpu.dma_semaphore, #tpu.memory_space<semaphore_mem>>) src(%arg8 : memref<128x128xf32, #tpu.memory_space<vmem>>) dst(%dma_wait3A_56 : memref<128x128xf32, #tpu.memory_space<vmem_shared>>)
      tpu.yield
    }) : () -> ()
    %mul3A_23 = arith.constant 640 : i32
    %mul3A_24 = arith.muli %arg1, %mul3A_23 : i32
    %add3A_25 = arith.constant 256 : i32
    %add3A_26 = arith.addi %mul3A_24, %add3A_25 : i32
    "tpu.region"() ({
      %run_scoped3A = tpu.sem_alloc : memref<!tpu.dma_semaphore, #tpu.memory_space<semaphore_mem>>
      %dma_start3A = arith.constant 0 : i32
      %dma_start3A_51 = tpu.memref_slice %arg9[%add3A_26, %dma_start3A] : memref<10240x128xf32, #tpu.memory_space<vmem_shared>> -> memref<128x128xf32, #tpu.memory_space<vmem_shared>>
      %dma_start3A_52 = arith.constant 0 : i32
      %dma_start3A_53 = tpu.memref_slice %arg9[%add3A_26, %dma_start3A_52] : memref<10240x128xf32, #tpu.memory_space<vmem_shared>> -> memref<128x128xf32, #tpu.memory_space<vmem_shared>>
      tpu.enqueue_dma source(%arg8 : memref<128x128xf32, #tpu.memory_space<vmem>>) target(%dma_start3A_53 : memref<128x128xf32, #tpu.memory_space<vmem_shared>>) target_semaphore(%run_scoped3A : memref<!tpu.dma_semaphore, #tpu.memory_space<semaphore_mem>>)
      %dma_wait3A = arith.constant 0 : i32
      %dma_wait3A_54 = tpu.memref_slice %arg9[%add3A_26, %dma_wait3A] : memref<10240x128xf32, #tpu.memory_space<vmem_shared>> -> memref<128x128xf32, #tpu.memory_space<vmem_shared>>
      %dma_wait3A_55 = arith.constant 0 : i32
      %dma_wait3A_56 = tpu.memref_slice %arg9[%add3A_26, %dma_wait3A_55] : memref<10240x128xf32, #tpu.memory_space<vmem_shared>> -> memref<128x128xf32, #tpu.memory_space<vmem_shared>>
      tpu.wait_dma2 semaphore(%run_scoped3A : memref<!tpu.dma_semaphore, #tpu.memory_space<semaphore_mem>>) src(%arg8 : memref<128x128xf32, #tpu.memory_space<vmem>>) dst(%dma_wait3A_56 : memref<128x128xf32, #tpu.memory_space<vmem_shared>>)
      tpu.yield
    }) : () -> ()
    %mul3A_27 = arith.constant 640 : i32
    %mul3A_28 = arith.muli %arg1, %mul3A_27 : i32
    %add3A_29 = arith.constant 384 : i32
    %add3A_30 = arith.addi %mul3A_28, %add3A_29 : i32
    "tpu.region"() ({
      %run_scoped3A = tpu.sem_alloc : memref<!tpu.dma_semaphore, #tpu.memory_space<semaphore_mem>>
      %dma_start3A = arith.constant 0 : i32
      %dma_start3A_51 = tpu.memref_slice %arg9[%add3A_30, %dma_start3A] : memref<10240x128xf32, #tpu.memory_space<vmem_shared>> -> memref<128x128xf32, #tpu.memory_space<vmem_shared>>
      %dma_start3A_52 = arith.constant 0 : i32
      %dma_start3A_53 = tpu.memref_slice %arg9[%add3A_30, %dma_start3A_52] : memref<10240x128xf32, #tpu.memory_space<vmem_shared>> -> memref<128x128xf32, #tpu.memory_space<vmem_shared>>
      tpu.enqueue_dma source(%arg8 : memref<128x128xf32, #tpu.memory_space<vmem>>) target(%dma_start3A_53 : memref<128x128xf32, #tpu.memory_space<vmem_shared>>) target_semaphore(%run_scoped3A : memref<!tpu.dma_semaphore, #tpu.memory_space<semaphore_mem>>)
      %dma_wait3A = arith.constant 0 : i32
      %dma_wait3A_54 = tpu.memref_slice %arg9[%add3A_30, %dma_wait3A] : memref<10240x128xf32, #tpu.memory_space<vmem_shared>> -> memref<128x128xf32, #tpu.memory_space<vmem_shared>>
      %dma_wait3A_55 = arith.constant 0 : i32
      %dma_wait3A_56 = tpu.memref_slice %arg9[%add3A_30, %dma_wait3A_55] : memref<10240x128xf32, #tpu.memory_space<vmem_shared>> -> memref<128x128xf32, #tpu.memory_space<vmem_shared>>
      tpu.wait_dma2 semaphore(%run_scoped3A : memref<!tpu.dma_semaphore, #tpu.memory_space<semaphore_mem>>) src(%arg8 : memref<128x128xf32, #tpu.memory_space<vmem>>) dst(%dma_wait3A_56 : memref<128x128xf32, #tpu.memory_space<vmem_shared>>)
      tpu.yield
    }) : () -> ()
    %mul3A_31 = arith.constant 640 : i32
    %mul3A_32 = arith.muli %arg1, %mul3A_31 : i32
    %add3A_33 = arith.constant 512 : i32
    %add3A_34 = arith.addi %mul3A_32, %add3A_33 : i32
    "tpu.region"() ({
      %run_scoped3A = tpu.sem_alloc : memref<!tpu.dma_semaphore, #tpu.memory_space<semaphore_mem>>
      %dma_start3A = arith.constant 0 : i32
      %dma_start3A_51 = tpu.memref_slice %arg9[%add3A_34, %dma_start3A] : memref<10240x128xf32, #tpu.memory_space<vmem_shared>> -> memref<128x128xf32, #tpu.memory_space<vmem_shared>>
      %dma_start3A_52 = arith.constant 0 : i32
      %dma_start3A_53 = tpu.memref_slice %arg9[%add3A_34, %dma_start3A_52] : memref<10240x128xf32, #tpu.memory_space<vmem_shared>> -> memref<128x128xf32, #tpu.memory_space<vmem_shared>>
      tpu.enqueue_dma source(%arg8 : memref<128x128xf32, #tpu.memory_space<vmem>>) target(%dma_start3A_53 : memref<128x128xf32, #tpu.memory_space<vmem_shared>>) target_semaphore(%run_scoped3A : memref<!tpu.dma_semaphore, #tpu.memory_space<semaphore_mem>>)
      %dma_wait3A = arith.constant 0 : i32
      %dma_wait3A_54 = tpu.memref_slice %arg9[%add3A_34, %dma_wait3A] : memref<10240x128xf32, #tpu.memory_space<vmem_shared>> -> memref<128x128xf32, #tpu.memory_space<vmem_shared>>
      %dma_wait3A_55 = arith.constant 0 : i32
      %dma_wait3A_56 = tpu.memref_slice %arg9[%add3A_34, %dma_wait3A_55] : memref<10240x128xf32, #tpu.memory_space<vmem_shared>> -> memref<128x128xf32, #tpu.memory_space<vmem_shared>>
      tpu.wait_dma2 semaphore(%run_scoped3A : memref<!tpu.dma_semaphore, #tpu.memory_space<semaphore_mem>>) src(%arg8 : memref<128x128xf32, #tpu.memory_space<vmem>>) dst(%dma_wait3A_56 : memref<128x128xf32, #tpu.memory_space<vmem_shared>>)
      tpu.yield
    }) : () -> ()
    %barrier3A = arith.constant 0 : index
    tpu.barrier barrier_id(%barrier3A)
    %while3A = arith.constant 0 : i32
    %while3A_35 = arith.constant 0 : i32
    %while3A_36 = arith.subi %select_n3A_8, %while3A : i32
    %while3A_37 = arith.addi %while3A, %while3A_36 : i32
    %while3A_38 = arith.constant 1 : i32
    %while3A_39 = arith.divsi %while3A_36, %while3A_38 : i32
    %while3A_40 = arith.muli %while3A_39, %while3A_38 : i32
    %while3A_41 = arith.addi %while3A, %while3A_40 : i32
    %while3A_42 = arith.constant 1 : i32
    %while3A_43 = scf.for %while3A_51 = %while3A to %while3A_41 step %while3A_42 iter_args(%while3A_52 = %while3A_35) -> (i32)  : i32 {
      %dma_start3A = arith.constant 0 : i32
      %dma_start3A_53 = tpu.memref_slice %arg6[%while3A_51, %dma_start3A] : memref<112x128xi32, #tpu.memory_space<vmem>> -> memref<1x128xi32, #tpu.memory_space<vmem>>
      %dma_start3A_54 = tpu.memref_squeeze %dma_start3A_53 : memref<1x128xi32, #tpu.memory_space<vmem>> -> memref<128xi32, #tpu.memory_space<vmem>>
      %dma_start3A_55 = arith.constant 0 : i32
      %dma_start3A_56 = arith.constant 0 : i32
      %dma_start3A_57 = tpu.memref_slice %arg2[%dma_start3A_55, %dma_start3A_56] : memref<10240x128xf32, #tpu.memory_space<hbm>> -> memref<10240x128xf32, #tpu.memory_space<hbm>>
      tpu.enqueue_indirect_dma source(%dma_start3A_57 : memref<10240x128xf32, #tpu.memory_space<hbm>>) target(%arg8 : memref<128x128xf32, #tpu.memory_space<vmem>>) offsets(%dma_start3A_54 : memref<128xi32, #tpu.memory_space<vmem>>) semaphore(%arg10 : memref<!tpu.dma_semaphore, #tpu.memory_space<semaphore_mem>>)
      %dma_wait3A = arith.constant 0 : i32
      %dma_wait3A_58 = tpu.memref_slice %arg6[%while3A_51, %dma_wait3A] : memref<112x128xi32, #tpu.memory_space<vmem>> -> memref<1x128xi32, #tpu.memory_space<vmem>>
      %dma_wait3A_59 = tpu.memref_squeeze %dma_wait3A_58 : memref<1x128xi32, #tpu.memory_space<vmem>> -> memref<128xi32, #tpu.memory_space<vmem>>
      %dma_wait3A_60 = arith.constant 0 : i32
      %dma_wait3A_61 = arith.constant 0 : i32
      %dma_wait3A_62 = tpu.memref_slice %arg2[%dma_wait3A_60, %dma_wait3A_61] : memref<10240x128xf32, #tpu.memory_space<hbm>> -> memref<10240x128xf32, #tpu.memory_space<hbm>>
      tpu.wait_indirect_dma semaphore(%arg10 : memref<!tpu.dma_semaphore, #tpu.memory_space<semaphore_mem>>) src(%dma_wait3A_62 : memref<10240x128xf32, #tpu.memory_space<hbm>>) dst(%arg8 : memref<128x128xf32, #tpu.memory_space<vmem>>)
      "tpu.region"() ({
        %run_scoped3A = tpu.sem_alloc : memref<!tpu.dma_semaphore, #tpu.memory_space<semaphore_mem>>
        %dma_start3A_64 = arith.constant 0 : i32
        %dma_start3A_65 = tpu.memref_slice %arg7[%while3A_51, %dma_start3A_64] : memref<112x128xi32, #tpu.memory_space<vmem>> -> memref<1x128xi32, #tpu.memory_space<vmem>>
        %dma_start3A_66 = tpu.memref_squeeze %dma_start3A_65 : memref<1x128xi32, #tpu.memory_space<vmem>> -> memref<128xi32, #tpu.memory_space<vmem>>
        %dma_start3A_67 = arith.constant 0 : i32
        %dma_start3A_68 = arith.constant 0 : i32
        %dma_start3A_69 = tpu.memref_slice %arg9[%dma_start3A_67, %dma_start3A_68] : memref<10240x128xf32, #tpu.memory_space<vmem_shared>> -> memref<10240x128xf32, #tpu.memory_space<vmem_shared>>
        tpu.enqueue_indirect_dma source(%arg8 : memref<128x128xf32, #tpu.memory_space<vmem>>) target(%dma_start3A_69 : memref<10240x128xf32, #tpu.memory_space<vmem_shared>>) offsets(%dma_start3A_66 : memref<128xi32, #tpu.memory_space<vmem>>) semaphore(%run_scoped3A : memref<!tpu.dma_semaphore, #tpu.memory_space<semaphore_mem>>) {add = true}
        %dma_wait3A_70 = arith.constant 0 : i32
        %dma_wait3A_71 = tpu.memref_slice %arg7[%while3A_51, %dma_wait3A_70] : memref<112x128xi32, #tpu.memory_space<vmem>> -> memref<1x128xi32, #tpu.memory_space<vmem>>
        %dma_wait3A_72 = tpu.memref_squeeze %dma_wait3A_71 : memref<1x128xi32, #tpu.memory_space<vmem>> -> memref<128xi32, #tpu.memory_space<vmem>>
        %dma_wait3A_73 = arith.constant 0 : i32
        %dma_wait3A_74 = arith.constant 0 : i32
        %dma_wait3A_75 = tpu.memref_slice %arg9[%dma_wait3A_73, %dma_wait3A_74] : memref<10240x128xf32, #tpu.memory_space<vmem_shared>> -> memref<10240x128xf32, #tpu.memory_space<vmem_shared>>
        tpu.wait_indirect_dma semaphore(%run_scoped3A : memref<!tpu.dma_semaphore, #tpu.memory_space<semaphore_mem>>) src(%arg8 : memref<128x128xf32, #tpu.memory_space<vmem>>) dst(%dma_wait3A_75 : memref<10240x128xf32, #tpu.memory_space<vmem_shared>>)
        tpu.yield
      }) : () -> ()
      %while3A_63 = arith.constant 0 : i32
      scf.yield %while3A_63 : i32
    }
    %while3A_44 = arith.constant 1 : i32
    %while3A_45 = scf.for %while3A_51 = %while3A_41 to %while3A_37 step %while3A_44 iter_args(%while3A_52 = %while3A_43) -> (i32)  : i32 {
      %dma_start3A = arith.constant 0 : i32
      %dma_start3A_53 = tpu.memref_slice %arg6[%while3A_51, %dma_start3A] : memref<112x128xi32, #tpu.memory_space<vmem>> -> memref<1x128xi32, #tpu.memory_space<vmem>>
      %dma_start3A_54 = tpu.memref_squeeze %dma_start3A_53 : memref<1x128xi32, #tpu.memory_space<vmem>> -> memref<128xi32, #tpu.memory_space<vmem>>
      %dma_start3A_55 = arith.constant 0 : i32
      %dma_start3A_56 = arith.constant 0 : i32
      %dma_start3A_57 = tpu.memref_slice %arg2[%dma_start3A_55, %dma_start3A_56] : memref<10240x128xf32, #tpu.memory_space<hbm>> -> memref<10240x128xf32, #tpu.memory_space<hbm>>
      tpu.enqueue_indirect_dma source(%dma_start3A_57 : memref<10240x128xf32, #tpu.memory_space<hbm>>) target(%arg8 : memref<128x128xf32, #tpu.memory_space<vmem>>) offsets(%dma_start3A_54 : memref<128xi32, #tpu.memory_space<vmem>>) semaphore(%arg10 : memref<!tpu.dma_semaphore, #tpu.memory_space<semaphore_mem>>)
      %dma_wait3A = arith.constant 0 : i32
      %dma_wait3A_58 = tpu.memref_slice %arg6[%while3A_51, %dma_wait3A] : memref<112x128xi32, #tpu.memory_space<vmem>> -> memref<1x128xi32, #tpu.memory_space<vmem>>
      %dma_wait3A_59 = tpu.memref_squeeze %dma_wait3A_58 : memref<1x128xi32, #tpu.memory_space<vmem>> -> memref<128xi32, #tpu.memory_space<vmem>>
      %dma_wait3A_60 = arith.constant 0 : i32
      %dma_wait3A_61 = arith.constant 0 : i32
      %dma_wait3A_62 = tpu.memref_slice %arg2[%dma_wait3A_60, %dma_wait3A_61] : memref<10240x128xf32, #tpu.memory_space<hbm>> -> memref<10240x128xf32, #tpu.memory_space<hbm>>
      tpu.wait_indirect_dma semaphore(%arg10 : memref<!tpu.dma_semaphore, #tpu.memory_space<semaphore_mem>>) src(%dma_wait3A_62 : memref<10240x128xf32, #tpu.memory_space<hbm>>) dst(%arg8 : memref<128x128xf32, #tpu.memory_space<vmem>>)
      "tpu.region"() ({
        %run_scoped3A = tpu.sem_alloc : memref<!tpu.dma_semaphore, #tpu.memory_space<semaphore_mem>>
        %dma_start3A_64 = arith.constant 0 : i32
        %dma_start3A_65 = tpu.memref_slice %arg7[%while3A_51, %dma_start3A_64] : memref<112x128xi32, #tpu.memory_space<vmem>> -> memref<1x128xi32, #tpu.memory_space<vmem>>
        %dma_start3A_66 = tpu.memref_squeeze %dma_start3A_65 : memref<1x128xi32, #tpu.memory_space<vmem>> -> memref<128xi32, #tpu.memory_space<vmem>>
        %dma_start3A_67 = arith.constant 0 : i32
        %dma_start3A_68 = arith.constant 0 : i32
        %dma_start3A_69 = tpu.memref_slice %arg9[%dma_start3A_67, %dma_start3A_68] : memref<10240x128xf32, #tpu.memory_space<vmem_shared>> -> memref<10240x128xf32, #tpu.memory_space<vmem_shared>>
        tpu.enqueue_indirect_dma source(%arg8 : memref<128x128xf32, #tpu.memory_space<vmem>>) target(%dma_start3A_69 : memref<10240x128xf32, #tpu.memory_space<vmem_shared>>) offsets(%dma_start3A_66 : memref<128xi32, #tpu.memory_space<vmem>>) semaphore(%run_scoped3A : memref<!tpu.dma_semaphore, #tpu.memory_space<semaphore_mem>>) {add = true}
        %dma_wait3A_70 = arith.constant 0 : i32
        %dma_wait3A_71 = tpu.memref_slice %arg7[%while3A_51, %dma_wait3A_70] : memref<112x128xi32, #tpu.memory_space<vmem>> -> memref<1x128xi32, #tpu.memory_space<vmem>>
        %dma_wait3A_72 = tpu.memref_squeeze %dma_wait3A_71 : memref<1x128xi32, #tpu.memory_space<vmem>> -> memref<128xi32, #tpu.memory_space<vmem>>
        %dma_wait3A_73 = arith.constant 0 : i32
        %dma_wait3A_74 = arith.constant 0 : i32
        %dma_wait3A_75 = tpu.memref_slice %arg9[%dma_wait3A_73, %dma_wait3A_74] : memref<10240x128xf32, #tpu.memory_space<vmem_shared>> -> memref<10240x128xf32, #tpu.memory_space<vmem_shared>>
        tpu.wait_indirect_dma semaphore(%run_scoped3A : memref<!tpu.dma_semaphore, #tpu.memory_space<semaphore_mem>>) src(%arg8 : memref<128x128xf32, #tpu.memory_space<vmem>>) dst(%dma_wait3A_75 : memref<10240x128xf32, #tpu.memory_space<vmem_shared>>)
        tpu.yield
      }) : () -> ()
      %while3A_63 = arith.constant 0 : i32
      scf.yield %while3A_63 : i32
    }
    %barrier3A_46 = arith.constant 0 : index
    tpu.barrier barrier_id(%barrier3A_46)
    %mul3A_47 = arith.constant 640 : i32
    %mul3A_48 = arith.muli %arg1, %mul3A_47 : i32
    %mul3A_49 = arith.constant 640 : i32
    %mul3A_50 = arith.muli %arg1, %mul3A_49 : i32
    "tpu.region"() ({
      %run_scoped3A = tpu.sem_alloc : memref<!tpu.dma_semaphore, #tpu.memory_space<semaphore_mem>>
      %dma_start3A = arith.constant 0 : i32
      %dma_start3A_51 = tpu.memref_slice %arg5[%arg0, %mul3A_50, %dma_start3A] : memref<2x10240x128xf32, #tpu.memory_space<hbm>> -> memref<1x640x128xf32, #tpu.memory_space<hbm>>
      %dma_start3A_52 = tpu.memref_squeeze %dma_start3A_51 : memref<1x640x128xf32, #tpu.memory_space<hbm>> -> memref<640x128xf32, #tpu.memory_space<hbm>>
      %dma_start3A_53 = arith.constant 0 : i32
      %dma_start3A_54 = tpu.memref_slice %arg9[%mul3A_48, %dma_start3A_53] : memref<10240x128xf32, #tpu.memory_space<vmem_shared>> -> memref<640x128xf32, #tpu.memory_space<vmem_shared>>
      tpu.enqueue_dma source(%dma_start3A_54 : memref<640x128xf32, #tpu.memory_space<vmem_shared>>) target(%dma_start3A_52 : memref<640x128xf32, #tpu.memory_space<hbm>>) target_semaphore(%run_scoped3A : memref<!tpu.dma_semaphore, #tpu.memory_space<semaphore_mem>>)
      %dma_wait3A = arith.constant 0 : i32
      %dma_wait3A_55 = tpu.memref_slice %arg5[%arg0, %mul3A_50, %dma_wait3A] : memref<2x10240x128xf32, #tpu.memory_space<hbm>> -> memref<1x640x128xf32, #tpu.memory_space<hbm>>
      %dma_wait3A_56 = tpu.memref_squeeze %dma_wait3A_55 : memref<1x640x128xf32, #tpu.memory_space<hbm>> -> memref<640x128xf32, #tpu.memory_space<hbm>>
      %dma_wait3A_57 = arith.constant 0 : i32
      %dma_wait3A_58 = tpu.memref_slice %arg9[%mul3A_48, %dma_wait3A_57] : memref<10240x128xf32, #tpu.memory_space<vmem_shared>> -> memref<640x128xf32, #tpu.memory_space<vmem_shared>>
      tpu.wait_dma2 semaphore(%run_scoped3A : memref<!tpu.dma_semaphore, #tpu.memory_space<semaphore_mem>>) src(%dma_wait3A_58 : memref<640x128xf32, #tpu.memory_space<vmem_shared>>) dst(%dma_wait3A_56 : memref<640x128xf32, #tpu.memory_space<hbm>>)
      tpu.yield
    }) : () -> ()
    return
  }
}

#map = affine_map<(d0, d1) -> (0, 0)>
#map1 = affine_map<(d0, d1) -> (0, 0, 0)>
module attributes {stable_mosaic.version = 14 : i64} {
  func.func @k(%arg0: i32, %arg1: i32, %arg2: memref<10240x128xf32, #tpu.memory_space<hbm>>, %arg3: memref<32x16x64xi32, #tpu.memory_space<hbm>>, %arg4: memref<512x128xf32, #tpu.memory_space<hbm>>, %arg5: memref<16x64xi32, #tpu.memory_space<vmem>>, %arg6: memref<2x64xi32, #tpu.memory_space<vmem>>, %arg7: memref<2x64x128xf32, #tpu.memory_space<vmem>>, %arg8: memref<16x128xf32, #tpu.memory_space<vmem>>, %arg9: memref<!tpu.dma_semaphore, #tpu.memory_space<semaphore_mem>>, %arg10: memref<!tpu.dma_semaphore, #tpu.memory_space<semaphore_mem>>) attributes {dimension_semantics = [#tpu.dimension_semantics<core_parallel>, #tpu.dimension_semantics<subcore_parallel>], iteration_bounds = array<i64: 2, 16>, scalar_prefetch = 0 : i64, scratch_operands = 6 : i64, tpu.core_type = #tpu.core_type<sc_vector_subcore>, window_params = [{transform_indices = #map}, {transform_indices = #map1}, {transform_indices = #map}]} {
    %mul3A = arith.constant 16 : i32
    %mul3A_0 = arith.muli %arg0, %mul3A : i32
    %add3A = arith.addi %mul3A_0, %arg1 : i32
    "tpu.region"() ({
      %run_scoped3A = tpu.sem_alloc : memref<!tpu.dma_semaphore, #tpu.memory_space<semaphore_mem>>
      %dma_start3A_82 = arith.constant 0 : i32
      %dma_start3A_83 = arith.constant 0 : i32
      %dma_start3A_84 = tpu.memref_slice %arg3[%add3A, %dma_start3A_82, %dma_start3A_83] : memref<32x16x64xi32, #tpu.memory_space<hbm>> -> memref<1x16x64xi32, #tpu.memory_space<hbm>>
      %dma_start3A_85 = tpu.memref_squeeze %dma_start3A_84 : memref<1x16x64xi32, #tpu.memory_space<hbm>> -> memref<16x64xi32, #tpu.memory_space<hbm>>
      %dma_start3A_86 = arith.constant 0 : i32
      %dma_start3A_87 = arith.constant 0 : i32
      %dma_start3A_88 = tpu.memref_slice %arg3[%add3A, %dma_start3A_86, %dma_start3A_87] : memref<32x16x64xi32, #tpu.memory_space<hbm>> -> memref<1x16x64xi32, #tpu.memory_space<hbm>>
      %dma_start3A_89 = tpu.memref_squeeze %dma_start3A_88 : memref<1x16x64xi32, #tpu.memory_space<hbm>> -> memref<16x64xi32, #tpu.memory_space<hbm>>
      tpu.enqueue_dma source(%dma_start3A_89 : memref<16x64xi32, #tpu.memory_space<hbm>>) target(%arg5 : memref<16x64xi32, #tpu.memory_space<vmem>>) target_semaphore(%run_scoped3A : memref<!tpu.dma_semaphore, #tpu.memory_space<semaphore_mem>>)
      %dma_wait3A = arith.constant 0 : i32
      %dma_wait3A_90 = arith.constant 0 : i32
      %dma_wait3A_91 = tpu.memref_slice %arg3[%add3A, %dma_wait3A, %dma_wait3A_90] : memref<32x16x64xi32, #tpu.memory_space<hbm>> -> memref<1x16x64xi32, #tpu.memory_space<hbm>>
      %dma_wait3A_92 = tpu.memref_squeeze %dma_wait3A_91 : memref<1x16x64xi32, #tpu.memory_space<hbm>> -> memref<16x64xi32, #tpu.memory_space<hbm>>
      %dma_wait3A_93 = arith.constant 0 : i32
      %dma_wait3A_94 = arith.constant 0 : i32
      %dma_wait3A_95 = tpu.memref_slice %arg3[%add3A, %dma_wait3A_93, %dma_wait3A_94] : memref<32x16x64xi32, #tpu.memory_space<hbm>> -> memref<1x16x64xi32, #tpu.memory_space<hbm>>
      %dma_wait3A_96 = tpu.memref_squeeze %dma_wait3A_95 : memref<1x16x64xi32, #tpu.memory_space<hbm>> -> memref<16x64xi32, #tpu.memory_space<hbm>>
      tpu.wait_dma2 semaphore(%run_scoped3A : memref<!tpu.dma_semaphore, #tpu.memory_space<semaphore_mem>>) src(%dma_wait3A_96 : memref<16x64xi32, #tpu.memory_space<hbm>>) dst(%arg5 : memref<16x64xi32, #tpu.memory_space<vmem>>)
      tpu.yield
    }) : () -> ()
    %get3A = arith.constant 0 : i32
    %get3A_1 = arith.index_cast %get3A : i32 to index
    %get3A_2 = arith.constant 0 : index
    %get3A_3 = tpu.vector_load %arg5[%get3A_1, %get3A_2] {strides = array<i32>} : memref<16x64xi32, #tpu.memory_space<vmem>>, vector<1x16xi32>,
    %get3A_4 = vector.shape_cast %get3A_3 : vector<1x16xi32> to vector<16xi32>
    %lt3A = arith.constant 0 : i32
    %lt3A_5 = vector.broadcast %lt3A : i32 to vector<16xi32>
    %lt3A_6 = arith.cmpi slt, %get3A_4, %lt3A_5 : vector<16xi32>
    %jit3A = arith.constant 10000 : i32
    %broadcast_in_dim3A = vector.broadcast %jit3A : i32 to vector<16xi32>
    %select_n3A = arith.select %lt3A_6, %broadcast_in_dim3A, %get3A_4 : vector<16xi1>, vector<16xi32>
    %swap3A = arith.constant 0 : i32
    %swap3A_7 = arith.index_cast %swap3A : i32 to index
    %swap3A_8 = arith.constant 0 : index
    %swap3A_9 = tpu.vector_load %arg6[%swap3A_7, %swap3A_8] {strides = array<i32>} : memref<2x64xi32, #tpu.memory_space<vmem>>, vector<1x16xi32>,
    %swap3A_10 = vector.shape_cast %swap3A_9 : vector<1x16xi32> to vector<16xi32>
    %swap3A_11 = vector.shape_cast %select_n3A : vector<16xi32> to vector<1x16xi32>
    tpu.vector_store %arg6[%swap3A_7, %swap3A_8], %swap3A_11 {strides = array<i32>} : memref<2x64xi32, #tpu.memory_space<vmem>>, vector<1x16xi32>,
    %get3A_12 = arith.constant 0 : i32
    %get3A_13 = arith.index_cast %get3A_12 : i32 to index
    %get3A_14 = arith.constant 16 : index
    %get3A_15 = tpu.vector_load %arg5[%get3A_13, %get3A_14] {strides = array<i32>} : memref<16x64xi32, #tpu.memory_space<vmem>>, vector<1x16xi32>,
    %get3A_16 = vector.shape_cast %get3A_15 : vector<1x16xi32> to vector<16xi32>
    %lt3A_17 = arith.constant 0 : i32
    %lt3A_18 = vector.broadcast %lt3A_17 : i32 to vector<16xi32>
    %lt3A_19 = arith.cmpi slt, %get3A_16, %lt3A_18 : vector<16xi32>
    %jit3A_20 = arith.constant 10000 : i32
    %broadcast_in_dim3A_21 = vector.broadcast %jit3A_20 : i32 to vector<16xi32>
    %select_n3A_22 = arith.select %lt3A_19, %broadcast_in_dim3A_21, %get3A_16 : vector<16xi1>, vector<16xi32>
    %swap3A_23 = arith.constant 0 : i32
    %swap3A_24 = arith.index_cast %swap3A_23 : i32 to index
    %swap3A_25 = arith.constant 16 : index
    %swap3A_26 = tpu.vector_load %arg6[%swap3A_24, %swap3A_25] {strides = array<i32>} : memref<2x64xi32, #tpu.memory_space<vmem>>, vector<1x16xi32>,
    %swap3A_27 = vector.shape_cast %swap3A_26 : vector<1x16xi32> to vector<16xi32>
    %swap3A_28 = vector.shape_cast %select_n3A_22 : vector<16xi32> to vector<1x16xi32>
    tpu.vector_store %arg6[%swap3A_24, %swap3A_25], %swap3A_28 {strides = array<i32>} : memref<2x64xi32, #tpu.memory_space<vmem>>, vector<1x16xi32>,
    %get3A_29 = arith.constant 0 : i32
    %get3A_30 = arith.index_cast %get3A_29 : i32 to index
    %get3A_31 = arith.constant 32 : index
    %get3A_32 = tpu.vector_load %arg5[%get3A_30, %get3A_31] {strides = array<i32>} : memref<16x64xi32, #tpu.memory_space<vmem>>, vector<1x16xi32>,
    %get3A_33 = vector.shape_cast %get3A_32 : vector<1x16xi32> to vector<16xi32>
    %lt3A_34 = arith.constant 0 : i32
    %lt3A_35 = vector.broadcast %lt3A_34 : i32 to vector<16xi32>
    %lt3A_36 = arith.cmpi slt, %get3A_33, %lt3A_35 : vector<16xi32>
    %jit3A_37 = arith.constant 10000 : i32
    %broadcast_in_dim3A_38 = vector.broadcast %jit3A_37 : i32 to vector<16xi32>
    %select_n3A_39 = arith.select %lt3A_36, %broadcast_in_dim3A_38, %get3A_33 : vector<16xi1>, vector<16xi32>
    %swap3A_40 = arith.constant 0 : i32
    %swap3A_41 = arith.index_cast %swap3A_40 : i32 to index
    %swap3A_42 = arith.constant 32 : index
    %swap3A_43 = tpu.vector_load %arg6[%swap3A_41, %swap3A_42] {strides = array<i32>} : memref<2x64xi32, #tpu.memory_space<vmem>>, vector<1x16xi32>,
    %swap3A_44 = vector.shape_cast %swap3A_43 : vector<1x16xi32> to vector<16xi32>
    %swap3A_45 = vector.shape_cast %select_n3A_39 : vector<16xi32> to vector<1x16xi32>
    tpu.vector_store %arg6[%swap3A_41, %swap3A_42], %swap3A_45 {strides = array<i32>} : memref<2x64xi32, #tpu.memory_space<vmem>>, vector<1x16xi32>,
    %get3A_46 = arith.constant 0 : i32
    %get3A_47 = arith.index_cast %get3A_46 : i32 to index
    %get3A_48 = arith.constant 48 : index
    %get3A_49 = tpu.vector_load %arg5[%get3A_47, %get3A_48] {strides = array<i32>} : memref<16x64xi32, #tpu.memory_space<vmem>>, vector<1x16xi32>,
    %get3A_50 = vector.shape_cast %get3A_49 : vector<1x16xi32> to vector<16xi32>
    %lt3A_51 = arith.constant 0 : i32
    %lt3A_52 = vector.broadcast %lt3A_51 : i32 to vector<16xi32>
    %lt3A_53 = arith.cmpi slt, %get3A_50, %lt3A_52 : vector<16xi32>
    %jit3A_54 = arith.constant 10000 : i32
    %broadcast_in_dim3A_55 = vector.broadcast %jit3A_54 : i32 to vector<16xi32>
    %select_n3A_56 = arith.select %lt3A_53, %broadcast_in_dim3A_55, %get3A_50 : vector<16xi1>, vector<16xi32>
    %swap3A_57 = arith.constant 0 : i32
    %swap3A_58 = arith.index_cast %swap3A_57 : i32 to index
    %swap3A_59 = arith.constant 48 : index
    %swap3A_60 = tpu.vector_load %arg6[%swap3A_58, %swap3A_59] {strides = array<i32>} : memref<2x64xi32, #tpu.memory_space<vmem>>, vector<1x16xi32>,
    %swap3A_61 = vector.shape_cast %swap3A_60 : vector<1x16xi32> to vector<16xi32>
    %swap3A_62 = vector.shape_cast %select_n3A_56 : vector<16xi32> to vector<1x16xi32>
    tpu.vector_store %arg6[%swap3A_58, %swap3A_59], %swap3A_62 {strides = array<i32>} : memref<2x64xi32, #tpu.memory_space<vmem>>, vector<1x16xi32>,
    %dma_start3A = arith.constant 0 : i32
    %dma_start3A_63 = arith.constant 0 : i32
    %dma_start3A_64 = arith.constant 0 : i32
    %dma_start3A_65 = arith.constant 0 : i32
    %dma_start3A_66 = tpu.memref_slice %arg7[%dma_start3A_63, %dma_start3A_64, %dma_start3A_65] : memref<2x64x128xf32, #tpu.memory_space<vmem>> -> memref<1x64x128xf32, #tpu.memory_space<vmem>>
    %dma_start3A_67 = tpu.memref_squeeze %dma_start3A_66 : memref<1x64x128xf32, #tpu.memory_space<vmem>> -> memref<64x128xf32, #tpu.memory_space<vmem>>
    %dma_start3A_68 = arith.constant 0 : i32
    %dma_start3A_69 = tpu.memref_slice %arg6[%dma_start3A, %dma_start3A_68] : memref<2x64xi32, #tpu.memory_space<vmem>> -> memref<1x64xi32, #tpu.memory_space<vmem>>
    %dma_start3A_70 = tpu.memref_squeeze %dma_start3A_69 : memref<1x64xi32, #tpu.memory_space<vmem>> -> memref<64xi32, #tpu.memory_space<vmem>>
    %dma_start3A_71 = arith.constant 0 : i32
    %dma_start3A_72 = arith.constant 0 : i32
    %dma_start3A_73 = tpu.memref_slice %arg2[%dma_start3A_71, %dma_start3A_72] : memref<10240x128xf32, #tpu.memory_space<hbm>> -> memref<10240x128xf32, #tpu.memory_space<hbm>>
    tpu.enqueue_indirect_dma source(%dma_start3A_73 : memref<10240x128xf32, #tpu.memory_space<hbm>>) target(%dma_start3A_67 : memref<64x128xf32, #tpu.memory_space<vmem>>) offsets(%dma_start3A_70 : memref<64xi32, #tpu.memory_space<vmem>>) semaphore(%arg9 : memref<!tpu.dma_semaphore, #tpu.memory_space<semaphore_mem>>)
    %scan3A = arith.constant 0 : i32
    %scan3A_74 = arith.constant 0 : i32
    %scan3A_75 = arith.constant 8 : i32
    %scan3A_76 = arith.addi %scan3A_74, %scan3A_75 : i32
    %scan3A_77 = arith.constant 1 : i32
    %scan3A_78 = scf.for %scan3A_82 = %scan3A_74 to %scan3A_76 step %scan3A_77 iter_args(%scan3A_83 = %scan3A) -> (i32)  : i32 {
      %mul3A_84 = arith.constant 2 : i32
      %mul3A_85 = arith.muli %mul3A_84, %scan3A_82 : i32
      %dma_wait3A = arith.constant 0 : i32
      %dma_wait3A_86 = arith.constant 0 : i32
      %dma_wait3A_87 = arith.constant 0 : i32
      %dma_wait3A_88 = arith.constant 0 : i32
      %dma_wait3A_89 = tpu.memref_slice %arg7[%dma_wait3A_86, %dma_wait3A_87, %dma_wait3A_88] : memref<2x64x128xf32, #tpu.memory_space<vmem>> -> memref<1x64x128xf32, #tpu.memory_space<vmem>>
      %dma_wait3A_90 = tpu.memref_squeeze %dma_wait3A_89 : memref<1x64x128xf32, #tpu.memory_space<vmem>> -> memref<64x128xf32, #tpu.memory_space<vmem>>
      %dma_wait3A_91 = arith.constant 0 : i32
      %dma_wait3A_92 = tpu.memref_slice %arg6[%dma_wait3A, %dma_wait3A_91] : memref<2x64xi32, #tpu.memory_space<vmem>> -> memref<1x64xi32, #tpu.memory_space<vmem>>
      %dma_wait3A_93 = tpu.memref_squeeze %dma_wait3A_92 : memref<1x64xi32, #tpu.memory_space<vmem>> -> memref<64xi32, #tpu.memory_space<vmem>>
      %dma_wait3A_94 = arith.constant 0 : i32
      %dma_wait3A_95 = arith.constant 0 : i32
      %dma_wait3A_96 = tpu.memref_slice %arg2[%dma_wait3A_94, %dma_wait3A_95] : memref<10240x128xf32, #tpu.memory_space<hbm>> -> memref<10240x128xf32, #tpu.memory_space<hbm>>
      tpu.wait_indirect_dma semaphore(%arg9 : memref<!tpu.dma_semaphore, #tpu.memory_space<semaphore_mem>>) src(%dma_wait3A_96 : memref<10240x128xf32, #tpu.memory_space<hbm>>) dst(%dma_wait3A_90 : memref<64x128xf32, #tpu.memory_space<vmem>>)
      %add3A_97 = arith.constant 1 : i32
      %add3A_98 = arith.addi %mul3A_85, %add3A_97 : i32
      %get3A_99 = arith.index_cast %add3A_98 : i32 to index
      %get3A_100 = arith.constant 0 : index
      %get3A_101 = tpu.vector_load %arg5[%get3A_99, %get3A_100] {strides = array<i32>} : memref<16x64xi32, #tpu.memory_space<vmem>>, vector<1x16xi32>,
      %get3A_102 = vector.shape_cast %get3A_101 : vector<1x16xi32> to vector<16xi32>
      %lt3A_103 = arith.constant 0 : i32
      %lt3A_104 = vector.broadcast %lt3A_103 : i32 to vector<16xi32>
      %lt3A_105 = arith.cmpi slt, %get3A_102, %lt3A_104 : vector<16xi32>
      %jit3A_106 = arith.constant 10000 : i32
      %broadcast_in_dim3A_107 = vector.broadcast %jit3A_106 : i32 to vector<16xi32>
      %select_n3A_108 = arith.select %lt3A_105, %broadcast_in_dim3A_107, %get3A_102 : vector<16xi1>, vector<16xi32>
      %swap3A_109 = arith.constant 1 : i32
      %swap3A_110 = arith.index_cast %swap3A_109 : i32 to index
      %swap3A_111 = arith.constant 0 : index
      %swap3A_112 = tpu.vector_load %arg6[%swap3A_110, %swap3A_111] {strides = array<i32>} : memref<2x64xi32, #tpu.memory_space<vmem>>, vector<1x16xi32>,
      %swap3A_113 = vector.shape_cast %swap3A_112 : vector<1x16xi32> to vector<16xi32>
      %swap3A_114 = vector.shape_cast %select_n3A_108 : vector<16xi32> to vector<1x16xi32>
      tpu.vector_store %arg6[%swap3A_110, %swap3A_111], %swap3A_114 {strides = array<i32>} : memref<2x64xi32, #tpu.memory_space<vmem>>, vector<1x16xi32>,
      %get3A_115 = arith.index_cast %add3A_98 : i32 to index
      %get3A_116 = arith.constant 16 : index
      %get3A_117 = tpu.vector_load %arg5[%get3A_115, %get3A_116] {strides = array<i32>} : memref<16x64xi32, #tpu.memory_space<vmem>>, vector<1x16xi32>,
      %get3A_118 = vector.shape_cast %get3A_117 : vector<1x16xi32> to vector<16xi32>
      %lt3A_119 = arith.constant 0 : i32
      %lt3A_120 = vector.broadcast %lt3A_119 : i32 to vector<16xi32>
      %lt3A_121 = arith.cmpi slt, %get3A_118, %lt3A_120 : vector<16xi32>
      %jit3A_122 = arith.constant 10000 : i32
      %broadcast_in_dim3A_123 = vector.broadcast %jit3A_122 : i32 to vector<16xi32>
      %select_n3A_124 = arith.select %lt3A_121, %broadcast_in_dim3A_123, %get3A_118 : vector<16xi1>, vector<16xi32>
      %swap3A_125 = arith.constant 1 : i32
      %swap3A_126 = arith.index_cast %swap3A_125 : i32 to index
      %swap3A_127 = arith.constant 16 : index
      %swap3A_128 = tpu.vector_load %arg6[%swap3A_126, %swap3A_127] {strides = array<i32>} : memref<2x64xi32, #tpu.memory_space<vmem>>, vector<1x16xi32>,
      %swap3A_129 = vector.shape_cast %swap3A_128 : vector<1x16xi32> to vector<16xi32>
      %swap3A_130 = vector.shape_cast %select_n3A_124 : vector<16xi32> to vector<1x16xi32>
      tpu.vector_store %arg6[%swap3A_126, %swap3A_127], %swap3A_130 {strides = array<i32>} : memref<2x64xi32, #tpu.memory_space<vmem>>, vector<1x16xi32>,
      %get3A_131 = arith.index_cast %add3A_98 : i32 to index
      %get3A_132 = arith.constant 32 : index
      %get3A_133 = tpu.vector_load %arg5[%get3A_131, %get3A_132] {strides = array<i32>} : memref<16x64xi32, #tpu.memory_space<vmem>>, vector<1x16xi32>,
      %get3A_134 = vector.shape_cast %get3A_133 : vector<1x16xi32> to vector<16xi32>
      %lt3A_135 = arith.constant 0 : i32
      %lt3A_136 = vector.broadcast %lt3A_135 : i32 to vector<16xi32>
      %lt3A_137 = arith.cmpi slt, %get3A_134, %lt3A_136 : vector<16xi32>
      %jit3A_138 = arith.constant 10000 : i32
      %broadcast_in_dim3A_139 = vector.broadcast %jit3A_138 : i32 to vector<16xi32>
      %select_n3A_140 = arith.select %lt3A_137, %broadcast_in_dim3A_139, %get3A_134 : vector<16xi1>, vector<16xi32>
      %swap3A_141 = arith.constant 1 : i32
      %swap3A_142 = arith.index_cast %swap3A_141 : i32 to index
      %swap3A_143 = arith.constant 32 : index
      %swap3A_144 = tpu.vector_load %arg6[%swap3A_142, %swap3A_143] {strides = array<i32>} : memref<2x64xi32, #tpu.memory_space<vmem>>, vector<1x16xi32>,
      %swap3A_145 = vector.shape_cast %swap3A_144 : vector<1x16xi32> to vector<16xi32>
      %swap3A_146 = vector.shape_cast %select_n3A_140 : vector<16xi32> to vector<1x16xi32>
      tpu.vector_store %arg6[%swap3A_142, %swap3A_143], %swap3A_146 {strides = array<i32>} : memref<2x64xi32, #tpu.memory_space<vmem>>, vector<1x16xi32>,
      %get3A_147 = arith.index_cast %add3A_98 : i32 to index
      %get3A_148 = arith.constant 48 : index
      %get3A_149 = tpu.vector_load %arg5[%get3A_147, %get3A_148] {strides = array<i32>} : memref<16x64xi32, #tpu.memory_space<vmem>>, vector<1x16xi32>,
      %get3A_150 = vector.shape_cast %get3A_149 : vector<1x16xi32> to vector<16xi32>
      %lt3A_151 = arith.constant 0 : i32
      %lt3A_152 = vector.broadcast %lt3A_151 : i32 to vector<16xi32>
      %lt3A_153 = arith.cmpi slt, %get3A_150, %lt3A_152 : vector<16xi32>
      %jit3A_154 = arith.constant 10000 : i32
      %broadcast_in_dim3A_155 = vector.broadcast %jit3A_154 : i32 to vector<16xi32>
      %select_n3A_156 = arith.select %lt3A_153, %broadcast_in_dim3A_155, %get3A_150 : vector<16xi1>, vector<16xi32>
      %swap3A_157 = arith.constant 1 : i32
      %swap3A_158 = arith.index_cast %swap3A_157 : i32 to index
      %swap3A_159 = arith.constant 48 : index
      %swap3A_160 = tpu.vector_load %arg6[%swap3A_158, %swap3A_159] {strides = array<i32>} : memref<2x64xi32, #tpu.memory_space<vmem>>, vector<1x16xi32>,
      %swap3A_161 = vector.shape_cast %swap3A_160 : vector<1x16xi32> to vector<16xi32>
      %swap3A_162 = vector.shape_cast %select_n3A_156 : vector<16xi32> to vector<1x16xi32>
      tpu.vector_store %arg6[%swap3A_158, %swap3A_159], %swap3A_162 {strides = array<i32>} : memref<2x64xi32, #tpu.memory_space<vmem>>, vector<1x16xi32>,
      %dma_start3A_163 = arith.constant 1 : i32
      %dma_start3A_164 = arith.constant 1 : i32
      %dma_start3A_165 = arith.constant 0 : i32
      %dma_start3A_166 = arith.constant 0 : i32
      %dma_start3A_167 = tpu.memref_slice %arg7[%dma_start3A_164, %dma_start3A_165, %dma_start3A_166] : memref<2x64x128xf32, #tpu.memory_space<vmem>> -> memref<1x64x128xf32, #tpu.memory_space<vmem>>
      %dma_start3A_168 = tpu.memref_squeeze %dma_start3A_167 : memref<1x64x128xf32, #tpu.memory_space<vmem>> -> memref<64x128xf32, #tpu.memory_space<vmem>>
      %dma_start3A_169 = arith.constant 0 : i32
      %dma_start3A_170 = tpu.memref_slice %arg6[%dma_start3A_163, %dma_start3A_169] : memref<2x64xi32, #tpu.memory_space<vmem>> -> memref<1x64xi32, #tpu.memory_space<vmem>>
      %dma_start3A_171 = tpu.memref_squeeze %dma_start3A_170 : memref<1x64xi32, #tpu.memory_space<vmem>> -> memref<64xi32, #tpu.memory_space<vmem>>
      %dma_start3A_172 = arith.constant 0 : i32
      %dma_start3A_173 = arith.constant 0 : i32
      %dma_start3A_174 = tpu.memref_slice %arg2[%dma_start3A_172, %dma_start3A_173] : memref<10240x128xf32, #tpu.memory_space<hbm>> -> memref<10240x128xf32, #tpu.memory_space<hbm>>
      tpu.enqueue_indirect_dma source(%dma_start3A_174 : memref<10240x128xf32, #tpu.memory_space<hbm>>) target(%dma_start3A_168 : memref<64x128xf32, #tpu.memory_space<vmem>>) offsets(%dma_start3A_171 : memref<64xi32, #tpu.memory_space<vmem>>) semaphore(%arg10 : memref<!tpu.dma_semaphore, #tpu.memory_space<semaphore_mem>>)
      %broadcast_in_dim3A_175 = arith.constant 0.000000e+00 : f32
      %broadcast_in_dim3A_176 = vector.broadcast %broadcast_in_dim3A_175 : f32 to vector<16xf32>
      %broadcast_in_dim3A_177 = arith.constant 0.000000e+00 : f32
      %broadcast_in_dim3A_178 = vector.broadcast %broadcast_in_dim3A_177 : f32 to vector<16xf32>
      %broadcast_in_dim3A_179 = arith.constant 0.000000e+00 : f32
      %broadcast_in_dim3A_180 = vector.broadcast %broadcast_in_dim3A_179 : f32 to vector<16xf32>
      %broadcast_in_dim3A_181 = arith.constant 0.000000e+00 : f32
      %broadcast_in_dim3A_182 = vector.broadcast %broadcast_in_dim3A_181 : f32 to vector<16xf32>
      %broadcast_in_dim3A_183 = arith.constant 0.000000e+00 : f32
      %broadcast_in_dim3A_184 = vector.broadcast %broadcast_in_dim3A_183 : f32 to vector<16xf32>
      %broadcast_in_dim3A_185 = arith.constant 0.000000e+00 : f32
      %broadcast_in_dim3A_186 = vector.broadcast %broadcast_in_dim3A_185 : f32 to vector<16xf32>
      %broadcast_in_dim3A_187 = arith.constant 0.000000e+00 : f32
      %broadcast_in_dim3A_188 = vector.broadcast %broadcast_in_dim3A_187 : f32 to vector<16xf32>
      %broadcast_in_dim3A_189 = arith.constant 0.000000e+00 : f32
      %broadcast_in_dim3A_190 = vector.broadcast %broadcast_in_dim3A_189 : f32 to vector<16xf32>
      %scan3A_191 = arith.constant 0 : i32
      %scan3A_192 = arith.constant 64 : i32
      %scan3A_193 = arith.addi %scan3A_191, %scan3A_192 : i32
      %scan3A_194 = arith.constant 1 : i32
      %scan3A_195:8 = scf.for %scan3A_317 = %scan3A_191 to %scan3A_193 step %scan3A_194 iter_args(%scan3A_318 = %broadcast_in_dim3A_176, %scan3A_319 = %broadcast_in_dim3A_178, %scan3A_320 = %broadcast_in_dim3A_180, %scan3A_321 = %broadcast_in_dim3A_182, %scan3A_322 = %broadcast_in_dim3A_184, %scan3A_323 = %broadcast_in_dim3A_186, %scan3A_324 = %broadcast_in_dim3A_188, %scan3A_325 = %broadcast_in_dim3A_190) -> (vector<16xf32>, vector<16xf32>, vector<16xf32>, vector<16xf32>, vector<16xf32>, vector<16xf32>, vector<16xf32>, vector<16xf32>)  : i32 {
        %get3A_326 = arith.constant 0 : i32
        %get3A_327 = arith.index_cast %get3A_326 : i32 to index
        %get3A_328 = arith.index_cast %scan3A_317 : i32 to index
        %get3A_329 = arith.constant 0 : index
        %get3A_330 = tpu.vector_load %arg7[%get3A_327, %get3A_328, %get3A_329] {strides = array<i32>} : memref<2x64x128xf32, #tpu.memory_space<vmem>>, vector<1x1x16xf32>,
        %get3A_331 = vector.shape_cast %get3A_330 : vector<1x1x16xf32> to vector<16xf32>
        %add3A_332 = arith.addf %scan3A_318, %get3A_331 : vector<16xf32>
        %get3A_333 = arith.constant 0 : i32
        %get3A_334 = arith.index_cast %get3A_333 : i32 to index
        %get3A_335 = arith.index_cast %scan3A_317 : i32 to index
        %get3A_336 = arith.constant 16 : index
        %get3A_337 = tpu.vector_load %arg7[%get3A_334, %get3A_335, %get3A_336] {strides = array<i32>} : memref<2x64x128xf32, #tpu.memory_space<vmem>>, vector<1x1x16xf32>,
        %get3A_338 = vector.shape_cast %get3A_337 : vector<1x1x16xf32> to vector<16xf32>
        %add3A_339 = arith.addf %scan3A_319, %get3A_338 : vector<16xf32>
        %get3A_340 = arith.constant 0 : i32
        %get3A_341 = arith.index_cast %get3A_340 : i32 to index
        %get3A_342 = arith.index_cast %scan3A_317 : i32 to index
        %get3A_343 = arith.constant 32 : index
        %get3A_344 = tpu.vector_load %arg7[%get3A_341, %get3A_342, %get3A_343] {strides = array<i32>} : memref<2x64x128xf32, #tpu.memory_space<vmem>>, vector<1x1x16xf32>,
        %get3A_345 = vector.shape_cast %get3A_344 : vector<1x1x16xf32> to vector<16xf32>
        %add3A_346 = arith.addf %scan3A_320, %get3A_345 : vector<16xf32>
        %get3A_347 = arith.constant 0 : i32
        %get3A_348 = arith.index_cast %get3A_347 : i32 to index
        %get3A_349 = arith.index_cast %scan3A_317 : i32 to index
        %get3A_350 = arith.constant 48 : index
        %get3A_351 = tpu.vector_load %arg7[%get3A_348, %get3A_349, %get3A_350] {strides = array<i32>} : memref<2x64x128xf32, #tpu.memory_space<vmem>>, vector<1x1x16xf32>,
        %get3A_352 = vector.shape_cast %get3A_351 : vector<1x1x16xf32> to vector<16xf32>
        %add3A_353 = arith.addf %scan3A_321, %get3A_352 : vector<16xf32>
        %get3A_354 = arith.constant 0 : i32
        %get3A_355 = arith.index_cast %get3A_354 : i32 to index
        %get3A_356 = arith.index_cast %scan3A_317 : i32 to index
        %get3A_357 = arith.constant 64 : index
        %get3A_358 = tpu.vector_load %arg7[%get3A_355, %get3A_356, %get3A_357] {strides = array<i32>} : memref<2x64x128xf32, #tpu.memory_space<vmem>>, vector<1x1x16xf32>,
        %get3A_359 = vector.shape_cast %get3A_358 : vector<1x1x16xf32> to vector<16xf32>
        %add3A_360 = arith.addf %scan3A_322, %get3A_359 : vector<16xf32>
        %get3A_361 = arith.constant 0 : i32
        %get3A_362 = arith.index_cast %get3A_361 : i32 to index
        %get3A_363 = arith.index_cast %scan3A_317 : i32 to index
        %get3A_364 = arith.constant 80 : index
        %get3A_365 = tpu.vector_load %arg7[%get3A_362, %get3A_363, %get3A_364] {strides = array<i32>} : memref<2x64x128xf32, #tpu.memory_space<vmem>>, vector<1x1x16xf32>,
        %get3A_366 = vector.shape_cast %get3A_365 : vector<1x1x16xf32> to vector<16xf32>
        %add3A_367 = arith.addf %scan3A_323, %get3A_366 : vector<16xf32>
        %get3A_368 = arith.constant 0 : i32
        %get3A_369 = arith.index_cast %get3A_368 : i32 to index
        %get3A_370 = arith.index_cast %scan3A_317 : i32 to index
        %get3A_371 = arith.constant 96 : index
        %get3A_372 = tpu.vector_load %arg7[%get3A_369, %get3A_370, %get3A_371] {strides = array<i32>} : memref<2x64x128xf32, #tpu.memory_space<vmem>>, vector<1x1x16xf32>,
        %get3A_373 = vector.shape_cast %get3A_372 : vector<1x1x16xf32> to vector<16xf32>
        %add3A_374 = arith.addf %scan3A_324, %get3A_373 : vector<16xf32>
        %get3A_375 = arith.constant 0 : i32
        %get3A_376 = arith.index_cast %get3A_375 : i32 to index
        %get3A_377 = arith.index_cast %scan3A_317 : i32 to index
        %get3A_378 = arith.constant 112 : index
        %get3A_379 = tpu.vector_load %arg7[%get3A_376, %get3A_377, %get3A_378] {strides = array<i32>} : memref<2x64x128xf32, #tpu.memory_space<vmem>>, vector<1x1x16xf32>,
        %get3A_380 = vector.shape_cast %get3A_379 : vector<1x1x16xf32> to vector<16xf32>
        %add3A_381 = arith.addf %scan3A_325, %get3A_380 : vector<16xf32>
        scf.yield %add3A_332, %add3A_339, %add3A_346, %add3A_353, %add3A_360, %add3A_367, %add3A_374, %add3A_381 : vector<16xf32>, vector<16xf32>, vector<16xf32>, vector<16xf32>, vector<16xf32>, vector<16xf32>, vector<16xf32>, vector<16xf32>
      }
      %scan3A_196 = arith.constant 64 : i32
      %swap3A_197 = arith.index_cast %mul3A_85 : i32 to index
      %swap3A_198 = arith.constant 0 : index
      %swap3A_199 = tpu.vector_load %arg8[%swap3A_197, %swap3A_198] {strides = array<i32>} : memref<16x128xf32, #tpu.memory_space<vmem>>, vector<1x16xf32>,
      %swap3A_200 = vector.shape_cast %swap3A_199 : vector<1x16xf32> to vector<16xf32>
      %swap3A_201 = vector.shape_cast %scan3A_195#0 : vector<16xf32> to vector<1x16xf32>
      tpu.vector_store %arg8[%swap3A_197, %swap3A_198], %swap3A_201 {strides = array<i32>} : memref<16x128xf32, #tpu.memory_space<vmem>>, vector<1x16xf32>,
      %swap3A_202 = arith.index_cast %mul3A_85 : i32 to index
      %swap3A_203 = arith.constant 16 : index
      %swap3A_204 = tpu.vector_load %arg8[%swap3A_202, %swap3A_203] {strides = array<i32>} : memref<16x128xf32, #tpu.memory_space<vmem>>, vector<1x16xf32>,
      %swap3A_205 = vector.shape_cast %swap3A_204 : vector<1x16xf32> to vector<16xf32>
      %swap3A_206 = vector.shape_cast %scan3A_195#1 : vector<16xf32> to vector<1x16xf32>
      tpu.vector_store %arg8[%swap3A_202, %swap3A_203], %swap3A_206 {strides = array<i32>} : memref<16x128xf32, #tpu.memory_space<vmem>>, vector<1x16xf32>,
      %swap3A_207 = arith.index_cast %mul3A_85 : i32 to index
      %swap3A_208 = arith.constant 32 : index
      %swap3A_209 = tpu.vector_load %arg8[%swap3A_207, %swap3A_208] {strides = array<i32>} : memref<16x128xf32, #tpu.memory_space<vmem>>, vector<1x16xf32>,
      %swap3A_210 = vector.shape_cast %swap3A_209 : vector<1x16xf32> to vector<16xf32>
      %swap3A_211 = vector.shape_cast %scan3A_195#2 : vector<16xf32> to vector<1x16xf32>
      tpu.vector_store %arg8[%swap3A_207, %swap3A_208], %swap3A_211 {strides = array<i32>} : memref<16x128xf32, #tpu.memory_space<vmem>>, vector<1x16xf32>,
      %swap3A_212 = arith.index_cast %mul3A_85 : i32 to index
      %swap3A_213 = arith.constant 48 : index
      %swap3A_214 = tpu.vector_load %arg8[%swap3A_212, %swap3A_213] {strides = array<i32>} : memref<16x128xf32, #tpu.memory_space<vmem>>, vector<1x16xf32>,
      %swap3A_215 = vector.shape_cast %swap3A_214 : vector<1x16xf32> to vector<16xf32>
      %swap3A_216 = vector.shape_cast %scan3A_195#3 : vector<16xf32> to vector<1x16xf32>
      tpu.vector_store %arg8[%swap3A_212, %swap3A_213], %swap3A_216 {strides = array<i32>} : memref<16x128xf32, #tpu.memory_space<vmem>>, vector<1x16xf32>,
      %swap3A_217 = arith.index_cast %mul3A_85 : i32 to index
      %swap3A_218 = arith.constant 64 : index
      %swap3A_219 = tpu.vector_load %arg8[%swap3A_217, %swap3A_218] {strides = array<i32>} : memref<16x128xf32, #tpu.memory_space<vmem>>, vector<1x16xf32>,
      %swap3A_220 = vector.shape_cast %swap3A_219 : vector<1x16xf32> to vector<16xf32>
      %swap3A_221 = vector.shape_cast %scan3A_195#4 : vector<16xf32> to vector<1x16xf32>
      tpu.vector_store %arg8[%swap3A_217, %swap3A_218], %swap3A_221 {strides = array<i32>} : memref<16x128xf32, #tpu.memory_space<vmem>>, vector<1x16xf32>,
      %swap3A_222 = arith.index_cast %mul3A_85 : i32 to index
      %swap3A_223 = arith.constant 80 : index
      %swap3A_224 = tpu.vector_load %arg8[%swap3A_222, %swap3A_223] {strides = array<i32>} : memref<16x128xf32, #tpu.memory_space<vmem>>, vector<1x16xf32>,
      %swap3A_225 = vector.shape_cast %swap3A_224 : vector<1x16xf32> to vector<16xf32>
      %swap3A_226 = vector.shape_cast %scan3A_195#5 : vector<16xf32> to vector<1x16xf32>
      tpu.vector_store %arg8[%swap3A_222, %swap3A_223], %swap3A_226 {strides = array<i32>} : memref<16x128xf32, #tpu.memory_space<vmem>>, vector<1x16xf32>,
      %swap3A_227 = arith.index_cast %mul3A_85 : i32 to index
      %swap3A_228 = arith.constant 96 : index
      %swap3A_229 = tpu.vector_load %arg8[%swap3A_227, %swap3A_228] {strides = array<i32>} : memref<16x128xf32, #tpu.memory_space<vmem>>, vector<1x16xf32>,
      %swap3A_230 = vector.shape_cast %swap3A_229 : vector<1x16xf32> to vector<16xf32>
      %swap3A_231 = vector.shape_cast %scan3A_195#6 : vector<16xf32> to vector<1x16xf32>
      tpu.vector_store %arg8[%swap3A_227, %swap3A_228], %swap3A_231 {strides = array<i32>} : memref<16x128xf32, #tpu.memory_space<vmem>>, vector<1x16xf32>,
      %swap3A_232 = arith.index_cast %mul3A_85 : i32 to index
      %swap3A_233 = arith.constant 112 : index
      %swap3A_234 = tpu.vector_load %arg8[%swap3A_232, %swap3A_233] {strides = array<i32>} : memref<16x128xf32, #tpu.memory_space<vmem>>, vector<1x16xf32>,
      %swap3A_235 = vector.shape_cast %swap3A_234 : vector<1x16xf32> to vector<16xf32>
      %swap3A_236 = vector.shape_cast %scan3A_195#7 : vector<16xf32> to vector<1x16xf32>
      tpu.vector_store %arg8[%swap3A_232, %swap3A_233], %swap3A_236 {strides = array<i32>} : memref<16x128xf32, #tpu.memory_space<vmem>>, vector<1x16xf32>,
      %dma_wait3A_237 = arith.constant 0 : i32
      %dma_wait3A_238 = arith.constant 1 : i32
      %dma_wait3A_239 = arith.constant 0 : i32
      %dma_wait3A_240 = arith.constant 0 : i32
      %dma_wait3A_241 = tpu.memref_slice %arg7[%dma_wait3A_238, %dma_wait3A_239, %dma_wait3A_240] : memref<2x64x128xf32, #tpu.memory_space<vmem>> -> memref<1x64x128xf32, #tpu.memory_space<vmem>>
      %dma_wait3A_242 = tpu.memref_squeeze %dma_wait3A_241 : memref<1x64x128xf32, #tpu.memory_space<vmem>> -> memref<64x128xf32, #tpu.memory_space<vmem>>
      %dma_wait3A_243 = arith.constant 0 : i32
      %dma_wait3A_244 = tpu.memref_slice %arg6[%dma_wait3A_237, %dma_wait3A_243] : memref<2x64xi32, #tpu.memory_space<vmem>> -> memref<1x64xi32, #tpu.memory_space<vmem>>
      %dma_wait3A_245 = tpu.memref_squeeze %dma_wait3A_244 : memref<1x64xi32, #tpu.memory_space<vmem>> -> memref<64xi32, #tpu.memory_space<vmem>>
      %dma_wait3A_246 = arith.constant 0 : i32
      %dma_wait3A_247 = arith.constant 0 : i32
      %dma_wait3A_248 = tpu.memref_slice %arg2[%dma_wait3A_246, %dma_wait3A_247] : memref<10240x128xf32, #tpu.memory_space<hbm>> -> memref<10240x128xf32, #tpu.memory_space<hbm>>
      tpu.wait_indirect_dma semaphore(%arg10 : memref<!tpu.dma_semaphore, #tpu.memory_space<semaphore_mem>>) src(%dma_wait3A_248 : memref<10240x128xf32, #tpu.memory_space<hbm>>) dst(%dma_wait3A_242 : memref<64x128xf32, #tpu.memory_space<vmem>>)
      %lt3A_249 = arith.constant 7 : i32
      %lt3A_250 = arith.cmpi slt, %scan3A_82, %lt3A_249 : i32
      %convert_element_type3A = arith.extui %lt3A_250 : i1 to i32
      %cond3A = arith.constant 0 : i32
      %cond3A_251 = arith.cmpi ne, %convert_element_type3A, %cond3A : i32
      scf.if %cond3A_251 {
        %add3A_317 = arith.constant 2 : i32
        %add3A_318 = arith.addi %mul3A_85, %add3A_317 : i32
        %get3A_319 = arith.index_cast %add3A_318 : i32 to index
        %get3A_320 = arith.constant 0 : index
        %get3A_321 = tpu.vector_load %arg5[%get3A_319, %get3A_320] {strides = array<i32>} : memref<16x64xi32, #tpu.memory_space<vmem>>, vector<1x16xi32>,
        %get3A_322 = vector.shape_cast %get3A_321 : vector<1x16xi32> to vector<16xi32>
        %lt3A_323 = arith.constant 0 : i32
        %lt3A_324 = vector.broadcast %lt3A_323 : i32 to vector<16xi32>
        %lt3A_325 = arith.cmpi slt, %get3A_322, %lt3A_324 : vector<16xi32>
        %jit3A_326 = arith.constant 10000 : i32
        %broadcast_in_dim3A_327 = vector.broadcast %jit3A_326 : i32 to vector<16xi32>
        %select_n3A_328 = arith.select %lt3A_325, %broadcast_in_dim3A_327, %get3A_322 : vector<16xi1>, vector<16xi32>
        %swap3A_329 = arith.constant 0 : i32
        %swap3A_330 = arith.index_cast %swap3A_329 : i32 to index
        %swap3A_331 = arith.constant 0 : index
        %swap3A_332 = tpu.vector_load %arg6[%swap3A_330, %swap3A_331] {strides = array<i32>} : memref<2x64xi32, #tpu.memory_space<vmem>>, vector<1x16xi32>,
        %swap3A_333 = vector.shape_cast %swap3A_332 : vector<1x16xi32> to vector<16xi32>
        %swap3A_334 = vector.shape_cast %select_n3A_328 : vector<16xi32> to vector<1x16xi32>
        tpu.vector_store %arg6[%swap3A_330, %swap3A_331], %swap3A_334 {strides = array<i32>} : memref<2x64xi32, #tpu.memory_space<vmem>>, vector<1x16xi32>,
        %get3A_335 = arith.index_cast %add3A_318 : i32 to index
        %get3A_336 = arith.constant 16 : index
        %get3A_337 = tpu.vector_load %arg5[%get3A_335, %get3A_336] {strides = array<i32>} : memref<16x64xi32, #tpu.memory_space<vmem>>, vector<1x16xi32>,
        %get3A_338 = vector.shape_cast %get3A_337 : vector<1x16xi32> to vector<16xi32>
        %lt3A_339 = arith.constant 0 : i32
        %lt3A_340 = vector.broadcast %lt3A_339 : i32 to vector<16xi32>
        %lt3A_341 = arith.cmpi slt, %get3A_338, %lt3A_340 : vector<16xi32>
        %jit3A_342 = arith.constant 10000 : i32
        %broadcast_in_dim3A_343 = vector.broadcast %jit3A_342 : i32 to vector<16xi32>
        %select_n3A_344 = arith.select %lt3A_341, %broadcast_in_dim3A_343, %get3A_338 : vector<16xi1>, vector<16xi32>
        %swap3A_345 = arith.constant 0 : i32
        %swap3A_346 = arith.index_cast %swap3A_345 : i32 to index
        %swap3A_347 = arith.constant 16 : index
        %swap3A_348 = tpu.vector_load %arg6[%swap3A_346, %swap3A_347] {strides = array<i32>} : memref<2x64xi32, #tpu.memory_space<vmem>>, vector<1x16xi32>,
        %swap3A_349 = vector.shape_cast %swap3A_348 : vector<1x16xi32> to vector<16xi32>
        %swap3A_350 = vector.shape_cast %select_n3A_344 : vector<16xi32> to vector<1x16xi32>
        tpu.vector_store %arg6[%swap3A_346, %swap3A_347], %swap3A_350 {strides = array<i32>} : memref<2x64xi32, #tpu.memory_space<vmem>>, vector<1x16xi32>,
        %get3A_351 = arith.index_cast %add3A_318 : i32 to index
        %get3A_352 = arith.constant 32 : index
        %get3A_353 = tpu.vector_load %arg5[%get3A_351, %get3A_352] {strides = array<i32>} : memref<16x64xi32, #tpu.memory_space<vmem>>, vector<1x16xi32>,
        %get3A_354 = vector.shape_cast %get3A_353 : vector<1x16xi32> to vector<16xi32>
        %lt3A_355 = arith.constant 0 : i32
        %lt3A_356 = vector.broadcast %lt3A_355 : i32 to vector<16xi32>
        %lt3A_357 = arith.cmpi slt, %get3A_354, %lt3A_356 : vector<16xi32>
        %jit3A_358 = arith.constant 10000 : i32
        %broadcast_in_dim3A_359 = vector.broadcast %jit3A_358 : i32 to vector<16xi32>
        %select_n3A_360 = arith.select %lt3A_357, %broadcast_in_dim3A_359, %get3A_354 : vector<16xi1>, vector<16xi32>
        %swap3A_361 = arith.constant 0 : i32
        %swap3A_362 = arith.index_cast %swap3A_361 : i32 to index
        %swap3A_363 = arith.constant 32 : index
        %swap3A_364 = tpu.vector_load %arg6[%swap3A_362, %swap3A_363] {strides = array<i32>} : memref<2x64xi32, #tpu.memory_space<vmem>>, vector<1x16xi32>,
        %swap3A_365 = vector.shape_cast %swap3A_364 : vector<1x16xi32> to vector<16xi32>
        %swap3A_366 = vector.shape_cast %select_n3A_360 : vector<16xi32> to vector<1x16xi32>
        tpu.vector_store %arg6[%swap3A_362, %swap3A_363], %swap3A_366 {strides = array<i32>} : memref<2x64xi32, #tpu.memory_space<vmem>>, vector<1x16xi32>,
        %get3A_367 = arith.index_cast %add3A_318 : i32 to index
        %get3A_368 = arith.constant 48 : index
        %get3A_369 = tpu.vector_load %arg5[%get3A_367, %get3A_368] {strides = array<i32>} : memref<16x64xi32, #tpu.memory_space<vmem>>, vector<1x16xi32>,
        %get3A_370 = vector.shape_cast %get3A_369 : vector<1x16xi32> to vector<16xi32>
        %lt3A_371 = arith.constant 0 : i32
        %lt3A_372 = vector.broadcast %lt3A_371 : i32 to vector<16xi32>
        %lt3A_373 = arith.cmpi slt, %get3A_370, %lt3A_372 : vector<16xi32>
        %jit3A_374 = arith.constant 10000 : i32
        %broadcast_in_dim3A_375 = vector.broadcast %jit3A_374 : i32 to vector<16xi32>
        %select_n3A_376 = arith.select %lt3A_373, %broadcast_in_dim3A_375, %get3A_370 : vector<16xi1>, vector<16xi32>
        %swap3A_377 = arith.constant 0 : i32
        %swap3A_378 = arith.index_cast %swap3A_377 : i32 to index
        %swap3A_379 = arith.constant 48 : index
        %swap3A_380 = tpu.vector_load %arg6[%swap3A_378, %swap3A_379] {strides = array<i32>} : memref<2x64xi32, #tpu.memory_space<vmem>>, vector<1x16xi32>,
        %swap3A_381 = vector.shape_cast %swap3A_380 : vector<1x16xi32> to vector<16xi32>
        %swap3A_382 = vector.shape_cast %select_n3A_376 : vector<16xi32> to vector<1x16xi32>
        tpu.vector_store %arg6[%swap3A_378, %swap3A_379], %swap3A_382 {strides = array<i32>} : memref<2x64xi32, #tpu.memory_space<vmem>>, vector<1x16xi32>,
        %dma_start3A_383 = arith.constant 0 : i32
        %dma_start3A_384 = arith.constant 0 : i32
        %dma_start3A_385 = arith.constant 0 : i32
        %dma_start3A_386 = arith.constant 0 : i32
        %dma_start3A_387 = tpu.memref_slice %arg7[%dma_start3A_384, %dma_start3A_385, %dma_start3A_386] : memref<2x64x128xf32, #tpu.memory_space<vmem>> -> memref<1x64x128xf32, #tpu.memory_space<vmem>>
        %dma_start3A_388 = tpu.memref_squeeze %dma_start3A_387 : memref<1x64x128xf32, #tpu.memory_space<vmem>> -> memref<64x128xf32, #tpu.memory_space<vmem>>
        %dma_start3A_389 = arith.constant 0 : i32
        %dma_start3A_390 = tpu.memref_slice %arg6[%dma_start3A_383, %dma_start3A_389] : memref<2x64xi32, #tpu.memory_space<vmem>> -> memref<1x64xi32, #tpu.memory_space<vmem>>
        %dma_start3A_391 = tpu.memref_squeeze %dma_start3A_390 : memref<1x64xi32, #tpu.memory_space<vmem>> -> memref<64xi32, #tpu.memory_space<vmem>>
        %dma_start3A_392 = arith.constant 0 : i32
        %dma_start3A_393 = arith.constant 0 : i32
        %dma_start3A_394 = tpu.memref_slice %arg2[%dma_start3A_392, %dma_start3A_393] : memref<10240x128xf32, #tpu.memory_space<hbm>> -> memref<10240x128xf32, #tpu.memory_space<hbm>>
        tpu.enqueue_indirect_dma source(%dma_start3A_394 : memref<10240x128xf32, #tpu.memory_space<hbm>>) target(%dma_start3A_388 : memref<64x128xf32, #tpu.memory_space<vmem>>) offsets(%dma_start3A_391 : memref<64xi32, #tpu.memory_space<vmem>>) semaphore(%arg9 : memref<!tpu.dma_semaphore, #tpu.memory_space<semaphore_mem>>)
      } else {
      }
      %add3A_252 = arith.constant 1 : i32
      %add3A_253 = arith.addi %mul3A_85, %add3A_252 : i32
      %broadcast_in_dim3A_254 = arith.constant 0.000000e+00 : f32
      %broadcast_in_dim3A_255 = vector.broadcast %broadcast_in_dim3A_254 : f32 to vector<16xf32>
      %broadcast_in_dim3A_256 = arith.constant 0.000000e+00 : f32
      %broadcast_in_dim3A_257 = vector.broadcast %broadcast_in_dim3A_256 : f32 to vector<16xf32>
      %broadcast_in_dim3A_258 = arith.constant 0.000000e+00 : f32
      %broadcast_in_dim3A_259 = vector.broadcast %broadcast_in_dim3A_258 : f32 to vector<16xf32>
      %broadcast_in_dim3A_260 = arith.constant 0.000000e+00 : f32
      %broadcast_in_dim3A_261 = vector.broadcast %broadcast_in_dim3A_260 : f32 to vector<16xf32>
      %broadcast_in_dim3A_262 = arith.constant 0.000000e+00 : f32
      %broadcast_in_dim3A_263 = vector.broadcast %broadcast_in_dim3A_262 : f32 to vector<16xf32>
      %broadcast_in_dim3A_264 = arith.constant 0.000000e+00 : f32
      %broadcast_in_dim3A_265 = vector.broadcast %broadcast_in_dim3A_264 : f32 to vector<16xf32>
      %broadcast_in_dim3A_266 = arith.constant 0.000000e+00 : f32
      %broadcast_in_dim3A_267 = vector.broadcast %broadcast_in_dim3A_266 : f32 to vector<16xf32>
      %broadcast_in_dim3A_268 = arith.constant 0.000000e+00 : f32
      %broadcast_in_dim3A_269 = vector.broadcast %broadcast_in_dim3A_268 : f32 to vector<16xf32>
      %scan3A_270 = arith.constant 0 : i32
      %scan3A_271 = arith.constant 64 : i32
      %scan3A_272 = arith.addi %scan3A_270, %scan3A_271 : i32
      %scan3A_273 = arith.constant 1 : i32
      %scan3A_274:8 = scf.for %scan3A_317 = %scan3A_270 to %scan3A_272 step %scan3A_273 iter_args(%scan3A_318 = %broadcast_in_dim3A_255, %scan3A_319 = %broadcast_in_dim3A_257, %scan3A_320 = %broadcast_in_dim3A_259, %scan3A_321 = %broadcast_in_dim3A_261, %scan3A_322 = %broadcast_in_dim3A_263, %scan3A_323 = %broadcast_in_dim3A_265, %scan3A_324 = %broadcast_in_dim3A_267, %scan3A_325 = %broadcast_in_dim3A_269) -> (vector<16xf32>, vector<16xf32>, vector<16xf32>, vector<16xf32>, vector<16xf32>, vector<16xf32>, vector<16xf32>, vector<16xf32>)  : i32 {
        %get3A_326 = arith.constant 1 : i32
        %get3A_327 = arith.index_cast %get3A_326 : i32 to index
        %get3A_328 = arith.index_cast %scan3A_317 : i32 to index
        %get3A_329 = arith.constant 0 : index
        %get3A_330 = tpu.vector_load %arg7[%get3A_327, %get3A_328, %get3A_329] {strides = array<i32>} : memref<2x64x128xf32, #tpu.memory_space<vmem>>, vector<1x1x16xf32>,
        %get3A_331 = vector.shape_cast %get3A_330 : vector<1x1x16xf32> to vector<16xf32>
        %add3A_332 = arith.addf %scan3A_318, %get3A_331 : vector<16xf32>
        %get3A_333 = arith.constant 1 : i32
        %get3A_334 = arith.index_cast %get3A_333 : i32 to index
        %get3A_335 = arith.index_cast %scan3A_317 : i32 to index
        %get3A_336 = arith.constant 16 : index
        %get3A_337 = tpu.vector_load %arg7[%get3A_334, %get3A_335, %get3A_336] {strides = array<i32>} : memref<2x64x128xf32, #tpu.memory_space<vmem>>, vector<1x1x16xf32>,
        %get3A_338 = vector.shape_cast %get3A_337 : vector<1x1x16xf32> to vector<16xf32>
        %add3A_339 = arith.addf %scan3A_319, %get3A_338 : vector<16xf32>
        %get3A_340 = arith.constant 1 : i32
        %get3A_341 = arith.index_cast %get3A_340 : i32 to index
        %get3A_342 = arith.index_cast %scan3A_317 : i32 to index
        %get3A_343 = arith.constant 32 : index
        %get3A_344 = tpu.vector_load %arg7[%get3A_341, %get3A_342, %get3A_343] {strides = array<i32>} : memref<2x64x128xf32, #tpu.memory_space<vmem>>, vector<1x1x16xf32>,
        %get3A_345 = vector.shape_cast %get3A_344 : vector<1x1x16xf32> to vector<16xf32>
        %add3A_346 = arith.addf %scan3A_320, %get3A_345 : vector<16xf32>
        %get3A_347 = arith.constant 1 : i32
        %get3A_348 = arith.index_cast %get3A_347 : i32 to index
        %get3A_349 = arith.index_cast %scan3A_317 : i32 to index
        %get3A_350 = arith.constant 48 : index
        %get3A_351 = tpu.vector_load %arg7[%get3A_348, %get3A_349, %get3A_350] {strides = array<i32>} : memref<2x64x128xf32, #tpu.memory_space<vmem>>, vector<1x1x16xf32>,
        %get3A_352 = vector.shape_cast %get3A_351 : vector<1x1x16xf32> to vector<16xf32>
        %add3A_353 = arith.addf %scan3A_321, %get3A_352 : vector<16xf32>
        %get3A_354 = arith.constant 1 : i32
        %get3A_355 = arith.index_cast %get3A_354 : i32 to index
        %get3A_356 = arith.index_cast %scan3A_317 : i32 to index
        %get3A_357 = arith.constant 64 : index
        %get3A_358 = tpu.vector_load %arg7[%get3A_355, %get3A_356, %get3A_357] {strides = array<i32>} : memref<2x64x128xf32, #tpu.memory_space<vmem>>, vector<1x1x16xf32>,
        %get3A_359 = vector.shape_cast %get3A_358 : vector<1x1x16xf32> to vector<16xf32>
        %add3A_360 = arith.addf %scan3A_322, %get3A_359 : vector<16xf32>
        %get3A_361 = arith.constant 1 : i32
        %get3A_362 = arith.index_cast %get3A_361 : i32 to index
        %get3A_363 = arith.index_cast %scan3A_317 : i32 to index
        %get3A_364 = arith.constant 80 : index
        %get3A_365 = tpu.vector_load %arg7[%get3A_362, %get3A_363, %get3A_364] {strides = array<i32>} : memref<2x64x128xf32, #tpu.memory_space<vmem>>, vector<1x1x16xf32>,
        %get3A_366 = vector.shape_cast %get3A_365 : vector<1x1x16xf32> to vector<16xf32>
        %add3A_367 = arith.addf %scan3A_323, %get3A_366 : vector<16xf32>
        %get3A_368 = arith.constant 1 : i32
        %get3A_369 = arith.index_cast %get3A_368 : i32 to index
        %get3A_370 = arith.index_cast %scan3A_317 : i32 to index
        %get3A_371 = arith.constant 96 : index
        %get3A_372 = tpu.vector_load %arg7[%get3A_369, %get3A_370, %get3A_371] {strides = array<i32>} : memref<2x64x128xf32, #tpu.memory_space<vmem>>, vector<1x1x16xf32>,
        %get3A_373 = vector.shape_cast %get3A_372 : vector<1x1x16xf32> to vector<16xf32>
        %add3A_374 = arith.addf %scan3A_324, %get3A_373 : vector<16xf32>
        %get3A_375 = arith.constant 1 : i32
        %get3A_376 = arith.index_cast %get3A_375 : i32 to index
        %get3A_377 = arith.index_cast %scan3A_317 : i32 to index
        %get3A_378 = arith.constant 112 : index
        %get3A_379 = tpu.vector_load %arg7[%get3A_376, %get3A_377, %get3A_378] {strides = array<i32>} : memref<2x64x128xf32, #tpu.memory_space<vmem>>, vector<1x1x16xf32>,
        %get3A_380 = vector.shape_cast %get3A_379 : vector<1x1x16xf32> to vector<16xf32>
        %add3A_381 = arith.addf %scan3A_325, %get3A_380 : vector<16xf32>
        scf.yield %add3A_332, %add3A_339, %add3A_346, %add3A_353, %add3A_360, %add3A_367, %add3A_374, %add3A_381 : vector<16xf32>, vector<16xf32>, vector<16xf32>, vector<16xf32>, vector<16xf32>, vector<16xf32>, vector<16xf32>, vector<16xf32>
      }
      %scan3A_275 = arith.constant 64 : i32
      %swap3A_276 = arith.index_cast %add3A_253 : i32 to index
      %swap3A_277 = arith.constant 0 : index
      %swap3A_278 = tpu.vector_load %arg8[%swap3A_276, %swap3A_277] {strides = array<i32>} : memref<16x128xf32, #tpu.memory_space<vmem>>, vector<1x16xf32>,
      %swap3A_279 = vector.shape_cast %swap3A_278 : vector<1x16xf32> to vector<16xf32>
      %swap3A_280 = vector.shape_cast %scan3A_274#0 : vector<16xf32> to vector<1x16xf32>
      tpu.vector_store %arg8[%swap3A_276, %swap3A_277], %swap3A_280 {strides = array<i32>} : memref<16x128xf32, #tpu.memory_space<vmem>>, vector<1x16xf32>,
      %swap3A_281 = arith.index_cast %add3A_253 : i32 to index
      %swap3A_282 = arith.constant 16 : index
      %swap3A_283 = tpu.vector_load %arg8[%swap3A_281, %swap3A_282] {strides = array<i32>} : memref<16x128xf32, #tpu.memory_space<vmem>>, vector<1x16xf32>,
      %swap3A_284 = vector.shape_cast %swap3A_283 : vector<1x16xf32> to vector<16xf32>
      %swap3A_285 = vector.shape_cast %scan3A_274#1 : vector<16xf32> to vector<1x16xf32>
      tpu.vector_store %arg8[%swap3A_281, %swap3A_282], %swap3A_285 {strides = array<i32>} : memref<16x128xf32, #tpu.memory_space<vmem>>, vector<1x16xf32>,
      %swap3A_286 = arith.index_cast %add3A_253 : i32 to index
      %swap3A_287 = arith.constant 32 : index
      %swap3A_288 = tpu.vector_load %arg8[%swap3A_286, %swap3A_287] {strides = array<i32>} : memref<16x128xf32, #tpu.memory_space<vmem>>, vector<1x16xf32>,
      %swap3A_289 = vector.shape_cast %swap3A_288 : vector<1x16xf32> to vector<16xf32>
      %swap3A_290 = vector.shape_cast %scan3A_274#2 : vector<16xf32> to vector<1x16xf32>
      tpu.vector_store %arg8[%swap3A_286, %swap3A_287], %swap3A_290 {strides = array<i32>} : memref<16x128xf32, #tpu.memory_space<vmem>>, vector<1x16xf32>,
      %swap3A_291 = arith.index_cast %add3A_253 : i32 to index
      %swap3A_292 = arith.constant 48 : index
      %swap3A_293 = tpu.vector_load %arg8[%swap3A_291, %swap3A_292] {strides = array<i32>} : memref<16x128xf32, #tpu.memory_space<vmem>>, vector<1x16xf32>,
      %swap3A_294 = vector.shape_cast %swap3A_293 : vector<1x16xf32> to vector<16xf32>
      %swap3A_295 = vector.shape_cast %scan3A_274#3 : vector<16xf32> to vector<1x16xf32>
      tpu.vector_store %arg8[%swap3A_291, %swap3A_292], %swap3A_295 {strides = array<i32>} : memref<16x128xf32, #tpu.memory_space<vmem>>, vector<1x16xf32>,
      %swap3A_296 = arith.index_cast %add3A_253 : i32 to index
      %swap3A_297 = arith.constant 64 : index
      %swap3A_298 = tpu.vector_load %arg8[%swap3A_296, %swap3A_297] {strides = array<i32>} : memref<16x128xf32, #tpu.memory_space<vmem>>, vector<1x16xf32>,
      %swap3A_299 = vector.shape_cast %swap3A_298 : vector<1x16xf32> to vector<16xf32>
      %swap3A_300 = vector.shape_cast %scan3A_274#4 : vector<16xf32> to vector<1x16xf32>
      tpu.vector_store %arg8[%swap3A_296, %swap3A_297], %swap3A_300 {strides = array<i32>} : memref<16x128xf32, #tpu.memory_space<vmem>>, vector<1x16xf32>,
      %swap3A_301 = arith.index_cast %add3A_253 : i32 to index
      %swap3A_302 = arith.constant 80 : index
      %swap3A_303 = tpu.vector_load %arg8[%swap3A_301, %swap3A_302] {strides = array<i32>} : memref<16x128xf32, #tpu.memory_space<vmem>>, vector<1x16xf32>,
      %swap3A_304 = vector.shape_cast %swap3A_303 : vector<1x16xf32> to vector<16xf32>
      %swap3A_305 = vector.shape_cast %scan3A_274#5 : vector<16xf32> to vector<1x16xf32>
      tpu.vector_store %arg8[%swap3A_301, %swap3A_302], %swap3A_305 {strides = array<i32>} : memref<16x128xf32, #tpu.memory_space<vmem>>, vector<1x16xf32>,
      %swap3A_306 = arith.index_cast %add3A_253 : i32 to index
      %swap3A_307 = arith.constant 96 : index
      %swap3A_308 = tpu.vector_load %arg8[%swap3A_306, %swap3A_307] {strides = array<i32>} : memref<16x128xf32, #tpu.memory_space<vmem>>, vector<1x16xf32>,
      %swap3A_309 = vector.shape_cast %swap3A_308 : vector<1x16xf32> to vector<16xf32>
      %swap3A_310 = vector.shape_cast %scan3A_274#6 : vector<16xf32> to vector<1x16xf32>
      tpu.vector_store %arg8[%swap3A_306, %swap3A_307], %swap3A_310 {strides = array<i32>} : memref<16x128xf32, #tpu.memory_space<vmem>>, vector<1x16xf32>,
      %swap3A_311 = arith.index_cast %add3A_253 : i32 to index
      %swap3A_312 = arith.constant 112 : index
      %swap3A_313 = tpu.vector_load %arg8[%swap3A_311, %swap3A_312] {strides = array<i32>} : memref<16x128xf32, #tpu.memory_space<vmem>>, vector<1x16xf32>,
      %swap3A_314 = vector.shape_cast %swap3A_313 : vector<1x16xf32> to vector<16xf32>
      %swap3A_315 = vector.shape_cast %scan3A_274#7 : vector<16xf32> to vector<1x16xf32>
      tpu.vector_store %arg8[%swap3A_311, %swap3A_312], %swap3A_315 {strides = array<i32>} : memref<16x128xf32, #tpu.memory_space<vmem>>, vector<1x16xf32>,
      %scan3A_316 = arith.constant 0 : i32
      scf.yield %scan3A_316 : i32
    }
    %scan3A_79 = arith.constant 8 : i32
    %mul3A_80 = arith.constant 16 : i32
    %mul3A_81 = arith.muli %add3A, %mul3A_80 : i32
    "tpu.region"() ({
      %run_scoped3A = tpu.sem_alloc : memref<!tpu.dma_semaphore, #tpu.memory_space<semaphore_mem>>
      %dma_start3A_82 = arith.constant 0 : i32
      %dma_start3A_83 = tpu.memref_slice %arg4[%mul3A_81, %dma_start3A_82] : memref<512x128xf32, #tpu.memory_space<hbm>> -> memref<16x128xf32, #tpu.memory_space<hbm>>
      %dma_start3A_84 = arith.constant 0 : i32
      %dma_start3A_85 = tpu.memref_slice %arg4[%mul3A_81, %dma_start3A_84] : memref<512x128xf32, #tpu.memory_space<hbm>> -> memref<16x128xf32, #tpu.memory_space<hbm>>
      tpu.enqueue_dma source(%arg8 : memref<16x128xf32, #tpu.memory_space<vmem>>) target(%dma_start3A_85 : memref<16x128xf32, #tpu.memory_space<hbm>>) target_semaphore(%run_scoped3A : memref<!tpu.dma_semaphore, #tpu.memory_space<semaphore_mem>>)
      %dma_wait3A = arith.constant 0 : i32
      %dma_wait3A_86 = tpu.memref_slice %arg4[%mul3A_81, %dma_wait3A] : memref<512x128xf32, #tpu.memory_space<hbm>> -> memref<16x128xf32, #tpu.memory_space<hbm>>
      %dma_wait3A_87 = arith.constant 0 : i32
      %dma_wait3A_88 = tpu.memref_slice %arg4[%mul3A_81, %dma_wait3A_87] : memref<512x128xf32, #tpu.memory_space<hbm>> -> memref<16x128xf32, #tpu.memory_space<hbm>>
      tpu.wait_dma2 semaphore(%run_scoped3A : memref<!tpu.dma_semaphore, #tpu.memory_space<semaphore_mem>>) src(%arg8 : memref<16x128xf32, #tpu.memory_space<vmem>>) dst(%dma_wait3A_88 : memref<16x128xf32, #tpu.memory_space<hbm>>)
      tpu.yield
    }) : () -> ()
    return
  }
}

module attributes {stable_mosaic.version = 14 : i64} {
  func.func @body(%arg0: memref<1008x128xf32, #tpu.memory_space<vmem>>, %arg1: memref<128x128xf32, #tpu.memory_space<vmem>>, %arg2: memref<1008x128xf32, #tpu.memory_space<vmem>>) attributes {dimension_semantics = [], scalar_prefetch = 0 : i64, scratch_operands = 0 : i64, tpu.core_type = #tpu.core_type<tc>} {
    %get3A = arith.constant 0 : index
    %get3A_0 = arith.constant 0 : index
    %get3A_1 = vector.load %arg0[%get3A, %get3A_0] : memref<1008x128xf32, #tpu.memory_space<vmem>>, vector<1008x128xf32>
    %get3A_2 = arith.constant 0 : index
    %get3A_3 = arith.constant 0 : index
    %get3A_4 = vector.load %arg1[%get3A_2, %get3A_3] : memref<128x128xf32, #tpu.memory_space<vmem>>, vector<128x128xf32>
    %dot_general3A = arith.constant dense<0.000000e+00> : vector<1008x128xf32>
    %dot_general3A_5 = tpu.matmul %get3A_1, %get3A_4, %dot_general3A {dimension_numbers = #tpu.dot_dimension_numbers<[1], [0], [0], [1], [0, 0, 1, 1], [], []>, transpose_lhs_hint = false} : vector<1008x128xf32>, vector<128x128xf32>, vector<1008x128xf32> -> vector<1008x128xf32>
    %swap3A = arith.constant 0 : index
    %swap3A_6 = arith.constant 0 : index
    %swap3A_7 = vector.load %arg2[%swap3A, %swap3A_6] : memref<1008x128xf32, #tpu.memory_space<vmem>>, vector<1008x128xf32>
    tpu.vector_store %arg2[%swap3A, %swap3A_6], %dot_general3A_5 {strides = array<i32>} : memref<1008x128xf32, #tpu.memory_space<vmem>>, vector<1008x128xf32>,
    return
  }
}

module attributes {stable_mosaic.version = 14 : i64} {
  func.func @body(%arg0: memref<2x80x128xf32, #tpu.memory_space<vmem>>, %arg1: memref<80x128xf32, #tpu.memory_space<vmem>>) attributes {dimension_semantics = [], scalar_prefetch = 0 : i64, scratch_operands = 0 : i64, tpu.core_type = #tpu.core_type<tc>} {
    %get3A = arith.constant 0 : index
    %get3A_0 = arith.constant 0 : index
    %get3A_1 = arith.constant 0 : index
    %get3A_2 = vector.load %arg0[%get3A, %get3A_0, %get3A_1] : memref<2x80x128xf32, #tpu.memory_space<vmem>>, vector<1x80x128xf32>
    %get3A_3 = vector.shape_cast %get3A_2 : vector<1x80x128xf32> to vector<80x128xf32>
    %get3A_4 = arith.constant 1 : index
    %get3A_5 = arith.constant 0 : index
    %get3A_6 = arith.constant 0 : index
    %get3A_7 = vector.load %arg0[%get3A_4, %get3A_5, %get3A_6] : memref<2x80x128xf32, #tpu.memory_space<vmem>>, vector<1x80x128xf32>
    %get3A_8 = vector.shape_cast %get3A_7 : vector<1x80x128xf32> to vector<80x128xf32>
    %add3A = arith.addf %get3A_3, %get3A_8 : vector<80x128xf32>
    %add3A_9 = arith.constant 1.000000e+00 : f32
    %add3A_10 = vector.broadcast %add3A_9 : f32 to vector<80x128xf32>
    %add3A_11 = arith.addf %add3A, %add3A_10 : vector<80x128xf32>
    %iota3A = tpu.iota {dimensions = array<i32: 0>} : vector<80x128xi32>
    %mul3A = arith.constant 128 : i32
    %mul3A_12 = vector.broadcast %mul3A : i32 to vector<80x128xi32>
    %mul3A_13 = arith.muli %iota3A, %mul3A_12 : vector<80x128xi32>
    %iota3A_14 = tpu.iota {dimensions = array<i32: 1>} : vector<80x128xi32>
    %add3A_15 = arith.addi %mul3A_13, %iota3A_14 : vector<80x128xi32>
    %lt3A = arith.constant 10000 : i32
    %lt3A_16 = vector.broadcast %lt3A : i32 to vector<80x128xi32>
    %lt3A_17 = arith.cmpi slt, %add3A_15, %lt3A_16 : vector<80x128xi32>
    %rsqrt3A = math.rsqrt %add3A_11 : vector<80x128xf32>
    %jit3A = arith.constant 0.000000e+00 : f32
    %broadcast_in_dim3A = vector.broadcast %jit3A : f32 to vector<80x128xf32>
    %select_n3A = arith.select %lt3A_17, %rsqrt3A, %broadcast_in_dim3A : vector<80x128xi1>, vector<80x128xf32>
    %swap3A = arith.constant 0 : index
    %swap3A_18 = arith.constant 0 : index
    %swap3A_19 = vector.load %arg1[%swap3A, %swap3A_18] : memref<80x128xf32, #tpu.memory_space<vmem>>, vector<80x128xf32>
    tpu.vector_store %arg1[%swap3A, %swap3A_18], %select_n3A {strides = array<i32>} : memref<80x128xf32, #tpu.memory_space<vmem>>, vector<80x128xf32>,
    return
  }
}

module attributes {stable_mosaic.version = 14 : i64} {
  func.func @body(%arg0: i32, %arg1: memref<512x1xf32, #tpu.memory_space<vmem>>, %arg2: memref<512x128xf32, #tpu.memory_space<vmem>>, %arg3: memref<512x128xf32, #tpu.memory_space<vmem>>) attributes {dimension_semantics = [#tpu.dimension_semantics<arbitrary>], iteration_bounds = array<i64: 20>, scalar_prefetch = 0 : i64, scratch_operands = 0 : i64, tpu.core_type = #tpu.core_type<tc>, window_params = [{transform_indices = @transform_0, window_bounds = array<i64: 512, 1>}, {transform_indices = @transform_1, window_bounds = array<i64: 512, 128>}, {transform_indices = @transform_2, window_bounds = array<i64: 512, 128>}]} {
    %get3A = arith.constant 0 : index
    %get3A_0 = arith.constant 0 : index
    %get3A_1 = vector.load %arg1[%get3A, %get3A_0] : memref<512x1xf32, #tpu.memory_space<vmem>>, vector<512x1xf32>
    %get3A_2 = arith.constant 0 : index
    %get3A_3 = arith.constant 0 : index
    %get3A_4 = vector.load %arg2[%get3A_2, %get3A_3] : memref<512x128xf32, #tpu.memory_space<vmem>>, vector<512x128xf32>
    %mul3A = vector.broadcast %get3A_1 : vector<512x1xf32> to vector<512x128xf32>
    %mul3A_5 = arith.mulf %mul3A, %get3A_4 : vector<512x128xf32>
    %swap3A = arith.constant 0 : index
    %swap3A_6 = arith.constant 0 : index
    %swap3A_7 = vector.load %arg3[%swap3A, %swap3A_6] : memref<512x128xf32, #tpu.memory_space<vmem>>, vector<512x128xf32>
    tpu.vector_store %arg3[%swap3A, %swap3A_6], %mul3A_5 {strides = array<i32>} : memref<512x128xf32, #tpu.memory_space<vmem>>, vector<512x128xf32>,
    return
  }
  func.func @transform_0(%arg0: i32) -> (i32, i32) {
    %c0_i32 = arith.constant 0 : i32
    %c0_i32_0 = arith.constant 0 : i32
    return %arg0, %c0_i32 : i32, i32
  }
  func.func @transform_1(%arg0: i32) -> (i32, i32) {
    %c0_i32 = arith.constant 0 : i32
    %c0_i32_0 = arith.constant 0 : i32
    return %arg0, %c0_i32 : i32, i32
  }
  func.func @transform_2(%arg0: i32) -> (i32, i32) {
    %c0_i32 = arith.constant 0 : i32
    %c0_i32_0 = arith.constant 0 : i32
    return %arg0, %c0_i32 : i32, i32
  }
}

module attributes {stable_mosaic.version = 14 : i64} {
  func.func @body(%arg0: i32, %arg1: memref<512x1xf32, #tpu.memory_space<vmem>>, %arg2: memref<1x512x128xf32, #tpu.memory_space<vmem>>, %arg3: memref<1x512x128xf32, #tpu.memory_space<vmem>>, %arg4: memref<512x128xf32, #tpu.memory_space<vmem>>, %arg5: memref<1x128xf32, #tpu.memory_space<vmem>>, %arg6: memref<128x128xf32, #tpu.memory_space<vmem>>, %arg7: memref<512x128xf32, #tpu.memory_space<vmem>>) attributes {dimension_semantics = [#tpu.dimension_semantics<arbitrary>], iteration_bounds = array<i64: 20>, scalar_prefetch = 0 : i64, scratch_operands = 0 : i64, tpu.core_type = #tpu.core_type<tc>, window_params = [{transform_indices = @transform_0, window_bounds = array<i64: 512, 1>}, {transform_indices = @transform_1, window_bounds = array<i64: 1, 512, 128>}, {transform_indices = @transform_2, window_bounds = array<i64: 1, 512, 128>}, {transform_indices = @transform_3, window_bounds = array<i64: 512, 128>}, {pipeline_mode = #tpu.pipeline_mode<synchronous>, transform_indices = @transform_4, window_bounds = array<i64: 1, 128>}, {pipeline_mode = #tpu.pipeline_mode<synchronous>, transform_indices = @transform_5, window_bounds = array<i64: 128, 128>}, {transform_indices = @transform_6, window_bounds = array<i64: 512, 128>}]} {
    %get3A = arith.constant 0 : index
    %get3A_0 = arith.constant 0 : index
    %get3A_1 = vector.load %arg1[%get3A, %get3A_0] : memref<512x1xf32, #tpu.memory_space<vmem>>, vector<512x1xf32>
    %get3A_2 = arith.constant 0 : index
    %get3A_3 = arith.constant 0 : index
    %get3A_4 = arith.constant 0 : index
    %get3A_5 = vector.load %arg2[%get3A_2, %get3A_3, %get3A_4] : memref<1x512x128xf32, #tpu.memory_space<vmem>>, vector<1x512x128xf32>
    %get3A_6 = vector.shape_cast %get3A_5 : vector<1x512x128xf32> to vector<512x128xf32>
    %get3A_7 = arith.constant 0 : index
    %get3A_8 = arith.constant 0 : index
    %get3A_9 = arith.constant 0 : index
    %get3A_10 = vector.load %arg3[%get3A_7, %get3A_8, %get3A_9] : memref<1x512x128xf32, #tpu.memory_space<vmem>>, vector<1x512x128xf32>
    %get3A_11 = vector.shape_cast %get3A_10 : vector<1x512x128xf32> to vector<512x128xf32>
    %add3A = arith.addf %get3A_6, %get3A_11 : vector<512x128xf32>
    %get3A_12 = arith.constant 0 : index
    %get3A_13 = arith.constant 0 : index
    %get3A_14 = vector.load %arg4[%get3A_12, %get3A_13] : memref<512x128xf32, #tpu.memory_space<vmem>>, vector<512x128xf32>
    %add3A_15 = arith.addf %add3A, %get3A_14 : vector<512x128xf32>
    %mul3A = vector.broadcast %get3A_1 : vector<512x1xf32> to vector<512x128xf32>
    %mul3A_16 = arith.mulf %mul3A, %add3A_15 : vector<512x128xf32>
    %get3A_17 = arith.constant 0 : index
    %get3A_18 = arith.constant 0 : index
    %get3A_19 = vector.load %arg5[%get3A_17, %get3A_18] : memref<1x128xf32, #tpu.memory_space<vmem>>, vector<1x128xf32>
    %add3A_20 = vector.broadcast %get3A_19 : vector<1x128xf32> to vector<512x128xf32>
    %add3A_21 = arith.addf %mul3A_16, %add3A_20 : vector<512x128xf32>
    %max3A = arith.constant 0.000000e+00 : f32
    %max3A_22 = vector.broadcast %max3A : f32 to vector<512x128xf32>
    %max3A_23 = arith.maximumf %add3A_21, %max3A_22 : vector<512x128xf32>
    %get3A_24 = arith.constant 0 : index
    %get3A_25 = arith.constant 0 : index
    %get3A_26 = vector.load %arg6[%get3A_24, %get3A_25] : memref<128x128xf32, #tpu.memory_space<vmem>>, vector<128x128xf32>
    %dot_general3A = arith.constant dense<0.000000e+00> : vector<512x128xf32>
    %dot_general3A_27 = tpu.matmul %max3A_23, %get3A_26, %dot_general3A {dimension_numbers = #tpu.dot_dimension_numbers<[1], [0], [0], [1], [0, 0, 1, 1], [], []>, transpose_lhs_hint = false} : vector<512x128xf32>, vector<128x128xf32>, vector<512x128xf32> -> vector<512x128xf32>
    %mul3A_28 = vector.broadcast %get3A_1 : vector<512x1xf32> to vector<512x128xf32>
    %mul3A_29 = arith.mulf %mul3A_28, %dot_general3A_27 : vector<512x128xf32>
    %swap3A = arith.constant 0 : index
    %swap3A_30 = arith.constant 0 : index
    %swap3A_31 = vector.load %arg7[%swap3A, %swap3A_30] : memref<512x128xf32, #tpu.memory_space<vmem>>, vector<512x128xf32>
    tpu.vector_store %arg7[%swap3A, %swap3A_30], %mul3A_29 {strides = array<i32>} : memref<512x128xf32, #tpu.memory_space<vmem>>, vector<512x128xf32>,
    return
  }
  func.func @transform_0(%arg0: i32) -> (i32, i32) {
    %c0_i32 = arith.constant 0 : i32
    %c0_i32_0 = arith.constant 0 : i32
    return %arg0, %c0_i32 : i32, i32
  }
  func.func @transform_1(%arg0: i32) -> (i32, i32, i32) {
    %c0_i32 = arith.constant 0 : i32
    %c0_i32_0 = arith.constant 0 : i32
    %c0_i32_1 = arith.constant 0 : i32
    return %c0_i32, %arg0, %c0_i32_0 : i32, i32, i32
  }
  func.func @transform_2(%arg0: i32) -> (i32, i32, i32) {
    %c1_i32 = arith.constant 1 : i32
    %c0_i32 = arith.constant 0 : i32
    %c0_i32_0 = arith.constant 0 : i32
    return %c1_i32, %arg0, %c0_i32 : i32, i32, i32
  }
  func.func @transform_3(%arg0: i32) -> (i32, i32) {
    %c0_i32 = arith.constant 0 : i32
    %c0_i32_0 = arith.constant 0 : i32
    return %arg0, %c0_i32 : i32, i32
  }
  func.func @transform_4(%arg0: i32) -> (i32, i32) {
    %c0_i32 = arith.constant 0 : i32
    %c0_i32_0 = arith.constant 0 : i32
    %c0_i32_1 = arith.constant 0 : i32
    return %c0_i32, %c0_i32_0 : i32, i32
  }
  func.func @transform_5(%arg0: i32) -> (i32, i32) {
    %c0_i32 = arith.constant 0 : i32
    %c0_i32_0 = arith.constant 0 : i32
    %c0_i32_1 = arith.constant 0 : i32
    return %c0_i32, %c0_i32_0 : i32, i32
  }
  func.func @transform_6(%arg0: i32) -> (i32, i32) {
    %c0_i32 = arith.constant 0 : i32
    %c0_i32_0 = arith.constant 0 : i32
    return %arg0, %c0_i32 : i32, i32
  }
}

module attributes {stable_mosaic.version = 14 : i64} {
  func.func @body(%arg0: i32, %arg1: memref<512x1xf32, #tpu.memory_space<vmem>>, %arg2: memref<1x512x128xf32, #tpu.memory_space<vmem>>, %arg3: memref<1x512x128xf32, #tpu.memory_space<vmem>>, %arg4: memref<512x128xf32, #tpu.memory_space<vmem>>, %arg5: memref<1x128xf32, #tpu.memory_space<vmem>>, %arg6: memref<512x128xf32, #tpu.memory_space<vmem>>) attributes {dimension_semantics = [#tpu.dimension_semantics<arbitrary>], iteration_bounds = array<i64: 20>, scalar_prefetch = 0 : i64, scratch_operands = 0 : i64, tpu.core_type = #tpu.core_type<tc>, window_params = [{transform_indices = @transform_0, window_bounds = array<i64: 512, 1>}, {transform_indices = @transform_1, window_bounds = array<i64: 1, 512, 128>}, {transform_indices = @transform_2, window_bounds = array<i64: 1, 512, 128>}, {transform_indices = @transform_3, window_bounds = array<i64: 512, 128>}, {pipeline_mode = #tpu.pipeline_mode<synchronous>, transform_indices = @transform_4, window_bounds = array<i64: 1, 128>}, {transform_indices = @transform_5, window_bounds = array<i64: 512, 128>}]} {
    %get3A = arith.constant 0 : index
    %get3A_0 = arith.constant 0 : index
    %get3A_1 = vector.load %arg1[%get3A, %get3A_0] : memref<512x1xf32, #tpu.memory_space<vmem>>, vector<512x1xf32>
    %get3A_2 = arith.constant 0 : index
    %get3A_3 = arith.constant 0 : index
    %get3A_4 = arith.constant 0 : index
    %get3A_5 = vector.load %arg2[%get3A_2, %get3A_3, %get3A_4] : memref<1x512x128xf32, #tpu.memory_space<vmem>>, vector<1x512x128xf32>
    %get3A_6 = vector.shape_cast %get3A_5 : vector<1x512x128xf32> to vector<512x128xf32>
    %get3A_7 = arith.constant 0 : index
    %get3A_8 = arith.constant 0 : index
    %get3A_9 = arith.constant 0 : index
    %get3A_10 = vector.load %arg3[%get3A_7, %get3A_8, %get3A_9] : memref<1x512x128xf32, #tpu.memory_space<vmem>>, vector<1x512x128xf32>
    %get3A_11 = vector.shape_cast %get3A_10 : vector<1x512x128xf32> to vector<512x128xf32>
    %add3A = arith.addf %get3A_6, %get3A_11 : vector<512x128xf32>
    %get3A_12 = arith.constant 0 : index
    %get3A_13 = arith.constant 0 : index
    %get3A_14 = vector.load %arg4[%get3A_12, %get3A_13] : memref<512x128xf32, #tpu.memory_space<vmem>>, vector<512x128xf32>
    %add3A_15 = arith.addf %add3A, %get3A_14 : vector<512x128xf32>
    %mul3A = vector.broadcast %get3A_1 : vector<512x1xf32> to vector<512x128xf32>
    %mul3A_16 = arith.mulf %mul3A, %add3A_15 : vector<512x128xf32>
    %get3A_17 = arith.constant 0 : index
    %get3A_18 = arith.constant 0 : index
    %get3A_19 = vector.load %arg5[%get3A_17, %get3A_18] : memref<1x128xf32, #tpu.memory_space<vmem>>, vector<1x128xf32>
    %add3A_20 = vector.broadcast %get3A_19 : vector<1x128xf32> to vector<512x128xf32>
    %add3A_21 = arith.addf %mul3A_16, %add3A_20 : vector<512x128xf32>
    %max3A = arith.constant 0.000000e+00 : f32
    %max3A_22 = vector.broadcast %max3A : f32 to vector<512x128xf32>
    %max3A_23 = arith.maximumf %add3A_21, %max3A_22 : vector<512x128xf32>
    %mul3A_24 = arith.constant 512 : i32
    %mul3A_25 = arith.muli %arg0, %mul3A_24 : i32
    %iota3A = tpu.iota {dimensions = array<i32: 0>} : vector<512x128xi32>
    %add3A_26 = vector.broadcast %mul3A_25 : i32 to vector<512x128xi32>
    %add3A_27 = arith.addi %add3A_26, %iota3A : vector<512x128xi32>
    %lt3A = arith.constant 10000 : i32
    %lt3A_28 = vector.broadcast %lt3A : i32 to vector<512x128xi32>
    %lt3A_29 = arith.cmpi slt, %add3A_27, %lt3A_28 : vector<512x128xi32>
    %jit3A = arith.constant 0.000000e+00 : f32
    %broadcast_in_dim3A = vector.broadcast %jit3A : f32 to vector<512x128xf32>
    %select_n3A = arith.select %lt3A_29, %max3A_23, %broadcast_in_dim3A : vector<512x128xi1>, vector<512x128xf32>
    %swap3A = arith.constant 0 : index
    %swap3A_30 = arith.constant 0 : index
    %swap3A_31 = vector.load %arg6[%swap3A, %swap3A_30] : memref<512x128xf32, #tpu.memory_space<vmem>>, vector<512x128xf32>
    tpu.vector_store %arg6[%swap3A, %swap3A_30], %select_n3A {strides = array<i32>} : memref<512x128xf32, #tpu.memory_space<vmem>>, vector<512x128xf32>,
    return
  }
  func.func @transform_0(%arg0: i32) -> (i32, i32) {
    %c0_i32 = arith.constant 0 : i32
    %c0_i32_0 = arith.constant 0 : i32
    return %arg0, %c0_i32 : i32, i32
  }
  func.func @transform_1(%arg0: i32) -> (i32, i32, i32) {
    %c0_i32 = arith.constant 0 : i32
    %c0_i32_0 = arith.constant 0 : i32
    %c0_i32_1 = arith.constant 0 : i32
    return %c0_i32, %arg0, %c0_i32_0 : i32, i32, i32
  }
  func.func @transform_2(%arg0: i32) -> (i32, i32, i32) {
    %c1_i32 = arith.constant 1 : i32
    %c0_i32 = arith.constant 0 : i32
    %c0_i32_0 = arith.constant 0 : i32
    return %c1_i32, %arg0, %c0_i32 : i32, i32, i32
  }
  func.func @transform_3(%arg0: i32) -> (i32, i32) {
    %c0_i32 = arith.constant 0 : i32
    %c0_i32_0 = arith.constant 0 : i32
    return %arg0, %c0_i32 : i32, i32
  }
  func.func @transform_4(%arg0: i32) -> (i32, i32) {
    %c0_i32 = arith.constant 0 : i32
    %c0_i32_0 = arith.constant 0 : i32
    %c0_i32_1 = arith.constant 0 : i32
    return %c0_i32, %c0_i32_0 : i32, i32
  }
  func.func @transform_5(%arg0: i32) -> (i32, i32) {
    %c0_i32 = arith.constant 0 : i32
    %c0_i32_0 = arith.constant 0 : i32
    return %arg0, %c0_i32 : i32, i32
  }
}

module attributes {stable_mosaic.version = 14 : i64} {
  func.func @body(%arg0: memref<512x128xf32, #tpu.memory_space<vmem>>, %arg1: memref<512x64xi32, #tpu.memory_space<vmem>>, %arg2: memref<128x128xf32, #tpu.memory_space<vmem>>, %arg3: memref<1x128xf32, #tpu.memory_space<vmem>>, %arg4: memref<128x40xf32, #tpu.memory_space<vmem>>, %arg5: memref<1x40xf32, #tpu.memory_space<vmem>>, %arg6: memref<512x40xf32, #tpu.memory_space<vmem>>) attributes {dimension_semantics = [], scalar_prefetch = 0 : i64, scratch_operands = 0 : i64, tpu.core_type = #tpu.core_type<tc>} {
    %get3A = arith.constant 0 : index
    %get3A_0 = arith.constant 0 : index
    %get3A_1 = vector.load %arg1[%get3A, %get3A_0] : memref<512x64xi32, #tpu.memory_space<vmem>>, vector<512x64xi32>
    %ne3A = arith.constant -1 : i32
    %ne3A_2 = vector.broadcast %ne3A : i32 to vector<512x64xi32>
    %ne3A_3 = arith.cmpi ne, %get3A_1, %ne3A_2 : vector<512x64xi32>
    %convert_element_type3A = arith.extui %ne3A_3 : vector<512x64xi1> to vector<512x64xi32>
    %convert_element_type3A_4 = arith.sitofp %convert_element_type3A : vector<512x64xi32> to vector<512x64xf32>
    %reduce_sum3A = arith.constant dense<0.000000e+00> : vector<512xf32>
    %reduce_sum3A_5 = vector.multi_reduction <add>, %convert_element_type3A_4, %reduce_sum3A [1] : vector<512x64xf32> to vector<512xf32>
    %broadcast_in_dim3A = vector.shape_cast %reduce_sum3A_5 : vector<512xf32> to vector<512x1xf32>
    %get3A_6 = arith.constant 0 : index
    %get3A_7 = arith.constant 0 : index
    %get3A_8 = vector.load %arg0[%get3A_6, %get3A_7] : memref<512x128xf32, #tpu.memory_space<vmem>>, vector<512x128xf32>
    %max3A = arith.constant 1.000000e+00 : f32
    %max3A_9 = vector.broadcast %max3A : f32 to vector<512x1xf32>
    %max3A_10 = arith.maximumf %broadcast_in_dim3A, %max3A_9 : vector<512x1xf32>
    %div3A = vector.broadcast %max3A_10 : vector<512x1xf32> to vector<512x128xf32>
    %div3A_11 = arith.divf %get3A_8, %div3A : vector<512x128xf32>
    %get3A_12 = arith.constant 0 : index
    %get3A_13 = arith.constant 0 : index
    %get3A_14 = vector.load %arg2[%get3A_12, %get3A_13] : memref<128x128xf32, #tpu.memory_space<vmem>>, vector<128x128xf32>
    %dot_general3A = arith.constant dense<0.000000e+00> : vector<512x128xf32>
    %dot_general3A_15 = tpu.matmul %div3A_11, %get3A_14, %dot_general3A {dimension_numbers = #tpu.dot_dimension_numbers<[1], [0], [0], [1], [0, 0, 1, 1], [], []>, transpose_lhs_hint = false} : vector<512x128xf32>, vector<128x128xf32>, vector<512x128xf32> -> vector<512x128xf32>
    %get3A_16 = arith.constant 0 : index
    %get3A_17 = arith.constant 0 : index
    %get3A_18 = vector.load %arg3[%get3A_16, %get3A_17] : memref<1x128xf32, #tpu.memory_space<vmem>>, vector<1x128xf32>
    %add3A = vector.broadcast %get3A_18 : vector<1x128xf32> to vector<512x128xf32>
    %add3A_19 = arith.addf %dot_general3A_15, %add3A : vector<512x128xf32>
    %max3A_20 = arith.constant 0.000000e+00 : f32
    %max3A_21 = vector.broadcast %max3A_20 : f32 to vector<512x128xf32>
    %max3A_22 = arith.maximumf %add3A_19, %max3A_21 : vector<512x128xf32>
    %get3A_23 = arith.constant 0 : index
    %get3A_24 = arith.constant 0 : index
    %get3A_25 = vector.load %arg4[%get3A_23, %get3A_24] : memref<128x40xf32, #tpu.memory_space<vmem>>, vector<128x40xf32>
    %dot_general3A_26 = arith.constant dense<0.000000e+00> : vector<512x40xf32>
    %dot_general3A_27 = tpu.matmul %max3A_22, %get3A_25, %dot_general3A_26 {dimension_numbers = #tpu.dot_dimension_numbers<[1], [0], [0], [1], [0, 0, 1, 1], [], []>, transpose_lhs_hint = false} : vector<512x128xf32>, vector<128x40xf32>, vector<512x40xf32> -> vector<512x40xf32>
    %get3A_28 = arith.constant 0 : index
    %get3A_29 = arith.constant 0 : index
    %get3A_30 = vector.load %arg5[%get3A_28, %get3A_29] : memref<1x40xf32, #tpu.memory_space<vmem>>, vector<1x40xf32>
    %add3A_31 = vector.broadcast %get3A_30 : vector<1x40xf32> to vector<512x40xf32>
    %add3A_32 = arith.addf %dot_general3A_27, %add3A_31 : vector<512x40xf32>
    %swap3A = arith.constant 0 : index
    %swap3A_33 = arith.constant 0 : index
    %swap3A_34 = vector.load %arg6[%swap3A, %swap3A_33] : memref<512x40xf32, #tpu.memory_space<vmem>>, vector<512x40xf32>
    tpu.vector_store %arg6[%swap3A, %swap3A_33], %add3A_32 {strides = array<i32>} : memref<512x40xf32, #tpu.memory_space<vmem>>, vector<512x40xf32>,
    return
  }
}

</mosaic_0001>

<sc_bundles>
// kernel: kernel.15.cloned.1.call-start
scs
__scs_entry_jumppad:
0x0: {  	(pc) =	sbr.rel $0x88, $3  }
0x1: {  	(tag) =	ssettag $0x0;
	lr =	simm.s32 $0x1  }
0x2: {  	[smem:$0x3F97] =	sst lr;
	_ =	strace $0xD0000000  }
0x3: {  	_ = 	snop  }
0x4: {  	_ = 	snop  }
0x5: {  	_ = 	snop  }
0x6: {  	_ = 	snop  }
0x7: {  	_ = 	snop  }
__scs_overlays_trampoline_lowered:
0x8: {  	[smem:$0x3FA6] =	sst s0  }
0x9: {  	[smem:$0x3FA7] =	sst s1  }
0xa: {  	[smem:$0x3FA8] =	sst s2  }
0xb: {  	[smem:$0x3FA9] =	sst s3  }
0xc: {  	[smem:$0x3FAA] =	sst s4  }
0xd: {  	[smem:$0x3FAB] =	sst s5  }
0xe: {  	[smem:$0x3FAC] =	sst s6  }
0xf: {  	[smem:$0x3FAD] =	sst s7  }
0x10: {  	[smem:$0x3FAE] =	sst s8  }
0x11: {  	[smem:$0x3FAF] =	sst s9;
	s0 =	simm.s32 @!p0 $0x0  }
0x12: {  	s1 =	sld [smem:$0x3F95];
	s0 =	simm.s32 @p0 $0x1  }
0x13: {  	[smem:$0x3FB0] =	sst s0;
	s0 =	simm.s32 @!p1 $0x0  }
0x14: {  	s2 =	sld [smem:$0x3F94];
	s0 =	simm.s32 @p1 $0x1  }
0x15: {  	[smem:$0x3FB1] =	sst s0;
	s0 =	simm.s32 @!p2 $0x0  }
0x16: {  	s3 =	sld [smem:$0x3FDB];
	s0 =	simm.s32 @p2 $0x1  }
0x17: {  	s4 =	simm.s32 $0x1BF5;
	[smem:$0x3FB3] =	sst s0  }
0x18: {  	s0 =	sld [smem:$0x3F96];
	_ =	swait.ge [sflag:s4], $0x0  }
0x19: {  	s7 =	sld [smem:$0x3F97]  }
0x1a: {  	s8 =	sadd.s32 $0xFFFFE003, lr  }
0x1b: {  	s9 =	sadd.s32 $0xFFFFFEF7, lr;
	s5 =	simm.s32 $0xFFFFFFFF;
	p2 =	slt.u32 s8, $0xFFFFF086  }
0x1c: {  	p1 =	slt.u32 s9, $0xF7A;
	s5 =	simm.s32 @!p2 $0x0  }
0x1d: {  	s5 =	simm.s32 @p1 $0x1;
	p0 =	seq.s32 s7, s2  }
0x1e: {  	s7 =	smul.u32 @!p0 $0xF7A, s2;
	p2 =	seq.s32 @!p0 s5, $0x0  }
0x1f: {  	s9 =	smul.u32 $0xF7A, s1;
	s8 =	simm.s32 @!p0 $0x1BF5;
	p2 =	por !p2, p0  }
0x20: {  	[sflag:s8] =	ssyncset.s32 @!p0 $0xFFFFF086;
	s6 =	sadd.s32 @!p0 s3, s7;
	s7 =	simm.s32 @!p0 $0x108  }
0x21: {  	s3 =	sadd.s32 s3, s9;
	s6 =	sadd.s32 @!p0 $0x88, s6;
	s7 =	simm.s32 @p2 $0x1082  }
0x22: {  	[simem:s7], [sflag:s8] =	dma.local @!p0 [hbm:s6], $0xF7A  }
0x23: {  	s9 =	sor.u32 $0xD0000000, s2;
	s6 =	simm.s32 $0x108;
	_ =	swait.ge @!p0 [sflag:s8], $0x0  }
0x24: {  	s3 =	sadd.s32 $0x88, s3;
	s6 =	simm.s32 @!p1 $0x1082;
	[sflag:s4] =	ssyncset.s32 $0xFFFFF086  }
0x25: {  	[simem:s6], [sflag:s4] =	dma.local [hbm:s3], $0xF7A  }
0x26: {  	[smem:$0x3F97] =	sst s1;
	(tag) =	ssettag s2;
	_ =	strace s9  }
0x27: {  	s1 =	sld [smem:$0x3FA7]  }
0x28: {  	s2 =	sld [smem:$0x3FA8]  }
0x29: {  	s4 =	sld [smem:$0x3FAA]  }
0x2a: {  	p0 =	seq.s32 s5, $0x0;
	s5 =	sld [smem:$0x3FAB]  }
0x2b: {  	s6 =	sld [smem:$0x3FAC]  }
0x2c: {  	s7 =	sld [smem:$0x3FAD]  }
0x2d: {  	s3 =	simm.s32 $0x108;
	s8 =	sld [smem:$0x3FAE]  }
0x2e: {  	s3 =	simm.s32 @!p0 $0x1082;
	s9 =	sld [smem:$0x3FAF]  }
0x2f: {  	lr =	sadd.s32 s0, s3;
	s0 =	sld [smem:$0x3FA6]  }
0x30: {  	s3 =	sld [smem:$0x3FA9]  }
0x31: {  	[smem:$0x3FB2] =	sst s10  }
0x32: {  	s10 =	sld [smem:$0x3FB0];
	_ =	sdelay $0x3  }
0x33: {  	p0 =	seq.s32 s10, $0x1;
	s10 =	sld [smem:$0x3FB2];
	_ =	sdelay $0x3  }
0x34: {  	[smem:$0x3FB2] =	sst s10  }
0x35: {  	s10 =	sld [smem:$0x3FB1];
	_ =	sdelay $0x3  }
0x36: {  	p1 =	seq.s32 s10, $0x1;
	s10 =	sld [smem:$0x3FB2];
	_ =	sdelay $0x3  }
0x37: {  	[smem:$0x3FB2] =	sst s10  }
0x38: {  	s10 =	sld [smem:$0x3FB3]  }
0x39: {  	_ = 	snop;
	(pc) =	sbr.ind lr, $3  }
0x3a: {  	_ = 	snop  }
0x3b: {  	_ = 	snop  }
0x3c: {  	p2 =	seq.s32 s10, $0x1;
	s10 =	sld [smem:$0x3FB2]  }
0x3d: {  	_ =	shalt  }
0x3e: {  	_ =	shalt  }
0x3f: {  	_ =	shalt  }
0x40: {  	_ =	shalt  }
0x41: {  	_ =	shalt  }
0x42: {  	_ =	shalt  }
0x43: {  	_ =	shalt  }
0x44: {  	_ =	shalt  }
0x45: {  	_ =	shalt  }
0x46: {  	_ =	shalt  }
0x47: {  	_ =	shalt  }
0x48: {  	_ =	shalt  }
0x49: {  	_ =	shalt  }
0x4a: {  	_ =	shalt  }
0x4b: {  	_ =	shalt  }
0x4c: {  	_ =	shalt  }
0x4d: {  	_ =	shalt  }
0x4e: {  	_ =	shalt  }
0x4f: {  	_ =	shalt  }
0x50: {  	_ =	shalt  }
0x51: {  	_ =	shalt  }
0x52: {  	_ =	shalt  }
0x53: {  	_ =	shalt  }
0x54: {  	_ =	shalt  }
0x55: {  	_ =	shalt  }
0x56: {  	_ =	shalt  }
0x57: {  	_ =	shalt  }
0x58: {  	_ =	shalt  }
0x59: {  	_ =	shalt  }
0x5a: {  	_ =	shalt  }
0x5b: {  	_ =	shalt  }
0x5c: {  	_ =	shalt  }
0x5d: {  	_ =	shalt  }
0x5e: {  	_ =	shalt  }
0x5f: {  	_ =	shalt  }
0x60: {  	_ =	shalt  }
0x61: {  	_ =	shalt  }
0x62: {  	_ =	shalt  }
0x63: {  	_ =	shalt  }
0x64: {  	_ =	shalt  }
0x65: {  	_ =	shalt  }
0x66: {  	_ =	shalt  }
0x67: {  	_ =	shalt  }
0x68: {  	_ =	shalt  }
0x69: {  	_ =	shalt  }
0x6a: {  	_ =	shalt  }
0x6b: {  	_ =	shalt  }
0x6c: {  	_ =	shalt  }
0x6d: {  	_ =	shalt  }
0x6e: {  	_ =	shalt  }
0x6f: {  	_ =	shalt  }
0x70: {  	_ =	shalt  }
0x71: {  	_ =	shalt  }
0x72: {  	_ =	shalt  }
0x73: {  	_ =	shalt  }
0x74: {  	_ =	shalt  }
0x75: {  	_ =	shalt  }
0x76: {  	_ =	shalt  }
0x77: {  	_ =	shalt  }
0x78: {  	_ =	shalt  }
0x79: {  	_ =	shalt  }
0x7a: {  	_ =	shalt  }
0x7b: {  	_ =	shalt  }
0x7c: {  	_ =	shalt  }
0x7d: {  	_ =	shalt  }
0x7e: {  	_ =	shalt  }
0x7f: {  	_ =	shalt  }
0x80: {  	_ =	shalt  }
0x81: {  	_ =	shalt  }
0x82: {  	_ =	shalt  }
0x83: {  	_ =	shalt  }
0x84: {  	_ =	shalt  }
0x85: {  	_ =	shalt  }
0x86: {  	_ =	shalt  }
0x87: {  	_ =	shalt  }
.Lfunc_end0:
.L_simem_size_0:
called_computation_lowered:
.L_overlay_start_0:
0x88: {  	s2 =	sld [smem:$0x3FD9]  }
0x89: {  	s3 =	sld [smem:$0x3FFE];
	_ =	sdelay $0x1  }
0x8a: {  	s1 =	srdreg.scid  }
0x8b: {  	s0 =	sand.u32 $0x1, s1  }
0x8c: {  	s16 =	sshll.u32 s0, $0xA;
	s2 =	sadd.s32 s3, s2  }
0x8d: {  	s2 =	sadd.s32 s2, s16  }
0x8e: {  	[smem:$0x3FBE] =	sst s2  }
0x8f: {  	_ = 	snop  }
0x90: {  	(tm) =	ssettm $0x1  }
0x91: {  	s17 =	sld [smem:$0x3FFB];
	_ =	sdelay $0x3  }
0x92: {  	_ =	strace s17  }
0x93: {  	s2 =	sld [smem:$0x3FFC];
	_ =	sdelay $0x3  }
0x94: {  	_ =	strace s2  }
0x95: {  	s2 =	sld [smem:$0x3FFD];
	_ =	sdelay $0x3  }
0x96: {  	_ =	strace s2  }
0x97: {  	_ =	strace $0x8FFFFFFF  }
0x98: {  	s18 =	sld [smem:$0x3FDB];
	_ =	sdelay $0x1  }
0x99: {  	s19 =	simm.s32 $_scs_section_size  }
0x9a: {  	s4 =	simm.s32 $_size__tile_overlayer_lowered;
	s5 =	simm.s32 $_tile_overlayer_lowered  }
0x9b: {  	s22 =	simm.s32 $0x1BFF;
	s21 =	sshll.u32 s5, $0x1;
	s2 =	sadd.s32 s19, s18  }
0x9c: {  	s6 =	simm.s32 $0x0;
	s20 =	sshll.u32 s4, $0x1;
	s4 =	sadd.s32 s21, s2  }
0x9d: {  	[timem:s6], [sflag:s22] =	dma.local [hbm:s4], s20  }
0x9e: {  	_ =	swait.ge [sflag:s22], s20  }
0x9f: {  	s3 =	ssub.s32 $0x0, s20;
	[sflag:s22] =	ssyncset.done $0x0  }
0xa0: {  	[sflag:s22] =	ssyncadd.s32 s3;
	_ =	sdelay $0x1  }
0xa1: {  	s23 =	simm.s32 $0x1B8B  }
0xa2: {  	_ =	swait.ge [sflag:s23], $0x1  }
0xa3: {  	[sflag:s23] =	ssyncset.done $0x0  }
0xa4: {  	s25 =	simm.s32 $0x1B8E;
	s24 =	sld [smem:$0x3FFE];
	[sflag:s23] =	ssyncadd.s32 $0xFFFFFFFF  }
0xa5: {  	s26 =	simm.s32 $execute0_lowered;
	[smem:$0x3FD2] =	sst s25  }
0xa6: {  	s4 =	sshll.u32 s26, $0x1;
	_ =	strace $0x80000046;
	[dreg:$0x1] =	wrdreg $0xFFFFFFFF  }
0xa7: {  	s28 =	simm.s32 $_size_execute0_lowered;
	s2 =	sadd.s32 s2, s4;
	[dreg:$0x0] =	wrdreg $0x0  }
0xa8: {  	s4 =	sshll.u32 s28, $0x1;
	[dreg:$0x2] =	wrdreg s2  }
0xa9: {  	[dreg:$0x3] =	wrdreg s4  }
0xaa: {  	[dreg:$0x4] =	wrdreg $0xC0  }
0xab: {  	_ =	task [dreg:s6], $0x5FFFF  }
0xac: {  	[dreg:$0x1] =	wrdreg $0xFFFFFFFF  }
0xad: {  	[dreg:$0x0] =	wrdreg $0x60  }
0xae: {  	[dreg:$0x2] =	wrdreg s24  }
0xaf: {  	[dreg:$0x3] =	wrdreg $0x78000  }
0xb0: {  	[dreg:$0x4] =	wrdreg $0x9  }
0xb1: {  	_ =	task.clear_ibuf [dreg:s6], $0x5FFFF;
	_ =	strace $0x90000046  }
0xb2: {  	s29 =	simm.s32 $0x9;
	_ =	strace $0x80000048  }
0xb3: {  	_ =	swait.ge [sflag:s29], $0x1  }
0xb4: {  	[sflag:s29] =	ssyncadd.s32 $0xFFFFFFFF  }
0xb5: {  	_ =	strace $0x90000048  }
0xb6: {  	_ =	sfence  }
0xb7: {  	s30 =	sld [smem:$0x0];
	_ =	sdelay $0x2  }
0xb8: {  	s31 =	sshll.u32 s1, $0xD;
	s1 =	sshrl.u32 s1, $0x2  }
0xb9: {  	s3 =	sand.u32 $0x4000, s31;
	s1 =	sadd.s32 s1, s30  }
0xba: {  	s0 =	sor.u32 s3, s0;
	s1 =	sshll.u32 s1, $0x11  }
0xbb: {  	s0 =	sor.u32 s1, s0  }
0xbc: {  	s0 =	sadd.s32 $0x8F2B, s0  }
0xbd: {  	[sflag:s0] =	ssyncadd.remote.s32 $0x1  }
0xbe: {  	_ =	sfence.sel $0xFFFF  }
0xbf: {  	[dreg:$0x0] =	wrdreg $0xFFFFFFFF;
	(pc) =	sbr.abs _section_cstart, $3  }
0xc0: {  	[dreg:$0x1] =	wrdreg $0xFFFFFFFF  }
0xc1: {  	_ =	task.clear_ibuf [dreg:s6], $0x2FFFF;
	_ =	strace $0x9FFFFFFF  }
0xc2: {  	(tm) =	ssettm $0x7FFFFFFF  }
0xc3: {  	_ =	shalt  }
tec
execute0_lowered:
.L_overlay_start_1:
0x0: {  	(tag) =	ssettag $0x1  }
0x1: {  	s4 =	rddreg [dreg:$0x0]  }
0x2: {  	s2 =	rddreg [dreg:$0x1]  }
0x3: {  	s0 =	rddreg [dreg:$0x2];
	s1 =	stileid.u32  }
0x4: {  	s5 =	srdreg.scid;
	s3 =	simm.s32 $0x0;
	s6 =	smul.u32 $0x70, s1  }
0x5: {  	s13 =	simm.s32 $0x1;
	s14 =	simm.s32 $0x3800;
	s7 =	smul.u32 $0x30, s1  }
0x6: {  	s15 =	simm.s32 $0x80;
	s18 =	simm.s32 $0x0;
	s9 =	smul.u32 $0x14000, s1  }
0x7: {  	s5 =	sand.u32 $0x1, s5;
	[smem:$0x7FF] =	sst s3;
	s29 =	smul.u32 $0x50000, s1  }
0x8: {  	s16 =	sshll.u32 s1, $0x6;
	s8 =	smul.u32 $0x140000, s5;
	p0 =	seq.s32 s5, $0x0  }
0x9: {  	_ =	strace $0x80000047;
	s5 =	ssub.s32 $0x2, s5;
	s16 =	sor.u32 $0x1C01, s16  }
0xa: {  	s7 =	sadd.s32 $0x700, s7;
	s30 =	sshrl.u32 s5, $0x1;
	s31 =	sshrl.u32 s29, $0x2  }
0xb: {  	s7 =	smov.u32 @p0 s6;
	s28 =	sadd.s32 s9, s8;
	s12 =	ssub.s32 s5, s30  }
0xc: {  	s5 =	sadd.s32 s31, s2;
	s6 =	sshll.u32 s7, $0x4;
	s7 =	sshrl.u32 s28, $0x3  }
0xd: {  	s8 =	sadd.s32 $0x8000, s5;
	s9 =	sadd.s32 $0xC000, s5;
	s10 =	sadd.s32 $0x10000, s5  }
0xe: {  	s12 =	smax.u32 s12, $0x1;
	s17 =	sshrl.u32 s5, $0x3;
	s6 =	sadd.s32 s6, s4  }
0xf: {  	s11 =	sadd.s32 s7, s4;
	s4 =	simm.s32 $0x70;
	s7 =	sadd.s32 $0x4000, s5  }
0x10: {  	v0 =	vimm.f32 $0.0e+00;
	v1 =	vimm.f32 $1.000000000e+00;
	s4 =	simm.s32 @!p0 $0x30;
	s6 =	sadd.s32 $0xE200, s6;
	s11 =	sadd.s32 $0x18600, s11  }
.LBB2_1:
0x11: {  	[tilespmem:s3], [sflag:$0x1] =	stream.linear.gather [hbm4b:s6+s3], $0x3800, $0x38;
	[tilespmem:$0x1B800] =	vst v63  }
0x12: {  	_ =	swait.ge [sflag:s13], $0x3800  }
0x13: {  	[sflag:s13] =	ssyncset.done $0x0  }
0x14: {  	s19 =	simm.s32 $0x0;
	s20 =	simm.s32 $0x200;
	[sflag:s13] =	ssyncadd.s32 $0xFFFFC800  }
.LBB2_2:
0x15: {  	p0 =	sne.s32 s20, $0xFE00;
	[tilespmem:s19+$0x3870] =	vst v0  }
0x16: {  	[tilespmem:s19+$0x3800] =	vst v0  }
0x17: {  	[tilespmem:s19+$0x3810] =	vst v0  }
.Ltmp0:
0x18: {  	[tilespmem:s19+$0x3820] =	vst v0;
	(pc) =	sbr.rel @p0 .LBB2_2-.Ltmp0, $4  }
0x19: {  	[tilespmem:s19+$0x3830] =	vst v0  }
0x1a: {  	[tilespmem:s19+$0x3840] =	vst v0  }
0x1b: {  	[tilespmem:s19+$0x3850] =	vst v0  }
0x1c: {  	[tilespmem:s19+$0x3860] =	vst v0;
	s19 =	sshra.s32 s20, $0x2;
	s20 =	sadd.s32 $0x200, s20  }
0x1d: {  	[tilespmem:s19+$0x3870] =	vst v0  }
0x1e: {  	[tilespmem:s19+$0x3800] =	vst v0  }
0x1f: {  	[tilespmem:s19+$0x3810] =	vst v0  }
0x20: {  	[tilespmem:s19+$0x3820] =	vst v0  }
0x21: {  	[tilespmem:s19+$0x3830] =	vst v0  }
0x22: {  	[tilespmem:s19+$0x3840] =	vst v0  }
0x23: {  	[tilespmem:s19+$0x3850] =	vst v0  }
0x24: {  	[tilespmem:s19+$0x3860] =	vst v0  }
0x25: {  	[spmem:s5] =	stream.linear.scatter [tilespmem:s14], [sflag:$0x1], $0x4000, $0x38;
	[tilespmem:$0x1B800] =	vst v63  }
0x26: {  	_ =	swait.ge [sflag:s13], $0x4000  }
0x27: {  	[sflag:s13] =	ssyncset.done $0x0  }
0x28: {  	[sflag:s13] =	ssyncadd.s32 $0xFFFFC000  }
0x29: {  	[spmem:s7] =	stream.linear.scatter [tilespmem:s14], [sflag:$0x1], $0x4000, $0x38;
	[tilespmem:$0x1B800] =	vst v63  }
0x2a: {  	_ =	swait.ge [sflag:s13], $0x4000  }
0x2b: {  	[sflag:s13] =	ssyncset.done $0x0  }
0x2c: {  	[sflag:s13] =	ssyncadd.s32 $0xFFFFC000  }
0x2d: {  	[spmem:s8] =	stream.linear.scatter [tilespmem:s14], [sflag:$0x1], $0x4000, $0x38;
	[tilespmem:$0x1B800] =	vst v63  }
0x2e: {  	_ =	swait.ge [sflag:s13], $0x4000  }
0x2f: {  	[sflag:s13] =	ssyncset.done $0x0  }
0x30: {  	[sflag:s13] =	ssyncadd.s32 $0xFFFFC000  }
0x31: {  	[spmem:s9] =	stream.linear.scatter [tilespmem:s14], [sflag:$0x1], $0x4000, $0x38;
	[tilespmem:$0x1B800] =	vst v63  }
0x32: {  	_ =	swait.ge [sflag:s13], $0x4000  }
0x33: {  	[sflag:s13] =	ssyncset.done $0x0  }
0x34: {  	[sflag:s13] =	ssyncadd.s32 $0xFFFFC000  }
0x35: {  	[spmem:s10] =	stream.linear.scatter [tilespmem:s14], [sflag:$0x1], $0x4000, $0x38;
	[tilespmem:$0x1B800] =	vst v63  }
0x36: {  	_ =	swait.ge [sflag:s13], $0x4000  }
0x37: {  	[sflag:s13] =	ssyncset.done $0x0  }
0x38: {  	s19 =	simm.s32 $0x0;
	s20 =	simm.s32 $0x200;
	[sflag:s13] =	ssyncadd.s32 $0xFFFFC000  }
.LBB2_4:
0x39: {  	p0 =	sne.s32 s20, $0xFE00;
	[tilespmem:s19+$0x3870] =	vst v1  }
0x3a: {  	[tilespmem:s19+$0x3800] =	vst v1  }
0x3b: {  	[tilespmem:s19+$0x3810] =	vst v1  }
.Ltmp1:
0x3c: {  	[tilespmem:s19+$0x3820] =	vst v1;
	(pc) =	sbr.rel @p0 .LBB2_4-.Ltmp1, $4  }
0x3d: {  	[tilespmem:s19+$0x3830] =	vst v1  }
0x3e: {  	[tilespmem:s19+$0x3840] =	vst v1  }
0x3f: {  	[tilespmem:s19+$0x3850] =	vst v1  }
0x40: {  	[tilespmem:s19+$0x3860] =	vst v1;
	s19 =	sshra.s32 s20, $0x2;
	s20 =	sadd.s32 $0x200, s20  }
0x41: {  	[tilespmem:s19+$0x3870] =	vst v1  }
0x42: {  	[tilespmem:s19+$0x3800] =	vst v1  }
0x43: {  	[tilespmem:s19+$0x3810] =	vst v1  }
0x44: {  	[tilespmem:s19+$0x3820] =	vst v1  }
0x45: {  	[tilespmem:s19+$0x3830] =	vst v1  }
0x46: {  	[tilespmem:s19+$0x3840] =	vst v1  }
0x47: {  	[tilespmem:s19+$0x3850] =	vst v1;
	p0 =	sne.s32 s4, $0x1  }
.Ltmp2:
0x48: {  	[tilespmem:s19+$0x3860] =	vst v1;
	(pc) =	sbr.rel @!p0 .LBB2_7-.Ltmp2, $4  }
0x49: {  	s19 =	simm.s32 $0x0;
	[bflag:$0x0] =	sbarrier.arrive $0xFFFF  }
0x4a: {  	[spmem:s2] =	stream.indirect.scatter.add.f32 [tilespmem:s14], [sflag:$0x1], $0x80, s19, s15, $0xb8;
	[tilespmem:$0x1B800] =	vst v63  }
0x4b: {  	_ =	swait.ge [sflag:s13], $0x4000  }
0x4c: {  	s20 =	sadd.s32 $0xFFFFFFFF, s4;
	[sflag:s13] =	ssyncset.done $0x0  }
.LBB2_6:
0x4d: {  	p0 =	sne.s32 s20, $0x1;
	[sflag:s13] =	ssyncadd.s32 $0xFFFFC000;
	s19 =	sadd.s32 $0x80, s19  }
.Ltmp3:
0x4e: {  	s20 =	sadd.s32 $0xFFFFFFFF, s20;
	(pc) =	sbr.rel @p0 .LBB2_6-.Ltmp3, $4  }
0x4f: {  	_ = 	snop  }
0x50: {  	[spmem:s2] =	stream.indirect.scatter.add.f32 [tilespmem:s14], [sflag:$0x1], $0x80, s19, s15, $0xb8;
	[tilespmem:$0x1B800] =	vst v63  }
0x51: {  	_ =	swait.ge [sflag:s13], $0x4000  }
0x52: {  	[sflag:s13] =	ssyncset.done $0x0  }
.LBB2_7:
0x53: {  	s18 =	sadd.s32 $0x1, s18  }
0x54: {  	[sflag:s13] =	ssyncadd.s32 $0xFFFFC000;
	p0 =	sne.s32 s18, s12  }
.Ltmp4:
0x55: {  	[bflag:$0x0] =	sbarrier.arrive $0xFFFF;
	(pc) =	sbr.rel @p0 .LBB2_1-.Ltmp4, $4  }
0x56: {  	[hbm:s11], [sflag:s16] =	dma.local [spmem:s17], $0x2800  }
0x57: {  	_ =	swait.ge [sflag:s13], $0x2800  }
0x58: {  	[sflag:s13] =	ssyncset.done $0x0  }
0x59: {  	[sflag:s13] =	ssyncadd.s32 $0xFFFFD800  }
0x5a: {  	_ =	sfence.sel $0x180000  }
0x5b: {  	[bflag:$0x0] =	sbarrier.arrive $0xFFFF  }
0x5c: {  	p0 =	sne.s32 s1, $0x0;
	_ =	strace $0x90000047  }
0x5d: {  	s0 =	sadd.s32 @!p0 $0x100000, s0;
	[bflag:$0x2] =	sbarrier.arrive $0xFFFF  }
0x5e: {  	[sflag:s0] =	ssyncadd.tile.s32 @!p0 $0x1;
	_ =	shalt  }
.Lfunc_end2:
_tile_overlayer_lowered:
.L_overlay_start_2:
0x5f: {  	(tag) =	ssettag $0x2  }
0x60: {  	s0 =	rddreg [dreg:$0x0];
	s2 =	stileid.u32  }
0x61: {  	s1 =	rddreg [dreg:$0x1];
	p0 =	sne.s32 s2, $0x0  }
0x62: {  	s3 =	rddreg [dreg:$0x2];
	[bflag:$0x3] =	sbarrier.arrive $0xFFFF;
	s2 =	simm.s32 @!p0 $0x1C01  }
0x63: {  	[timem:s3], [sflag:s2] =	dma.local @!p0 [hbm:s0], s1  }
0x64: {  	s0 =	simm.s32 @!p0 $0x1  }
0x65: {  	_ =	swait.ge @!p0 [sflag:s0], s1  }
0x66: {  	s1 =	ssub.s32 @!p0 $0x0, s1;
	[sflag:s0] =	ssyncset.done @!p0 $0x0  }
0x67: {  	[sflag:s0] =	ssyncadd.s32 @!p0 s1  }
0x68: {  	[bflag:$0x3] =	sbarrier.arrive $0xFFFF  }
0x69: {  	_ =	shalt  }

// kernel: kernel.18.cloned.1.call-start
scs
__scs_entry_jumppad:
0x0: {  	(pc) =	sbr.rel $0x88, $3  }
0x1: {  	(tag) =	ssettag $0x0;
	lr =	simm.s32 $0x1  }
0x2: {  	[smem:$0x3F97] =	sst lr;
	_ =	strace $0xD0000000  }
0x3: {  	_ = 	snop  }
0x4: {  	_ = 	snop  }
0x5: {  	_ = 	snop  }
0x6: {  	_ = 	snop  }
0x7: {  	_ = 	snop  }
__scs_overlays_trampoline_lowered:
0x8: {  	[smem:$0x3FA6] =	sst s0  }
0x9: {  	[smem:$0x3FA7] =	sst s1  }
0xa: {  	[smem:$0x3FA8] =	sst s2  }
0xb: {  	[smem:$0x3FA9] =	sst s3  }
0xc: {  	[smem:$0x3FAA] =	sst s4  }
0xd: {  	[smem:$0x3FAB] =	sst s5  }
0xe: {  	[smem:$0x3FAC] =	sst s6  }
0xf: {  	[smem:$0x3FAD] =	sst s7  }
0x10: {  	[smem:$0x3FAE] =	sst s8  }
0x11: {  	[smem:$0x3FAF] =	sst s9;
	s0 =	simm.s32 @!p0 $0x0  }
0x12: {  	s1 =	sld [smem:$0x3F95];
	s0 =	simm.s32 @p0 $0x1  }
0x13: {  	[smem:$0x3FB0] =	sst s0;
	s0 =	simm.s32 @!p1 $0x0  }
0x14: {  	s2 =	sld [smem:$0x3F94];
	s0 =	simm.s32 @p1 $0x1  }
0x15: {  	[smem:$0x3FB1] =	sst s0;
	s0 =	simm.s32 @!p2 $0x0  }
0x16: {  	s3 =	sld [smem:$0x3FDB];
	s0 =	simm.s32 @p2 $0x1  }
0x17: {  	s4 =	simm.s32 $0x1BF5;
	[smem:$0x3FB3] =	sst s0  }
0x18: {  	s0 =	sld [smem:$0x3F96];
	_ =	swait.ge [sflag:s4], $0x0  }
0x19: {  	s7 =	sld [smem:$0x3F97]  }
0x1a: {  	s8 =	sadd.s32 $0xFFFFE003, lr  }
0x1b: {  	s9 =	sadd.s32 $0xFFFFFEF7, lr;
	s5 =	simm.s32 $0xFFFFFFFF;
	p2 =	slt.u32 s8, $0xFFFFF086  }
0x1c: {  	p1 =	slt.u32 s9, $0xF7A;
	s5 =	simm.s32 @!p2 $0x0  }
0x1d: {  	s5 =	simm.s32 @p1 $0x1;
	p0 =	seq.s32 s7, s2  }
0x1e: {  	s7 =	smul.u32 @!p0 $0xF7A, s2;
	p2 =	seq.s32 @!p0 s5, $0x0  }
0x1f: {  	s9 =	smul.u32 $0xF7A, s1;
	s8 =	simm.s32 @!p0 $0x1BF5;
	p2 =	por !p2, p0  }
0x20: {  	[sflag:s8] =	ssyncset.s32 @!p0 $0xFFFFF086;
	s6 =	sadd.s32 @!p0 s3, s7;
	s7 =	simm.s32 @!p0 $0x108  }
0x21: {  	s3 =	sadd.s32 s3, s9;
	s6 =	sadd.s32 @!p0 $0x88, s6;
	s7 =	simm.s32 @p2 $0x1082  }
0x22: {  	[simem:s7], [sflag:s8] =	dma.local @!p0 [hbm:s6], $0xF7A  }
0x23: {  	s9 =	sor.u32 $0xD0000000, s2;
	s6 =	simm.s32 $0x108;
	_ =	swait.ge @!p0 [sflag:s8], $0x0  }
0x24: {  	s3 =	sadd.s32 $0x88, s3;
	s6 =	simm.s32 @!p1 $0x1082;
	[sflag:s4] =	ssyncset.s32 $0xFFFFF086  }
0x25: {  	[simem:s6], [sflag:s4] =	dma.local [hbm:s3], $0xF7A  }
0x26: {  	[smem:$0x3F97] =	sst s1;
	(tag) =	ssettag s2;
	_ =	strace s9  }
0x27: {  	s1 =	sld [smem:$0x3FA7]  }
0x28: {  	s2 =	sld [smem:$0x3FA8]  }
0x29: {  	s4 =	sld [smem:$0x3FAA]  }
0x2a: {  	p0 =	seq.s32 s5, $0x0;
	s5 =	sld [smem:$0x3FAB]  }
0x2b: {  	s6 =	sld [smem:$0x3FAC]  }
0x2c: {  	s7 =	sld [smem:$0x3FAD]  }
0x2d: {  	s3 =	simm.s32 $0x108;
	s8 =	sld [smem:$0x3FAE]  }
0x2e: {  	s3 =	simm.s32 @!p0 $0x1082;
	s9 =	sld [smem:$0x3FAF]  }
0x2f: {  	lr =	sadd.s32 s0, s3;
	s0 =	sld [smem:$0x3FA6]  }
0x30: {  	s3 =	sld [smem:$0x3FA9]  }
0x31: {  	[smem:$0x3FB2] =	sst s10  }
0x32: {  	s10 =	sld [smem:$0x3FB0];
	_ =	sdelay $0x3  }
0x33: {  	p0 =	seq.s32 s10, $0x1;
	s10 =	sld [smem:$0x3FB2];
	_ =	sdelay $0x3  }
0x34: {  	[smem:$0x3FB2] =	sst s10  }
0x35: {  	s10 =	sld [smem:$0x3FB1];
	_ =	sdelay $0x3  }
0x36: {  	p1 =	seq.s32 s10, $0x1;
	s10 =	sld [smem:$0x3FB2];
	_ =	sdelay $0x3  }
0x37: {  	[smem:$0x3FB2] =	sst s10  }
0x38: {  	s10 =	sld [smem:$0x3FB3]  }
0x39: {  	_ = 	snop;
	(pc) =	sbr.ind lr, $3  }
0x3a: {  	_ = 	snop  }
0x3b: {  	_ = 	snop  }
0x3c: {  	p2 =	seq.s32 s10, $0x1;
	s10 =	sld [smem:$0x3FB2]  }
0x3d: {  	_ =	shalt  }
0x3e: {  	_ =	shalt  }
0x3f: {  	_ =	shalt  }
0x40: {  	_ =	shalt  }
0x41: {  	_ =	shalt  }
0x42: {  	_ =	shalt  }
0x43: {  	_ =	shalt  }
0x44: {  	_ =	shalt  }
0x45: {  	_ =	shalt  }
0x46: {  	_ =	shalt  }
0x47: {  	_ =	shalt  }
0x48: {  	_ =	shalt  }
0x49: {  	_ =	shalt  }
0x4a: {  	_ =	shalt  }
0x4b: {  	_ =	shalt  }
0x4c: {  	_ =	shalt  }
0x4d: {  	_ =	shalt  }
0x4e: {  	_ =	shalt  }
0x4f: {  	_ =	shalt  }
0x50: {  	_ =	shalt  }
0x51: {  	_ =	shalt  }
0x52: {  	_ =	shalt  }
0x53: {  	_ =	shalt  }
0x54: {  	_ =	shalt  }
0x55: {  	_ =	shalt  }
0x56: {  	_ =	shalt  }
0x57: {  	_ =	shalt  }
0x58: {  	_ =	shalt  }
0x59: {  	_ =	shalt  }
0x5a: {  	_ =	shalt  }
0x5b: {  	_ =	shalt  }
0x5c: {  	_ =	shalt  }
0x5d: {  	_ =	shalt  }
0x5e: {  	_ =	shalt  }
0x5f: {  	_ =	shalt  }
0x60: {  	_ =	shalt  }
0x61: {  	_ =	shalt  }
0x62: {  	_ =	shalt  }
0x63: {  	_ =	shalt  }
0x64: {  	_ =	shalt  }
0x65: {  	_ =	shalt  }
0x66: {  	_ =	shalt  }
0x67: {  	_ =	shalt  }
0x68: {  	_ =	shalt  }
0x69: {  	_ =	shalt  }
0x6a: {  	_ =	shalt  }
0x6b: {  	_ =	shalt  }
0x6c: {  	_ =	shalt  }
0x6d: {  	_ =	shalt  }
0x6e: {  	_ =	shalt  }
0x6f: {  	_ =	shalt  }
0x70: {  	_ =	shalt  }
0x71: {  	_ =	shalt  }
0x72: {  	_ =	shalt  }
0x73: {  	_ =	shalt  }
0x74: {  	_ =	shalt  }
0x75: {  	_ =	shalt  }
0x76: {  	_ =	shalt  }
0x77: {  	_ =	shalt  }
0x78: {  	_ =	shalt  }
0x79: {  	_ =	shalt  }
0x7a: {  	_ =	shalt  }
0x7b: {  	_ =	shalt  }
0x7c: {  	_ =	shalt  }
0x7d: {  	_ =	shalt  }
0x7e: {  	_ =	shalt  }
0x7f: {  	_ =	shalt  }
0x80: {  	_ =	shalt  }
0x81: {  	_ =	shalt  }
0x82: {  	_ =	shalt  }
0x83: {  	_ =	shalt  }
0x84: {  	_ =	shalt  }
0x85: {  	_ =	shalt  }
0x86: {  	_ =	shalt  }
0x87: {  	_ =	shalt  }
.Lfunc_end0:
.L_simem_size_0:
called_computation.1_lowered:
.L_overlay_start_0:
0x88: {  	s2 =	sld [smem:$0x3FD9]  }
0x89: {  	s3 =	sld [smem:$0x3FFE];
	_ =	sdelay $0x1  }
0x8a: {  	s1 =	srdreg.scid  }
0x8b: {  	s0 =	sand.u32 $0x1, s1  }
0x8c: {  	s17 =	sshll.u32 s0, $0xA;
	s2 =	sadd.s32 s3, s2  }
0x8d: {  	s2 =	sadd.s32 s2, s17  }
0x8e: {  	[smem:$0x3FBE] =	sst s2  }
0x8f: {  	_ = 	snop  }
0x90: {  	s18 =	sld [smem:$0x3FD0];
	(tm) =	ssettm $0x1  }
0x91: {  	s19 =	sld [smem:$0x3FFB];
	_ =	sdelay $0x3  }
0x92: {  	_ =	strace s19  }
0x93: {  	s2 =	sld [smem:$0x3FFC];
	_ =	sdelay $0x3  }
0x94: {  	_ =	strace s2  }
0x95: {  	s2 =	sld [smem:$0x3FFD];
	_ =	sdelay $0x3  }
0x96: {  	_ =	strace s2  }
0x97: {  	_ =	strace $0x8FFFFFFF  }
0x98: {  	s20 =	sld [smem:$0x3FDB];
	_ =	sdelay $0x1  }
0x99: {  	s4 =	simm.s32 $_scs_section_size  }
0x9a: {  	s5 =	simm.s32 $_size__tile_overlayer_lowered;
	s6 =	simm.s32 $_tile_overlayer_lowered  }
0x9b: {  	s7 =	simm.s32 $0x1BFF;
	s21 =	sshll.u32 s6, $0x1;
	s4 =	sadd.s32 s4, s20  }
0x9c: {  	s22 =	simm.s32 $0x0;
	s5 =	sshll.u32 s5, $0x1;
	s6 =	sadd.s32 s21, s4  }
0x9d: {  	[timem:s22], [sflag:s7] =	dma.local [hbm:s6], s5  }
0x9e: {  	_ =	swait.ge [sflag:s7], s5  }
0x9f: {  	s5 =	ssub.s32 $0x0, s5;
	[sflag:s7] =	ssyncset.done $0x0  }
0xa0: {  	[sflag:s7] =	ssyncadd.s32 s5;
	_ =	sdelay $0x1  }
0xa1: {  	s23 =	simm.s32 $0x1B8B  }
0xa2: {  	_ =	swait.ge [sflag:s23], $0x1  }
0xa3: {  	[sflag:s23] =	ssyncset.done $0x0  }
0xa4: {  	[sflag:s23] =	ssyncadd.s32 $0xFFFFFFFF  }
0xa5: {  	s5 =	sld [smem:$0x0]  }
0xa6: {  	s6 =	sand.u32 $0xFFFFFFFE, s1  }
0xa7: {  	p0 =	sne.s32 s1, s6  }
0xa8: {  	s6 =	sshll.u32 @p0 s6, $0xE  }
0xa9: {  	s6 =	sadd.s32 @p0 $0x11B8D, s6;
	s7 =	sshll.u32 @p0 s5, $0x11  }
0xaa: {  	s6 =	sor.u32 @p0 s7, s6  }
0xab: {  	[sflag:s6] =	ssyncadd.remote.s32 @p0 $0x1;
	_ =	sdelay $0x1  }
0xac: {  	s6 =	simm.s32 @p0 $0x1B8D  }
0xad: {  	_ =	swait.eq @p0 [sflag:s6], $0x1  }
0xae: {  	[sflag:s6] =	ssyncadd.s32 @p0 $0xFFFFFFFF  }
0xaf: {  	s7 =	sshll.u32 @!p0 s1, $0xE  }
0xb0: {  	s7 =	sor.u32 @!p0 $0x4000, s7;
	s6 =	simm.s32 @!p0 $0x1B8D  }
0xb1: {  	s5 =	sshll.u32 @!p0 s5, $0x11;
	s7 =	sadd.s32 @!p0 $0x11B8D, s7;
	_ =	swait.eq @!p0 [sflag:s6], $0x1  }
0xb2: {  	s5 =	sor.u32 @!p0 s5, s7;
	[sflag:s6] =	ssyncadd.s32 @!p0 $0xFFFFFFFF  }
0xb3: {  	s25 =	simm.s32 $0x1B8E;
	s24 =	sld [smem:$0x3FFE];
	[sflag:s5] =	ssyncadd.remote.s32 @!p0 $0x1  }
0xb4: {  	s26 =	simm.s32 $execute0_lowered;
	[smem:$0x3FD2] =	sst s25  }
0xb5: {  	s6 =	sshll.u32 s26, $0x1;
	_ =	strace $0x80000049;
	[dreg:$0x1] =	wrdreg $0xFFFFFFFF  }
0xb6: {  	s28 =	simm.s32 $_size_execute0_lowered;
	s4 =	sadd.s32 s4, s6;
	[dreg:$0x0] =	wrdreg $0x0  }
0xb7: {  	s6 =	sshll.u32 s28, $0x1;
	[dreg:$0x2] =	wrdreg s4  }
0xb8: {  	[dreg:$0x3] =	wrdreg s6  }
0xb9: {  	[dreg:$0x4] =	wrdreg $0xC0  }
0xba: {  	_ =	task [dreg:s22], $0x5FFFF  }
0xbb: {  	[dreg:$0x1] =	wrdreg $0xFFFFFFFF  }
0xbc: {  	[dreg:$0x0] =	wrdreg $0x60  }
0xbd: {  	[dreg:$0x2] =	wrdreg s24  }
0xbe: {  	[dreg:$0x3] =	wrdreg s18  }
0xbf: {  	[dreg:$0x4] =	wrdreg $0xA  }
0xc0: {  	_ =	task.clear_ibuf [dreg:s22], $0x5FFFF;
	_ =	strace $0x90000049  }
0xc1: {  	s29 =	simm.s32 $0xA;
	_ =	strace $0x8000004B  }
0xc2: {  	_ =	swait.ge [sflag:s29], $0x1  }
0xc3: {  	[sflag:s29] =	ssyncadd.s32 $0xFFFFFFFF  }
0xc4: {  	_ =	strace $0x9000004B  }
0xc5: {  	_ =	sfence  }
0xc6: {  	s30 =	sld [smem:$0x0];
	_ =	sdelay $0x2  }
0xc7: {  	s31 =	sshll.u32 s1, $0xD;
	s1 =	sshrl.u32 s1, $0x2  }
0xc8: {  	s4 =	sand.u32 $0x4000, s31;
	s1 =	sadd.s32 s1, s30  }
0xc9: {  	s0 =	sor.u32 s4, s0;
	s1 =	sshll.u32 s1, $0x11  }
0xca: {  	s0 =	sor.u32 s1, s0  }
0xcb: {  	s0 =	sadd.s32 $0x8F2B, s0  }
0xcc: {  	[sflag:s0] =	ssyncadd.remote.s32 $0x1  }
0xcd: {  	_ =	sfence.sel $0xFFFF  }
0xce: {  	[dreg:$0x0] =	wrdreg $0xFFFFFFFF;
	(pc) =	sbr.abs _section_cstart, $3  }
0xcf: {  	[dreg:$0x1] =	wrdreg $0xFFFFFFFF  }
0xd0: {  	_ =	task.clear_ibuf [dreg:s22], $0x2FFFF;
	_ =	strace $0x9FFFFFFF  }
0xd1: {  	(tm) =	ssettm $0x7FFFFFFF  }
tec
execute0_lowered:
.L_overlay_start_1:
0x0: {  	(tag) =	ssettag $0x1  }
0x1: {  	s0 =	srdreg.scid  }
0x2: {  	s15 =	rddreg [dreg:$0x0];
	s13 =	sand.u32 $0x1, s0  }
0x3: {  	s3 =	rddreg [dreg:$0x1];
	s1 =	stileid.u32;
	s4 =	sshll.u32 s13, $0x4  }
0x4: {  	s2 =	simm.s32 $0x0;
	s0 =	rddreg [dreg:$0x2];
	s14 =	sor.u32 s1, s4  }
0x5: {  	[smem:$0x7FF] =	sst s2;
	s4 =	sshll.u32 s14, $0x6  }
0x6: {  	_ =	strace $0x8000004A;
	s4 =	sadd.s32 s3, s4;
	s3 =	simm.s32 $0x2  }
0x7: {  	[tilespmem:s2], [sflag:$0x2] =	stream.linear.gather [hbm4b:s4+s2], $0x200, $0x38;
	[tilespmem:$0xA200] =	vst v63  }
0x8: {  	_ =	swait.ge [sflag:s3], $0x200  }
0x9: {  	s6 =	simm.s32 $0x50;
	s7 =	simm.s32 $0x200;
	[sflag:s3] =	ssyncset.done $0x0  }
0xa: {  	s8 =	simm.s32 $0x1;
	s5 =	sadd.s32 $0x68600, s15;
	[sflag:s3] =	ssyncadd.s32 $0xFFFFFE00  }
0xb: {  	[tilespmem:s7], [sflag:$0x1] =	stream.indirect.gather [hbm4b:s5+s6], $0x80, s2, s6, $0xb8;
	[tilespmem:$0xA200] =	vst v63  }
0xc: {  	_ =	swait.ge [sflag:s8], $0x2800  }
0xd: {  	[sflag:s8] =	ssyncset.done $0x0  }
0xe: {  	s9 =	simm.s32 $0x80;
	s10 =	simm.s32 $0x2A00;
	[sflag:s8] =	ssyncadd.s32 $0xFFFFD800  }
0xf: {  	[tilespmem:s10], [sflag:$0x1] =	stream.indirect.gather [hbm4b:s5+s6], $0x80, s9, s6, $0xb8;
	[tilespmem:$0xA200] =	vst v63  }
0x10: {  	_ =	swait.ge [sflag:s8], $0x2800  }
0x11: {  	s11 =	simm.s32 $0x100;
	s12 =	simm.s32 $0x5200;
	[sflag:s8] =	ssyncset.done $0x0  }
0x12: {  	s17 =	ssub.s32 $0x2, s13;
	s13 =	simm.s32 $0x180;
	[sflag:s8] =	ssyncadd.s32 $0xFFFFD800  }
0x13: {  	[tilespmem:s12], [sflag:$0x1] =	stream.indirect.gather [hbm4b:s5+s6], $0x80, s11, s6, $0xb8;
	[tilespmem:$0xA200] =	vst v63  }
0x14: {  	s18 =	sshrl.u32 s17, $0x1;
	s16 =	smul.u32 $0x1400, s14;
	_ =	swait.ge [sflag:s8], $0x2800  }
0x15: {  	s14 =	simm.s32 $0x7A00;
	s31 =	ssub.s32 s17, s18;
	[sflag:s8] =	ssyncset.done $0x0  }
0x16: {  	s15 =	sadd.s32 s16, s15;
	s16 =	smax.u32 s31, $0x1;
	[sflag:s8] =	ssyncadd.s32 $0xFFFFD800  }
0x17: {  	[tilespmem:s14], [sflag:$0x1] =	stream.indirect.gather [hbm4b:s5+s6], $0x80, s13, s6, $0xb8;
	[tilespmem:$0xA200] =	vst v63  }
0x18: {  	p0 =	sne.s32 s16, $0x1;
	_ =	swait.ge [sflag:s8], $0x2800  }
.Ltmp0:
0x19: {  	[sflag:s8] =	ssyncset.done $0x0;
	(pc) =	sbr.rel @!p0 .LBB2_2-.Ltmp0, $4  }
0x1a: {  	s15 =	sadd.s32 $0x6C600, s15;
	[sflag:s8] =	ssyncadd.s32 $0xFFFFD800  }
0x1b: {  	[hbm4b:s15+s2] =	stream.linear.scatter [tilespmem:s7], [sflag:$0x2], $0xA000, $0x38;
	[tilespmem:$0xA200] =	vst v63  }
0x1c: {  	_ =	swait.ge [sflag:s3], $0xA000  }
0x1d: {  	s16 =	sadd.s32 $0xFFFFFFFF, s16;
	[sflag:s3] =	ssyncset.done $0x0  }
.LBB2_1:
0x1e: {  	p0 =	sne.s32 s16, $0x1;
	s16 =	sadd.s32 $0xFFFFFFFF, s16;
	[sflag:s3] =	ssyncadd.s32 $0xFFFF6000  }
0x1f: {  	[tilespmem:s2], [sflag:$0x2] =	stream.linear.gather [hbm4b:s4+s2], $0x200, $0x38;
	[tilespmem:$0xA200] =	vst v63  }
0x20: {  	_ =	swait.ge [sflag:s3], $0x200  }
0x21: {  	[sflag:s3] =	ssyncset.done $0x0  }
0x22: {  	[sflag:s3] =	ssyncadd.s32 $0xFFFFFE00  }
0x23: {  	[tilespmem:s7], [sflag:$0x1] =	stream.indirect.gather [hbm4b:s5+s6], $0x80, s2, s6, $0xb8;
	[tilespmem:$0xA200] =	vst v63  }
0x24: {  	_ =	swait.ge [sflag:s8], $0x2800  }
0x25: {  	[sflag:s8] =	ssyncset.done $0x0  }
0x26: {  	[sflag:s8] =	ssyncadd.s32 $0xFFFFD800  }
0x27: {  	[tilespmem:s10], [sflag:$0x1] =	stream.indirect.gather [hbm4b:s5+s6], $0x80, s9, s6, $0xb8;
	[tilespmem:$0xA200] =	vst v63  }
0x28: {  	_ =	swait.ge [sflag:s8], $0x2800  }
0x29: {  	[sflag:s8] =	ssyncset.done $0x0  }
0x2a: {  	[sflag:s8] =	ssyncadd.s32 $0xFFFFD800  }
0x2b: {  	[tilespmem:s12], [sflag:$0x1] =	stream.indirect.gather [hbm4b:s5+s6], $0x80, s11, s6, $0xb8;
	[tilespmem:$0xA200] =	vst v63  }
0x2c: {  	_ =	swait.ge [sflag:s8], $0x2800  }
0x2d: {  	[sflag:s8] =	ssyncset.done $0x0  }
0x2e: {  	[sflag:s8] =	ssyncadd.s32 $0xFFFFD800  }
0x2f: {  	[tilespmem:s14], [sflag:$0x1] =	stream.indirect.gather [hbm4b:s5+s6], $0x80, s13, s6, $0xb8;
	[tilespmem:$0xA200] =	vst v63  }
0x30: {  	_ =	swait.ge [sflag:s8], $0x2800  }
.Ltmp1:
0x31: {  	[sflag:s8] =	ssyncset.done $0x0;
	(pc) =	sbr.rel @p0 .LBB2_1-.Ltmp1, $4  }
0x32: {  	[sflag:s8] =	ssyncadd.s32 $0xFFFFD800  }
0x33: {  	[hbm4b:s15+s2] =	stream.linear.scatter [tilespmem:s7], [sflag:$0x2], $0xA000, $0x38;
	[tilespmem:$0xA200] =	vst v63  }
0x34: {  	_ =	swait.ge [sflag:s3], $0xA000  }
0x35: {  	[sflag:s3] =	ssyncset.done $0x0  }
.LBB2_2:
0x36: {  	[sflag:s3] =	ssyncadd.s32 $0xFFFF6000  }
0x37: {  	_ =	sfence.sel $0x180000  }
0x38: {  	[bflag:$0x0] =	sbarrier.arrive $0xFFFF  }
0x39: {  	p0 =	sne.s32 s1, $0x0;
	_ =	strace $0x9000004A  }
0x3a: {  	s0 =	sadd.s32 @!p0 $0x100000, s0;
	[bflag:$0x2] =	sbarrier.arrive $0xFFFF  }
0x3b: {  	[sflag:s0] =	ssyncadd.tile.s32 @!p0 $0x1;
	_ =	shalt  }
.Lfunc_end2:
_tile_overlayer_lowered:
.L_overlay_start_2:
0x3c: {  	(tag) =	ssettag $0x2  }
0x3d: {  	s0 =	rddreg [dreg:$0x0];
	s2 =	stileid.u32  }
0x3e: {  	s1 =	rddreg [dreg:$0x1];
	p0 =	sne.s32 s2, $0x0  }
0x3f: {  	s3 =	rddreg [dreg:$0x2];
	[bflag:$0x3] =	sbarrier.arrive $0xFFFF;
	s2 =	simm.s32 @!p0 $0x1C02  }
0x40: {  	[timem:s3], [sflag:s2] =	dma.local @!p0 [hbm:s0], s1  }
0x41: {  	s0 =	simm.s32 @!p0 $0x2  }
0x42: {  	_ =	swait.ge @!p0 [sflag:s0], s1  }
0x43: {  	s1 =	ssub.s32 @!p0 $0x0, s1;
	[sflag:s0] =	ssyncset.done @!p0 $0x0  }
0x44: {  	[sflag:s0] =	ssyncadd.s32 @!p0 s1  }
0x45: {  	[bflag:$0x3] =	sbarrier.arrive $0xFFFF  }
0x46: {  	_ =	shalt  }

// kernel: kernel.21.cloned.1.call-start
scs
__scs_entry_jumppad:
0x0: {  	(pc) =	sbr.rel $0x88, $3  }
0x1: {  	(tag) =	ssettag $0x0;
	lr =	simm.s32 $0x1  }
0x2: {  	[smem:$0x3F97] =	sst lr;
	_ =	strace $0xD0000000  }
0x3: {  	_ = 	snop  }
0x4: {  	_ = 	snop  }
0x5: {  	_ = 	snop  }
0x6: {  	_ = 	snop  }
0x7: {  	_ = 	snop  }
__scs_overlays_trampoline_lowered:
0x8: {  	[smem:$0x3FA6] =	sst s0  }
0x9: {  	[smem:$0x3FA7] =	sst s1  }
0xa: {  	[smem:$0x3FA8] =	sst s2  }
0xb: {  	[smem:$0x3FA9] =	sst s3  }
0xc: {  	[smem:$0x3FAA] =	sst s4  }
0xd: {  	[smem:$0x3FAB] =	sst s5  }
0xe: {  	[smem:$0x3FAC] =	sst s6  }
0xf: {  	[smem:$0x3FAD] =	sst s7  }
0x10: {  	[smem:$0x3FAE] =	sst s8  }
0x11: {  	[smem:$0x3FAF] =	sst s9;
	s0 =	simm.s32 @!p0 $0x0  }
0x12: {  	s1 =	sld [smem:$0x3F95];
	s0 =	simm.s32 @p0 $0x1  }
0x13: {  	[smem:$0x3FB0] =	sst s0;
	s0 =	simm.s32 @!p1 $0x0  }
0x14: {  	s2 =	sld [smem:$0x3F94];
	s0 =	simm.s32 @p1 $0x1  }
0x15: {  	[smem:$0x3FB1] =	sst s0;
	s0 =	simm.s32 @!p2 $0x0  }
0x16: {  	s3 =	sld [smem:$0x3FDB];
	s0 =	simm.s32 @p2 $0x1  }
0x17: {  	s4 =	simm.s32 $0x1BF5;
	[smem:$0x3FB3] =	sst s0  }
0x18: {  	s0 =	sld [smem:$0x3F96];
	_ =	swait.ge [sflag:s4], $0x0  }
0x19: {  	s7 =	sld [smem:$0x3F97]  }
0x1a: {  	s8 =	sadd.s32 $0xFFFFE003, lr  }
0x1b: {  	s9 =	sadd.s32 $0xFFFFFEF7, lr;
	s5 =	simm.s32 $0xFFFFFFFF;
	p2 =	slt.u32 s8, $0xFFFFF086  }
0x1c: {  	p1 =	slt.u32 s9, $0xF7A;
	s5 =	simm.s32 @!p2 $0x0  }
0x1d: {  	s5 =	simm.s32 @p1 $0x1;
	p0 =	seq.s32 s7, s2  }
0x1e: {  	s7 =	smul.u32 @!p0 $0xF7A, s2;
	p2 =	seq.s32 @!p0 s5, $0x0  }
0x1f: {  	s9 =	smul.u32 $0xF7A, s1;
	s8 =	simm.s32 @!p0 $0x1BF5;
	p2 =	por !p2, p0  }
0x20: {  	[sflag:s8] =	ssyncset.s32 @!p0 $0xFFFFF086;
	s6 =	sadd.s32 @!p0 s3, s7;
	s7 =	simm.s32 @!p0 $0x108  }
0x21: {  	s3 =	sadd.s32 s3, s9;
	s6 =	sadd.s32 @!p0 $0x88, s6;
	s7 =	simm.s32 @p2 $0x1082  }
0x22: {  	[simem:s7], [sflag:s8] =	dma.local @!p0 [hbm:s6], $0xF7A  }
0x23: {  	s9 =	sor.u32 $0xD0000000, s2;
	s6 =	simm.s32 $0x108;
	_ =	swait.ge @!p0 [sflag:s8], $0x0  }
0x24: {  	s3 =	sadd.s32 $0x88, s3;
	s6 =	simm.s32 @!p1 $0x1082;
	[sflag:s4] =	ssyncset.s32 $0xFFFFF086  }
0x25: {  	[simem:s6], [sflag:s4] =	dma.local [hbm:s3], $0xF7A  }
0x26: {  	[smem:$0x3F97] =	sst s1;
	(tag) =	ssettag s2;
	_ =	strace s9  }
0x27: {  	s1 =	sld [smem:$0x3FA7]  }
0x28: {  	s2 =	sld [smem:$0x3FA8]  }
0x29: {  	s4 =	sld [smem:$0x3FAA]  }
0x2a: {  	p0 =	seq.s32 s5, $0x0;
	s5 =	sld [smem:$0x3FAB]  }
0x2b: {  	s6 =	sld [smem:$0x3FAC]  }
0x2c: {  	s7 =	sld [smem:$0x3FAD]  }
0x2d: {  	s3 =	simm.s32 $0x108;
	s8 =	sld [smem:$0x3FAE]  }
0x2e: {  	s3 =	simm.s32 @!p0 $0x1082;
	s9 =	sld [smem:$0x3FAF]  }
0x2f: {  	lr =	sadd.s32 s0, s3;
	s0 =	sld [smem:$0x3FA6]  }
0x30: {  	s3 =	sld [smem:$0x3FA9]  }
0x31: {  	[smem:$0x3FB2] =	sst s10  }
0x32: {  	s10 =	sld [smem:$0x3FB0];
	_ =	sdelay $0x3  }
0x33: {  	p0 =	seq.s32 s10, $0x1;
	s10 =	sld [smem:$0x3FB2];
	_ =	sdelay $0x3  }
0x34: {  	[smem:$0x3FB2] =	sst s10  }
0x35: {  	s10 =	sld [smem:$0x3FB1];
	_ =	sdelay $0x3  }
0x36: {  	p1 =	seq.s32 s10, $0x1;
	s10 =	sld [smem:$0x3FB2];
	_ =	sdelay $0x3  }
0x37: {  	[smem:$0x3FB2] =	sst s10  }
0x38: {  	s10 =	sld [smem:$0x3FB3]  }
0x39: {  	_ = 	snop;
	(pc) =	sbr.ind lr, $3  }
0x3a: {  	_ = 	snop  }
0x3b: {  	_ = 	snop  }
0x3c: {  	p2 =	seq.s32 s10, $0x1;
	s10 =	sld [smem:$0x3FB2]  }
0x3d: {  	_ =	shalt  }
0x3e: {  	_ =	shalt  }
0x3f: {  	_ =	shalt  }
0x40: {  	_ =	shalt  }
0x41: {  	_ =	shalt  }
0x42: {  	_ =	shalt  }
0x43: {  	_ =	shalt  }
0x44: {  	_ =	shalt  }
0x45: {  	_ =	shalt  }
0x46: {  	_ =	shalt  }
0x47: {  	_ =	shalt  }
0x48: {  	_ =	shalt  }
0x49: {  	_ =	shalt  }
0x4a: {  	_ =	shalt  }
0x4b: {  	_ =	shalt  }
0x4c: {  	_ =	shalt  }
0x4d: {  	_ =	shalt  }
0x4e: {  	_ =	shalt  }
0x4f: {  	_ =	shalt  }
0x50: {  	_ =	shalt  }
0x51: {  	_ =	shalt  }
0x52: {  	_ =	shalt  }
0x53: {  	_ =	shalt  }
0x54: {  	_ =	shalt  }
0x55: {  	_ =	shalt  }
0x56: {  	_ =	shalt  }
0x57: {  	_ =	shalt  }
0x58: {  	_ =	shalt  }
0x59: {  	_ =	shalt  }
0x5a: {  	_ =	shalt  }
0x5b: {  	_ =	shalt  }
0x5c: {  	_ =	shalt  }
0x5d: {  	_ =	shalt  }
0x5e: {  	_ =	shalt  }
0x5f: {  	_ =	shalt  }
0x60: {  	_ =	shalt  }
0x61: {  	_ =	shalt  }
0x62: {  	_ =	shalt  }
0x63: {  	_ =	shalt  }
0x64: {  	_ =	shalt  }
0x65: {  	_ =	shalt  }
0x66: {  	_ =	shalt  }
0x67: {  	_ =	shalt  }
0x68: {  	_ =	shalt  }
0x69: {  	_ =	shalt  }
0x6a: {  	_ =	shalt  }
0x6b: {  	_ =	shalt  }
0x6c: {  	_ =	shalt  }
0x6d: {  	_ =	shalt  }
0x6e: {  	_ =	shalt  }
0x6f: {  	_ =	shalt  }
0x70: {  	_ =	shalt  }
0x71: {  	_ =	shalt  }
0x72: {  	_ =	shalt  }
0x73: {  	_ =	shalt  }
0x74: {  	_ =	shalt  }
0x75: {  	_ =	shalt  }
0x76: {  	_ =	shalt  }
0x77: {  	_ =	shalt  }
0x78: {  	_ =	shalt  }
0x79: {  	_ =	shalt  }
0x7a: {  	_ =	shalt  }
0x7b: {  	_ =	shalt  }
0x7c: {  	_ =	shalt  }
0x7d: {  	_ =	shalt  }
0x7e: {  	_ =	shalt  }
0x7f: {  	_ =	shalt  }
0x80: {  	_ =	shalt  }
0x81: {  	_ =	shalt  }
0x82: {  	_ =	shalt  }
0x83: {  	_ =	shalt  }
0x84: {  	_ =	shalt  }
0x85: {  	_ =	shalt  }
0x86: {  	_ =	shalt  }
0x87: {  	_ =	shalt  }
.Lfunc_end0:
.L_simem_size_0:
called_computation.2_lowered:
.L_overlay_start_0:
0x88: {  	s2 =	sld [smem:$0x3FD9]  }
0x89: {  	s3 =	sld [smem:$0x3FFE];
	_ =	sdelay $0x1  }
0x8a: {  	s1 =	srdreg.scid  }
0x8b: {  	s0 =	sand.u32 $0x1, s1  }
0x8c: {  	s16 =	sshll.u32 s0, $0xA;
	s2 =	sadd.s32 s3, s2  }
0x8d: {  	s2 =	sadd.s32 s2, s16  }
0x8e: {  	[smem:$0x3FBE] =	sst s2  }
0x8f: {  	_ = 	snop  }
0x90: {  	(tm) =	ssettm $0x1  }
0x91: {  	s17 =	sld [smem:$0x3FFB];
	_ =	sdelay $0x3  }
0x92: {  	_ =	strace s17  }
0x93: {  	s2 =	sld [smem:$0x3FFC];
	_ =	sdelay $0x3  }
0x94: {  	_ =	strace s2  }
0x95: {  	s2 =	sld [smem:$0x3FFD];
	_ =	sdelay $0x3  }
0x96: {  	_ =	strace s2  }
0x97: {  	_ =	strace $0x8FFFFFFF  }
0x98: {  	s18 =	sld [smem:$0x3FDB];
	_ =	sdelay $0x1  }
0x99: {  	s19 =	simm.s32 $_scs_section_size  }
0x9a: {  	s4 =	simm.s32 $_size__tile_overlayer_lowered;
	s5 =	simm.s32 $_tile_overlayer_lowered  }
0x9b: {  	s22 =	simm.s32 $0x1BFF;
	s21 =	sshll.u32 s5, $0x1;
	s2 =	sadd.s32 s19, s18  }
0x9c: {  	s6 =	simm.s32 $0x0;
	s20 =	sshll.u32 s4, $0x1;
	s4 =	sadd.s32 s21, s2  }
0x9d: {  	[timem:s6], [sflag:s22] =	dma.local [hbm:s4], s20  }
0x9e: {  	_ =	swait.ge [sflag:s22], s20  }
0x9f: {  	s3 =	ssub.s32 $0x0, s20;
	[sflag:s22] =	ssyncset.done $0x0  }
0xa0: {  	[sflag:s22] =	ssyncadd.s32 s3;
	_ =	sdelay $0x1  }
0xa1: {  	s23 =	simm.s32 $0x1B8B  }
0xa2: {  	_ =	swait.ge [sflag:s23], $0x1  }
0xa3: {  	[sflag:s23] =	ssyncset.done $0x0  }
0xa4: {  	s25 =	simm.s32 $0x1B8E;
	s24 =	sld [smem:$0x3FFE];
	[sflag:s23] =	ssyncadd.s32 $0xFFFFFFFF  }
0xa5: {  	s26 =	simm.s32 $execute0_lowered;
	[smem:$0x3FD2] =	sst s25  }
0xa6: {  	s4 =	sshll.u32 s26, $0x1;
	_ =	strace $0x8000004C;
	[dreg:$0x1] =	wrdreg $0xFFFFFFFF  }
0xa7: {  	s28 =	simm.s32 $_size_execute0_lowered;
	s2 =	sadd.s32 s2, s4;
	[dreg:$0x0] =	wrdreg $0x0  }
0xa8: {  	s4 =	sshll.u32 s28, $0x1;
	[dreg:$0x2] =	wrdreg s2  }
0xa9: {  	[dreg:$0x3] =	wrdreg s4  }
0xaa: {  	[dreg:$0x4] =	wrdreg $0xC0  }
0xab: {  	_ =	task [dreg:s6], $0x5FFFF  }
0xac: {  	[dreg:$0x1] =	wrdreg $0xFFFFFFFF  }
0xad: {  	[dreg:$0x0] =	wrdreg $0x60  }
0xae: {  	[dreg:$0x2] =	wrdreg s24  }
0xaf: {  	[dreg:$0x3] =	wrdreg $0xB0000  }
0xb0: {  	[dreg:$0x4] =	wrdreg $0x9  }
0xb1: {  	_ =	task.clear_ibuf [dreg:s6], $0x5FFFF;
	_ =	strace $0x9000004C  }
0xb2: {  	s29 =	simm.s32 $0x9;
	_ =	strace $0x8000004E  }
0xb3: {  	_ =	swait.ge [sflag:s29], $0x1  }
0xb4: {  	[sflag:s29] =	ssyncadd.s32 $0xFFFFFFFF  }
0xb5: {  	_ =	strace $0x9000004E  }
0xb6: {  	_ =	sfence  }
0xb7: {  	s30 =	sld [smem:$0x0];
	_ =	sdelay $0x2  }
0xb8: {  	s31 =	sshll.u32 s1, $0xD;
	s1 =	sshrl.u32 s1, $0x2  }
0xb9: {  	s3 =	sand.u32 $0x4000, s31;
	s1 =	sadd.s32 s1, s30  }
0xba: {  	s0 =	sor.u32 s3, s0;
	s1 =	sshll.u32 s1, $0x11  }
0xbb: {  	s0 =	sor.u32 s1, s0  }
0xbc: {  	s0 =	sadd.s32 $0x8F2B, s0  }
0xbd: {  	[sflag:s0] =	ssyncadd.remote.s32 $0x1  }
0xbe: {  	_ =	sfence.sel $0xFFFF  }
0xbf: {  	[dreg:$0x0] =	wrdreg $0xFFFFFFFF;
	(pc) =	sbr.abs _section_cstart, $3  }
0xc0: {  	[dreg:$0x1] =	wrdreg $0xFFFFFFFF  }
0xc1: {  	_ =	task.clear_ibuf [dreg:s6], $0x2FFFF;
	_ =	strace $0x9FFFFFFF  }
0xc2: {  	(tm) =	ssettm $0x7FFFFFFF  }
0xc3: {  	_ =	shalt  }
tec
execute0_lowered:
.L_overlay_start_1:
0x0: {  	(tag) =	ssettag $0x1  }
0x1: {  	s5 =	rddreg [dreg:$0x0]  }
0x2: {  	s2 =	rddreg [dreg:$0x1]  }
0x3: {  	s0 =	rddreg [dreg:$0x2];
	s1 =	stileid.u32;
	s3 =	simm.s32 $0x0  }
0x4: {  	s4 =	srdreg.scid;
	s15 =	simm.s32 $0x2;
	s16 =	simm.s32 $0x3800  }
0x5: {  	s17 =	simm.s32 $0x7000;
	s18 =	simm.s32 $0x80;
	s6 =	smul.u32 $0x30, s1  }
0x6: {  	s19 =	simm.s32 $0x1;
	s7 =	sand.u32 $0x1, s4;
	s4 =	smul.u32 $0x70, s1  }
0x7: {  	s22 =	simm.s32 $0x0;
	[smem:$0x7FF] =	sst s3;
	s9 =	smul.u32 $0x14000, s1  }
0x8: {  	s30 =	smul.u32 $0x50000, s1;
	s20 =	sshll.u32 s1, $0x6;
	p0 =	seq.s32 s7, $0x0  }
0x9: {  	s8 =	smul.u32 $0x140000, s7;
	_ =	strace $0x8000004D;
	s7 =	ssub.s32 $0x2, s7  }
0xa: {  	s20 =	sor.u32 $0x1C02, s20;
	s6 =	sadd.s32 $0x700, s6;
	s31 =	sshrl.u32 s7, $0x1  }
0xb: {  	s6 =	smov.u32 @p0 s4;
	s4 =	sadd.s32 $0x18600, s5;
	s29 =	sadd.s32 s9, s8  }
0xc: {  	s14 =	ssub.s32 s7, s31;
	s8 =	sshrl.u32 s30, $0x2;
	s6 =	sshll.u32 s6, $0x4  }
0xd: {  	s8 =	sadd.s32 s8, s2;
	s14 =	smax.u32 s14, $0x1;
	s10 =	sadd.s32 s6, s5  }
0xe: {  	s6 =	sshrl.u32 s29, $0x3;
	s9 =	sadd.s32 $0x4000, s8;
	s11 =	sadd.s32 $0xC000, s8  }
0xf: {  	s12 =	sadd.s32 $0x10000, s8;
	s21 =	sshrl.u32 s8, $0x3;
	s13 =	sadd.s32 s6, s5  }
0x10: {  	s5 =	simm.s32 $0x70;
	s6 =	sadd.s32 $0x3E00, s10;
	s7 =	sadd.s32 $0xE200, s10  }
0x11: {  	v0 =	vimm.f32 $0.0e+00;
	s10 =	sadd.s32 $0x8000, s8;
	s5 =	simm.s32 @!p0 $0x30;
	s13 =	sadd.s32 $0x40600, s13  }
.LBB2_1:
0x12: {  	[tilespmem:s3], [sflag:$0x2] =	stream.linear.gather [hbm4b:s6+s3], $0x3800, $0x38;
	[tilespmem:$0x1F000] =	vst v63  }
0x13: {  	_ =	swait.ge [sflag:s15], $0x3800  }
0x14: {  	[sflag:s15] =	ssyncset.done $0x0  }
0x15: {  	[sflag:s15] =	ssyncadd.s32 $0xFFFFC800  }
0x16: {  	[tilespmem:s16], [sflag:$0x2] =	stream.linear.gather [hbm4b:s7+s3], $0x3800, $0x38;
	[tilespmem:$0x1F000] =	vst v63  }
0x17: {  	_ =	swait.ge [sflag:s15], $0x3800  }
0x18: {  	[sflag:s15] =	ssyncset.done $0x0  }
0x19: {  	s23 =	simm.s32 $0x0;
	s24 =	simm.s32 $0x200;
	[sflag:s15] =	ssyncadd.s32 $0xFFFFC800  }
.LBB2_2:
0x1a: {  	p0 =	sne.s32 s24, $0xFE00;
	[tilespmem:s23+$0x7070] =	vst v0  }
0x1b: {  	[tilespmem:s23+$0x7000] =	vst v0  }
0x1c: {  	[tilespmem:s23+$0x7010] =	vst v0  }
.Ltmp0:
0x1d: {  	[tilespmem:s23+$0x7020] =	vst v0;
	(pc) =	sbr.rel @p0 .LBB2_2-.Ltmp0, $4  }
0x1e: {  	[tilespmem:s23+$0x7030] =	vst v0  }
0x1f: {  	[tilespmem:s23+$0x7040] =	vst v0  }
0x20: {  	[tilespmem:s23+$0x7050] =	vst v0  }
0x21: {  	[tilespmem:s23+$0x7060] =	vst v0;
	s23 =	sshra.s32 s24, $0x2;
	s24 =	sadd.s32 $0x200, s24  }
0x22: {  	[tilespmem:s23+$0x7070] =	vst v0  }
0x23: {  	[tilespmem:s23+$0x7000] =	vst v0  }
0x24: {  	[tilespmem:s23+$0x7010] =	vst v0  }
0x25: {  	[tilespmem:s23+$0x7020] =	vst v0  }
0x26: {  	[tilespmem:s23+$0x7030] =	vst v0  }
0x27: {  	[tilespmem:s23+$0x7040] =	vst v0  }
0x28: {  	[tilespmem:s23+$0x7050] =	vst v0  }
0x29: {  	[tilespmem:s23+$0x7060] =	vst v0  }
0x2a: {  	[spmem:s8] =	stream.linear.scatter [tilespmem:s17], [sflag:$0x2], $0x4000, $0x38;
	[tilespmem:$0x1F000] =	vst v63  }
0x2b: {  	_ =	swait.ge [sflag:s15], $0x4000  }
0x2c: {  	[sflag:s15] =	ssyncset.done $0x0  }
0x2d: {  	[sflag:s15] =	ssyncadd.s32 $0xFFFFC000  }
0x2e: {  	[spmem:s9] =	stream.linear.scatter [tilespmem:s17], [sflag:$0x2], $0x4000, $0x38;
	[tilespmem:$0x1F000] =	vst v63  }
0x2f: {  	_ =	swait.ge [sflag:s15], $0x4000  }
0x30: {  	[sflag:s15] =	ssyncset.done $0x0  }
0x31: {  	[sflag:s15] =	ssyncadd.s32 $0xFFFFC000  }
0x32: {  	[spmem:s10] =	stream.linear.scatter [tilespmem:s17], [sflag:$0x2], $0x4000, $0x38;
	[tilespmem:$0x1F000] =	vst v63  }
0x33: {  	_ =	swait.ge [sflag:s15], $0x4000  }
0x34: {  	[sflag:s15] =	ssyncset.done $0x0  }
0x35: {  	[sflag:s15] =	ssyncadd.s32 $0xFFFFC000  }
0x36: {  	[spmem:s11] =	stream.linear.scatter [tilespmem:s17], [sflag:$0x2], $0x4000, $0x38;
	[tilespmem:$0x1F000] =	vst v63  }
0x37: {  	_ =	swait.ge [sflag:s15], $0x4000  }
0x38: {  	[sflag:s15] =	ssyncset.done $0x0  }
0x39: {  	[sflag:s15] =	ssyncadd.s32 $0xFFFFC000  }
0x3a: {  	[spmem:s12] =	stream.linear.scatter [tilespmem:s17], [sflag:$0x2], $0x4000, $0x38;
	[tilespmem:$0x1F000] =	vst v63  }
0x3b: {  	_ =	swait.ge [sflag:s15], $0x4000  }
0x3c: {  	[sflag:s15] =	ssyncset.done $0x0  }
0x3d: {  	[sflag:s15] =	ssyncadd.s32 $0xFFFFC000  }
0x3e: {  	s23 =	simm.s32 $0x0;
	[bflag:$0x0] =	sbarrier.arrive $0xFFFF  }
0x3f: {  	[tilespmem:s17], [sflag:$0x1] =	stream.indirect.gather [hbm4b:s4+s18], $0x80, s23, s18, $0xb8;
	[tilespmem:$0x1F000] =	vst v63  }
0x40: {  	p0 =	sne.s32 s5, $0x1;
	_ =	swait.ge [sflag:s19], $0x4000  }
.Ltmp1:
0x41: {  	[sflag:s19] =	ssyncset.done $0x0;
	(pc) =	sbr.rel @!p0 .LBB2_5-.Ltmp1, $4  }
0x42: {  	s24 =	simm.s32 $0x3800;
	[sflag:s19] =	ssyncadd.s32 $0xFFFFC000  }
0x43: {  	[spmem:s2] =	stream.indirect.scatter.add.f32 [tilespmem:s17], [sflag:$0x2], $0x80, s24, s18, $0xb8;
	[tilespmem:$0x1F000] =	vst v63  }
0x44: {  	_ =	swait.ge [sflag:s15], $0x4000  }
0x45: {  	s25 =	sadd.s32 $0xFFFFFFFF, s5;
	[sflag:s15] =	ssyncset.done $0x0  }
.LBB2_4:
0x46: {  	[sflag:s15] =	ssyncadd.s32 $0xFFFFC000;
	s23 =	sadd.s32 $0x80, s23;
	s24 =	sadd.s32 $0x80, s24  }
0x47: {  	[tilespmem:s17], [sflag:$0x1] =	stream.indirect.gather [hbm4b:s4+s18], $0x80, s23, s18, $0xb8;
	[tilespmem:$0x1F000] =	vst v63  }
0x48: {  	p0 =	sne.s32 s25, $0x1;
	s25 =	sadd.s32 $0xFFFFFFFF, s25;
	_ =	swait.ge [sflag:s19], $0x4000  }
.Ltmp2:
0x49: {  	[sflag:s19] =	ssyncset.done $0x0;
	(pc) =	sbr.rel @p0 .LBB2_4-.Ltmp2, $4  }
0x4a: {  	[sflag:s19] =	ssyncadd.s32 $0xFFFFC000  }
0x4b: {  	[spmem:s2] =	stream.indirect.scatter.add.f32 [tilespmem:s17], [sflag:$0x2], $0x80, s24, s18, $0xb8;
	[tilespmem:$0x1F000] =	vst v63  }
0x4c: {  	_ =	swait.ge [sflag:s15], $0x4000  }
0x4d: {  	[sflag:s15] =	ssyncset.done $0x0  }
.LBB2_5:
0x4e: {  	s22 =	sadd.s32 $0x1, s22  }
0x4f: {  	[sflag:s15] =	ssyncadd.s32 $0xFFFFC000;
	p0 =	sne.s32 s22, s14  }
.Ltmp3:
0x50: {  	[bflag:$0x0] =	sbarrier.arrive $0xFFFF;
	(pc) =	sbr.rel @p0 .LBB2_1-.Ltmp3, $4  }
0x51: {  	[hbm:s13], [sflag:s20] =	dma.local [spmem:s21], $0x2800  }
0x52: {  	_ =	swait.ge [sflag:s15], $0x2800  }
0x53: {  	[sflag:s15] =	ssyncset.done $0x0  }
0x54: {  	[sflag:s15] =	ssyncadd.s32 $0xFFFFD800  }
0x55: {  	_ =	sfence.sel $0x180000  }
0x56: {  	[bflag:$0x0] =	sbarrier.arrive $0xFFFF  }
0x57: {  	p0 =	sne.s32 s1, $0x0;
	_ =	strace $0x9000004D  }
0x58: {  	s0 =	sadd.s32 @!p0 $0x100000, s0;
	[bflag:$0x2] =	sbarrier.arrive $0xFFFF  }
0x59: {  	[sflag:s0] =	ssyncadd.tile.s32 @!p0 $0x1;
	_ =	shalt  }
.Lfunc_end2:
_tile_overlayer_lowered:
.L_overlay_start_2:
0x5a: {  	(tag) =	ssettag $0x2  }
0x5b: {  	s0 =	rddreg [dreg:$0x0];
	s2 =	stileid.u32  }
0x5c: {  	s1 =	rddreg [dreg:$0x1];
	p0 =	sne.s32 s2, $0x0  }
0x5d: {  	s3 =	rddreg [dreg:$0x2];
	[bflag:$0x3] =	sbarrier.arrive $0xFFFF;
	s2 =	simm.s32 @!p0 $0x1C02  }
0x5e: {  	[timem:s3], [sflag:s2] =	dma.local @!p0 [hbm:s0], s1  }
0x5f: {  	s0 =	simm.s32 @!p0 $0x2  }
0x60: {  	_ =	swait.ge @!p0 [sflag:s0], s1  }
0x61: {  	s1 =	ssub.s32 @!p0 $0x0, s1;
	[sflag:s0] =	ssyncset.done @!p0 $0x0  }
0x62: {  	[sflag:s0] =	ssyncadd.s32 @!p0 s1  }
0x63: {  	[bflag:$0x3] =	sbarrier.arrive $0xFFFF  }
0x64: {  	_ =	shalt  }

// kernel: kernel.24.cloned.1.call-start
scs
__scs_entry_jumppad:
0x0: {  	(pc) =	sbr.rel $0x88, $3  }
0x1: {  	(tag) =	ssettag $0x0;
	lr =	simm.s32 $0x1  }
0x2: {  	[smem:$0x3F97] =	sst lr;
	_ =	strace $0xD0000000  }
0x3: {  	_ = 	snop  }
0x4: {  	_ = 	snop  }
0x5: {  	_ = 	snop  }
0x6: {  	_ = 	snop  }
0x7: {  	_ = 	snop  }
__scs_overlays_trampoline_lowered:
0x8: {  	[smem:$0x3FA6] =	sst s0  }
0x9: {  	[smem:$0x3FA7] =	sst s1  }
0xa: {  	[smem:$0x3FA8] =	sst s2  }
0xb: {  	[smem:$0x3FA9] =	sst s3  }
0xc: {  	[smem:$0x3FAA] =	sst s4  }
0xd: {  	[smem:$0x3FAB] =	sst s5  }
0xe: {  	[smem:$0x3FAC] =	sst s6  }
0xf: {  	[smem:$0x3FAD] =	sst s7  }
0x10: {  	[smem:$0x3FAE] =	sst s8  }
0x11: {  	[smem:$0x3FAF] =	sst s9;
	s0 =	simm.s32 @!p0 $0x0  }
0x12: {  	s1 =	sld [smem:$0x3F95];
	s0 =	simm.s32 @p0 $0x1  }
0x13: {  	[smem:$0x3FB0] =	sst s0;
	s0 =	simm.s32 @!p1 $0x0  }
0x14: {  	s2 =	sld [smem:$0x3F94];
	s0 =	simm.s32 @p1 $0x1  }
0x15: {  	[smem:$0x3FB1] =	sst s0;
	s0 =	simm.s32 @!p2 $0x0  }
0x16: {  	s3 =	sld [smem:$0x3FDB];
	s0 =	simm.s32 @p2 $0x1  }
0x17: {  	s4 =	simm.s32 $0x1BF5;
	[smem:$0x3FB3] =	sst s0  }
0x18: {  	s0 =	sld [smem:$0x3F96];
	_ =	swait.ge [sflag:s4], $0x0  }
0x19: {  	s7 =	sld [smem:$0x3F97]  }
0x1a: {  	s8 =	sadd.s32 $0xFFFFE003, lr  }
0x1b: {  	s9 =	sadd.s32 $0xFFFFFEF7, lr;
	s5 =	simm.s32 $0xFFFFFFFF;
	p2 =	slt.u32 s8, $0xFFFFF086  }
0x1c: {  	p1 =	slt.u32 s9, $0xF7A;
	s5 =	simm.s32 @!p2 $0x0  }
0x1d: {  	s5 =	simm.s32 @p1 $0x1;
	p0 =	seq.s32 s7, s2  }
0x1e: {  	s7 =	smul.u32 @!p0 $0xF7A, s2;
	p2 =	seq.s32 @!p0 s5, $0x0  }
0x1f: {  	s9 =	smul.u32 $0xF7A, s1;
	s8 =	simm.s32 @!p0 $0x1BF5;
	p2 =	por !p2, p0  }
0x20: {  	[sflag:s8] =	ssyncset.s32 @!p0 $0xFFFFF086;
	s6 =	sadd.s32 @!p0 s3, s7;
	s7 =	simm.s32 @!p0 $0x108  }
0x21: {  	s3 =	sadd.s32 s3, s9;
	s6 =	sadd.s32 @!p0 $0x88, s6;
	s7 =	simm.s32 @p2 $0x1082  }
0x22: {  	[simem:s7], [sflag:s8] =	dma.local @!p0 [hbm:s6], $0xF7A  }
0x23: {  	s9 =	sor.u32 $0xD0000000, s2;
	s6 =	simm.s32 $0x108;
	_ =	swait.ge @!p0 [sflag:s8], $0x0  }
0x24: {  	s3 =	sadd.s32 $0x88, s3;
	s6 =	simm.s32 @!p1 $0x1082;
	[sflag:s4] =	ssyncset.s32 $0xFFFFF086  }
0x25: {  	[simem:s6], [sflag:s4] =	dma.local [hbm:s3], $0xF7A  }
0x26: {  	[smem:$0x3F97] =	sst s1;
	(tag) =	ssettag s2;
	_ =	strace s9  }
0x27: {  	s1 =	sld [smem:$0x3FA7]  }
0x28: {  	s2 =	sld [smem:$0x3FA8]  }
0x29: {  	s4 =	sld [smem:$0x3FAA]  }
0x2a: {  	p0 =	seq.s32 s5, $0x0;
	s5 =	sld [smem:$0x3FAB]  }
0x2b: {  	s6 =	sld [smem:$0x3FAC]  }
0x2c: {  	s7 =	sld [smem:$0x3FAD]  }
0x2d: {  	s3 =	simm.s32 $0x108;
	s8 =	sld [smem:$0x3FAE]  }
0x2e: {  	s3 =	simm.s32 @!p0 $0x1082;
	s9 =	sld [smem:$0x3FAF]  }
0x2f: {  	lr =	sadd.s32 s0, s3;
	s0 =	sld [smem:$0x3FA6]  }
0x30: {  	s3 =	sld [smem:$0x3FA9]  }
0x31: {  	[smem:$0x3FB2] =	sst s10  }
0x32: {  	s10 =	sld [smem:$0x3FB0];
	_ =	sdelay $0x3  }
0x33: {  	p0 =	seq.s32 s10, $0x1;
	s10 =	sld [smem:$0x3FB2];
	_ =	sdelay $0x3  }
0x34: {  	[smem:$0x3FB2] =	sst s10  }
0x35: {  	s10 =	sld [smem:$0x3FB1];
	_ =	sdelay $0x3  }
0x36: {  	p1 =	seq.s32 s10, $0x1;
	s10 =	sld [smem:$0x3FB2];
	_ =	sdelay $0x3  }
0x37: {  	[smem:$0x3FB2] =	sst s10  }
0x38: {  	s10 =	sld [smem:$0x3FB3]  }
0x39: {  	_ = 	snop;
	(pc) =	sbr.ind lr, $3  }
0x3a: {  	_ = 	snop  }
0x3b: {  	_ = 	snop  }
0x3c: {  	p2 =	seq.s32 s10, $0x1;
	s10 =	sld [smem:$0x3FB2]  }
0x3d: {  	_ =	shalt  }
0x3e: {  	_ =	shalt  }
0x3f: {  	_ =	shalt  }
0x40: {  	_ =	shalt  }
0x41: {  	_ =	shalt  }
0x42: {  	_ =	shalt  }
0x43: {  	_ =	shalt  }
0x44: {  	_ =	shalt  }
0x45: {  	_ =	shalt  }
0x46: {  	_ =	shalt  }
0x47: {  	_ =	shalt  }
0x48: {  	_ =	shalt  }
0x49: {  	_ =	shalt  }
0x4a: {  	_ =	shalt  }
0x4b: {  	_ =	shalt  }
0x4c: {  	_ =	shalt  }
0x4d: {  	_ =	shalt  }
0x4e: {  	_ =	shalt  }
0x4f: {  	_ =	shalt  }
0x50: {  	_ =	shalt  }
0x51: {  	_ =	shalt  }
0x52: {  	_ =	shalt  }
0x53: {  	_ =	shalt  }
0x54: {  	_ =	shalt  }
0x55: {  	_ =	shalt  }
0x56: {  	_ =	shalt  }
0x57: {  	_ =	shalt  }
0x58: {  	_ =	shalt  }
0x59: {  	_ =	shalt  }
0x5a: {  	_ =	shalt  }
0x5b: {  	_ =	shalt  }
0x5c: {  	_ =	shalt  }
0x5d: {  	_ =	shalt  }
0x5e: {  	_ =	shalt  }
0x5f: {  	_ =	shalt  }
0x60: {  	_ =	shalt  }
0x61: {  	_ =	shalt  }
0x62: {  	_ =	shalt  }
0x63: {  	_ =	shalt  }
0x64: {  	_ =	shalt  }
0x65: {  	_ =	shalt  }
0x66: {  	_ =	shalt  }
0x67: {  	_ =	shalt  }
0x68: {  	_ =	shalt  }
0x69: {  	_ =	shalt  }
0x6a: {  	_ =	shalt  }
0x6b: {  	_ =	shalt  }
0x6c: {  	_ =	shalt  }
0x6d: {  	_ =	shalt  }
0x6e: {  	_ =	shalt  }
0x6f: {  	_ =	shalt  }
0x70: {  	_ =	shalt  }
0x71: {  	_ =	shalt  }
0x72: {  	_ =	shalt  }
0x73: {  	_ =	shalt  }
0x74: {  	_ =	shalt  }
0x75: {  	_ =	shalt  }
0x76: {  	_ =	shalt  }
0x77: {  	_ =	shalt  }
0x78: {  	_ =	shalt  }
0x79: {  	_ =	shalt  }
0x7a: {  	_ =	shalt  }
0x7b: {  	_ =	shalt  }
0x7c: {  	_ =	shalt  }
0x7d: {  	_ =	shalt  }
0x7e: {  	_ =	shalt  }
0x7f: {  	_ =	shalt  }
0x80: {  	_ =	shalt  }
0x81: {  	_ =	shalt  }
0x82: {  	_ =	shalt  }
0x83: {  	_ =	shalt  }
0x84: {  	_ =	shalt  }
0x85: {  	_ =	shalt  }
0x86: {  	_ =	shalt  }
0x87: {  	_ =	shalt  }
.Lfunc_end0:
.L_simem_size_0:
called_computation.3_lowered:
.L_overlay_start_0:
0x88: {  	s2 =	sld [smem:$0x3FD9]  }
0x89: {  	s3 =	sld [smem:$0x3FFE];
	_ =	sdelay $0x1  }
0x8a: {  	s1 =	srdreg.scid  }
0x8b: {  	s0 =	sand.u32 $0x1, s1  }
0x8c: {  	s16 =	sshll.u32 s0, $0xA;
	s2 =	sadd.s32 s3, s2  }
0x8d: {  	s2 =	sadd.s32 s2, s16  }
0x8e: {  	[smem:$0x3FBE] =	sst s2  }
0x8f: {  	_ = 	snop  }
0x90: {  	(tm) =	ssettm $0x1  }
0x91: {  	s17 =	sld [smem:$0x3FFB];
	_ =	sdelay $0x3  }
0x92: {  	_ =	strace s17  }
0x93: {  	s2 =	sld [smem:$0x3FFC];
	_ =	sdelay $0x3  }
0x94: {  	_ =	strace s2  }
0x95: {  	s2 =	sld [smem:$0x3FFD];
	_ =	sdelay $0x3  }
0x96: {  	_ =	strace s2  }
0x97: {  	_ =	strace $0x8FFFFFFF  }
0x98: {  	s18 =	sld [smem:$0x3FDB];
	_ =	sdelay $0x1  }
0x99: {  	s19 =	simm.s32 $_scs_section_size  }
0x9a: {  	s4 =	simm.s32 $_size__tile_overlayer_lowered;
	s5 =	simm.s32 $_tile_overlayer_lowered  }
0x9b: {  	s22 =	simm.s32 $0x1BFF;
	s21 =	sshll.u32 s5, $0x1;
	s2 =	sadd.s32 s19, s18  }
0x9c: {  	s6 =	simm.s32 $0x0;
	s20 =	sshll.u32 s4, $0x1;
	s4 =	sadd.s32 s21, s2  }
0x9d: {  	[timem:s6], [sflag:s22] =	dma.local [hbm:s4], s20  }
0x9e: {  	_ =	swait.ge [sflag:s22], s20  }
0x9f: {  	s3 =	ssub.s32 $0x0, s20;
	[sflag:s22] =	ssyncset.done $0x0  }
0xa0: {  	[sflag:s22] =	ssyncadd.s32 s3;
	_ =	sdelay $0x1  }
0xa1: {  	s23 =	simm.s32 $0x1B8B  }
0xa2: {  	_ =	swait.ge [sflag:s23], $0x1  }
0xa3: {  	[sflag:s23] =	ssyncset.done $0x0  }
0xa4: {  	s25 =	simm.s32 $0x1B8E;
	s24 =	sld [smem:$0x3FFE];
	[sflag:s23] =	ssyncadd.s32 $0xFFFFFFFF  }
0xa5: {  	s26 =	simm.s32 $execute0_lowered;
	[smem:$0x3FD2] =	sst s25  }
0xa6: {  	s4 =	sshll.u32 s26, $0x1;
	_ =	strace $0x8000004F;
	[dreg:$0x1] =	wrdreg $0xFFFFFFFF  }
0xa7: {  	s28 =	simm.s32 $_size_execute0_lowered;
	s2 =	sadd.s32 s2, s4;
	[dreg:$0x0] =	wrdreg $0x0  }
0xa8: {  	s4 =	sshll.u32 s28, $0x1;
	[dreg:$0x2] =	wrdreg s2  }
0xa9: {  	[dreg:$0x3] =	wrdreg s4  }
0xaa: {  	[dreg:$0x4] =	wrdreg $0xC0  }
0xab: {  	_ =	task [dreg:s6], $0x5FFFF  }
0xac: {  	[dreg:$0x1] =	wrdreg $0xFFFFFFFF  }
0xad: {  	[dreg:$0x0] =	wrdreg $0x60  }
0xae: {  	[dreg:$0x2] =	wrdreg s24  }
0xaf: {  	[dreg:$0x3] =	wrdreg $0xB0000  }
0xb0: {  	[dreg:$0x4] =	wrdreg $0x9  }
0xb1: {  	_ =	task.clear_ibuf [dreg:s6], $0x5FFFF;
	_ =	strace $0x9000004F  }
0xb2: {  	s29 =	simm.s32 $0x9;
	_ =	strace $0x80000051  }
0xb3: {  	_ =	swait.ge [sflag:s29], $0x1  }
0xb4: {  	[sflag:s29] =	ssyncadd.s32 $0xFFFFFFFF  }
0xb5: {  	_ =	strace $0x90000051  }
0xb6: {  	_ =	sfence  }
0xb7: {  	s30 =	sld [smem:$0x0];
	_ =	sdelay $0x2  }
0xb8: {  	s31 =	sshll.u32 s1, $0xD;
	s1 =	sshrl.u32 s1, $0x2  }
0xb9: {  	s3 =	sand.u32 $0x4000, s31;
	s1 =	sadd.s32 s1, s30  }
0xba: {  	s0 =	sor.u32 s3, s0;
	s1 =	sshll.u32 s1, $0x11  }
0xbb: {  	s0 =	sor.u32 s1, s0  }
0xbc: {  	s0 =	sadd.s32 $0x8F2B, s0  }
0xbd: {  	[sflag:s0] =	ssyncadd.remote.s32 $0x1  }
0xbe: {  	_ =	sfence.sel $0xFFFF  }
0xbf: {  	[dreg:$0x0] =	wrdreg $0xFFFFFFFF;
	(pc) =	sbr.abs _section_cstart, $3  }
0xc0: {  	[dreg:$0x1] =	wrdreg $0xFFFFFFFF  }
0xc1: {  	_ =	task.clear_ibuf [dreg:s6], $0x2FFFF;
	_ =	strace $0x9FFFFFFF  }
0xc2: {  	(tm) =	ssettm $0x7FFFFFFF  }
0xc3: {  	_ =	shalt  }
tec
execute0_lowered:
.L_overlay_start_1:
0x0: {  	(tag) =	ssettag $0x1  }
0x1: {  	s5 =	rddreg [dreg:$0x0]  }
0x2: {  	s2 =	rddreg [dreg:$0x1]  }
0x3: {  	s0 =	rddreg [dreg:$0x2];
	s1 =	stileid.u32;
	s3 =	simm.s32 $0x0  }
0x4: {  	s4 =	srdreg.scid;
	s15 =	simm.s32 $0x2;
	s16 =	simm.s32 $0x3800  }
0x5: {  	s17 =	simm.s32 $0x7000;
	s18 =	simm.s32 $0x80;
	s6 =	smul.u32 $0x30, s1  }
0x6: {  	s19 =	simm.s32 $0x1;
	s7 =	sand.u32 $0x1, s4;
	s4 =	smul.u32 $0x70, s1  }
0x7: {  	s22 =	simm.s32 $0x0;
	[smem:$0x7FF] =	sst s3;
	s9 =	smul.u32 $0x14000, s1  }
0x8: {  	s30 =	smul.u32 $0x50000, s1;
	s20 =	sshll.u32 s1, $0x6;
	p0 =	seq.s32 s7, $0x0  }
0x9: {  	s8 =	smul.u32 $0x140000, s7;
	_ =	strace $0x80000050;
	s7 =	ssub.s32 $0x2, s7  }
0xa: {  	s20 =	sor.u32 $0x1C02, s20;
	s6 =	sadd.s32 $0x700, s6;
	s31 =	sshrl.u32 s7, $0x1  }
0xb: {  	s6 =	smov.u32 @p0 s4;
	s4 =	sadd.s32 $0x18600, s5;
	s29 =	sadd.s32 s9, s8  }
0xc: {  	s14 =	ssub.s32 s7, s31;
	s8 =	sshrl.u32 s30, $0x2;
	s6 =	sshll.u32 s6, $0x4  }
0xd: {  	s8 =	sadd.s32 s8, s2;
	s14 =	smax.u32 s14, $0x1;
	s10 =	sadd.s32 s6, s5  }
0xe: {  	s6 =	sshrl.u32 s29, $0x3;
	s9 =	sadd.s32 $0x4000, s8;
	s11 =	sadd.s32 $0xC000, s8  }
0xf: {  	s12 =	sadd.s32 $0x10000, s8;
	s21 =	sshrl.u32 s8, $0x3;
	s13 =	sadd.s32 s6, s5  }
0x10: {  	s5 =	simm.s32 $0x70;
	s6 =	sadd.s32 $0x3E00, s10;
	s7 =	sadd.s32 $0xE200, s10  }
0x11: {  	v0 =	vimm.f32 $0.0e+00;
	s10 =	sadd.s32 $0x8000, s8;
	s5 =	simm.s32 @!p0 $0x30;
	s13 =	sadd.s32 $0x40600, s13  }
.LBB2_1:
0x12: {  	[tilespmem:s3], [sflag:$0x2] =	stream.linear.gather [hbm4b:s6+s3], $0x3800, $0x38;
	[tilespmem:$0x1F000] =	vst v63  }
0x13: {  	_ =	swait.ge [sflag:s15], $0x3800  }
0x14: {  	[sflag:s15] =	ssyncset.done $0x0  }
0x15: {  	[sflag:s15] =	ssyncadd.s32 $0xFFFFC800  }
0x16: {  	[tilespmem:s16], [sflag:$0x2] =	stream.linear.gather [hbm4b:s7+s3], $0x3800, $0x38;
	[tilespmem:$0x1F000] =	vst v63  }
0x17: {  	_ =	swait.ge [sflag:s15], $0x3800  }
0x18: {  	[sflag:s15] =	ssyncset.done $0x0  }
0x19: {  	s23 =	simm.s32 $0x0;
	s24 =	simm.s32 $0x200;
	[sflag:s15] =	ssyncadd.s32 $0xFFFFC800  }
.LBB2_2:
0x1a: {  	p0 =	sne.s32 s24, $0xFE00;
	[tilespmem:s23+$0x7070] =	vst v0  }
0x1b: {  	[tilespmem:s23+$0x7000] =	vst v0  }
0x1c: {  	[tilespmem:s23+$0x7010] =	vst v0  }
.Ltmp0:
0x1d: {  	[tilespmem:s23+$0x7020] =	vst v0;
	(pc) =	sbr.rel @p0 .LBB2_2-.Ltmp0, $4  }
0x1e: {  	[tilespmem:s23+$0x7030] =	vst v0  }
0x1f: {  	[tilespmem:s23+$0x7040] =	vst v0  }
0x20: {  	[tilespmem:s23+$0x7050] =	vst v0  }
0x21: {  	[tilespmem:s23+$0x7060] =	vst v0;
	s23 =	sshra.s32 s24, $0x2;
	s24 =	sadd.s32 $0x200, s24  }
0x22: {  	[tilespmem:s23+$0x7070] =	vst v0  }
0x23: {  	[tilespmem:s23+$0x7000] =	vst v0  }
0x24: {  	[tilespmem:s23+$0x7010] =	vst v0  }
0x25: {  	[tilespmem:s23+$0x7020] =	vst v0  }
0x26: {  	[tilespmem:s23+$0x7030] =	vst v0  }
0x27: {  	[tilespmem:s23+$0x7040] =	vst v0  }
0x28: {  	[tilespmem:s23+$0x7050] =	vst v0  }
0x29: {  	[tilespmem:s23+$0x7060] =	vst v0  }
0x2a: {  	[spmem:s8] =	stream.linear.scatter [tilespmem:s17], [sflag:$0x2], $0x4000, $0x38;
	[tilespmem:$0x1F000] =	vst v63  }
0x2b: {  	_ =	swait.ge [sflag:s15], $0x4000  }
0x2c: {  	[sflag:s15] =	ssyncset.done $0x0  }
0x2d: {  	[sflag:s15] =	ssyncadd.s32 $0xFFFFC000  }
0x2e: {  	[spmem:s9] =	stream.linear.scatter [tilespmem:s17], [sflag:$0x2], $0x4000, $0x38;
	[tilespmem:$0x1F000] =	vst v63  }
0x2f: {  	_ =	swait.ge [sflag:s15], $0x4000  }
0x30: {  	[sflag:s15] =	ssyncset.done $0x0  }
0x31: {  	[sflag:s15] =	ssyncadd.s32 $0xFFFFC000  }
0x32: {  	[spmem:s10] =	stream.linear.scatter [tilespmem:s17], [sflag:$0x2], $0x4000, $0x38;
	[tilespmem:$0x1F000] =	vst v63  }
0x33: {  	_ =	swait.ge [sflag:s15], $0x4000  }
0x34: {  	[sflag:s15] =	ssyncset.done $0x0  }
0x35: {  	[sflag:s15] =	ssyncadd.s32 $0xFFFFC000  }
0x36: {  	[spmem:s11] =	stream.linear.scatter [tilespmem:s17], [sflag:$0x2], $0x4000, $0x38;
	[tilespmem:$0x1F000] =	vst v63  }
0x37: {  	_ =	swait.ge [sflag:s15], $0x4000  }
0x38: {  	[sflag:s15] =	ssyncset.done $0x0  }
0x39: {  	[sflag:s15] =	ssyncadd.s32 $0xFFFFC000  }
0x3a: {  	[spmem:s12] =	stream.linear.scatter [tilespmem:s17], [sflag:$0x2], $0x4000, $0x38;
	[tilespmem:$0x1F000] =	vst v63  }
0x3b: {  	_ =	swait.ge [sflag:s15], $0x4000  }
0x3c: {  	[sflag:s15] =	ssyncset.done $0x0  }
0x3d: {  	[sflag:s15] =	ssyncadd.s32 $0xFFFFC000  }
0x3e: {  	s23 =	simm.s32 $0x0;
	[bflag:$0x0] =	sbarrier.arrive $0xFFFF  }
0x3f: {  	[tilespmem:s17], [sflag:$0x1] =	stream.indirect.gather [hbm4b:s4+s18], $0x80, s23, s18, $0xb8;
	[tilespmem:$0x1F000] =	vst v63  }
0x40: {  	p0 =	sne.s32 s5, $0x1;
	_ =	swait.ge [sflag:s19], $0x4000  }
.Ltmp1:
0x41: {  	[sflag:s19] =	ssyncset.done $0x0;
	(pc) =	sbr.rel @!p0 .LBB2_5-.Ltmp1, $4  }
0x42: {  	s24 =	simm.s32 $0x3800;
	[sflag:s19] =	ssyncadd.s32 $0xFFFFC000  }
0x43: {  	[spmem:s2] =	stream.indirect.scatter.add.f32 [tilespmem:s17], [sflag:$0x2], $0x80, s24, s18, $0xb8;
	[tilespmem:$0x1F000] =	vst v63  }
0x44: {  	_ =	swait.ge [sflag:s15], $0x4000  }
0x45: {  	s25 =	sadd.s32 $0xFFFFFFFF, s5;
	[sflag:s15] =	ssyncset.done $0x0  }
.LBB2_4:
0x46: {  	[sflag:s15] =	ssyncadd.s32 $0xFFFFC000;
	s23 =	sadd.s32 $0x80, s23;
	s24 =	sadd.s32 $0x80, s24  }
0x47: {  	[tilespmem:s17], [sflag:$0x1] =	stream.indirect.gather [hbm4b:s4+s18], $0x80, s23, s18, $0xb8;
	[tilespmem:$0x1F000] =	vst v63  }
0x48: {  	p0 =	sne.s32 s25, $0x1;
	s25 =	sadd.s32 $0xFFFFFFFF, s25;
	_ =	swait.ge [sflag:s19], $0x4000  }
.Ltmp2:
0x49: {  	[sflag:s19] =	ssyncset.done $0x0;
	(pc) =	sbr.rel @p0 .LBB2_4-.Ltmp2, $4  }
0x4a: {  	[sflag:s19] =	ssyncadd.s32 $0xFFFFC000  }
0x4b: {  	[spmem:s2] =	stream.indirect.scatter.add.f32 [tilespmem:s17], [sflag:$0x2], $0x80, s24, s18, $0xb8;
	[tilespmem:$0x1F000] =	vst v63  }
0x4c: {  	_ =	swait.ge [sflag:s15], $0x4000  }
0x4d: {  	[sflag:s15] =	ssyncset.done $0x0  }
.LBB2_5:
0x4e: {  	s22 =	sadd.s32 $0x1, s22  }
0x4f: {  	[sflag:s15] =	ssyncadd.s32 $0xFFFFC000;
	p0 =	sne.s32 s22, s14  }
.Ltmp3:
0x50: {  	[bflag:$0x0] =	sbarrier.arrive $0xFFFF;
	(pc) =	sbr.rel @p0 .LBB2_1-.Ltmp3, $4  }
0x51: {  	[hbm:s13], [sflag:s20] =	dma.local [spmem:s21], $0x2800  }
0x52: {  	_ =	swait.ge [sflag:s15], $0x2800  }
0x53: {  	[sflag:s15] =	ssyncset.done $0x0  }
0x54: {  	[sflag:s15] =	ssyncadd.s32 $0xFFFFD800  }
0x55: {  	_ =	sfence.sel $0x180000  }
0x56: {  	[bflag:$0x0] =	sbarrier.arrive $0xFFFF  }
0x57: {  	p0 =	sne.s32 s1, $0x0;
	_ =	strace $0x90000050  }
0x58: {  	s0 =	sadd.s32 @!p0 $0x100000, s0;
	[bflag:$0x2] =	sbarrier.arrive $0xFFFF  }
0x59: {  	[sflag:s0] =	ssyncadd.tile.s32 @!p0 $0x1;
	_ =	shalt  }
.Lfunc_end2:
_tile_overlayer_lowered:
.L_overlay_start_2:
0x5a: {  	(tag) =	ssettag $0x2  }
0x5b: {  	s0 =	rddreg [dreg:$0x0];
	s2 =	stileid.u32  }
0x5c: {  	s1 =	rddreg [dreg:$0x1];
	p0 =	sne.s32 s2, $0x0  }
0x5d: {  	s3 =	rddreg [dreg:$0x2];
	[bflag:$0x3] =	sbarrier.arrive $0xFFFF;
	s2 =	simm.s32 @!p0 $0x1C02  }
0x5e: {  	[timem:s3], [sflag:s2] =	dma.local @!p0 [hbm:s0], s1  }
0x5f: {  	s0 =	simm.s32 @!p0 $0x2  }
0x60: {  	_ =	swait.ge @!p0 [sflag:s0], s1  }
0x61: {  	s1 =	ssub.s32 @!p0 $0x0, s1;
	[sflag:s0] =	ssyncset.done @!p0 $0x0  }
0x62: {  	[sflag:s0] =	ssyncadd.s32 @!p0 s1  }
0x63: {  	[bflag:$0x3] =	sbarrier.arrive $0xFFFF  }
0x64: {  	_ =	shalt  }

// kernel: kernel.27.cloned.1.call-start
scs
__scs_entry_jumppad:
0x0: {  	(pc) =	sbr.rel $0x88, $3  }
0x1: {  	(tag) =	ssettag $0x0;
	lr =	simm.s32 $0x1  }
0x2: {  	[smem:$0x3F97] =	sst lr;
	_ =	strace $0xD0000000  }
0x3: {  	_ = 	snop  }
0x4: {  	_ = 	snop  }
0x5: {  	_ = 	snop  }
0x6: {  	_ = 	snop  }
0x7: {  	_ = 	snop  }
__scs_overlays_trampoline_lowered:
0x8: {  	[smem:$0x3FA6] =	sst s0  }
0x9: {  	[smem:$0x3FA7] =	sst s1  }
0xa: {  	[smem:$0x3FA8] =	sst s2  }
0xb: {  	[smem:$0x3FA9] =	sst s3  }
0xc: {  	[smem:$0x3FAA] =	sst s4  }
0xd: {  	[smem:$0x3FAB] =	sst s5  }
0xe: {  	[smem:$0x3FAC] =	sst s6  }
0xf: {  	[smem:$0x3FAD] =	sst s7  }
0x10: {  	[smem:$0x3FAE] =	sst s8  }
0x11: {  	[smem:$0x3FAF] =	sst s9;
	s0 =	simm.s32 @!p0 $0x0  }
0x12: {  	s1 =	sld [smem:$0x3F95];
	s0 =	simm.s32 @p0 $0x1  }
0x13: {  	[smem:$0x3FB0] =	sst s0;
	s0 =	simm.s32 @!p1 $0x0  }
0x14: {  	s2 =	sld [smem:$0x3F94];
	s0 =	simm.s32 @p1 $0x1  }
0x15: {  	[smem:$0x3FB1] =	sst s0;
	s0 =	simm.s32 @!p2 $0x0  }
0x16: {  	s3 =	sld [smem:$0x3FDB];
	s0 =	simm.s32 @p2 $0x1  }
0x17: {  	s4 =	simm.s32 $0x1BF5;
	[smem:$0x3FB3] =	sst s0  }
0x18: {  	s0 =	sld [smem:$0x3F96];
	_ =	swait.ge [sflag:s4], $0x0  }
0x19: {  	s7 =	sld [smem:$0x3F97]  }
0x1a: {  	s8 =	sadd.s32 $0xFFFFE003, lr  }
0x1b: {  	s9 =	sadd.s32 $0xFFFFFEF7, lr;
	s5 =	simm.s32 $0xFFFFFFFF;
	p2 =	slt.u32 s8, $0xFFFFF086  }
0x1c: {  	p1 =	slt.u32 s9, $0xF7A;
	s5 =	simm.s32 @!p2 $0x0  }
0x1d: {  	s5 =	simm.s32 @p1 $0x1;
	p0 =	seq.s32 s7, s2  }
0x1e: {  	s7 =	smul.u32 @!p0 $0xF7A, s2;
	p2 =	seq.s32 @!p0 s5, $0x0  }
0x1f: {  	s9 =	smul.u32 $0xF7A, s1;
	s8 =	simm.s32 @!p0 $0x1BF5;
	p2 =	por !p2, p0  }
0x20: {  	[sflag:s8] =	ssyncset.s32 @!p0 $0xFFFFF086;
	s6 =	sadd.s32 @!p0 s3, s7;
	s7 =	simm.s32 @!p0 $0x108  }
0x21: {  	s3 =	sadd.s32 s3, s9;
	s6 =	sadd.s32 @!p0 $0x88, s6;
	s7 =	simm.s32 @p2 $0x1082  }
0x22: {  	[simem:s7], [sflag:s8] =	dma.local @!p0 [hbm:s6], $0xF7A  }
0x23: {  	s9 =	sor.u32 $0xD0000000, s2;
	s6 =	simm.s32 $0x108;
	_ =	swait.ge @!p0 [sflag:s8], $0x0  }
0x24: {  	s3 =	sadd.s32 $0x88, s3;
	s6 =	simm.s32 @!p1 $0x1082;
	[sflag:s4] =	ssyncset.s32 $0xFFFFF086  }
0x25: {  	[simem:s6], [sflag:s4] =	dma.local [hbm:s3], $0xF7A  }
0x26: {  	[smem:$0x3F97] =	sst s1;
	(tag) =	ssettag s2;
	_ =	strace s9  }
0x27: {  	s1 =	sld [smem:$0x3FA7]  }
0x28: {  	s2 =	sld [smem:$0x3FA8]  }
0x29: {  	s4 =	sld [smem:$0x3FAA]  }
0x2a: {  	p0 =	seq.s32 s5, $0x0;
	s5 =	sld [smem:$0x3FAB]  }
0x2b: {  	s6 =	sld [smem:$0x3FAC]  }
0x2c: {  	s7 =	sld [smem:$0x3FAD]  }
0x2d: {  	s3 =	simm.s32 $0x108;
	s8 =	sld [smem:$0x3FAE]  }
0x2e: {  	s3 =	simm.s32 @!p0 $0x1082;
	s9 =	sld [smem:$0x3FAF]  }
0x2f: {  	lr =	sadd.s32 s0, s3;
	s0 =	sld [smem:$0x3FA6]  }
0x30: {  	s3 =	sld [smem:$0x3FA9]  }
0x31: {  	[smem:$0x3FB2] =	sst s10  }
0x32: {  	s10 =	sld [smem:$0x3FB0];
	_ =	sdelay $0x3  }
0x33: {  	p0 =	seq.s32 s10, $0x1;
	s10 =	sld [smem:$0x3FB2];
	_ =	sdelay $0x3  }
0x34: {  	[smem:$0x3FB2] =	sst s10  }
0x35: {  	s10 =	sld [smem:$0x3FB1];
	_ =	sdelay $0x3  }
0x36: {  	p1 =	seq.s32 s10, $0x1;
	s10 =	sld [smem:$0x3FB2];
	_ =	sdelay $0x3  }
0x37: {  	[smem:$0x3FB2] =	sst s10  }
0x38: {  	s10 =	sld [smem:$0x3FB3]  }
0x39: {  	_ = 	snop;
	(pc) =	sbr.ind lr, $3  }
0x3a: {  	_ = 	snop  }
0x3b: {  	_ = 	snop  }
0x3c: {  	p2 =	seq.s32 s10, $0x1;
	s10 =	sld [smem:$0x3FB2]  }
0x3d: {  	_ =	shalt  }
0x3e: {  	_ =	shalt  }
0x3f: {  	_ =	shalt  }
0x40: {  	_ =	shalt  }
0x41: {  	_ =	shalt  }
0x42: {  	_ =	shalt  }
0x43: {  	_ =	shalt  }
0x44: {  	_ =	shalt  }
0x45: {  	_ =	shalt  }
0x46: {  	_ =	shalt  }
0x47: {  	_ =	shalt  }
0x48: {  	_ =	shalt  }
0x49: {  	_ =	shalt  }
0x4a: {  	_ =	shalt  }
0x4b: {  	_ =	shalt  }
0x4c: {  	_ =	shalt  }
0x4d: {  	_ =	shalt  }
0x4e: {  	_ =	shalt  }
0x4f: {  	_ =	shalt  }
0x50: {  	_ =	shalt  }
0x51: {  	_ =	shalt  }
0x52: {  	_ =	shalt  }
0x53: {  	_ =	shalt  }
0x54: {  	_ =	shalt  }
0x55: {  	_ =	shalt  }
0x56: {  	_ =	shalt  }
0x57: {  	_ =	shalt  }
0x58: {  	_ =	shalt  }
0x59: {  	_ =	shalt  }
0x5a: {  	_ =	shalt  }
0x5b: {  	_ =	shalt  }
0x5c: {  	_ =	shalt  }
0x5d: {  	_ =	shalt  }
0x5e: {  	_ =	shalt  }
0x5f: {  	_ =	shalt  }
0x60: {  	_ =	shalt  }
0x61: {  	_ =	shalt  }
0x62: {  	_ =	shalt  }
0x63: {  	_ =	shalt  }
0x64: {  	_ =	shalt  }
0x65: {  	_ =	shalt  }
0x66: {  	_ =	shalt  }
0x67: {  	_ =	shalt  }
0x68: {  	_ =	shalt  }
0x69: {  	_ =	shalt  }
0x6a: {  	_ =	shalt  }
0x6b: {  	_ =	shalt  }
0x6c: {  	_ =	shalt  }
0x6d: {  	_ =	shalt  }
0x6e: {  	_ =	shalt  }
0x6f: {  	_ =	shalt  }
0x70: {  	_ =	shalt  }
0x71: {  	_ =	shalt  }
0x72: {  	_ =	shalt  }
0x73: {  	_ =	shalt  }
0x74: {  	_ =	shalt  }
0x75: {  	_ =	shalt  }
0x76: {  	_ =	shalt  }
0x77: {  	_ =	shalt  }
0x78: {  	_ =	shalt  }
0x79: {  	_ =	shalt  }
0x7a: {  	_ =	shalt  }
0x7b: {  	_ =	shalt  }
0x7c: {  	_ =	shalt  }
0x7d: {  	_ =	shalt  }
0x7e: {  	_ =	shalt  }
0x7f: {  	_ =	shalt  }
0x80: {  	_ =	shalt  }
0x81: {  	_ =	shalt  }
0x82: {  	_ =	shalt  }
0x83: {  	_ =	shalt  }
0x84: {  	_ =	shalt  }
0x85: {  	_ =	shalt  }
0x86: {  	_ =	shalt  }
0x87: {  	_ =	shalt  }
.Lfunc_end0:
.L_simem_size_0:
called_computation.4_lowered:
.L_overlay_start_0:
0x88: {  	s2 =	sld [smem:$0x3FD9]  }
0x89: {  	s3 =	sld [smem:$0x3FFE];
	_ =	sdelay $0x1  }
0x8a: {  	s1 =	srdreg.scid  }
0x8b: {  	s0 =	sand.u32 $0x1, s1  }
0x8c: {  	s16 =	sshll.u32 s0, $0xA;
	s2 =	sadd.s32 s3, s2  }
0x8d: {  	s2 =	sadd.s32 s2, s16  }
0x8e: {  	[smem:$0x3FBE] =	sst s2  }
0x8f: {  	_ = 	snop  }
0x90: {  	(tm) =	ssettm $0x1  }
0x91: {  	s17 =	sld [smem:$0x3FFB];
	_ =	sdelay $0x3  }
0x92: {  	_ =	strace s17  }
0x93: {  	s2 =	sld [smem:$0x3FFC];
	_ =	sdelay $0x3  }
0x94: {  	_ =	strace s2  }
0x95: {  	s2 =	sld [smem:$0x3FFD];
	_ =	sdelay $0x3  }
0x96: {  	_ =	strace s2  }
0x97: {  	_ =	strace $0x8FFFFFFF  }
0x98: {  	s18 =	sld [smem:$0x3FDB];
	_ =	sdelay $0x1  }
0x99: {  	s19 =	simm.s32 $_scs_section_size  }
0x9a: {  	s4 =	simm.s32 $_size__tile_overlayer_lowered;
	s5 =	simm.s32 $_tile_overlayer_lowered  }
0x9b: {  	s22 =	simm.s32 $0x1BFF;
	s21 =	sshll.u32 s5, $0x1;
	s2 =	sadd.s32 s19, s18  }
0x9c: {  	s6 =	simm.s32 $0x0;
	s20 =	sshll.u32 s4, $0x1;
	s4 =	sadd.s32 s21, s2  }
0x9d: {  	[timem:s6], [sflag:s22] =	dma.local [hbm:s4], s20  }
0x9e: {  	_ =	swait.ge [sflag:s22], s20  }
0x9f: {  	s3 =	ssub.s32 $0x0, s20;
	[sflag:s22] =	ssyncset.done $0x0  }
0xa0: {  	[sflag:s22] =	ssyncadd.s32 s3;
	_ =	sdelay $0x1  }
0xa1: {  	s23 =	simm.s32 $0x1B8B  }
0xa2: {  	_ =	swait.ge [sflag:s23], $0x1  }
0xa3: {  	[sflag:s23] =	ssyncset.done $0x0  }
0xa4: {  	s25 =	simm.s32 $0x1B8E;
	s24 =	sld [smem:$0x3FFE];
	[sflag:s23] =	ssyncadd.s32 $0xFFFFFFFF  }
0xa5: {  	s26 =	simm.s32 $execute0_lowered;
	[smem:$0x3FD2] =	sst s25  }
0xa6: {  	s4 =	sshll.u32 s26, $0x1;
	_ =	strace $0x80000052;
	[dreg:$0x1] =	wrdreg $0xFFFFFFFF  }
0xa7: {  	s28 =	simm.s32 $_size_execute0_lowered;
	s2 =	sadd.s32 s2, s4;
	[dreg:$0x0] =	wrdreg $0x0  }
0xa8: {  	s4 =	sshll.u32 s28, $0x1;
	[dreg:$0x2] =	wrdreg s2  }
0xa9: {  	[dreg:$0x3] =	wrdreg s4  }
0xaa: {  	[dreg:$0x4] =	wrdreg $0xC0  }
0xab: {  	_ =	task [dreg:s6], $0x5FFFF  }
0xac: {  	[dreg:$0x1] =	wrdreg $0xFFFFFFFF  }
0xad: {  	[dreg:$0x0] =	wrdreg $0x60  }
0xae: {  	[dreg:$0x2] =	wrdreg s24  }
0xaf: {  	[dreg:$0x3] =	wrdreg $0xB0000  }
0xb0: {  	[dreg:$0x4] =	wrdreg $0x9  }
0xb1: {  	_ =	task.clear_ibuf [dreg:s6], $0x5FFFF;
	_ =	strace $0x90000052  }
0xb2: {  	s29 =	simm.s32 $0x9;
	_ =	strace $0x80000054  }
0xb3: {  	_ =	swait.ge [sflag:s29], $0x1  }
0xb4: {  	[sflag:s29] =	ssyncadd.s32 $0xFFFFFFFF  }
0xb5: {  	_ =	strace $0x90000054  }
0xb6: {  	_ =	sfence  }
0xb7: {  	s30 =	sld [smem:$0x0];
	_ =	sdelay $0x2  }
0xb8: {  	s31 =	sshll.u32 s1, $0xD;
	s1 =	sshrl.u32 s1, $0x2  }
0xb9: {  	s3 =	sand.u32 $0x4000, s31;
	s1 =	sadd.s32 s1, s30  }
0xba: {  	s0 =	sor.u32 s3, s0;
	s1 =	sshll.u32 s1, $0x11  }
0xbb: {  	s0 =	sor.u32 s1, s0  }
0xbc: {  	s0 =	sadd.s32 $0x8F2B, s0  }
0xbd: {  	[sflag:s0] =	ssyncadd.remote.s32 $0x1  }
0xbe: {  	_ =	sfence.sel $0xFFFF  }
0xbf: {  	[dreg:$0x0] =	wrdreg $0xFFFFFFFF;
	(pc) =	sbr.abs _section_cstart, $3  }
0xc0: {  	[dreg:$0x1] =	wrdreg $0xFFFFFFFF  }
0xc1: {  	_ =	task.clear_ibuf [dreg:s6], $0x2FFFF;
	_ =	strace $0x9FFFFFFF  }
0xc2: {  	(tm) =	ssettm $0x7FFFFFFF  }
0xc3: {  	_ =	shalt  }
tec
execute0_lowered:
.L_overlay_start_1:
0x0: {  	(tag) =	ssettag $0x1  }
0x1: {  	s5 =	rddreg [dreg:$0x0]  }
0x2: {  	s2 =	rddreg [dreg:$0x1]  }
0x3: {  	s0 =	rddreg [dreg:$0x2];
	s1 =	stileid.u32;
	s3 =	simm.s32 $0x0  }
0x4: {  	s4 =	srdreg.scid;
	s15 =	simm.s32 $0x2;
	s16 =	simm.s32 $0x3800  }
0x5: {  	s17 =	simm.s32 $0x7000;
	s18 =	simm.s32 $0x80;
	s6 =	smul.u32 $0x30, s1  }
0x6: {  	s19 =	simm.s32 $0x1;
	s7 =	sand.u32 $0x1, s4;
	s4 =	smul.u32 $0x70, s1  }
0x7: {  	s22 =	simm.s32 $0x0;
	[smem:$0x7FF] =	sst s3;
	s9 =	smul.u32 $0x14000, s1  }
0x8: {  	s30 =	smul.u32 $0x50000, s1;
	s20 =	sshll.u32 s1, $0x6;
	p0 =	seq.s32 s7, $0x0  }
0x9: {  	s8 =	smul.u32 $0x140000, s7;
	_ =	strace $0x80000053;
	s7 =	ssub.s32 $0x2, s7  }
0xa: {  	s20 =	sor.u32 $0x1C02, s20;
	s6 =	sadd.s32 $0x700, s6;
	s31 =	sshrl.u32 s7, $0x1  }
0xb: {  	s6 =	smov.u32 @p0 s4;
	s4 =	sadd.s32 $0x18600, s5;
	s29 =	sadd.s32 s9, s8  }
0xc: {  	s14 =	ssub.s32 s7, s31;
	s8 =	sshrl.u32 s30, $0x2;
	s6 =	sshll.u32 s6, $0x4  }
0xd: {  	s8 =	sadd.s32 s8, s2;
	s14 =	smax.u32 s14, $0x1;
	s10 =	sadd.s32 s6, s5  }
0xe: {  	s6 =	sshrl.u32 s29, $0x3;
	s9 =	sadd.s32 $0x4000, s8;
	s11 =	sadd.s32 $0xC000, s8  }
0xf: {  	s12 =	sadd.s32 $0x10000, s8;
	s21 =	sshrl.u32 s8, $0x3;
	s13 =	sadd.s32 s6, s5  }
0x10: {  	s5 =	simm.s32 $0x70;
	s6 =	sadd.s32 $0x3E00, s10;
	s7 =	sadd.s32 $0xE200, s10  }
0x11: {  	v0 =	vimm.f32 $0.0e+00;
	s10 =	sadd.s32 $0x8000, s8;
	s5 =	simm.s32 @!p0 $0x30;
	s13 =	sadd.s32 $0x40600, s13  }
.LBB2_1:
0x12: {  	[tilespmem:s3], [sflag:$0x2] =	stream.linear.gather [hbm4b:s6+s3], $0x3800, $0x38;
	[tilespmem:$0x1F000] =	vst v63  }
0x13: {  	_ =	swait.ge [sflag:s15], $0x3800  }
0x14: {  	[sflag:s15] =	ssyncset.done $0x0  }
0x15: {  	[sflag:s15] =	ssyncadd.s32 $0xFFFFC800  }
0x16: {  	[tilespmem:s16], [sflag:$0x2] =	stream.linear.gather [hbm4b:s7+s3], $0x3800, $0x38;
	[tilespmem:$0x1F000] =	vst v63  }
0x17: {  	_ =	swait.ge [sflag:s15], $0x3800  }
0x18: {  	[sflag:s15] =	ssyncset.done $0x0  }
0x19: {  	s23 =	simm.s32 $0x0;
	s24 =	simm.s32 $0x200;
	[sflag:s15] =	ssyncadd.s32 $0xFFFFC800  }
.LBB2_2:
0x1a: {  	p0 =	sne.s32 s24, $0xFE00;
	[tilespmem:s23+$0x7070] =	vst v0  }
0x1b: {  	[tilespmem:s23+$0x7000] =	vst v0  }
0x1c: {  	[tilespmem:s23+$0x7010] =	vst v0  }
.Ltmp0:
0x1d: {  	[tilespmem:s23+$0x7020] =	vst v0;
	(pc) =	sbr.rel @p0 .LBB2_2-.Ltmp0, $4  }
0x1e: {  	[tilespmem:s23+$0x7030] =	vst v0  }
0x1f: {  	[tilespmem:s23+$0x7040] =	vst v0  }
0x20: {  	[tilespmem:s23+$0x7050] =	vst v0  }
0x21: {  	[tilespmem:s23+$0x7060] =	vst v0;
	s23 =	sshra.s32 s24, $0x2;
	s24 =	sadd.s32 $0x200, s24  }
0x22: {  	[tilespmem:s23+$0x7070] =	vst v0  }
0x23: {  	[tilespmem:s23+$0x7000] =	vst v0  }
0x24: {  	[tilespmem:s23+$0x7010] =	vst v0  }
0x25: {  	[tilespmem:s23+$0x7020] =	vst v0  }
0x26: {  	[tilespmem:s23+$0x7030] =	vst v0  }
0x27: {  	[tilespmem:s23+$0x7040] =	vst v0  }
0x28: {  	[tilespmem:s23+$0x7050] =	vst v0  }
0x29: {  	[tilespmem:s23+$0x7060] =	vst v0  }
0x2a: {  	[spmem:s8] =	stream.linear.scatter [tilespmem:s17], [sflag:$0x2], $0x4000, $0x38;
	[tilespmem:$0x1F000] =	vst v63  }
0x2b: {  	_ =	swait.ge [sflag:s15], $0x4000  }
0x2c: {  	[sflag:s15] =	ssyncset.done $0x0  }
0x2d: {  	[sflag:s15] =	ssyncadd.s32 $0xFFFFC000  }
0x2e: {  	[spmem:s9] =	stream.linear.scatter [tilespmem:s17], [sflag:$0x2], $0x4000, $0x38;
	[tilespmem:$0x1F000] =	vst v63  }
0x2f: {  	_ =	swait.ge [sflag:s15], $0x4000  }
0x30: {  	[sflag:s15] =	ssyncset.done $0x0  }
0x31: {  	[sflag:s15] =	ssyncadd.s32 $0xFFFFC000  }
0x32: {  	[spmem:s10] =	stream.linear.scatter [tilespmem:s17], [sflag:$0x2], $0x4000, $0x38;
	[tilespmem:$0x1F000] =	vst v63  }
0x33: {  	_ =	swait.ge [sflag:s15], $0x4000  }
0x34: {  	[sflag:s15] =	ssyncset.done $0x0  }
0x35: {  	[sflag:s15] =	ssyncadd.s32 $0xFFFFC000  }
0x36: {  	[spmem:s11] =	stream.linear.scatter [tilespmem:s17], [sflag:$0x2], $0x4000, $0x38;
	[tilespmem:$0x1F000] =	vst v63  }
0x37: {  	_ =	swait.ge [sflag:s15], $0x4000  }
0x38: {  	[sflag:s15] =	ssyncset.done $0x0  }
0x39: {  	[sflag:s15] =	ssyncadd.s32 $0xFFFFC000  }
0x3a: {  	[spmem:s12] =	stream.linear.scatter [tilespmem:s17], [sflag:$0x2], $0x4000, $0x38;
	[tilespmem:$0x1F000] =	vst v63  }
0x3b: {  	_ =	swait.ge [sflag:s15], $0x4000  }
0x3c: {  	[sflag:s15] =	ssyncset.done $0x0  }
0x3d: {  	[sflag:s15] =	ssyncadd.s32 $0xFFFFC000  }
0x3e: {  	s23 =	simm.s32 $0x0;
	[bflag:$0x0] =	sbarrier.arrive $0xFFFF  }
0x3f: {  	[tilespmem:s17], [sflag:$0x1] =	stream.indirect.gather [hbm4b:s4+s18], $0x80, s23, s18, $0xb8;
	[tilespmem:$0x1F000] =	vst v63  }
0x40: {  	p0 =	sne.s32 s5, $0x1;
	_ =	swait.ge [sflag:s19], $0x4000  }
.Ltmp1:
0x41: {  	[sflag:s19] =	ssyncset.done $0x0;
	(pc) =	sbr.rel @!p0 .LBB2_5-.Ltmp1, $4  }
0x42: {  	s24 =	simm.s32 $0x3800;
	[sflag:s19] =	ssyncadd.s32 $0xFFFFC000  }
0x43: {  	[spmem:s2] =	stream.indirect.scatter.add.f32 [tilespmem:s17], [sflag:$0x2], $0x80, s24, s18, $0xb8;
	[tilespmem:$0x1F000] =	vst v63  }
0x44: {  	_ =	swait.ge [sflag:s15], $0x4000  }
0x45: {  	s25 =	sadd.s32 $0xFFFFFFFF, s5;
	[sflag:s15] =	ssyncset.done $0x0  }
.LBB2_4:
0x46: {  	[sflag:s15] =	ssyncadd.s32 $0xFFFFC000;
	s23 =	sadd.s32 $0x80, s23;
	s24 =	sadd.s32 $0x80, s24  }
0x47: {  	[tilespmem:s17], [sflag:$0x1] =	stream.indirect.gather [hbm4b:s4+s18], $0x80, s23, s18, $0xb8;
	[tilespmem:$0x1F000] =	vst v63  }
0x48: {  	p0 =	sne.s32 s25, $0x1;
	s25 =	sadd.s32 $0xFFFFFFFF, s25;
	_ =	swait.ge [sflag:s19], $0x4000  }
.Ltmp2:
0x49: {  	[sflag:s19] =	ssyncset.done $0x0;
	(pc) =	sbr.rel @p0 .LBB2_4-.Ltmp2, $4  }
0x4a: {  	[sflag:s19] =	ssyncadd.s32 $0xFFFFC000  }
0x4b: {  	[spmem:s2] =	stream.indirect.scatter.add.f32 [tilespmem:s17], [sflag:$0x2], $0x80, s24, s18, $0xb8;
	[tilespmem:$0x1F000] =	vst v63  }
0x4c: {  	_ =	swait.ge [sflag:s15], $0x4000  }
0x4d: {  	[sflag:s15] =	ssyncset.done $0x0  }
.LBB2_5:
0x4e: {  	s22 =	sadd.s32 $0x1, s22  }
0x4f: {  	[sflag:s15] =	ssyncadd.s32 $0xFFFFC000;
	p0 =	sne.s32 s22, s14  }
.Ltmp3:
0x50: {  	[bflag:$0x0] =	sbarrier.arrive $0xFFFF;
	(pc) =	sbr.rel @p0 .LBB2_1-.Ltmp3, $4  }
0x51: {  	[hbm:s13], [sflag:s20] =	dma.local [spmem:s21], $0x2800  }
0x52: {  	_ =	swait.ge [sflag:s15], $0x2800  }
0x53: {  	[sflag:s15] =	ssyncset.done $0x0  }
0x54: {  	[sflag:s15] =	ssyncadd.s32 $0xFFFFD800  }
0x55: {  	_ =	sfence.sel $0x180000  }
0x56: {  	[bflag:$0x0] =	sbarrier.arrive $0xFFFF  }
0x57: {  	p0 =	sne.s32 s1, $0x0;
	_ =	strace $0x90000053  }
0x58: {  	s0 =	sadd.s32 @!p0 $0x100000, s0;
	[bflag:$0x2] =	sbarrier.arrive $0xFFFF  }
0x59: {  	[sflag:s0] =	ssyncadd.tile.s32 @!p0 $0x1;
	_ =	shalt  }
.Lfunc_end2:
_tile_overlayer_lowered:
.L_overlay_start_2:
0x5a: {  	(tag) =	ssettag $0x2  }
0x5b: {  	s0 =	rddreg [dreg:$0x0];
	s2 =	stileid.u32  }
0x5c: {  	s1 =	rddreg [dreg:$0x1];
	p0 =	sne.s32 s2, $0x0  }
0x5d: {  	s3 =	rddreg [dreg:$0x2];
	[bflag:$0x3] =	sbarrier.arrive $0xFFFF;
	s2 =	simm.s32 @!p0 $0x1C02  }
0x5e: {  	[timem:s3], [sflag:s2] =	dma.local @!p0 [hbm:s0], s1  }
0x5f: {  	s0 =	simm.s32 @!p0 $0x2  }
0x60: {  	_ =	swait.ge @!p0 [sflag:s0], s1  }
0x61: {  	s1 =	ssub.s32 @!p0 $0x0, s1;
	[sflag:s0] =	ssyncset.done @!p0 $0x0  }
0x62: {  	[sflag:s0] =	ssyncadd.s32 @!p0 s1  }
0x63: {  	[bflag:$0x3] =	sbarrier.arrive $0xFFFF  }
0x64: {  	_ =	shalt  }

// kernel: kernel.30.cloned.1.call-start
scs
__scs_entry_jumppad:
0x0: {  	(pc) =	sbr.rel $0x88, $3  }
0x1: {  	(tag) =	ssettag $0x0;
	lr =	simm.s32 $0x1  }
0x2: {  	[smem:$0x3F97] =	sst lr;
	_ =	strace $0xD0000000  }
0x3: {  	_ = 	snop  }
0x4: {  	_ = 	snop  }
0x5: {  	_ = 	snop  }
0x6: {  	_ = 	snop  }
0x7: {  	_ = 	snop  }
__scs_overlays_trampoline_lowered:
0x8: {  	[smem:$0x3FA6] =	sst s0  }
0x9: {  	[smem:$0x3FA7] =	sst s1  }
0xa: {  	[smem:$0x3FA8] =	sst s2  }
0xb: {  	[smem:$0x3FA9] =	sst s3  }
0xc: {  	[smem:$0x3FAA] =	sst s4  }
0xd: {  	[smem:$0x3FAB] =	sst s5  }
0xe: {  	[smem:$0x3FAC] =	sst s6  }
0xf: {  	[smem:$0x3FAD] =	sst s7  }
0x10: {  	[smem:$0x3FAE] =	sst s8  }
0x11: {  	[smem:$0x3FAF] =	sst s9;
	s0 =	simm.s32 @!p0 $0x0  }
0x12: {  	s1 =	sld [smem:$0x3F95];
	s0 =	simm.s32 @p0 $0x1  }
0x13: {  	[smem:$0x3FB0] =	sst s0;
	s0 =	simm.s32 @!p1 $0x0  }
0x14: {  	s2 =	sld [smem:$0x3F94];
	s0 =	simm.s32 @p1 $0x1  }
0x15: {  	[smem:$0x3FB1] =	sst s0;
	s0 =	simm.s32 @!p2 $0x0  }
0x16: {  	s3 =	sld [smem:$0x3FDB];
	s0 =	simm.s32 @p2 $0x1  }
0x17: {  	s4 =	simm.s32 $0x1BF5;
	[smem:$0x3FB3] =	sst s0  }
0x18: {  	s0 =	sld [smem:$0x3F96];
	_ =	swait.ge [sflag:s4], $0x0  }
0x19: {  	s7 =	sld [smem:$0x3F97]  }
0x1a: {  	s8 =	sadd.s32 $0xFFFFE003, lr  }
0x1b: {  	s9 =	sadd.s32 $0xFFFFFEF7, lr;
	s5 =	simm.s32 $0xFFFFFFFF;
	p2 =	slt.u32 s8, $0xFFFFF086  }
0x1c: {  	p1 =	slt.u32 s9, $0xF7A;
	s5 =	simm.s32 @!p2 $0x0  }
0x1d: {  	s5 =	simm.s32 @p1 $0x1;
	p0 =	seq.s32 s7, s2  }
0x1e: {  	s7 =	smul.u32 @!p0 $0xF7A, s2;
	p2 =	seq.s32 @!p0 s5, $0x0  }
0x1f: {  	s9 =	smul.u32 $0xF7A, s1;
	s8 =	simm.s32 @!p0 $0x1BF5;
	p2 =	por !p2, p0  }
0x20: {  	[sflag:s8] =	ssyncset.s32 @!p0 $0xFFFFF086;
	s6 =	sadd.s32 @!p0 s3, s7;
	s7 =	simm.s32 @!p0 $0x108  }
0x21: {  	s3 =	sadd.s32 s3, s9;
	s6 =	sadd.s32 @!p0 $0x88, s6;
	s7 =	simm.s32 @p2 $0x1082  }
0x22: {  	[simem:s7], [sflag:s8] =	dma.local @!p0 [hbm:s6], $0xF7A  }
0x23: {  	s9 =	sor.u32 $0xD0000000, s2;
	s6 =	simm.s32 $0x108;
	_ =	swait.ge @!p0 [sflag:s8], $0x0  }
0x24: {  	s3 =	sadd.s32 $0x88, s3;
	s6 =	simm.s32 @!p1 $0x1082;
	[sflag:s4] =	ssyncset.s32 $0xFFFFF086  }
0x25: {  	[simem:s6], [sflag:s4] =	dma.local [hbm:s3], $0xF7A  }
0x26: {  	[smem:$0x3F97] =	sst s1;
	(tag) =	ssettag s2;
	_ =	strace s9  }
0x27: {  	s1 =	sld [smem:$0x3FA7]  }
0x28: {  	s2 =	sld [smem:$0x3FA8]  }
0x29: {  	s4 =	sld [smem:$0x3FAA]  }
0x2a: {  	p0 =	seq.s32 s5, $0x0;
	s5 =	sld [smem:$0x3FAB]  }
0x2b: {  	s6 =	sld [smem:$0x3FAC]  }
0x2c: {  	s7 =	sld [smem:$0x3FAD]  }
0x2d: {  	s3 =	simm.s32 $0x108;
	s8 =	sld [smem:$0x3FAE]  }
0x2e: {  	s3 =	simm.s32 @!p0 $0x1082;
	s9 =	sld [smem:$0x3FAF]  }
0x2f: {  	lr =	sadd.s32 s0, s3;
	s0 =	sld [smem:$0x3FA6]  }
0x30: {  	s3 =	sld [smem:$0x3FA9]  }
0x31: {  	[smem:$0x3FB2] =	sst s10  }
0x32: {  	s10 =	sld [smem:$0x3FB0];
	_ =	sdelay $0x3  }
0x33: {  	p0 =	seq.s32 s10, $0x1;
	s10 =	sld [smem:$0x3FB2];
	_ =	sdelay $0x3  }
0x34: {  	[smem:$0x3FB2] =	sst s10  }
0x35: {  	s10 =	sld [smem:$0x3FB1];
	_ =	sdelay $0x3  }
0x36: {  	p1 =	seq.s32 s10, $0x1;
	s10 =	sld [smem:$0x3FB2];
	_ =	sdelay $0x3  }
0x37: {  	[smem:$0x3FB2] =	sst s10  }
0x38: {  	s10 =	sld [smem:$0x3FB3]  }
0x39: {  	_ = 	snop;
	(pc) =	sbr.ind lr, $3  }
0x3a: {  	_ = 	snop  }
0x3b: {  	_ = 	snop  }
0x3c: {  	p2 =	seq.s32 s10, $0x1;
	s10 =	sld [smem:$0x3FB2]  }
0x3d: {  	_ =	shalt  }
0x3e: {  	_ =	shalt  }
0x3f: {  	_ =	shalt  }
0x40: {  	_ =	shalt  }
0x41: {  	_ =	shalt  }
0x42: {  	_ =	shalt  }
0x43: {  	_ =	shalt  }
0x44: {  	_ =	shalt  }
0x45: {  	_ =	shalt  }
0x46: {  	_ =	shalt  }
0x47: {  	_ =	shalt  }
0x48: {  	_ =	shalt  }
0x49: {  	_ =	shalt  }
0x4a: {  	_ =	shalt  }
0x4b: {  	_ =	shalt  }
0x4c: {  	_ =	shalt  }
0x4d: {  	_ =	shalt  }
0x4e: {  	_ =	shalt  }
0x4f: {  	_ =	shalt  }
0x50: {  	_ =	shalt  }
0x51: {  	_ =	shalt  }
0x52: {  	_ =	shalt  }
0x53: {  	_ =	shalt  }
0x54: {  	_ =	shalt  }
0x55: {  	_ =	shalt  }
0x56: {  	_ =	shalt  }
0x57: {  	_ =	shalt  }
0x58: {  	_ =	shalt  }
0x59: {  	_ =	shalt  }
0x5a: {  	_ =	shalt  }
0x5b: {  	_ =	shalt  }
0x5c: {  	_ =	shalt  }
0x5d: {  	_ =	shalt  }
0x5e: {  	_ =	shalt  }
0x5f: {  	_ =	shalt  }
0x60: {  	_ =	shalt  }
0x61: {  	_ =	shalt  }
0x62: {  	_ =	shalt  }
0x63: {  	_ =	shalt  }
0x64: {  	_ =	shalt  }
0x65: {  	_ =	shalt  }
0x66: {  	_ =	shalt  }
0x67: {  	_ =	shalt  }
0x68: {  	_ =	shalt  }
0x69: {  	_ =	shalt  }
0x6a: {  	_ =	shalt  }
0x6b: {  	_ =	shalt  }
0x6c: {  	_ =	shalt  }
0x6d: {  	_ =	shalt  }
0x6e: {  	_ =	shalt  }
0x6f: {  	_ =	shalt  }
0x70: {  	_ =	shalt  }
0x71: {  	_ =	shalt  }
0x72: {  	_ =	shalt  }
0x73: {  	_ =	shalt  }
0x74: {  	_ =	shalt  }
0x75: {  	_ =	shalt  }
0x76: {  	_ =	shalt  }
0x77: {  	_ =	shalt  }
0x78: {  	_ =	shalt  }
0x79: {  	_ =	shalt  }
0x7a: {  	_ =	shalt  }
0x7b: {  	_ =	shalt  }
0x7c: {  	_ =	shalt  }
0x7d: {  	_ =	shalt  }
0x7e: {  	_ =	shalt  }
0x7f: {  	_ =	shalt  }
0x80: {  	_ =	shalt  }
0x81: {  	_ =	shalt  }
0x82: {  	_ =	shalt  }
0x83: {  	_ =	shalt  }
0x84: {  	_ =	shalt  }
0x85: {  	_ =	shalt  }
0x86: {  	_ =	shalt  }
0x87: {  	_ =	shalt  }
.Lfunc_end0:
.L_simem_size_0:
called_computation.5_lowered:
.L_overlay_start_0:
0x88: {  	s2 =	sld [smem:$0x3FD9]  }
0x89: {  	s3 =	sld [smem:$0x3FFE];
	_ =	sdelay $0x1  }
0x8a: {  	s1 =	srdreg.scid  }
0x8b: {  	s0 =	sand.u32 $0x1, s1  }
0x8c: {  	s16 =	sshll.u32 s0, $0xA;
	s2 =	sadd.s32 s3, s2  }
0x8d: {  	s2 =	sadd.s32 s2, s16  }
0x8e: {  	[smem:$0x3FBE] =	sst s2  }
0x8f: {  	_ = 	snop  }
0x90: {  	(tm) =	ssettm $0x1  }
0x91: {  	s17 =	sld [smem:$0x3FFB];
	_ =	sdelay $0x3  }
0x92: {  	_ =	strace s17  }
0x93: {  	s2 =	sld [smem:$0x3FFC];
	_ =	sdelay $0x3  }
0x94: {  	_ =	strace s2  }
0x95: {  	s2 =	sld [smem:$0x3FFD];
	_ =	sdelay $0x3  }
0x96: {  	_ =	strace s2  }
0x97: {  	_ =	strace $0x8FFFFFFF  }
0x98: {  	s18 =	sld [smem:$0x3FDB];
	_ =	sdelay $0x1  }
0x99: {  	s19 =	simm.s32 $_scs_section_size  }
0x9a: {  	s4 =	simm.s32 $_size__tile_overlayer_lowered;
	s5 =	simm.s32 $_tile_overlayer_lowered  }
0x9b: {  	s22 =	simm.s32 $0x1BFF;
	s21 =	sshll.u32 s5, $0x1;
	s2 =	sadd.s32 s19, s18  }
0x9c: {  	s6 =	simm.s32 $0x0;
	s20 =	sshll.u32 s4, $0x1;
	s4 =	sadd.s32 s21, s2  }
0x9d: {  	[timem:s6], [sflag:s22] =	dma.local [hbm:s4], s20  }
0x9e: {  	_ =	swait.ge [sflag:s22], s20  }
0x9f: {  	s3 =	ssub.s32 $0x0, s20;
	[sflag:s22] =	ssyncset.done $0x0  }
0xa0: {  	[sflag:s22] =	ssyncadd.s32 s3;
	_ =	sdelay $0x1  }
0xa1: {  	s23 =	simm.s32 $0x1B8B  }
0xa2: {  	_ =	swait.ge [sflag:s23], $0x1  }
0xa3: {  	[sflag:s23] =	ssyncset.done $0x0  }
0xa4: {  	s25 =	simm.s32 $0x1B8E;
	s24 =	sld [smem:$0x3FFE];
	[sflag:s23] =	ssyncadd.s32 $0xFFFFFFFF  }
0xa5: {  	s26 =	simm.s32 $execute0_lowered;
	[smem:$0x3FD2] =	sst s25  }
0xa6: {  	s4 =	sshll.u32 s26, $0x1;
	_ =	strace $0x80000055;
	[dreg:$0x1] =	wrdreg $0xFFFFFFFF  }
0xa7: {  	s28 =	simm.s32 $_size_execute0_lowered;
	s2 =	sadd.s32 s2, s4;
	[dreg:$0x0] =	wrdreg $0x0  }
0xa8: {  	s4 =	sshll.u32 s28, $0x1;
	[dreg:$0x2] =	wrdreg s2  }
0xa9: {  	[dreg:$0x3] =	wrdreg s4  }
0xaa: {  	[dreg:$0x4] =	wrdreg $0xC0  }
0xab: {  	_ =	task [dreg:s6], $0x5FFFF  }
0xac: {  	[dreg:$0x1] =	wrdreg $0xFFFFFFFF  }
0xad: {  	[dreg:$0x0] =	wrdreg $0x60  }
0xae: {  	[dreg:$0x2] =	wrdreg s24  }
0xaf: {  	[dreg:$0x3] =	wrdreg $0x9  }
0xb0: {  	_ =	task.clear_ibuf [dreg:s6], $0x4FFFF;
	_ =	strace $0x90000055  }
0xb1: {  	s29 =	simm.s32 $0x9;
	_ =	strace $0x80000057  }
0xb2: {  	_ =	swait.ge [sflag:s29], $0x1  }
0xb3: {  	[sflag:s29] =	ssyncadd.s32 $0xFFFFFFFF  }
0xb4: {  	_ =	strace $0x90000057  }
0xb5: {  	_ =	sfence  }
0xb6: {  	s30 =	sld [smem:$0x0];
	_ =	sdelay $0x2  }
0xb7: {  	s31 =	sshll.u32 s1, $0xD;
	s1 =	sshrl.u32 s1, $0x2  }
0xb8: {  	s3 =	sand.u32 $0x4000, s31;
	s1 =	sadd.s32 s1, s30  }
0xb9: {  	s0 =	sor.u32 s3, s0;
	s1 =	sshll.u32 s1, $0x11  }
0xba: {  	s0 =	sor.u32 s1, s0  }
0xbb: {  	s0 =	sadd.s32 $0x8F2B, s0  }
0xbc: {  	[sflag:s0] =	ssyncadd.remote.s32 $0x1  }
0xbd: {  	_ =	sfence.sel $0xFFFF  }
0xbe: {  	[dreg:$0x0] =	wrdreg $0xFFFFFFFF;
	(pc) =	sbr.abs _section_cstart, $3  }
0xbf: {  	[dreg:$0x1] =	wrdreg $0xFFFFFFFF  }
0xc0: {  	_ =	task.clear_ibuf [dreg:s6], $0x2FFFF;
	_ =	strace $0x9FFFFFFF  }
0xc1: {  	(tm) =	ssettm $0x7FFFFFFF  }
tec
execute0_lowered:
.L_overlay_start_1:
0x0: {  	(tag) =	ssettag $0x1  }
0x1: {  	s3 =	rddreg [dreg:$0x0];
	s2 =	srdreg.scid  }
0x2: {  	s0 =	rddreg [dreg:$0x1];
	s1 =	stileid.u32;
	s7 =	simm.s32 $0x3  }
0x3: {  	s8 =	simm.s32 $0x40;
	s9 =	simm.s32 $0x800;
	s10 =	simm.s32 $0x900  }
0x4: {  	s11 =	simm.s32 $0x1;
	s12 =	simm.s32 $0x880;
	s13 =	simm.s32 $0x2900  }
0x5: {  	s14 =	simm.s32 $0x2;
	s15 =	simm.s32 $0x4900;
	s16 =	simm.s32 $0x0  }
0x6: {  	s4 =	sand.u32 $0x1, s2;
	s2 =	simm.s32 $0x0;
	s6 =	sshll.u32 s1, $0x8  }
0x7: {  	s5 =	sshll.u32 s4, $0xC;
	[smem:$0x7FF] =	sst s2;
	s4 =	ssub.s32 $0x2, s4  }
0x8: {  	s5 =	sor.u32 s6, s5;
	_ =	strace $0x80000056;
	s31 =	sshrl.u32 s4, $0x1  }
0x9: {  	s5 =	sadd.s32 s5, s3;
	s3 =	sadd.s32 $0x3E00, s3;
	s6 =	ssub.s32 s4, s31  }
0xa: {  	s4 =	sadd.s32 $0x90600, s5;
	s5 =	sadd.s32 $0x2BE00, s5;
	s6 =	smax.u32 s6, $0x1  }
.LBB2_1:
0xb: {  	[tilespmem:s2], [sflag:$0x3] =	stream.linear.gather [hbm4b:s4+s2], $0x800, $0x38;
	[tilespmem:$0x5100] =	vst v63  }
0xc: {  	_ =	swait.ge [sflag:s7], $0x800  }
0xd: {  	[sflag:s7] =	ssyncset.done $0x0  }
0xe: {  	[sflag:s7] =	ssyncadd.s32 $0xFFFFF800  }
0xf: {  	v0 =	vld [tilespmem:$0x0]  }
0x10: {  	v1 =	vld [tilespmem:$0x10]  }
0x11: {  	v2 =	vld [tilespmem:$0x20]  }
0x12: {  	v3 =	vld [tilespmem:$0x30];
	_ =	sdelay $0x1  }
0x13: {  	vm0 =	vlt.s32 v0, $0x0  }
0x14: {  	vm13 =	vlt.s32 v1, $0x0;
	v0 =	vsel vm0, $0x2710, v0  }
0x15: {  	vm14 =	vlt.s32 v2, $0x0;
	v61 =	vsel vm13, $0x2710, v1;
	[tilespmem:$0x800] =	vst v0  }
0x16: {  	vm15 =	vlt.s32 v3, $0x0;
	v62 =	vsel vm14, $0x2710, v2;
	[tilespmem:$0x810] =	vst v61  }
0x17: {  	v63 =	vsel vm15, $0x2710, v3;
	[tilespmem:$0x820] =	vst v62  }
0x18: {  	s17 =	simm.s32 $0x0;
	[tilespmem:$0x830] =	vst v63  }
0x19: {  	[tilespmem:s10], [sflag:$0x1] =	stream.indirect.gather [hbm4b:s3+s8], $0x80, s9, s8, $0xb8;
	[tilespmem:$0x5100] =	vst v63  }
.LBB2_2:
0x1a: {  	_ =	swait.ge [sflag:s11], $0x2000  }
0x1b: {  	[sflag:s11] =	ssyncset.done $0x0  }
0x1c: {  	s18 =	sshll.u32 s17, $0x8;
	[sflag:s11] =	ssyncadd.s32 $0xFFFFE000  }
0x1d: {  	v0 =	vld [tilespmem:s18+$0x80];
	_ =	sdelay $0x4  }
0x1e: {  	vm0 =	vlt.s32 v0, $0x0  }
0x1f: {  	v0 =	vsel vm0, $0x2710, v0  }
0x20: {  	[tilespmem:$0x880] =	vst v0  }
0x21: {  	v0 =	vld [tilespmem:s18+$0x90];
	_ =	sdelay $0x4  }
0x22: {  	vm13 =	vlt.s32 v0, $0x0  }
0x23: {  	v0 =	vsel vm13, $0x2710, v0  }
0x24: {  	[tilespmem:$0x890] =	vst v0  }
0x25: {  	v0 =	vld [tilespmem:s18+$0xA0];
	_ =	sdelay $0x4  }
0x26: {  	vm14 =	vlt.s32 v0, $0x0  }
0x27: {  	v0 =	vsel vm14, $0x2710, v0  }
0x28: {  	[tilespmem:$0x8A0] =	vst v0  }
0x29: {  	v0 =	vld [tilespmem:s18+$0xB0];
	_ =	sdelay $0x4  }
0x2a: {  	vm15 =	vlt.s32 v0, $0x0  }
0x2b: {  	v0 =	vsel vm15, $0x2710, v0  }
0x2c: {  	s25 =	simm.s32 $0x0;
	[tilespmem:$0x8B0] =	vst v0  }
0x2d: {  	[tilespmem:s13], [sflag:$0x2] =	stream.indirect.gather [hbm4b:s3+s8], $0x80, s12, s8, $0xb8;
	[tilespmem:$0x5100] =	vst v63  }
0x2e: {  	v0 =	vld [tilespmem:s25+$0x970]  }
0x2f: {  	v3 =	vld [tilespmem:s25+$0x900]  }
0x30: {  	v4 =	vld [tilespmem:s25+$0x910]  }
0x31: {  	v7 =	vld [tilespmem:s25+$0x920]  }
0x32: {  	v5 =	vld [tilespmem:s25+$0x930]  }
0x33: {  	v1 =	vimm.f32 $0.0e+00;
	v8 =	vimm.f32 $0.0e+00;
	v2 =	vld [tilespmem:s25+$0x940]  }
0x34: {  	s23 =	simm.s32 $0x80;
	s24 =	simm.s32 $0x400;
	v11 =	vimm.f32 $0.0e+00;
	v9 =	vimm.f32 $0.0e+00;
	s22 =	sor.u32 $0x80, s18;
	v10 =	vld [tilespmem:s25+$0x950];
	v0 =	vadd.f32 v0, v1  }
0x35: {  	s20 =	sor.u32 $0x90, s18;
	s19 =	sor.u32 $0xA0, s18;
	s21 =	sor.u32 $0xB0, s18;
	v12 =	vld [tilespmem:s25+$0x960];
	v6 =	vadd.f32 v3, v1;
	v4 =	vadd.f32 v4, v1;
	v3 =	vimm.f32 $0.0e+00  }
.LBB2_3:
0x36: {  	p0 =	sne.s32 s24, $0x7E00;
	v13 =	vld [tilespmem:s23+$0x970];
	v1 =	vadd.f32 v7, v1  }
0x37: {  	v14 =	vld [tilespmem:s23+$0x900];
	v8 =	vadd.f32 v5, v8  }
0x38: {  	v15 =	vld [tilespmem:s23+$0x910];
	v11 =	vadd.f32 v2, v11  }
.Ltmp0:
0x39: {  	v7 =	vld [tilespmem:s23+$0x920];
	v9 =	vadd.f32 v10, v9;
	(pc) =	sbr.rel @p0 .LBB2_3-.Ltmp0, $4  }
0x3a: {  	v5 =	vld [tilespmem:s23+$0x930];
	v3 =	vadd.f32 v12, v3  }
0x3b: {  	v2 =	vld [tilespmem:s23+$0x940];
	v0 =	vadd.f32 v13, v0  }
0x3c: {  	v6 =	vadd.f32 v14, v6;
	v10 =	vld [tilespmem:s23+$0x950]  }
0x3d: {  	v4 =	vadd.f32 v15, v4;
	v12 =	vld [tilespmem:s23+$0x960];
	s23 =	sshra.s32 s24, $0x2;
	s24 =	sadd.s32 $0x200, s24  }
0x3e: {  	v14 =	vld [tilespmem:s23+$0x900]  }
0x3f: {  	v15 =	vld [tilespmem:s23+$0x910]  }
0x40: {  	v16 =	vld [tilespmem:s23+$0x920]  }
0x41: {  	v17 =	vld [tilespmem:s23+$0x930]  }
0x42: {  	v18 =	vld [tilespmem:s23+$0x940]  }
0x43: {  	v13 =	vld [tilespmem:s23+$0x970];
	v1 =	vadd.f32 v7, v1;
	v6 =	vadd.f32 v14, v6  }
0x44: {  	v5 =	vadd.f32 v5, v8;
	v8 =	vld [tilespmem:s23+$0x960];
	v4 =	vadd.f32 v15, v4  }
0x45: {  	v7 =	vld [tilespmem:s23+$0x950];
	v2 =	vadd.f32 v2, v11;
	v1 =	vadd.f32 v16, v1;
	[tilespmem:s18+$0x4900] =	vst v6  }
0x46: {  	v5 =	vadd.f32 v17, v5;
	[tilespmem:s18+$0x4910] =	vst v4  }
0x47: {  	v3 =	vadd.f32 v12, v3;
	v2 =	vadd.f32 v18, v2;
	[tilespmem:s18+$0x4920] =	vst v1  }
0x48: {  	v0 =	vadd.f32 v13, v0;
	v6 =	vadd.f32 v10, v9;
	[tilespmem:s18+$0x4930] =	vst v5  }
0x49: {  	v3 =	vadd.f32 v8, v3;
	[tilespmem:s18+$0x4940] =	vst v2  }
0x4a: {  	[tilespmem:s18+$0x4970] =	vst v0;
	v1 =	vadd.f32 v7, v6  }
0x4b: {  	[tilespmem:s18+$0x4960] =	vst v3  }
0x4c: {  	[tilespmem:s18+$0x4950] =	vst v1  }
0x4d: {  	_ =	swait.ge [sflag:s14], $0x2000  }
0x4e: {  	[sflag:s14] =	ssyncset.done $0x0  }
0x4f: {  	p0 =	seq.s32 s17, $0x7;
	[sflag:s14] =	ssyncadd.s32 $0xFFFFE000  }
0x50: {  	v0 =	vld @!p0 [tilespmem:s18+$0x100];
	_ =	sdelay $0x4  }
0x51: {  	vm0 =	vlt.s32 @!p0 v0, $0x0  }
0x52: {  	v0 =	vsel @!p0 vm0, $0x2710, v0  }
0x53: {  	[tilespmem:$0x800] =	vst @!p0 v0  }
0x54: {  	v0 =	vld @!p0 [tilespmem:s18+$0x110];
	_ =	sdelay $0x4  }
0x55: {  	vm0 =	vlt.s32 @!p0 v0, $0x0  }
0x56: {  	v0 =	vsel @!p0 vm0, $0x2710, v0  }
0x57: {  	[tilespmem:$0x810] =	vst @!p0 v0  }
0x58: {  	v0 =	vld @!p0 [tilespmem:s18+$0x120];
	_ =	sdelay $0x4  }
0x59: {  	vm0 =	vlt.s32 @!p0 v0, $0x0  }
0x5a: {  	v0 =	vsel @!p0 vm0, $0x2710, v0  }
0x5b: {  	[tilespmem:$0x820] =	vst @!p0 v0  }
0x5c: {  	v0 =	vld @!p0 [tilespmem:s18+$0x130];
	_ =	sdelay $0x4  }
0x5d: {  	vm0 =	vlt.s32 @!p0 v0, $0x0  }
0x5e: {  	s31 =	simm.s32 $0x0;
	v0 =	vsel @!p0 vm0, $0x2710, v0  }
0x5f: {  	s23 =	simm.s32 @!p0 $0x40;
	s24 =	simm.s32 @!p0 $0x800;
	s25 =	simm.s32 @!p0 $0x900;
	[tilespmem:$0x830] =	vst @!p0 v0  }
0x60: {  	[tilespmem:s25], [sflag:$0x1] =	stream.indirect.gather @!p0 [hbm4b:s3+s23], $0x80, s24, s23, $0xb8;
	[tilespmem:$0x5100] =	vst v63  }
0x61: {  	v0 =	vld [tilespmem:s31+$0x2970]  }
0x62: {  	v2 =	vld [tilespmem:s31+$0x2900]  }
0x63: {  	v3 =	vld [tilespmem:s31+$0x2910]  }
0x64: {  	v11 =	vld [tilespmem:s31+$0x2920]  }
0x65: {  	v10 =	vld [tilespmem:s31+$0x2930]  }
0x66: {  	v8 =	vimm.f32 $0.0e+00;
	v1 =	vimm.f32 $0.0e+00;
	v7 =	vld [tilespmem:s31+$0x2940]  }
0x67: {  	v4 =	vimm.f32 $0.0e+00;
	v6 =	vimm.f32 $0.0e+00;
	v9 =	vld [tilespmem:s31+$0x2950];
	v0 =	vadd.f32 v0, v1  }
0x68: {  	s23 =	simm.s32 $0x80;
	s24 =	simm.s32 $0x400;
	v12 =	vld [tilespmem:s31+$0x2960];
	v5 =	vadd.f32 v2, v1;
	v3 =	vadd.f32 v3, v1;
	v2 =	vimm.f32 $0.0e+00  }
.LBB2_5:
0x69: {  	p0 =	sne.s32 s24, $0x7E00;
	v13 =	vld [tilespmem:s23+$0x2970];
	v1 =	vadd.f32 v11, v1  }
0x6a: {  	v14 =	vld [tilespmem:s23+$0x2900];
	v6 =	vadd.f32 v10, v6  }
0x6b: {  	v15 =	vld [tilespmem:s23+$0x2910];
	v8 =	vadd.f32 v7, v8  }
.Ltmp1:
0x6c: {  	v11 =	vld [tilespmem:s23+$0x2920];
	v4 =	vadd.f32 v9, v4;
	(pc) =	sbr.rel @p0 .LBB2_5-.Ltmp1, $4  }
0x6d: {  	v10 =	vld [tilespmem:s23+$0x2930];
	v2 =	vadd.f32 v12, v2  }
0x6e: {  	v7 =	vld [tilespmem:s23+$0x2940];
	v0 =	vadd.f32 v13, v0  }
0x6f: {  	v5 =	vadd.f32 v14, v5;
	v9 =	vld [tilespmem:s23+$0x2950]  }
0x70: {  	v3 =	vadd.f32 v15, v3;
	v12 =	vld [tilespmem:s23+$0x2960];
	s23 =	sshra.s32 s24, $0x2;
	s24 =	sadd.s32 $0x200, s24  }
0x71: {  	v14 =	vld [tilespmem:s23+$0x2900]  }
0x72: {  	v15 =	vld [tilespmem:s23+$0x2910]  }
0x73: {  	v16 =	vld [tilespmem:s23+$0x2920]  }
0x74: {  	v17 =	vld [tilespmem:s23+$0x2930]  }
0x75: {  	v18 =	vld [tilespmem:s23+$0x2940]  }
0x76: {  	v1 =	vadd.f32 v11, v1;
	v59 =	vld [tilespmem:s23+$0x2950];
	v5 =	vadd.f32 v14, v5  }
0x77: {  	v60 =	vld [tilespmem:s23+$0x2960];
	v6 =	vadd.f32 v10, v6;
	v3 =	vadd.f32 v15, v3  }
0x78: {  	v13 =	vld [tilespmem:s23+$0x2970];
	v7 =	vadd.f32 v7, v8;
	v1 =	vadd.f32 v16, v1;
	[tilespmem:s22+$0x4900] =	vst v5  }
0x79: {  	s17 =	sadd.s32 $0x1, s17;
	v4 =	vadd.f32 v9, v4;
	v61 =	vadd.f32 v17, v6;
	[tilespmem:s20+$0x4900] =	vst v3  }
0x7a: {  	p0 =	sne.s32 s17, $0x8;
	v2 =	vadd.f32 v12, v2;
	v62 =	vadd.f32 v18, v7;
	[tilespmem:s19+$0x4900] =	vst v1  }
.Ltmp2:
0x7b: {  	v63 =	vadd.f32 v59, v4;
	[tilespmem:s21+$0x4900] =	vst v61;
	(pc) =	sbr.rel @p0 .LBB2_2-.Ltmp2, $4  }
0x7c: {  	v2 =	vadd.f32 v60, v2;
	[tilespmem:s18+$0x49C0] =	vst v62  }
0x7d: {  	v0 =	vadd.f32 v13, v0;
	[tilespmem:s18+$0x49D0] =	vst v63  }
0x7e: {  	[tilespmem:s18+$0x49E0] =	vst v2  }
0x7f: {  	[tilespmem:s18+$0x49F0] =	vst v0  }
0x80: {  	s16 =	sadd.s32 $0x1, s16  }
0x81: {  	p0 =	sne.s32 s16, s6  }
.Ltmp3:
0x82: {  	_ = 	snop;
	(pc) =	sbr.rel @p0 .LBB2_1-.Ltmp3, $4  }
0x83: {  	[hbm4b:s5+s2] =	stream.linear.scatter [tilespmem:s15], [sflag:$0x3], $0x800, $0x38;
	[tilespmem:$0x5100] =	vst v63  }
0x84: {  	_ =	swait.ge [sflag:s7], $0x800  }
0x85: {  	[sflag:s7] =	ssyncset.done $0x0  }
0x86: {  	[sflag:s7] =	ssyncadd.s32 $0xFFFFF800  }
0x87: {  	_ =	sfence.sel $0x180000  }
0x88: {  	[bflag:$0x0] =	sbarrier.arrive $0xFFFF  }
0x89: {  	p0 =	sne.s32 s1, $0x0;
	_ =	strace $0x90000056  }
0x8a: {  	s0 =	sadd.s32 @!p0 $0x100000, s0;
	[bflag:$0x2] =	sbarrier.arrive $0xFFFF  }
0x8b: {  	[sflag:s0] =	ssyncadd.tile.s32 @!p0 $0x1;
	_ =	shalt  }
.Lfunc_end2:
_tile_overlayer_lowered:
.L_overlay_start_2:
0x8c: {  	(tag) =	ssettag $0x2  }
0x8d: {  	s0 =	rddreg [dreg:$0x0];
	s2 =	stileid.u32  }
0x8e: {  	s1 =	rddreg [dreg:$0x1];
	p0 =	sne.s32 s2, $0x0  }
0x8f: {  	s3 =	rddreg [dreg:$0x2];
	[bflag:$0x3] =	sbarrier.arrive $0xFFFF;
	s2 =	simm.s32 @!p0 $0x1C03  }
0x90: {  	[timem:s3], [sflag:s2] =	dma.local @!p0 [hbm:s0], s1  }
0x91: {  	s0 =	simm.s32 @!p0 $0x3  }
0x92: {  	_ =	swait.ge @!p0 [sflag:s0], s1  }
0x93: {  	s1 =	ssub.s32 @!p0 $0x0, s1;
	[sflag:s0] =	ssyncset.done @!p0 $0x0  }
0x94: {  	[sflag:s0] =	ssyncadd.s32 @!p0 s1  }
0x95: {  	[bflag:$0x3] =	sbarrier.arrive $0xFFFF  }
0x96: {  	_ =	shalt  }

</sc_bundles>
